<compile_context>
chip_gen: v7x
topology: tpu7x:2x2x1
jax: 0.10.2.dev20260603
libtpu: 0.0.44.dev20260713+nightly
codegen_flags: <defaults>
</compile_context>

<pallas_src>
import functools

import jax
import jax.numpy as jnp
from jax import lax
from jax.experimental import pallas as pl
from jax.experimental.pallas import tpu as pltpu
from jax.experimental.pallas import tpu_sc as plsc

_LANES = 16
_CHUNK = 64
_CP = 128


def _make_resample(B, H, W, C):
    N = H * W
    R = B * N
    info = plsc.get_sparse_core_info()
    NC, NS = info.num_cores, info.num_subcores
    NW = NC * NS
    assert R % NW == 0
    rows_per_tile = R // NW
    assert rows_per_tile % (2 * _CHUNK) == 0
    n_chunks = rows_per_tile // _CHUNK
    groups_per_chunk = _CHUNK // _LANES
    assert C <= _CP and _CP % _LANES == 0
    cvecs = C // _LANES
    assert cvecs * _LANES == C
    tiles_per_batch = N // rows_per_tile
    assert tiles_per_batch * rows_per_tile == N
    assert tiles_per_batch & (tiles_per_batch - 1) == 0
    tpb_shift = tiles_per_batch.bit_length() - 1
    assert W == 224 and H == 224

    mesh = plsc.VectorSubcoreMesh(core_axis_name="c", subcore_axis_name="s")

    nbuf_scratch = []
    for _ in range(2):
        nbuf_scratch += (
            [pltpu.VMEM((_CHUNK,), jnp.int32)] * 4
            + [pltpu.VMEM((_CHUNK,), jnp.float32)] * 2
            + [pltpu.VMEM((_CHUNK, _CP), jnp.float32)] * 5
            + [pltpu.SemaphoreType.DMA] * 2
        )

    @functools.partial(
        pl.kernel,
        out_type=jax.ShapeDtypeStruct((R, _CP), jnp.float32),
        mesh=mesh,
        scratch_types=[
            pltpu.VMEM((rows_per_tile,), jnp.float32),
            pltpu.VMEM((rows_per_tile,), jnp.float32),
        ] + nbuf_scratch,
        compiler_params=pltpu.CompilerParams(needs_layout_passes=False),
    )
    def resample(oy_hbm, ox_hbm, x_hbm, out_hbm, oy_v, ox_v, *scr):
        wid = lax.axis_index("s") * NC + lax.axis_index("c")
        base = wid * rows_per_tile
        bidx = lax.shift_right_logical(wid, tpb_shift)
        bbase = bidx * N
        n0 = base - bbase

        bufs = [scr[p * 13:(p + 1) * 13] for p in range(2)]

        pltpu.sync_copy(oy_hbm.at[pl.ds(base, rows_per_tile)], oy_v)
        pltpu.sync_copy(ox_hbm.at[pl.ds(base, rows_per_tile)], ox_v)

        lane = jnp.arange(_LANES, dtype=jnp.int32)

        def fire(k, buf):
            ilt, irt, ilb, irb, u_v, v_v, lt_b, rt_b, lb_b, rb_b, _, sem, _2 = buf
            t0 = k * _CHUNK

            def idx_body(g, carry):
                loc = t0 + g * _LANES
                n = n0 + loc + lane
                gy = ((n >> 5) * 9363) >> 16
                gx = n - gy * W
                cy = jnp.clip(
                    gy.astype(jnp.float32) + oy_v[pl.ds(loc, _LANES)],
                    0.0, float(H) - 1.0)
                cx = jnp.clip(
                    gx.astype(jnp.float32) + ox_v[pl.ds(loc, _LANES)],
                    0.0, float(W) - 1.0)
                y0 = jnp.minimum(cy.astype(jnp.int32), H - 2)
                x0 = jnp.minimum(cx.astype(jnp.int32), W - 2)
                u = cy - y0.astype(jnp.float32)
                v = cx - x0.astype(jnp.float32)
                lt = bbase + y0 * W + x0
                s = pl.ds(g * _LANES, _LANES)
                ilt[s] = lt
                irt[s] = lt + 1
                ilb[s] = lt + W
                irb[s] = lt + (W + 1)
                u_v[s] = u
                v_v[s] = v
                return carry

            lax.fori_loop(0, groups_per_chunk, idx_body, 0)

            pltpu.async_copy(x_hbm.at[ilt], lt_b, sem)
            pltpu.async_copy(x_hbm.at[irt], rt_b, sem)
            pltpu.async_copy(x_hbm.at[ilb], lb_b, sem)
            pltpu.async_copy(x_hbm.at[irb], rb_b, sem)

        def drain_blend(k, buf):
            (ilt, irt, ilb, irb, u_v, v_v, lt_b, rt_b, lb_b, rb_b, out_b, sem,
             sem_o) = buf
            pltpu.make_async_copy(x_hbm.at[ilt], lt_b, sem).wait()
            pltpu.make_async_copy(x_hbm.at[irt], rt_b, sem).wait()
            pltpu.make_async_copy(x_hbm.at[ilb], lb_b, sem).wait()
            pltpu.make_async_copy(x_hbm.at[irb], rb_b, sem).wait()

            @pl.when(k >= 2)
            def _():
                pltpu.make_async_copy(
                    out_b,
                    out_hbm.at[pl.ds(base + (k - 2) * _CHUNK, _CHUNK)],
                    sem_o).wait()

            def row(i):
                isplat = jnp.zeros((_LANES,), jnp.int32) + i
                u = plsc.load_gather(u_v, [isplat])
                v = plsc.load_gather(v_v, [isplat])
                for j in range(cvecs):
                    s = pl.ds(j * _LANES, _LANES)
                    lt = lt_b[i, s]
                    rt = rt_b[i, s]
                    lb = lb_b[i, s]
                    rb = rb_b[i, s]
                    top = lt + (rt - lt) * v
                    bot = lb + (rb - lb) * v
                    out_b[i, s] = top + (bot - top) * u

            def blend_body(h, carry):
                for q in range(4):
                    row(4 * h + q)
                return carry

            lax.fori_loop(0, _CHUNK // 4, blend_body, 0)

            pltpu.async_copy(
                out_b, out_hbm.at[pl.ds(base + k * _CHUNK, _CHUNK)], sem_o)

        fire(0, bufs[0])

        def outer(j, carry):
            k0 = 2 * j
            fire(k0 + 1, bufs[1])
            drain_blend(k0, bufs[0])

            @pl.when(k0 + 2 < n_chunks)
            def _():
                fire(k0 + 2, bufs[0])

            drain_blend(k0 + 1, bufs[1])
            return carry

        lax.fori_loop(0, n_chunks // 2, outer, 0)

        for p, last_k in ((0, n_chunks - 2), (1, n_chunks - 1)):
            pltpu.make_async_copy(
                bufs[p][10],
                out_hbm.at[pl.ds(base + last_k * _CHUNK, _CHUNK)],
                bufs[p][12]).wait()

    return resample


_TR_BLOCK = 64


def _make_in_tr(C, W):
    def _in_tr(x_ref, o_ref):
        for t in range(_TR_BLOCK):
            tt = jnp.transpose(x_ref[t], (1, 0))
            o_ref[t] = jnp.concatenate(
                [tt, jnp.zeros((W, _CP - C), jnp.float32)], axis=1)
    return _in_tr


def _in_tr_tc(xt, C, W):
    S = xt.shape[0]
    return pl.pallas_call(
        _make_in_tr(C, W),
        grid=(S // _TR_BLOCK,),
        in_specs=[pl.BlockSpec((_TR_BLOCK, C, W), lambda i: (i, 0, 0))],
        out_specs=pl.BlockSpec((_TR_BLOCK, W, _CP), lambda i: (i, 0, 0)),
        out_shape=jax.ShapeDtypeStruct((S, W, _CP), jnp.float32),
    )(xt)


def _make_out_tr(C, W):
    def _out_tr(x_ref, o_ref):
        for t in range(_TR_BLOCK):
            o_ref[t] = jnp.transpose(x_ref[t, :, :C], (1, 0))
    return _out_tr


def _out_tr_tc(op, C, W):
    S = op.shape[0]
    return pl.pallas_call(
        _make_out_tr(C, W),
        grid=(S // _TR_BLOCK,),
        in_specs=[pl.BlockSpec((_TR_BLOCK, W, _CP), lambda i: (i, 0, 0))],
        out_specs=pl.BlockSpec((_TR_BLOCK, C, W), lambda i: (i, 0, 0)),
        out_shape=jax.ShapeDtypeStruct((S, C, W), jnp.float32),
    )(op)


def kernel(offsets, x):
    b, h, w, c = x.shape
    off2 = offsets.reshape(b * h * w, 2)
    oy = off2[:, 0]
    ox = off2[:, 1]
    xt = jnp.transpose(x, (0, 1, 3, 2)).reshape(b * h, c, w)
    xp = _in_tr_tc(xt, c, w).reshape(b * h * w, _CP)
    out = _make_resample(b, h, w, c)(oy, ox, xp)
    ot = _out_tr_tc(out.reshape(b * h, w, _CP), c, w)
    return jnp.transpose(ot.reshape(b, h, c, w), (0, 1, 3, 2))

# --- scband reference (transcript-rebuilt; emitter-appended) ---
"""Pipeline reference for scband-resample-69312182223188 (READ-ONLY COPY).

The authoritative reference and input builder live on the scoring server;
editing this copy changes nothing except your own understanding.
"""

import jax, jax.numpy as jnp
import numpy as np


def setup_inputs(seed: int = 0) -> dict:
    key = jax.random.key(seed)
    k1, k2 = jax.random.split(key)
    offsets = jax.random.normal(k1, (4, 224, 224, 2), dtype=jnp.float32)
    x = jax.random.normal(k2, (4, 224, 224, 96), dtype=jnp.float32)
    return {"offsets": offsets, "x": x}


def reference(offsets, x):
    b, h, w, c = x.shape
    s = h
    off = offsets.reshape(b, -1, 2)
    gy, gx = jnp.meshgrid(jnp.arange(s), jnp.arange(s), indexing='ij')
    grid = jnp.stack([gy, gx], axis=-1).astype(jnp.float32).reshape(-1, 2)
    coords = off + grid[None, :, :]
    coords = jnp.clip(coords, 0.0, float(s) - 1.0)
    coords_lt = jnp.floor(coords).astype(jnp.int32)
    coords_rb = jnp.ceil(coords).astype(jnp.int32)
    coords_lb = jnp.stack([coords_rb[..., 0], coords_lt[..., 1]], axis=-1)
    coords_rt = jnp.stack([coords_lt[..., 0], coords_rb[..., 1]], axis=-1)

    batch_idx = jnp.arange(b)[:, None]

    def _get_vals_by_coords(co):
        # co: (b, n, 2) int32 -> gather (b, n, c)
        return x[batch_idx, co[..., 0], co[..., 1]]

    vals_lt = _get_vals_by_coords(coords_lt)
    vals_rb = _get_vals_by_coords(coords_rb)
    vals_lb = _get_vals_by_coords(coords_lb)
    vals_rt = _get_vals_by_coords(coords_rt)

    coords_offset_lt = coords - coords_lt.astype(jnp.float32)
    coords_offset_lt = coords_offset_lt[:, :, None, :]  # (b, n, 1, 2)
    fy = coords_offset_lt[..., 1]  # (b, n, 1)
    fx = coords_offset_lt[..., 0]  # (b, n, 1)

    vals_t = vals_lt + (vals_rt - vals_lt) * fy
    vals_b = vals_lb + (vals_rb - vals_lb) * fy
    mapped_vals = vals_t + (vals_b - vals_t) * fx
    return mapped_vals.reshape(b, h, w, c)

if __name__ == "__main__":
    import jax
    _d = setup_inputs()
    print(jax.jit(kernel)(*tuple(_d.values())))

</pallas_src>

<mosaic_0001>
#map = affine_map<(d0, d1) -> (0)>
#map1 = affine_map<(d0, d1) -> (0, 0)>
module attributes {stable_mosaic.version = 14 : i64} {
  func.func @resample(%arg0: i32, %arg1: i32, %arg2: memref<200704xf32, #tpu.memory_space<hbm>>, %arg3: memref<200704xf32, #tpu.memory_space<hbm>>, %arg4: memref<200704x128xf32, #tpu.memory_space<hbm>>, %arg5: memref<200704x128xf32, #tpu.memory_space<hbm>>, %arg6: memref<6272xf32, #tpu.memory_space<vmem>>, %arg7: memref<6272xf32, #tpu.memory_space<vmem>>, %arg8: memref<64xi32, #tpu.memory_space<vmem>>, %arg9: memref<64xi32, #tpu.memory_space<vmem>>, %arg10: memref<64xi32, #tpu.memory_space<vmem>>, %arg11: memref<64xi32, #tpu.memory_space<vmem>>, %arg12: memref<64xf32, #tpu.memory_space<vmem>>, %arg13: memref<64xf32, #tpu.memory_space<vmem>>, %arg14: memref<64x128xf32, #tpu.memory_space<vmem>>, %arg15: memref<64x128xf32, #tpu.memory_space<vmem>>, %arg16: memref<64x128xf32, #tpu.memory_space<vmem>>, %arg17: memref<64x128xf32, #tpu.memory_space<vmem>>, %arg18: memref<64x128xf32, #tpu.memory_space<vmem>>, %arg19: memref<!tpu.dma_semaphore, #tpu.memory_space<semaphore_mem>>, %arg20: memref<!tpu.dma_semaphore, #tpu.memory_space<semaphore_mem>>, %arg21: memref<64xi32, #tpu.memory_space<vmem>>, %arg22: memref<64xi32, #tpu.memory_space<vmem>>, %arg23: memref<64xi32, #tpu.memory_space<vmem>>, %arg24: memref<64xi32, #tpu.memory_space<vmem>>, %arg25: memref<64xf32, #tpu.memory_space<vmem>>, %arg26: memref<64xf32, #tpu.memory_space<vmem>>, %arg27: memref<64x128xf32, #tpu.memory_space<vmem>>, %arg28: memref<64x128xf32, #tpu.memory_space<vmem>>, %arg29: memref<64x128xf32, #tpu.memory_space<vmem>>, %arg30: memref<64x128xf32, #tpu.memory_space<vmem>>, %arg31: memref<64x128xf32, #tpu.memory_space<vmem>>, %arg32: memref<!tpu.dma_semaphore, #tpu.memory_space<semaphore_mem>>, %arg33: memref<!tpu.dma_semaphore, #tpu.memory_space<semaphore_mem>>) attributes {dimension_semantics = [#tpu.dimension_semantics<core_parallel>, #tpu.dimension_semantics<subcore_parallel>], iteration_bounds = array<i64: 2, 16>, scalar_prefetch = 0 : i64, scratch_operands = 28 : i64, tpu.core_type = #tpu.core_type<sc_vector_subcore>, window_params = [{transform_indices = #map}, {transform_indices = #map}, {transform_indices = #map1}, {transform_indices = #map1}]} {
    %mul3A = arith.constant 2 : i32
    %mul3A_0 = arith.muli %arg1, %mul3A : i32
    %add3A = arith.addi %mul3A_0, %arg0 : i32
    %mul3A_1 = arith.constant 6272 : i32
    %mul3A_2 = arith.muli %add3A, %mul3A_1 : i32
    %shift_right_logical3A = arith.constant 3 : i32
    %shift_right_logical3A_3 = arith.shrui %add3A, %shift_right_logical3A : i32
    %mul3A_4 = arith.constant 50176 : i32
    %mul3A_5 = arith.muli %shift_right_logical3A_3, %mul3A_4 : i32
    %sub3A = arith.subi %mul3A_2, %mul3A_5 : i32
    "tpu.region"() ({
      %run_scoped3A = tpu.sem_alloc : memref<!tpu.dma_semaphore, #tpu.memory_space<semaphore_mem>>
      %dma_start3A_39 = tpu.memref_slice %arg2[%mul3A_2] : memref<200704xf32, #tpu.memory_space<hbm>> -> memref<6272xf32, #tpu.memory_space<hbm>>
      %dma_start3A_40 = tpu.memref_slice %arg2[%mul3A_2] : memref<200704xf32, #tpu.memory_space<hbm>> -> memref<6272xf32, #tpu.memory_space<hbm>>
      tpu.enqueue_dma source(%dma_start3A_40 : memref<6272xf32, #tpu.memory_space<hbm>>) target(%arg6 : memref<6272xf32, #tpu.memory_space<vmem>>) target_semaphore(%run_scoped3A : memref<!tpu.dma_semaphore, #tpu.memory_space<semaphore_mem>>)
      %dma_wait3A_41 = tpu.memref_slice %arg2[%mul3A_2] : memref<200704xf32, #tpu.memory_space<hbm>> -> memref<6272xf32, #tpu.memory_space<hbm>>
      %dma_wait3A_42 = tpu.memref_slice %arg2[%mul3A_2] : memref<200704xf32, #tpu.memory_space<hbm>> -> memref<6272xf32, #tpu.memory_space<hbm>>
      tpu.wait_dma2 semaphore(%run_scoped3A : memref<!tpu.dma_semaphore, #tpu.memory_space<semaphore_mem>>) src(%dma_wait3A_42 : memref<6272xf32, #tpu.memory_space<hbm>>) dst(%arg6 : memref<6272xf32, #tpu.memory_space<vmem>>)
      tpu.yield
    }) : () -> ()
    "tpu.region"() ({
      %run_scoped3A = tpu.sem_alloc : memref<!tpu.dma_semaphore, #tpu.memory_space<semaphore_mem>>
      %dma_start3A_39 = tpu.memref_slice %arg3[%mul3A_2] : memref<200704xf32, #tpu.memory_space<hbm>> -> memref<6272xf32, #tpu.memory_space<hbm>>
      %dma_start3A_40 = tpu.memref_slice %arg3[%mul3A_2] : memref<200704xf32, #tpu.memory_space<hbm>> -> memref<6272xf32, #tpu.memory_space<hbm>>
      tpu.enqueue_dma source(%dma_start3A_40 : memref<6272xf32, #tpu.memory_space<hbm>>) target(%arg7 : memref<6272xf32, #tpu.memory_space<vmem>>) target_semaphore(%run_scoped3A : memref<!tpu.dma_semaphore, #tpu.memory_space<semaphore_mem>>)
      %dma_wait3A_41 = tpu.memref_slice %arg3[%mul3A_2] : memref<200704xf32, #tpu.memory_space<hbm>> -> memref<6272xf32, #tpu.memory_space<hbm>>
      %dma_wait3A_42 = tpu.memref_slice %arg3[%mul3A_2] : memref<200704xf32, #tpu.memory_space<hbm>> -> memref<6272xf32, #tpu.memory_space<hbm>>
      tpu.wait_dma2 semaphore(%run_scoped3A : memref<!tpu.dma_semaphore, #tpu.memory_space<semaphore_mem>>) src(%dma_wait3A_42 : memref<6272xf32, #tpu.memory_space<hbm>>) dst(%arg7 : memref<6272xf32, #tpu.memory_space<vmem>>)
      tpu.yield
    }) : () -> ()
    %iota3A = tpu.iota {dimensions = array<i32: 0>} : vector<16xi32>
    %scan3A = arith.constant 0 : i32
    %scan3A_6 = arith.constant 0 : i32
    %scan3A_7 = arith.constant 4 : i32
    %scan3A_8 = arith.addi %scan3A_6, %scan3A_7 : i32
    %scan3A_9 = arith.constant 1 : i32
    scf.for %scan3A_39 = %scan3A_6 to %scan3A_8 step %scan3A_9  : i32 {
      %mul3A_40 = arith.constant 16 : i32
      %mul3A_41 = arith.muli %scan3A_39, %mul3A_40 : i32
      %add3A_42 = arith.constant 0 : i32
      %add3A_43 = arith.addi %add3A_42, %mul3A_41 : i32
      %add3A_44 = arith.addi %sub3A, %add3A_43 : i32
      %add3A_45 = vector.broadcast %add3A_44 : i32 to vector<16xi32>
      %add3A_46 = arith.addi %add3A_45, %iota3A : vector<16xi32>
      %shift_right_arithmetic3A = arith.constant 5 : i32
      %shift_right_arithmetic3A_47 = vector.broadcast %shift_right_arithmetic3A : i32 to vector<16xi32>
      %shift_right_arithmetic3A_48 = arith.shrsi %add3A_46, %shift_right_arithmetic3A_47 : vector<16xi32>
      %mul3A_49 = arith.constant 9363 : i32
      %mul3A_50 = vector.broadcast %mul3A_49 : i32 to vector<16xi32>
      %mul3A_51 = arith.muli %shift_right_arithmetic3A_48, %mul3A_50 : vector<16xi32>
      %shift_right_arithmetic3A_52 = arith.constant 16 : i32
      %shift_right_arithmetic3A_53 = vector.broadcast %shift_right_arithmetic3A_52 : i32 to vector<16xi32>
      %shift_right_arithmetic3A_54 = arith.shrsi %mul3A_51, %shift_right_arithmetic3A_53 : vector<16xi32>
      %mul3A_55 = arith.constant 224 : i32
      %mul3A_56 = vector.broadcast %mul3A_55 : i32 to vector<16xi32>
      %mul3A_57 = arith.muli %shift_right_arithmetic3A_54, %mul3A_56 : vector<16xi32>
      %sub3A_58 = arith.subi %add3A_46, %mul3A_57 : vector<16xi32>
      %convert_element_type3A = arith.sitofp %shift_right_arithmetic3A_54 : vector<16xi32> to vector<16xf32>
      %get3A = arith.index_cast %add3A_43 : i32 to index
      %get3A_59 = tpu.vector_load %arg6[%get3A] {strides = array<i32>} : memref<6272xf32, #tpu.memory_space<vmem>>, vector<16xf32>,
      %add3A_60 = arith.addf %convert_element_type3A, %get3A_59 : vector<16xf32>
      %jit3A = arith.constant 0.000000e+00 : f32
      %jit3A_61 = arith.constant 2.230000e+02 : f32
      %max3A = vector.broadcast %jit3A : f32 to vector<16xf32>
      %max3A_62 = arith.maximumf %max3A, %add3A_60 : vector<16xf32>
      %min3A = vector.broadcast %jit3A_61 : f32 to vector<16xf32>
      %min3A_63 = arith.minimumf %min3A, %max3A_62 : vector<16xf32>
      %convert_element_type3A_64 = arith.sitofp %sub3A_58 : vector<16xi32> to vector<16xf32>
      %get3A_65 = arith.index_cast %add3A_43 : i32 to index
      %get3A_66 = tpu.vector_load %arg7[%get3A_65] {strides = array<i32>} : memref<6272xf32, #tpu.memory_space<vmem>>, vector<16xf32>,
      %add3A_67 = arith.addf %convert_element_type3A_64, %get3A_66 : vector<16xf32>
      %jit3A_68 = arith.constant 0.000000e+00 : f32
      %jit3A_69 = arith.constant 2.230000e+02 : f32
      %max3A_70 = vector.broadcast %jit3A_68 : f32 to vector<16xf32>
      %max3A_71 = arith.maximumf %max3A_70, %add3A_67 : vector<16xf32>
      %min3A_72 = vector.broadcast %jit3A_69 : f32 to vector<16xf32>
      %min3A_73 = arith.minimumf %min3A_72, %max3A_71 : vector<16xf32>
      %convert_element_type3A_74 = arith.fptosi %min3A_63 : vector<16xf32> to vector<16xi32>
      %min3A_75 = arith.constant 222 : i32
      %min3A_76 = vector.broadcast %min3A_75 : i32 to vector<16xi32>
      %min3A_77 = arith.minsi %convert_element_type3A_74, %min3A_76 : vector<16xi32>
      %convert_element_type3A_78 = arith.fptosi %min3A_73 : vector<16xf32> to vector<16xi32>
      %min3A_79 = arith.constant 222 : i32
      %min3A_80 = vector.broadcast %min3A_79 : i32 to vector<16xi32>
      %min3A_81 = arith.minsi %convert_element_type3A_78, %min3A_80 : vector<16xi32>
      %convert_element_type3A_82 = arith.sitofp %min3A_77 : vector<16xi32> to vector<16xf32>
      %sub3A_83 = arith.subf %min3A_63, %convert_element_type3A_82 : vector<16xf32>
      %convert_element_type3A_84 = arith.sitofp %min3A_81 : vector<16xi32> to vector<16xf32>
      %sub3A_85 = arith.subf %min3A_73, %convert_element_type3A_84 : vector<16xf32>
      %mul3A_86 = arith.constant 224 : i32
      %mul3A_87 = vector.broadcast %mul3A_86 : i32 to vector<16xi32>
      %mul3A_88 = arith.muli %min3A_77, %mul3A_87 : vector<16xi32>
      %add3A_89 = vector.broadcast %mul3A_5 : i32 to vector<16xi32>
      %add3A_90 = arith.addi %add3A_89, %mul3A_88 : vector<16xi32>
      %add3A_91 = arith.addi %add3A_90, %min3A_81 : vector<16xi32>
      %mul3A_92 = arith.constant 16 : i32
      %mul3A_93 = arith.muli %scan3A_39, %mul3A_92 : i32
      %swap3A = arith.index_cast %mul3A_93 : i32 to index
      %swap3A_94 = tpu.vector_load %arg8[%swap3A] {strides = array<i32>} : memref<64xi32, #tpu.memory_space<vmem>>, vector<16xi32>,
      tpu.vector_store %arg8[%swap3A], %add3A_91 {strides = array<i32>} : memref<64xi32, #tpu.memory_space<vmem>>, vector<16xi32>,
      %add3A_95 = arith.constant 1 : i32
      %add3A_96 = vector.broadcast %add3A_95 : i32 to vector<16xi32>
      %add3A_97 = arith.addi %add3A_91, %add3A_96 : vector<16xi32>
      %swap3A_98 = arith.index_cast %mul3A_93 : i32 to index
      %swap3A_99 = tpu.vector_load %arg9[%swap3A_98] {strides = array<i32>} : memref<64xi32, #tpu.memory_space<vmem>>, vector<16xi32>,
      tpu.vector_store %arg9[%swap3A_98], %add3A_97 {strides = array<i32>} : memref<64xi32, #tpu.memory_space<vmem>>, vector<16xi32>,
      %add3A_100 = arith.constant 224 : i32
      %add3A_101 = vector.broadcast %add3A_100 : i32 to vector<16xi32>
      %add3A_102 = arith.addi %add3A_91, %add3A_101 : vector<16xi32>
      %swap3A_103 = arith.index_cast %mul3A_93 : i32 to index
      %swap3A_104 = tpu.vector_load %arg10[%swap3A_103] {strides = array<i32>} : memref<64xi32, #tpu.memory_space<vmem>>, vector<16xi32>,
      tpu.vector_store %arg10[%swap3A_103], %add3A_102 {strides = array<i32>} : memref<64xi32, #tpu.memory_space<vmem>>, vector<16xi32>,
      %add3A_105 = arith.constant 225 : i32
      %add3A_106 = vector.broadcast %add3A_105 : i32 to vector<16xi32>
      %add3A_107 = arith.addi %add3A_91, %add3A_106 : vector<16xi32>
      %swap3A_108 = arith.index_cast %mul3A_93 : i32 to index
      %swap3A_109 = tpu.vector_load %arg11[%swap3A_108] {strides = array<i32>} : memref<64xi32, #tpu.memory_space<vmem>>, vector<16xi32>,
      tpu.vector_store %arg11[%swap3A_108], %add3A_107 {strides = array<i32>} : memref<64xi32, #tpu.memory_space<vmem>>, vector<16xi32>,
      %swap3A_110 = arith.index_cast %mul3A_93 : i32 to index
      %swap3A_111 = tpu.vector_load %arg12[%swap3A_110] {strides = array<i32>} : memref<64xf32, #tpu.memory_space<vmem>>, vector<16xf32>,
      tpu.vector_store %arg12[%swap3A_110], %sub3A_83 {strides = array<i32>} : memref<64xf32, #tpu.memory_space<vmem>>, vector<16xf32>,
      %swap3A_112 = arith.index_cast %mul3A_93 : i32 to index
      %swap3A_113 = tpu.vector_load %arg13[%swap3A_112] {strides = array<i32>} : memref<64xf32, #tpu.memory_space<vmem>>, vector<16xf32>,
      tpu.vector_store %arg13[%swap3A_112], %sub3A_85 {strides = array<i32>} : memref<64xf32, #tpu.memory_space<vmem>>, vector<16xf32>,
    }
    %scan3A_10 = arith.constant 4 : i32
    %dma_start3A = arith.constant 0 : i32
    %dma_start3A_11 = arith.constant 0 : i32
    %dma_start3A_12 = tpu.memref_slice %arg4[%dma_start3A, %dma_start3A_11] : memref<200704x128xf32, #tpu.memory_space<hbm>> -> memref<200704x128xf32, #tpu.memory_space<hbm>>
    tpu.enqueue_indirect_dma source(%dma_start3A_12 : memref<200704x128xf32, #tpu.memory_space<hbm>>) target(%arg14 : memref<64x128xf32, #tpu.memory_space<vmem>>) offsets(%arg8 : memref<64xi32, #tpu.memory_space<vmem>>) semaphore(%arg19 : memref<!tpu.dma_semaphore, #tpu.memory_space<semaphore_mem>>)
    %dma_start3A_13 = arith.constant 0 : i32
    %dma_start3A_14 = arith.constant 0 : i32
    %dma_start3A_15 = tpu.memref_slice %arg4[%dma_start3A_13, %dma_start3A_14] : memref<200704x128xf32, #tpu.memory_space<hbm>> -> memref<200704x128xf32, #tpu.memory_space<hbm>>
    tpu.enqueue_indirect_dma source(%dma_start3A_15 : memref<200704x128xf32, #tpu.memory_space<hbm>>) target(%arg15 : memref<64x128xf32, #tpu.memory_space<vmem>>) offsets(%arg9 : memref<64xi32, #tpu.memory_space<vmem>>) semaphore(%arg19 : memref<!tpu.dma_semaphore, #tpu.memory_space<semaphore_mem>>)
    %dma_start3A_16 = arith.constant 0 : i32
    %dma_start3A_17 = arith.constant 0 : i32
    %dma_start3A_18 = tpu.memref_slice %arg4[%dma_start3A_16, %dma_start3A_17] : memref<200704x128xf32, #tpu.memory_space<hbm>> -> memref<200704x128xf32, #tpu.memory_space<hbm>>
    tpu.enqueue_indirect_dma source(%dma_start3A_18 : memref<200704x128xf32, #tpu.memory_space<hbm>>) target(%arg16 : memref<64x128xf32, #tpu.memory_space<vmem>>) offsets(%arg10 : memref<64xi32, #tpu.memory_space<vmem>>) semaphore(%arg19 : memref<!tpu.dma_semaphore, #tpu.memory_space<semaphore_mem>>)
    %dma_start3A_19 = arith.constant 0 : i32
    %dma_start3A_20 = arith.constant 0 : i32
    %dma_start3A_21 = tpu.memref_slice %arg4[%dma_start3A_19, %dma_start3A_20] : memref<200704x128xf32, #tpu.memory_space<hbm>> -> memref<200704x128xf32, #tpu.memory_space<hbm>>
    tpu.enqueue_indirect_dma source(%dma_start3A_21 : memref<200704x128xf32, #tpu.memory_space<hbm>>) target(%arg17 : memref<64x128xf32, #tpu.memory_space<vmem>>) offsets(%arg11 : memref<64xi32, #tpu.memory_space<vmem>>) semaphore(%arg19 : memref<!tpu.dma_semaphore, #tpu.memory_space<semaphore_mem>>)
    %scan3A_22 = arith.constant 0 : i32
    %scan3A_23 = arith.constant 0 : i32
    %scan3A_24 = arith.constant 49 : i32
    %scan3A_25 = arith.addi %scan3A_23, %scan3A_24 : i32
    %scan3A_26 = arith.constant 1 : i32
    scf.for %scan3A_39 = %scan3A_23 to %scan3A_25 step %scan3A_26  : i32 {
      %mul3A_40 = arith.constant 2 : i32
      %mul3A_41 = arith.muli %mul3A_40, %scan3A_39 : i32
      %add3A_42 = arith.constant 1 : i32
      %add3A_43 = arith.addi %mul3A_41, %add3A_42 : i32
      %mul3A_44 = arith.constant 64 : i32
      %mul3A_45 = arith.muli %add3A_43, %mul3A_44 : i32
      %scan3A_46 = arith.constant 0 : i32
      %scan3A_47 = arith.constant 0 : i32
      %scan3A_48 = arith.constant 4 : i32
      %scan3A_49 = arith.addi %scan3A_47, %scan3A_48 : i32
      %scan3A_50 = arith.constant 1 : i32
      scf.for %scan3A_129 = %scan3A_47 to %scan3A_49 step %scan3A_50  : i32 {
        %mul3A_130 = arith.constant 16 : i32
        %mul3A_131 = arith.muli %scan3A_129, %mul3A_130 : i32
        %add3A_132 = arith.addi %mul3A_45, %mul3A_131 : i32
        %add3A_133 = arith.addi %sub3A, %add3A_132 : i32
        %add3A_134 = vector.broadcast %add3A_133 : i32 to vector<16xi32>
        %add3A_135 = arith.addi %add3A_134, %iota3A : vector<16xi32>
        %shift_right_arithmetic3A = arith.constant 5 : i32
        %shift_right_arithmetic3A_136 = vector.broadcast %shift_right_arithmetic3A : i32 to vector<16xi32>
        %shift_right_arithmetic3A_137 = arith.shrsi %add3A_135, %shift_right_arithmetic3A_136 : vector<16xi32>
        %mul3A_138 = arith.constant 9363 : i32
        %mul3A_139 = vector.broadcast %mul3A_138 : i32 to vector<16xi32>
        %mul3A_140 = arith.muli %shift_right_arithmetic3A_137, %mul3A_139 : vector<16xi32>
        %shift_right_arithmetic3A_141 = arith.constant 16 : i32
        %shift_right_arithmetic3A_142 = vector.broadcast %shift_right_arithmetic3A_141 : i32 to vector<16xi32>
        %shift_right_arithmetic3A_143 = arith.shrsi %mul3A_140, %shift_right_arithmetic3A_142 : vector<16xi32>
        %mul3A_144 = arith.constant 224 : i32
        %mul3A_145 = vector.broadcast %mul3A_144 : i32 to vector<16xi32>
        %mul3A_146 = arith.muli %shift_right_arithmetic3A_143, %mul3A_145 : vector<16xi32>
        %sub3A_147 = arith.subi %add3A_135, %mul3A_146 : vector<16xi32>
        %convert_element_type3A_148 = arith.sitofp %shift_right_arithmetic3A_143 : vector<16xi32> to vector<16xf32>
        %get3A = arith.index_cast %add3A_132 : i32 to index
        %get3A_149 = tpu.vector_load %arg6[%get3A] {strides = array<i32>} : memref<6272xf32, #tpu.memory_space<vmem>>, vector<16xf32>,
        %add3A_150 = arith.addf %convert_element_type3A_148, %get3A_149 : vector<16xf32>
        %jit3A = arith.constant 0.000000e+00 : f32
        %jit3A_151 = arith.constant 2.230000e+02 : f32
        %max3A = vector.broadcast %jit3A : f32 to vector<16xf32>
        %max3A_152 = arith.maximumf %max3A, %add3A_150 : vector<16xf32>
        %min3A = vector.broadcast %jit3A_151 : f32 to vector<16xf32>
        %min3A_153 = arith.minimumf %min3A, %max3A_152 : vector<16xf32>
        %convert_element_type3A_154 = arith.sitofp %sub3A_147 : vector<16xi32> to vector<16xf32>
        %get3A_155 = arith.index_cast %add3A_132 : i32 to index
        %get3A_156 = tpu.vector_load %arg7[%get3A_155] {strides = array<i32>} : memref<6272xf32, #tpu.memory_space<vmem>>, vector<16xf32>,
        %add3A_157 = arith.addf %convert_element_type3A_154, %get3A_156 : vector<16xf32>
        %jit3A_158 = arith.constant 0.000000e+00 : f32
        %jit3A_159 = arith.constant 2.230000e+02 : f32
        %max3A_160 = vector.broadcast %jit3A_158 : f32 to vector<16xf32>
        %max3A_161 = arith.maximumf %max3A_160, %add3A_157 : vector<16xf32>
        %min3A_162 = vector.broadcast %jit3A_159 : f32 to vector<16xf32>
        %min3A_163 = arith.minimumf %min3A_162, %max3A_161 : vector<16xf32>
        %convert_element_type3A_164 = arith.fptosi %min3A_153 : vector<16xf32> to vector<16xi32>
        %min3A_165 = arith.constant 222 : i32
        %min3A_166 = vector.broadcast %min3A_165 : i32 to vector<16xi32>
        %min3A_167 = arith.minsi %convert_element_type3A_164, %min3A_166 : vector<16xi32>
        %convert_element_type3A_168 = arith.fptosi %min3A_163 : vector<16xf32> to vector<16xi32>
        %min3A_169 = arith.constant 222 : i32
        %min3A_170 = vector.broadcast %min3A_169 : i32 to vector<16xi32>
        %min3A_171 = arith.minsi %convert_element_type3A_168, %min3A_170 : vector<16xi32>
        %convert_element_type3A_172 = arith.sitofp %min3A_167 : vector<16xi32> to vector<16xf32>
        %sub3A_173 = arith.subf %min3A_153, %convert_element_type3A_172 : vector<16xf32>
        %convert_element_type3A_174 = arith.sitofp %min3A_171 : vector<16xi32> to vector<16xf32>
        %sub3A_175 = arith.subf %min3A_163, %convert_element_type3A_174 : vector<16xf32>
        %mul3A_176 = arith.constant 224 : i32
        %mul3A_177 = vector.broadcast %mul3A_176 : i32 to vector<16xi32>
        %mul3A_178 = arith.muli %min3A_167, %mul3A_177 : vector<16xi32>
        %add3A_179 = vector.broadcast %mul3A_5 : i32 to vector<16xi32>
        %add3A_180 = arith.addi %add3A_179, %mul3A_178 : vector<16xi32>
        %add3A_181 = arith.addi %add3A_180, %min3A_171 : vector<16xi32>
        %mul3A_182 = arith.constant 16 : i32
        %mul3A_183 = arith.muli %scan3A_129, %mul3A_182 : i32
        %swap3A = arith.index_cast %mul3A_183 : i32 to index
        %swap3A_184 = tpu.vector_load %arg21[%swap3A] {strides = array<i32>} : memref<64xi32, #tpu.memory_space<vmem>>, vector<16xi32>,
        tpu.vector_store %arg21[%swap3A], %add3A_181 {strides = array<i32>} : memref<64xi32, #tpu.memory_space<vmem>>, vector<16xi32>,
        %add3A_185 = arith.constant 1 : i32
        %add3A_186 = vector.broadcast %add3A_185 : i32 to vector<16xi32>
        %add3A_187 = arith.addi %add3A_181, %add3A_186 : vector<16xi32>
        %swap3A_188 = arith.index_cast %mul3A_183 : i32 to index
        %swap3A_189 = tpu.vector_load %arg22[%swap3A_188] {strides = array<i32>} : memref<64xi32, #tpu.memory_space<vmem>>, vector<16xi32>,
        tpu.vector_store %arg22[%swap3A_188], %add3A_187 {strides = array<i32>} : memref<64xi32, #tpu.memory_space<vmem>>, vector<16xi32>,
        %add3A_190 = arith.constant 224 : i32
        %add3A_191 = vector.broadcast %add3A_190 : i32 to vector<16xi32>
        %add3A_192 = arith.addi %add3A_181, %add3A_191 : vector<16xi32>
        %swap3A_193 = arith.index_cast %mul3A_183 : i32 to index
        %swap3A_194 = tpu.vector_load %arg23[%swap3A_193] {strides = array<i32>} : memref<64xi32, #tpu.memory_space<vmem>>, vector<16xi32>,
        tpu.vector_store %arg23[%swap3A_193], %add3A_192 {strides = array<i32>} : memref<64xi32, #tpu.memory_space<vmem>>, vector<16xi32>,
        %add3A_195 = arith.constant 225 : i32
        %add3A_196 = vector.broadcast %add3A_195 : i32 to vector<16xi32>
        %add3A_197 = arith.addi %add3A_181, %add3A_196 : vector<16xi32>
        %swap3A_198 = arith.index_cast %mul3A_183 : i32 to index
        %swap3A_199 = tpu.vector_load %arg24[%swap3A_198] {strides = array<i32>} : memref<64xi32, #tpu.memory_space<vmem>>, vector<16xi32>,
        tpu.vector_store %arg24[%swap3A_198], %add3A_197 {strides = array<i32>} : memref<64xi32, #tpu.memory_space<vmem>>, vector<16xi32>,
        %swap3A_200 = arith.index_cast %mul3A_183 : i32 to index
        %swap3A_201 = tpu.vector_load %arg25[%swap3A_200] {strides = array<i32>} : memref<64xf32, #tpu.memory_space<vmem>>, vector<16xf32>,
        tpu.vector_store %arg25[%swap3A_200], %sub3A_173 {strides = array<i32>} : memref<64xf32, #tpu.memory_space<vmem>>, vector<16xf32>,
        %swap3A_202 = arith.index_cast %mul3A_183 : i32 to index
        %swap3A_203 = tpu.vector_load %arg26[%swap3A_202] {strides = array<i32>} : memref<64xf32, #tpu.memory_space<vmem>>, vector<16xf32>,
        tpu.vector_store %arg26[%swap3A_202], %sub3A_175 {strides = array<i32>} : memref<64xf32, #tpu.memory_space<vmem>>, vector<16xf32>,
      }
      %scan3A_51 = arith.constant 4 : i32
      %dma_start3A_52 = arith.constant 0 : i32
      %dma_start3A_53 = arith.constant 0 : i32
      %dma_start3A_54 = tpu.memref_slice %arg4[%dma_start3A_52, %dma_start3A_53] : memref<200704x128xf32, #tpu.memory_space<hbm>> -> memref<200704x128xf32, #tpu.memory_space<hbm>>
      tpu.enqueue_indirect_dma source(%dma_start3A_54 : memref<200704x128xf32, #tpu.memory_space<hbm>>) target(%arg27 : memref<64x128xf32, #tpu.memory_space<vmem>>) offsets(%arg21 : memref<64xi32, #tpu.memory_space<vmem>>) semaphore(%arg32 : memref<!tpu.dma_semaphore, #tpu.memory_space<semaphore_mem>>)
      %dma_start3A_55 = arith.constant 0 : i32
      %dma_start3A_56 = arith.constant 0 : i32
      %dma_start3A_57 = tpu.memref_slice %arg4[%dma_start3A_55, %dma_start3A_56] : memref<200704x128xf32, #tpu.memory_space<hbm>> -> memref<200704x128xf32, #tpu.memory_space<hbm>>
      tpu.enqueue_indirect_dma source(%dma_start3A_57 : memref<200704x128xf32, #tpu.memory_space<hbm>>) target(%arg28 : memref<64x128xf32, #tpu.memory_space<vmem>>) offsets(%arg22 : memref<64xi32, #tpu.memory_space<vmem>>) semaphore(%arg32 : memref<!tpu.dma_semaphore, #tpu.memory_space<semaphore_mem>>)
      %dma_start3A_58 = arith.constant 0 : i32
      %dma_start3A_59 = arith.constant 0 : i32
      %dma_start3A_60 = tpu.memref_slice %arg4[%dma_start3A_58, %dma_start3A_59] : memref<200704x128xf32, #tpu.memory_space<hbm>> -> memref<200704x128xf32, #tpu.memory_space<hbm>>
      tpu.enqueue_indirect_dma source(%dma_start3A_60 : memref<200704x128xf32, #tpu.memory_space<hbm>>) target(%arg29 : memref<64x128xf32, #tpu.memory_space<vmem>>) offsets(%arg23 : memref<64xi32, #tpu.memory_space<vmem>>) semaphore(%arg32 : memref<!tpu.dma_semaphore, #tpu.memory_space<semaphore_mem>>)
      %dma_start3A_61 = arith.constant 0 : i32
      %dma_start3A_62 = arith.constant 0 : i32
      %dma_start3A_63 = tpu.memref_slice %arg4[%dma_start3A_61, %dma_start3A_62] : memref<200704x128xf32, #tpu.memory_space<hbm>> -> memref<200704x128xf32, #tpu.memory_space<hbm>>
      tpu.enqueue_indirect_dma source(%dma_start3A_63 : memref<200704x128xf32, #tpu.memory_space<hbm>>) target(%arg30 : memref<64x128xf32, #tpu.memory_space<vmem>>) offsets(%arg24 : memref<64xi32, #tpu.memory_space<vmem>>) semaphore(%arg32 : memref<!tpu.dma_semaphore, #tpu.memory_space<semaphore_mem>>)
      %dma_wait3A_64 = arith.constant 0 : i32
      %dma_wait3A_65 = arith.constant 0 : i32
      %dma_wait3A_66 = tpu.memref_slice %arg4[%dma_wait3A_64, %dma_wait3A_65] : memref<200704x128xf32, #tpu.memory_space<hbm>> -> memref<200704x128xf32, #tpu.memory_space<hbm>>
      tpu.wait_indirect_dma semaphore(%arg19 : memref<!tpu.dma_semaphore, #tpu.memory_space<semaphore_mem>>) src(%dma_wait3A_66 : memref<200704x128xf32, #tpu.memory_space<hbm>>) dst(%arg14 : memref<64x128xf32, #tpu.memory_space<vmem>>)
      %dma_wait3A_67 = arith.constant 0 : i32
      %dma_wait3A_68 = arith.constant 0 : i32
      %dma_wait3A_69 = tpu.memref_slice %arg4[%dma_wait3A_67, %dma_wait3A_68] : memref<200704x128xf32, #tpu.memory_space<hbm>> -> memref<200704x128xf32, #tpu.memory_space<hbm>>
      tpu.wait_indirect_dma semaphore(%arg19 : memref<!tpu.dma_semaphore, #tpu.memory_space<semaphore_mem>>) src(%dma_wait3A_69 : memref<200704x128xf32, #tpu.memory_space<hbm>>) dst(%arg15 : memref<64x128xf32, #tpu.memory_space<vmem>>)
      %dma_wait3A_70 = arith.constant 0 : i32
      %dma_wait3A_71 = arith.constant 0 : i32
      %dma_wait3A_72 = tpu.memref_slice %arg4[%dma_wait3A_70, %dma_wait3A_71] : memref<200704x128xf32, #tpu.memory_space<hbm>> -> memref<200704x128xf32, #tpu.memory_space<hbm>>
      tpu.wait_indirect_dma semaphore(%arg19 : memref<!tpu.dma_semaphore, #tpu.memory_space<semaphore_mem>>) src(%dma_wait3A_72 : memref<200704x128xf32, #tpu.memory_space<hbm>>) dst(%arg16 : memref<64x128xf32, #tpu.memory_space<vmem>>)
      %dma_wait3A_73 = arith.constant 0 : i32
      %dma_wait3A_74 = arith.constant 0 : i32
      %dma_wait3A_75 = tpu.memref_slice %arg4[%dma_wait3A_73, %dma_wait3A_74] : memref<200704x128xf32, #tpu.memory_space<hbm>> -> memref<200704x128xf32, #tpu.memory_space<hbm>>
      tpu.wait_indirect_dma semaphore(%arg19 : memref<!tpu.dma_semaphore, #tpu.memory_space<semaphore_mem>>) src(%dma_wait3A_75 : memref<200704x128xf32, #tpu.memory_space<hbm>>) dst(%arg17 : memref<64x128xf32, #tpu.memory_space<vmem>>)
      %ge3A = arith.constant 2 : i32
      %ge3A_76 = arith.cmpi sge, %mul3A_41, %ge3A : i32
      %convert_element_type3A = arith.extui %ge3A_76 : i1 to i32
      %cond3A = arith.constant 0 : i32
      %cond3A_77 = arith.cmpi ne, %convert_element_type3A, %cond3A : i32
      scf.if %cond3A_77 {
        %sub3A_129 = arith.constant 2 : i32
        %sub3A_130 = arith.subi %mul3A_41, %sub3A_129 : i32
        %mul3A_131 = arith.constant 64 : i32
        %mul3A_132 = arith.muli %sub3A_130, %mul3A_131 : i32
        %add3A_133 = arith.addi %mul3A_2, %mul3A_132 : i32
        %dma_wait3A_134 = arith.constant 0 : i32
        %dma_wait3A_135 = tpu.memref_slice %arg5[%add3A_133, %dma_wait3A_134] : memref<200704x128xf32, #tpu.memory_space<hbm>> -> memref<64x128xf32, #tpu.memory_space<hbm>>
        %dma_wait3A_136 = arith.constant 0 : i32
        %dma_wait3A_137 = tpu.memref_slice %arg5[%add3A_133, %dma_wait3A_136] : memref<200704x128xf32, #tpu.memory_space<hbm>> -> memref<64x128xf32, #tpu.memory_space<hbm>>
        tpu.wait_dma2 semaphore(%arg20 : memref<!tpu.dma_semaphore, #tpu.memory_space<semaphore_mem>>) src(%arg18 : memref<64x128xf32, #tpu.memory_space<vmem>>) dst(%dma_wait3A_137 : memref<64x128xf32, #tpu.memory_space<hbm>>)
      } else {
      }
      %scan3A_78 = arith.constant 0 : i32
      %scan3A_79 = arith.constant 0 : i32
      %scan3A_80 = arith.constant 16 : i32
      %scan3A_81 = arith.addi %scan3A_79, %scan3A_80 : i32
      %scan3A_82 = arith.constant 1 : i32
      scf.for %scan3A_129 = %scan3A_79 to %scan3A_81 step %scan3A_82  : i32 {
        %mul3A_130 = arith.constant 4 : i32
        %mul3A_131 = arith.muli %mul3A_130, %scan3A_129 : i32
        %add3A_132 = arith.constant 0 : i32
        %add3A_133 = arith.addi %mul3A_131, %add3A_132 : i32
        %broadcast_in_dim3A = arith.constant 0 : i32
        %broadcast_in_dim3A_134 = vector.broadcast %broadcast_in_dim3A : i32 to vector<16xi32>
        %add3A_135 = vector.broadcast %add3A_133 : i32 to vector<16xi32>
        %add3A_136 = arith.addi %broadcast_in_dim3A_134, %add3A_135 : vector<16xi32>
        %gather3A = tpu.vector_load_idx %arg12[%add3A_136] : memref<64xf32, #tpu.memory_space<vmem>>[vector<16xi32>], vector<16xf32>,
        %gather3A_137 = tpu.vector_load_idx %arg13[%add3A_136] : memref<64xf32, #tpu.memory_space<vmem>>[vector<16xi32>], vector<16xf32>,
        %get3A = arith.index_cast %add3A_133 : i32 to index
        %get3A_138 = arith.constant 0 : index
        %get3A_139 = tpu.vector_load %arg14[%get3A, %get3A_138] {strides = array<i32>} : memref<64x128xf32, #tpu.memory_space<vmem>>, vector<16xf32>,
        %get3A_140 = arith.index_cast %add3A_133 : i32 to index
        %get3A_141 = arith.constant 0 : index
        %get3A_142 = tpu.vector_load %arg15[%get3A_140, %get3A_141] {strides = array<i32>} : memref<64x128xf32, #tpu.memory_space<vmem>>, vector<16xf32>,
        %get3A_143 = arith.index_cast %add3A_133 : i32 to index
        %get3A_144 = arith.constant 0 : index
        %get3A_145 = tpu.vector_load %arg16[%get3A_143, %get3A_144] {strides = array<i32>} : memref<64x128xf32, #tpu.memory_space<vmem>>, vector<16xf32>,
        %get3A_146 = arith.index_cast %add3A_133 : i32 to index
        %get3A_147 = arith.constant 0 : index
        %get3A_148 = tpu.vector_load %arg17[%get3A_146, %get3A_147] {strides = array<i32>} : memref<64x128xf32, #tpu.memory_space<vmem>>, vector<16xf32>,
        %sub3A_149 = arith.subf %get3A_142, %get3A_139 : vector<16xf32>
        %mul3A_150 = arith.mulf %sub3A_149, %gather3A_137 : vector<16xf32>
        %add3A_151 = arith.addf %get3A_139, %mul3A_150 : vector<16xf32>
        %sub3A_152 = arith.subf %get3A_148, %get3A_145 : vector<16xf32>
        %mul3A_153 = arith.mulf %sub3A_152, %gather3A_137 : vector<16xf32>
        %add3A_154 = arith.addf %get3A_145, %mul3A_153 : vector<16xf32>
        %sub3A_155 = arith.subf %add3A_154, %add3A_151 : vector<16xf32>
        %mul3A_156 = arith.mulf %sub3A_155, %gather3A : vector<16xf32>
        %add3A_157 = arith.addf %add3A_151, %mul3A_156 : vector<16xf32>
        %swap3A = arith.index_cast %add3A_133 : i32 to index
        %swap3A_158 = arith.constant 0 : index
        %swap3A_159 = tpu.vector_load %arg18[%swap3A, %swap3A_158] {strides = array<i32>} : memref<64x128xf32, #tpu.memory_space<vmem>>, vector<16xf32>,
        tpu.vector_store %arg18[%swap3A, %swap3A_158], %add3A_157 {strides = array<i32>} : memref<64x128xf32, #tpu.memory_space<vmem>>, vector<16xf32>,
        %get3A_160 = arith.index_cast %add3A_133 : i32 to index
        %get3A_161 = arith.constant 16 : index
        %get3A_162 = tpu.vector_load %arg14[%get3A_160, %get3A_161] {strides = array<i32>} : memref<64x128xf32, #tpu.memory_space<vmem>>, vector<16xf32>,
        %get3A_163 = arith.index_cast %add3A_133 : i32 to index
        %get3A_164 = arith.constant 16 : index
        %get3A_165 = tpu.vector_load %arg15[%get3A_163, %get3A_164] {strides = array<i32>} : memref<64x128xf32, #tpu.memory_space<vmem>>, vector<16xf32>,
        %get3A_166 = arith.index_cast %add3A_133 : i32 to index
        %get3A_167 = arith.constant 16 : index
        %get3A_168 = tpu.vector_load %arg16[%get3A_166, %get3A_167] {strides = array<i32>} : memref<64x128xf32, #tpu.memory_space<vmem>>, vector<16xf32>,
        %get3A_169 = arith.index_cast %add3A_133 : i32 to index
        %get3A_170 = arith.constant 16 : index
        %get3A_171 = tpu.vector_load %arg17[%get3A_169, %get3A_170] {strides = array<i32>} : memref<64x128xf32, #tpu.memory_space<vmem>>, vector<16xf32>,
        %sub3A_172 = arith.subf %get3A_165, %get3A_162 : vector<16xf32>
        %mul3A_173 = arith.mulf %sub3A_172, %gather3A_137 : vector<16xf32>
        %add3A_174 = arith.addf %get3A_162, %mul3A_173 : vector<16xf32>
        %sub3A_175 = arith.subf %get3A_171, %get3A_168 : vector<16xf32>
        %mul3A_176 = arith.mulf %sub3A_175, %gather3A_137 : vector<16xf32>
        %add3A_177 = arith.addf %get3A_168, %mul3A_176 : vector<16xf32>
        %sub3A_178 = arith.subf %add3A_177, %add3A_174 : vector<16xf32>
        %mul3A_179 = arith.mulf %sub3A_178, %gather3A : vector<16xf32>
        %add3A_180 = arith.addf %add3A_174, %mul3A_179 : vector<16xf32>
        %swap3A_181 = arith.index_cast %add3A_133 : i32 to index
        %swap3A_182 = arith.constant 16 : index
        %swap3A_183 = tpu.vector_load %arg18[%swap3A_181, %swap3A_182] {strides = array<i32>} : memref<64x128xf32, #tpu.memory_space<vmem>>, vector<16xf32>,
        tpu.vector_store %arg18[%swap3A_181, %swap3A_182], %add3A_180 {strides = array<i32>} : memref<64x128xf32, #tpu.memory_space<vmem>>, vector<16xf32>,
        %get3A_184 = arith.index_cast %add3A_133 : i32 to index
        %get3A_185 = arith.constant 32 : index
        %get3A_186 = tpu.vector_load %arg14[%get3A_184, %get3A_185] {strides = array<i32>} : memref<64x128xf32, #tpu.memory_space<vmem>>, vector<16xf32>,
        %get3A_187 = arith.index_cast %add3A_133 : i32 to index
        %get3A_188 = arith.constant 32 : index
        %get3A_189 = tpu.vector_load %arg15[%get3A_187, %get3A_188] {strides = array<i32>} : memref<64x128xf32, #tpu.memory_space<vmem>>, vector<16xf32>,
        %get3A_190 = arith.index_cast %add3A_133 : i32 to index
        %get3A_191 = arith.constant 32 : index
        %get3A_192 = tpu.vector_load %arg16[%get3A_190, %get3A_191] {strides = array<i32>} : memref<64x128xf32, #tpu.memory_space<vmem>>, vector<16xf32>,
        %get3A_193 = arith.index_cast %add3A_133 : i32 to index
        %get3A_194 = arith.constant 32 : index
        %get3A_195 = tpu.vector_load %arg17[%get3A_193, %get3A_194] {strides = array<i32>} : memref<64x128xf32, #tpu.memory_space<vmem>>, vector<16xf32>,
        %sub3A_196 = arith.subf %get3A_189, %get3A_186 : vector<16xf32>
        %mul3A_197 = arith.mulf %sub3A_196, %gather3A_137 : vector<16xf32>
        %add3A_198 = arith.addf %get3A_186, %mul3A_197 : vector<16xf32>
        %sub3A_199 = arith.subf %get3A_195, %get3A_192 : vector<16xf32>
        %mul3A_200 = arith.mulf %sub3A_199, %gather3A_137 : vector<16xf32>
        %add3A_201 = arith.addf %get3A_192, %mul3A_200 : vector<16xf32>
        %sub3A_202 = arith.subf %add3A_201, %add3A_198 : vector<16xf32>
        %mul3A_203 = arith.mulf %sub3A_202, %gather3A : vector<16xf32>
        %add3A_204 = arith.addf %add3A_198, %mul3A_203 : vector<16xf32>
        %swap3A_205 = arith.index_cast %add3A_133 : i32 to index
        %swap3A_206 = arith.constant 32 : index
        %swap3A_207 = tpu.vector_load %arg18[%swap3A_205, %swap3A_206] {strides = array<i32>} : memref<64x128xf32, #tpu.memory_space<vmem>>, vector<16xf32>,
        tpu.vector_store %arg18[%swap3A_205, %swap3A_206], %add3A_204 {strides = array<i32>} : memref<64x128xf32, #tpu.memory_space<vmem>>, vector<16xf32>,
        %get3A_208 = arith.index_cast %add3A_133 : i32 to index
        %get3A_209 = arith.constant 48 : index
        %get3A_210 = tpu.vector_load %arg14[%get3A_208, %get3A_209] {strides = array<i32>} : memref<64x128xf32, #tpu.memory_space<vmem>>, vector<16xf32>,
        %get3A_211 = arith.index_cast %add3A_133 : i32 to index
        %get3A_212 = arith.constant 48 : index
        %get3A_213 = tpu.vector_load %arg15[%get3A_211, %get3A_212] {strides = array<i32>} : memref<64x128xf32, #tpu.memory_space<vmem>>, vector<16xf32>,
        %get3A_214 = arith.index_cast %add3A_133 : i32 to index
        %get3A_215 = arith.constant 48 : index
        %get3A_216 = tpu.vector_load %arg16[%get3A_214, %get3A_215] {strides = array<i32>} : memref<64x128xf32, #tpu.memory_space<vmem>>, vector<16xf32>,
        %get3A_217 = arith.index_cast %add3A_133 : i32 to index
        %get3A_218 = arith.constant 48 : index
        %get3A_219 = tpu.vector_load %arg17[%get3A_217, %get3A_218] {strides = array<i32>} : memref<64x128xf32, #tpu.memory_space<vmem>>, vector<16xf32>,
        %sub3A_220 = arith.subf %get3A_213, %get3A_210 : vector<16xf32>
        %mul3A_221 = arith.mulf %sub3A_220, %gather3A_137 : vector<16xf32>
        %add3A_222 = arith.addf %get3A_210, %mul3A_221 : vector<16xf32>
        %sub3A_223 = arith.subf %get3A_219, %get3A_216 : vector<16xf32>
        %mul3A_224 = arith.mulf %sub3A_223, %gather3A_137 : vector<16xf32>
        %add3A_225 = arith.addf %get3A_216, %mul3A_224 : vector<16xf32>
        %sub3A_226 = arith.subf %add3A_225, %add3A_222 : vector<16xf32>
        %mul3A_227 = arith.mulf %sub3A_226, %gather3A : vector<16xf32>
        %add3A_228 = arith.addf %add3A_222, %mul3A_227 : vector<16xf32>
        %swap3A_229 = arith.index_cast %add3A_133 : i32 to index
        %swap3A_230 = arith.constant 48 : index
        %swap3A_231 = tpu.vector_load %arg18[%swap3A_229, %swap3A_230] {strides = array<i32>} : memref<64x128xf32, #tpu.memory_space<vmem>>, vector<16xf32>,
        tpu.vector_store %arg18[%swap3A_229, %swap3A_230], %add3A_228 {strides = array<i32>} : memref<64x128xf32, #tpu.memory_space<vmem>>, vector<16xf32>,
        %get3A_232 = arith.index_cast %add3A_133 : i32 to index
        %get3A_233 = arith.constant 64 : index
        %get3A_234 = tpu.vector_load %arg14[%get3A_232, %get3A_233] {strides = array<i32>} : memref<64x128xf32, #tpu.memory_space<vmem>>, vector<16xf32>,
        %get3A_235 = arith.index_cast %add3A_133 : i32 to index
        %get3A_236 = arith.constant 64 : index
        %get3A_237 = tpu.vector_load %arg15[%get3A_235, %get3A_236] {strides = array<i32>} : memref<64x128xf32, #tpu.memory_space<vmem>>, vector<16xf32>,
        %get3A_238 = arith.index_cast %add3A_133 : i32 to index
        %get3A_239 = arith.constant 64 : index
        %get3A_240 = tpu.vector_load %arg16[%get3A_238, %get3A_239] {strides = array<i32>} : memref<64x128xf32, #tpu.memory_space<vmem>>, vector<16xf32>,
        %get3A_241 = arith.index_cast %add3A_133 : i32 to index
        %get3A_242 = arith.constant 64 : index
        %get3A_243 = tpu.vector_load %arg17[%get3A_241, %get3A_242] {strides = array<i32>} : memref<64x128xf32, #tpu.memory_space<vmem>>, vector<16xf32>,
        %sub3A_244 = arith.subf %get3A_237, %get3A_234 : vector<16xf32>
        %mul3A_245 = arith.mulf %sub3A_244, %gather3A_137 : vector<16xf32>
        %add3A_246 = arith.addf %get3A_234, %mul3A_245 : vector<16xf32>
        %sub3A_247 = arith.subf %get3A_243, %get3A_240 : vector<16xf32>
        %mul3A_248 = arith.mulf %sub3A_247, %gather3A_137 : vector<16xf32>
        %add3A_249 = arith.addf %get3A_240, %mul3A_248 : vector<16xf32>
        %sub3A_250 = arith.subf %add3A_249, %add3A_246 : vector<16xf32>
        %mul3A_251 = arith.mulf %sub3A_250, %gather3A : vector<16xf32>
        %add3A_252 = arith.addf %add3A_246, %mul3A_251 : vector<16xf32>
        %swap3A_253 = arith.index_cast %add3A_133 : i32 to index
        %swap3A_254 = arith.constant 64 : index
        %swap3A_255 = tpu.vector_load %arg18[%swap3A_253, %swap3A_254] {strides = array<i32>} : memref<64x128xf32, #tpu.memory_space<vmem>>, vector<16xf32>,
        tpu.vector_store %arg18[%swap3A_253, %swap3A_254], %add3A_252 {strides = array<i32>} : memref<64x128xf32, #tpu.memory_space<vmem>>, vector<16xf32>,
        %get3A_256 = arith.index_cast %add3A_133 : i32 to index
        %get3A_257 = arith.constant 80 : index
        %get3A_258 = tpu.vector_load %arg14[%get3A_256, %get3A_257] {strides = array<i32>} : memref<64x128xf32, #tpu.memory_space<vmem>>, vector<16xf32>,
        %get3A_259 = arith.index_cast %add3A_133 : i32 to index
        %get3A_260 = arith.constant 80 : index
        %get3A_261 = tpu.vector_load %arg15[%get3A_259, %get3A_260] {strides = array<i32>} : memref<64x128xf32, #tpu.memory_space<vmem>>, vector<16xf32>,
        %get3A_262 = arith.index_cast %add3A_133 : i32 to index
        %get3A_263 = arith.constant 80 : index
        %get3A_264 = tpu.vector_load %arg16[%get3A_262, %get3A_263] {strides = array<i32>} : memref<64x128xf32, #tpu.memory_space<vmem>>, vector<16xf32>,
        %get3A_265 = arith.index_cast %add3A_133 : i32 to index
        %get3A_266 = arith.constant 80 : index
        %get3A_267 = tpu.vector_load %arg17[%get3A_265, %get3A_266] {strides = array<i32>} : memref<64x128xf32, #tpu.memory_space<vmem>>, vector<16xf32>,
        %sub3A_268 = arith.subf %get3A_261, %get3A_258 : vector<16xf32>
        %mul3A_269 = arith.mulf %sub3A_268, %gather3A_137 : vector<16xf32>
        %add3A_270 = arith.addf %get3A_258, %mul3A_269 : vector<16xf32>
        %sub3A_271 = arith.subf %get3A_267, %get3A_264 : vector<16xf32>
        %mul3A_272 = arith.mulf %sub3A_271, %gather3A_137 : vector<16xf32>
        %add3A_273 = arith.addf %get3A_264, %mul3A_272 : vector<16xf32>
        %sub3A_274 = arith.subf %add3A_273, %add3A_270 : vector<16xf32>
        %mul3A_275 = arith.mulf %sub3A_274, %gather3A : vector<16xf32>
        %add3A_276 = arith.addf %add3A_270, %mul3A_275 : vector<16xf32>
        %swap3A_277 = arith.index_cast %add3A_133 : i32 to index
        %swap3A_278 = arith.constant 80 : index
        %swap3A_279 = tpu.vector_load %arg18[%swap3A_277, %swap3A_278] {strides = array<i32>} : memref<64x128xf32, #tpu.memory_space<vmem>>, vector<16xf32>,
        tpu.vector_store %arg18[%swap3A_277, %swap3A_278], %add3A_276 {strides = array<i32>} : memref<64x128xf32, #tpu.memory_space<vmem>>, vector<16xf32>,
        %mul3A_280 = arith.constant 4 : i32
        %mul3A_281 = arith.muli %mul3A_280, %scan3A_129 : i32
        %add3A_282 = arith.constant 1 : i32
        %add3A_283 = arith.addi %mul3A_281, %add3A_282 : i32
        %broadcast_in_dim3A_284 = arith.constant 0 : i32
        %broadcast_in_dim3A_285 = vector.broadcast %broadcast_in_dim3A_284 : i32 to vector<16xi32>
        %add3A_286 = vector.broadcast %add3A_283 : i32 to vector<16xi32>
        %add3A_287 = arith.addi %broadcast_in_dim3A_285, %add3A_286 : vector<16xi32>
        %gather3A_288 = tpu.vector_load_idx %arg12[%add3A_287] : memref<64xf32, #tpu.memory_space<vmem>>[vector<16xi32>], vector<16xf32>,
        %gather3A_289 = tpu.vector_load_idx %arg13[%add3A_287] : memref<64xf32, #tpu.memory_space<vmem>>[vector<16xi32>], vector<16xf32>,
        %get3A_290 = arith.index_cast %add3A_283 : i32 to index
        %get3A_291 = arith.constant 0 : index
        %get3A_292 = tpu.vector_load %arg14[%get3A_290, %get3A_291] {strides = array<i32>} : memref<64x128xf32, #tpu.memory_space<vmem>>, vector<16xf32>,
        %get3A_293 = arith.index_cast %add3A_283 : i32 to index
        %get3A_294 = arith.constant 0 : index
        %get3A_295 = tpu.vector_load %arg15[%get3A_293, %get3A_294] {strides = array<i32>} : memref<64x128xf32, #tpu.memory_space<vmem>>, vector<16xf32>,
        %get3A_296 = arith.index_cast %add3A_283 : i32 to index
        %get3A_297 = arith.constant 0 : index
        %get3A_298 = tpu.vector_load %arg16[%get3A_296, %get3A_297] {strides = array<i32>} : memref<64x128xf32, #tpu.memory_space<vmem>>, vector<16xf32>,
        %get3A_299 = arith.index_cast %add3A_283 : i32 to index
        %get3A_300 = arith.constant 0 : index
        %get3A_301 = tpu.vector_load %arg17[%get3A_299, %get3A_300] {strides = array<i32>} : memref<64x128xf32, #tpu.memory_space<vmem>>, vector<16xf32>,
        %sub3A_302 = arith.subf %get3A_295, %get3A_292 : vector<16xf32>
        %mul3A_303 = arith.mulf %sub3A_302, %gather3A_289 : vector<16xf32>
        %add3A_304 = arith.addf %get3A_292, %mul3A_303 : vector<16xf32>
        %sub3A_305 = arith.subf %get3A_301, %get3A_298 : vector<16xf32>
        %mul3A_306 = arith.mulf %sub3A_305, %gather3A_289 : vector<16xf32>
        %add3A_307 = arith.addf %get3A_298, %mul3A_306 : vector<16xf32>
        %sub3A_308 = arith.subf %add3A_307, %add3A_304 : vector<16xf32>
        %mul3A_309 = arith.mulf %sub3A_308, %gather3A_288 : vector<16xf32>
        %add3A_310 = arith.addf %add3A_304, %mul3A_309 : vector<16xf32>
        %swap3A_311 = arith.index_cast %add3A_283 : i32 to index
        %swap3A_312 = arith.constant 0 : index
        %swap3A_313 = tpu.vector_load %arg18[%swap3A_311, %swap3A_312] {strides = array<i32>} : memref<64x128xf32, #tpu.memory_space<vmem>>, vector<16xf32>,
        tpu.vector_store %arg18[%swap3A_311, %swap3A_312], %add3A_310 {strides = array<i32>} : memref<64x128xf32, #tpu.memory_space<vmem>>, vector<16xf32>,
        %get3A_314 = arith.index_cast %add3A_283 : i32 to index
        %get3A_315 = arith.constant 16 : index
        %get3A_316 = tpu.vector_load %arg14[%get3A_314, %get3A_315] {strides = array<i32>} : memref<64x128xf32, #tpu.memory_space<vmem>>, vector<16xf32>,
        %get3A_317 = arith.index_cast %add3A_283 : i32 to index
        %get3A_318 = arith.constant 16 : index
        %get3A_319 = tpu.vector_load %arg15[%get3A_317, %get3A_318] {strides = array<i32>} : memref<64x128xf32, #tpu.memory_space<vmem>>, vector<16xf32>,
        %get3A_320 = arith.index_cast %add3A_283 : i32 to index
        %get3A_321 = arith.constant 16 : index
        %get3A_322 = tpu.vector_load %arg16[%get3A_320, %get3A_321] {strides = array<i32>} : memref<64x128xf32, #tpu.memory_space<vmem>>, vector<16xf32>,
        %get3A_323 = arith.index_cast %add3A_283 : i32 to index
        %get3A_324 = arith.constant 16 : index
        %get3A_325 = tpu.vector_load %arg17[%get3A_323, %get3A_324] {strides = array<i32>} : memref<64x128xf32, #tpu.memory_space<vmem>>, vector<16xf32>,
        %sub3A_326 = arith.subf %get3A_319, %get3A_316 : vector<16xf32>
        %mul3A_327 = arith.mulf %sub3A_326, %gather3A_289 : vector<16xf32>
        %add3A_328 = arith.addf %get3A_316, %mul3A_327 : vector<16xf32>
        %sub3A_329 = arith.subf %get3A_325, %get3A_322 : vector<16xf32>
        %mul3A_330 = arith.mulf %sub3A_329, %gather3A_289 : vector<16xf32>
        %add3A_331 = arith.addf %get3A_322, %mul3A_330 : vector<16xf32>
        %sub3A_332 = arith.subf %add3A_331, %add3A_328 : vector<16xf32>
        %mul3A_333 = arith.mulf %sub3A_332, %gather3A_288 : vector<16xf32>
        %add3A_334 = arith.addf %add3A_328, %mul3A_333 : vector<16xf32>
        %swap3A_335 = arith.index_cast %add3A_283 : i32 to index
        %swap3A_336 = arith.constant 16 : index
        %swap3A_337 = tpu.vector_load %arg18[%swap3A_335, %swap3A_336] {strides = array<i32>} : memref<64x128xf32, #tpu.memory_space<vmem>>, vector<16xf32>,
        tpu.vector_store %arg18[%swap3A_335, %swap3A_336], %add3A_334 {strides = array<i32>} : memref<64x128xf32, #tpu.memory_space<vmem>>, vector<16xf32>,
        %get3A_338 = arith.index_cast %add3A_283 : i32 to index
        %get3A_339 = arith.constant 32 : index
        %get3A_340 = tpu.vector_load %arg14[%get3A_338, %get3A_339] {strides = array<i32>} : memref<64x128xf32, #tpu.memory_space<vmem>>, vector<16xf32>,
        %get3A_341 = arith.index_cast %add3A_283 : i32 to index
        %get3A_342 = arith.constant 32 : index
        %get3A_343 = tpu.vector_load %arg15[%get3A_341, %get3A_342] {strides = array<i32>} : memref<64x128xf32, #tpu.memory_space<vmem>>, vector<16xf32>,
        %get3A_344 = arith.index_cast %add3A_283 : i32 to index
        %get3A_345 = arith.constant 32 : index
        %get3A_346 = tpu.vector_load %arg16[%get3A_344, %get3A_345] {strides = array<i32>} : memref<64x128xf32, #tpu.memory_space<vmem>>, vector<16xf32>,
        %get3A_347 = arith.index_cast %add3A_283 : i32 to index
        %get3A_348 = arith.constant 32 : index
        %get3A_349 = tpu.vector_load %arg17[%get3A_347, %get3A_348] {strides = array<i32>} : memref<64x128xf32, #tpu.memory_space<vmem>>, vector<16xf32>,
        %sub3A_350 = arith.subf %get3A_343, %get3A_340 : vector<16xf32>
        %mul3A_351 = arith.mulf %sub3A_350, %gather3A_289 : vector<16xf32>
        %add3A_352 = arith.addf %get3A_340, %mul3A_351 : vector<16xf32>
        %sub3A_353 = arith.subf %get3A_349, %get3A_346 : vector<16xf32>
        %mul3A_354 = arith.mulf %sub3A_353, %gather3A_289 : vector<16xf32>
        %add3A_355 = arith.addf %get3A_346, %mul3A_354 : vector<16xf32>
        %sub3A_356 = arith.subf %add3A_355, %add3A_352 : vector<16xf32>
        %mul3A_357 = arith.mulf %sub3A_356, %gather3A_288 : vector<16xf32>
        %add3A_358 = arith.addf %add3A_352, %mul3A_357 : vector<16xf32>
        %swap3A_359 = arith.index_cast %add3A_283 : i32 to index
        %swap3A_360 = arith.constant 32 : index
        %swap3A_361 = tpu.vector_load %arg18[%swap3A_359, %swap3A_360] {strides = array<i32>} : memref<64x128xf32, #tpu.memory_space<vmem>>, vector<16xf32>,
        tpu.vector_store %arg18[%swap3A_359, %swap3A_360], %add3A_358 {strides = array<i32>} : memref<64x128xf32, #tpu.memory_space<vmem>>, vector<16xf32>,
        %get3A_362 = arith.index_cast %add3A_283 : i32 to index
        %get3A_363 = arith.constant 48 : index
        %get3A_364 = tpu.vector_load %arg14[%get3A_362, %get3A_363] {strides = array<i32>} : memref<64x128xf32, #tpu.memory_space<vmem>>, vector<16xf32>,
        %get3A_365 = arith.index_cast %add3A_283 : i32 to index
        %get3A_366 = arith.constant 48 : index
        %get3A_367 = tpu.vector_load %arg15[%get3A_365, %get3A_366] {strides = array<i32>} : memref<64x128xf32, #tpu.memory_space<vmem>>, vector<16xf32>,
        %get3A_368 = arith.index_cast %add3A_283 : i32 to index
        %get3A_369 = arith.constant 48 : index
        %get3A_370 = tpu.vector_load %arg16[%get3A_368, %get3A_369] {strides = array<i32>} : memref<64x128xf32, #tpu.memory_space<vmem>>, vector<16xf32>,
        %get3A_371 = arith.index_cast %add3A_283 : i32 to index
        %get3A_372 = arith.constant 48 : index
        %get3A_373 = tpu.vector_load %arg17[%get3A_371, %get3A_372] {strides = array<i32>} : memref<64x128xf32, #tpu.memory_space<vmem>>, vector<16xf32>,
        %sub3A_374 = arith.subf %get3A_367, %get3A_364 : vector<16xf32>
        %mul3A_375 = arith.mulf %sub3A_374, %gather3A_289 : vector<16xf32>
        %add3A_376 = arith.addf %get3A_364, %mul3A_375 : vector<16xf32>
        %sub3A_377 = arith.subf %get3A_373, %get3A_370 : vector<16xf32>
        %mul3A_378 = arith.mulf %sub3A_377, %gather3A_289 : vector<16xf32>
        %add3A_379 = arith.addf %get3A_370, %mul3A_378 : vector<16xf32>
        %sub3A_380 = arith.subf %add3A_379, %add3A_376 : vector<16xf32>
        %mul3A_381 = arith.mulf %sub3A_380, %gather3A_288 : vector<16xf32>
        %add3A_382 = arith.addf %add3A_376, %mul3A_381 : vector<16xf32>
        %swap3A_383 = arith.index_cast %add3A_283 : i32 to index
        %swap3A_384 = arith.constant 48 : index
        %swap3A_385 = tpu.vector_load %arg18[%swap3A_383, %swap3A_384] {strides = array<i32>} : memref<64x128xf32, #tpu.memory_space<vmem>>, vector<16xf32>,
        tpu.vector_store %arg18[%swap3A_383, %swap3A_384], %add3A_382 {strides = array<i32>} : memref<64x128xf32, #tpu.memory_space<vmem>>, vector<16xf32>,
        %get3A_386 = arith.index_cast %add3A_283 : i32 to index
        %get3A_387 = arith.constant 64 : index
        %get3A_388 = tpu.vector_load %arg14[%get3A_386, %get3A_387] {strides = array<i32>} : memref<64x128xf32, #tpu.memory_space<vmem>>, vector<16xf32>,
        %get3A_389 = arith.index_cast %add3A_283 : i32 to index
        %get3A_390 = arith.constant 64 : index
        %get3A_391 = tpu.vector_load %arg15[%get3A_389, %get3A_390] {strides = array<i32>} : memref<64x128xf32, #tpu.memory_space<vmem>>, vector<16xf32>,
        %get3A_392 = arith.index_cast %add3A_283 : i32 to index
        %get3A_393 = arith.constant 64 : index
        %get3A_394 = tpu.vector_load %arg16[%get3A_392, %get3A_393] {strides = array<i32>} : memref<64x128xf32, #tpu.memory_space<vmem>>, vector<16xf32>,
        %get3A_395 = arith.index_cast %add3A_283 : i32 to index
        %get3A_396 = arith.constant 64 : index
        %get3A_397 = tpu.vector_load %arg17[%get3A_395, %get3A_396] {strides = array<i32>} : memref<64x128xf32, #tpu.memory_space<vmem>>, vector<16xf32>,
        %sub3A_398 = arith.subf %get3A_391, %get3A_388 : vector<16xf32>
        %mul3A_399 = arith.mulf %sub3A_398, %gather3A_289 : vector<16xf32>
        %add3A_400 = arith.addf %get3A_388, %mul3A_399 : vector<16xf32>
        %sub3A_401 = arith.subf %get3A_397, %get3A_394 : vector<16xf32>
        %mul3A_402 = arith.mulf %sub3A_401, %gather3A_289 : vector<16xf32>
        %add3A_403 = arith.addf %get3A_394, %mul3A_402 : vector<16xf32>
        %sub3A_404 = arith.subf %add3A_403, %add3A_400 : vector<16xf32>
        %mul3A_405 = arith.mulf %sub3A_404, %gather3A_288 : vector<16xf32>
        %add3A_406 = arith.addf %add3A_400, %mul3A_405 : vector<16xf32>
        %swap3A_407 = arith.index_cast %add3A_283 : i32 to index
        %swap3A_408 = arith.constant 64 : index
        %swap3A_409 = tpu.vector_load %arg18[%swap3A_407, %swap3A_408] {strides = array<i32>} : memref<64x128xf32, #tpu.memory_space<vmem>>, vector<16xf32>,
        tpu.vector_store %arg18[%swap3A_407, %swap3A_408], %add3A_406 {strides = array<i32>} : memref<64x128xf32, #tpu.memory_space<vmem>>, vector<16xf32>,
        %get3A_410 = arith.index_cast %add3A_283 : i32 to index
        %get3A_411 = arith.constant 80 : index
        %get3A_412 = tpu.vector_load %arg14[%get3A_410, %get3A_411] {strides = array<i32>} : memref<64x128xf32, #tpu.memory_space<vmem>>, vector<16xf32>,
        %get3A_413 = arith.index_cast %add3A_283 : i32 to index
        %get3A_414 = arith.constant 80 : index
        %get3A_415 = tpu.vector_load %arg15[%get3A_413, %get3A_414] {strides = array<i32>} : memref<64x128xf32, #tpu.memory_space<vmem>>, vector<16xf32>,
        %get3A_416 = arith.index_cast %add3A_283 : i32 to index
        %get3A_417 = arith.constant 80 : index
        %get3A_418 = tpu.vector_load %arg16[%get3A_416, %get3A_417] {strides = array<i32>} : memref<64x128xf32, #tpu.memory_space<vmem>>, vector<16xf32>,
        %get3A_419 = arith.index_cast %add3A_283 : i32 to index
        %get3A_420 = arith.constant 80 : index
        %get3A_421 = tpu.vector_load %arg17[%get3A_419, %get3A_420] {strides = array<i32>} : memref<64x128xf32, #tpu.memory_space<vmem>>, vector<16xf32>,
        %sub3A_422 = arith.subf %get3A_415, %get3A_412 : vector<16xf32>
        %mul3A_423 = arith.mulf %sub3A_422, %gather3A_289 : vector<16xf32>
        %add3A_424 = arith.addf %get3A_412, %mul3A_423 : vector<16xf32>
        %sub3A_425 = arith.subf %get3A_421, %get3A_418 : vector<16xf32>
        %mul3A_426 = arith.mulf %sub3A_425, %gather3A_289 : vector<16xf32>
        %add3A_427 = arith.addf %get3A_418, %mul3A_426 : vector<16xf32>
        %sub3A_428 = arith.subf %add3A_427, %add3A_424 : vector<16xf32>
        %mul3A_429 = arith.mulf %sub3A_428, %gather3A_288 : vector<16xf32>
        %add3A_430 = arith.addf %add3A_424, %mul3A_429 : vector<16xf32>
        %swap3A_431 = arith.index_cast %add3A_283 : i32 to index
        %swap3A_432 = arith.constant 80 : index
        %swap3A_433 = tpu.vector_load %arg18[%swap3A_431, %swap3A_432] {strides = array<i32>} : memref<64x128xf32, #tpu.memory_space<vmem>>, vector<16xf32>,
        tpu.vector_store %arg18[%swap3A_431, %swap3A_432], %add3A_430 {strides = array<i32>} : memref<64x128xf32, #tpu.memory_space<vmem>>, vector<16xf32>,
        %mul3A_434 = arith.constant 4 : i32
        %mul3A_435 = arith.muli %mul3A_434, %scan3A_129 : i32
        %add3A_436 = arith.constant 2 : i32
        %add3A_437 = arith.addi %mul3A_435, %add3A_436 : i32
        %broadcast_in_dim3A_438 = arith.constant 0 : i32
        %broadcast_in_dim3A_439 = vector.broadcast %broadcast_in_dim3A_438 : i32 to vector<16xi32>
        %add3A_440 = vector.broadcast %add3A_437 : i32 to vector<16xi32>
        %add3A_441 = arith.addi %broadcast_in_dim3A_439, %add3A_440 : vector<16xi32>
        %gather3A_442 = tpu.vector_load_idx %arg12[%add3A_441] : memref<64xf32, #tpu.memory_space<vmem>>[vector<16xi32>], vector<16xf32>,
        %gather3A_443 = tpu.vector_load_idx %arg13[%add3A_441] : memref<64xf32, #tpu.memory_space<vmem>>[vector<16xi32>], vector<16xf32>,
        %get3A_444 = arith.index_cast %add3A_437 : i32 to index
        %get3A_445 = arith.constant 0 : index
        %get3A_446 = tpu.vector_load %arg14[%get3A_444, %get3A_445] {strides = array<i32>} : memref<64x128xf32, #tpu.memory_space<vmem>>, vector<16xf32>,
        %get3A_447 = arith.index_cast %add3A_437 : i32 to index
        %get3A_448 = arith.constant 0 : index
        %get3A_449 = tpu.vector_load %arg15[%get3A_447, %get3A_448] {strides = array<i32>} : memref<64x128xf32, #tpu.memory_space<vmem>>, vector<16xf32>,
        %get3A_450 = arith.index_cast %add3A_437 : i32 to index
        %get3A_451 = arith.constant 0 : index
        %get3A_452 = tpu.vector_load %arg16[%get3A_450, %get3A_451] {strides = array<i32>} : memref<64x128xf32, #tpu.memory_space<vmem>>, vector<16xf32>,
        %get3A_453 = arith.index_cast %add3A_437 : i32 to index
        %get3A_454 = arith.constant 0 : index
        %get3A_455 = tpu.vector_load %arg17[%get3A_453, %get3A_454] {strides = array<i32>} : memref<64x128xf32, #tpu.memory_space<vmem>>, vector<16xf32>,
        %sub3A_456 = arith.subf %get3A_449, %get3A_446 : vector<16xf32>
        %mul3A_457 = arith.mulf %sub3A_456, %gather3A_443 : vector<16xf32>
        %add3A_458 = arith.addf %get3A_446, %mul3A_457 : vector<16xf32>
        %sub3A_459 = arith.subf %get3A_455, %get3A_452 : vector<16xf32>
        %mul3A_460 = arith.mulf %sub3A_459, %gather3A_443 : vector<16xf32>
        %add3A_461 = arith.addf %get3A_452, %mul3A_460 : vector<16xf32>
        %sub3A_462 = arith.subf %add3A_461, %add3A_458 : vector<16xf32>
        %mul3A_463 = arith.mulf %sub3A_462, %gather3A_442 : vector<16xf32>
        %add3A_464 = arith.addf %add3A_458, %mul3A_463 : vector<16xf32>
        %swap3A_465 = arith.index_cast %add3A_437 : i32 to index
        %swap3A_466 = arith.constant 0 : index
        %swap3A_467 = tpu.vector_load %arg18[%swap3A_465, %swap3A_466] {strides = array<i32>} : memref<64x128xf32, #tpu.memory_space<vmem>>, vector<16xf32>,
        tpu.vector_store %arg18[%swap3A_465, %swap3A_466], %add3A_464 {strides = array<i32>} : memref<64x128xf32, #tpu.memory_space<vmem>>, vector<16xf32>,
        %get3A_468 = arith.index_cast %add3A_437 : i32 to index
        %get3A_469 = arith.constant 16 : index
        %get3A_470 = tpu.vector_load %arg14[%get3A_468, %get3A_469] {strides = array<i32>} : memref<64x128xf32, #tpu.memory_space<vmem>>, vector<16xf32>,
        %get3A_471 = arith.index_cast %add3A_437 : i32 to index
        %get3A_472 = arith.constant 16 : index
        %get3A_473 = tpu.vector_load %arg15[%get3A_471, %get3A_472] {strides = array<i32>} : memref<64x128xf32, #tpu.memory_space<vmem>>, vector<16xf32>,
        %get3A_474 = arith.index_cast %add3A_437 : i32 to index
        %get3A_475 = arith.constant 16 : index
        %get3A_476 = tpu.vector_load %arg16[%get3A_474, %get3A_475] {strides = array<i32>} : memref<64x128xf32, #tpu.memory_space<vmem>>, vector<16xf32>,
        %get3A_477 = arith.index_cast %add3A_437 : i32 to index
        %get3A_478 = arith.constant 16 : index
        %get3A_479 = tpu.vector_load %arg17[%get3A_477, %get3A_478] {strides = array<i32>} : memref<64x128xf32, #tpu.memory_space<vmem>>, vector<16xf32>,
        %sub3A_480 = arith.subf %get3A_473, %get3A_470 : vector<16xf32>
        %mul3A_481 = arith.mulf %sub3A_480, %gather3A_443 : vector<16xf32>
        %add3A_482 = arith.addf %get3A_470, %mul3A_481 : vector<16xf32>
        %sub3A_483 = arith.subf %get3A_479, %get3A_476 : vector<16xf32>
        %mul3A_484 = arith.mulf %sub3A_483, %gather3A_443 : vector<16xf32>
        %add3A_485 = arith.addf %get3A_476, %mul3A_484 : vector<16xf32>
        %sub3A_486 = arith.subf %add3A_485, %add3A_482 : vector<16xf32>
        %mul3A_487 = arith.mulf %sub3A_486, %gather3A_442 : vector<16xf32>
        %add3A_488 = arith.addf %add3A_482, %mul3A_487 : vector<16xf32>
        %swap3A_489 = arith.index_cast %add3A_437 : i32 to index
        %swap3A_490 = arith.constant 16 : index
        %swap3A_491 = tpu.vector_load %arg18[%swap3A_489, %swap3A_490] {strides = array<i32>} : memref<64x128xf32, #tpu.memory_space<vmem>>, vector<16xf32>,
        tpu.vector_store %arg18[%swap3A_489, %swap3A_490], %add3A_488 {strides = array<i32>} : memref<64x128xf32, #tpu.memory_space<vmem>>, vector<16xf32>,
        %get3A_492 = arith.index_cast %add3A_437 : i32 to index
        %get3A_493 = arith.constant 32 : index
        %get3A_494 = tpu.vector_load %arg14[%get3A_492, %get3A_493] {strides = array<i32>} : memref<64x128xf32, #tpu.memory_space<vmem>>, vector<16xf32>,
        %get3A_495 = arith.index_cast %add3A_437 : i32 to index
        %get3A_496 = arith.constant 32 : index
        %get3A_497 = tpu.vector_load %arg15[%get3A_495, %get3A_496] {strides = array<i32>} : memref<64x128xf32, #tpu.memory_space<vmem>>, vector<16xf32>,
        %get3A_498 = arith.index_cast %add3A_437 : i32 to index
        %get3A_499 = arith.constant 32 : index
        %get3A_500 = tpu.vector_load %arg16[%get3A_498, %get3A_499] {strides = array<i32>} : memref<64x128xf32, #tpu.memory_space<vmem>>, vector<16xf32>,
        %get3A_501 = arith.index_cast %add3A_437 : i32 to index
        %get3A_502 = arith.constant 32 : index
        %get3A_503 = tpu.vector_load %arg17[%get3A_501, %get3A_502] {strides = array<i32>} : memref<64x128xf32, #tpu.memory_space<vmem>>, vector<16xf32>,
        %sub3A_504 = arith.subf %get3A_497, %get3A_494 : vector<16xf32>
        %mul3A_505 = arith.mulf %sub3A_504, %gather3A_443 : vector<16xf32>
        %add3A_506 = arith.addf %get3A_494, %mul3A_505 : vector<16xf32>
        %sub3A_507 = arith.subf %get3A_503, %get3A_500 : vector<16xf32>
        %mul3A_508 = arith.mulf %sub3A_507, %gather3A_443 : vector<16xf32>
        %add3A_509 = arith.addf %get3A_500, %mul3A_508 : vector<16xf32>
        %sub3A_510 = arith.subf %add3A_509, %add3A_506 : vector<16xf32>
        %mul3A_511 = arith.mulf %sub3A_510, %gather3A_442 : vector<16xf32>
        %add3A_512 = arith.addf %add3A_506, %mul3A_511 : vector<16xf32>
        %swap3A_513 = arith.index_cast %add3A_437 : i32 to index
        %swap3A_514 = arith.constant 32 : index
        %swap3A_515 = tpu.vector_load %arg18[%swap3A_513, %swap3A_514] {strides = array<i32>} : memref<64x128xf32, #tpu.memory_space<vmem>>, vector<16xf32>,
        tpu.vector_store %arg18[%swap3A_513, %swap3A_514], %add3A_512 {strides = array<i32>} : memref<64x128xf32, #tpu.memory_space<vmem>>, vector<16xf32>,
        %get3A_516 = arith.index_cast %add3A_437 : i32 to index
        %get3A_517 = arith.constant 48 : index
        %get3A_518 = tpu.vector_load %arg14[%get3A_516, %get3A_517] {strides = array<i32>} : memref<64x128xf32, #tpu.memory_space<vmem>>, vector<16xf32>,
        %get3A_519 = arith.index_cast %add3A_437 : i32 to index
        %get3A_520 = arith.constant 48 : index
        %get3A_521 = tpu.vector_load %arg15[%get3A_519, %get3A_520] {strides = array<i32>} : memref<64x128xf32, #tpu.memory_space<vmem>>, vector<16xf32>,
        %get3A_522 = arith.index_cast %add3A_437 : i32 to index
        %get3A_523 = arith.constant 48 : index
        %get3A_524 = tpu.vector_load %arg16[%get3A_522, %get3A_523] {strides = array<i32>} : memref<64x128xf32, #tpu.memory_space<vmem>>, vector<16xf32>,
        %get3A_525 = arith.index_cast %add3A_437 : i32 to index
        %get3A_526 = arith.constant 48 : index
        %get3A_527 = tpu.vector_load %arg17[%get3A_525, %get3A_526] {strides = array<i32>} : memref<64x128xf32, #tpu.memory_space<vmem>>, vector<16xf32>,
        %sub3A_528 = arith.subf %get3A_521, %get3A_518 : vector<16xf32>
        %mul3A_529 = arith.mulf %sub3A_528, %gather3A_443 : vector<16xf32>
        %add3A_530 = arith.addf %get3A_518, %mul3A_529 : vector<16xf32>
        %sub3A_531 = arith.subf %get3A_527, %get3A_524 : vector<16xf32>
        %mul3A_532 = arith.mulf %sub3A_531, %gather3A_443 : vector<16xf32>
        %add3A_533 = arith.addf %get3A_524, %mul3A_532 : vector<16xf32>
        %sub3A_534 = arith.subf %add3A_533, %add3A_530 : vector<16xf32>
        %mul3A_535 = arith.mulf %sub3A_534, %gather3A_442 : vector<16xf32>
        %add3A_536 = arith.addf %add3A_530, %mul3A_535 : vector<16xf32>
        %swap3A_537 = arith.index_cast %add3A_437 : i32 to index
        %swap3A_538 = arith.constant 48 : index
        %swap3A_539 = tpu.vector_load %arg18[%swap3A_537, %swap3A_538] {strides = array<i32>} : memref<64x128xf32, #tpu.memory_space<vmem>>, vector<16xf32>,
        tpu.vector_store %arg18[%swap3A_537, %swap3A_538], %add3A_536 {strides = array<i32>} : memref<64x128xf32, #tpu.memory_space<vmem>>, vector<16xf32>,
        %get3A_540 = arith.index_cast %add3A_437 : i32 to index
        %get3A_541 = arith.constant 64 : index
        %get3A_542 = tpu.vector_load %arg14[%get3A_540, %get3A_541] {strides = array<i32>} : memref<64x128xf32, #tpu.memory_space<vmem>>, vector<16xf32>,
        %get3A_543 = arith.index_cast %add3A_437 : i32 to index
        %get3A_544 = arith.constant 64 : index
        %get3A_545 = tpu.vector_load %arg15[%get3A_543, %get3A_544] {strides = array<i32>} : memref<64x128xf32, #tpu.memory_space<vmem>>, vector<16xf32>,
        %get3A_546 = arith.index_cast %add3A_437 : i32 to index
        %get3A_547 = arith.constant 64 : index
        %get3A_548 = tpu.vector_load %arg16[%get3A_546, %get3A_547] {strides = array<i32>} : memref<64x128xf32, #tpu.memory_space<vmem>>, vector<16xf32>,
        %get3A_549 = arith.index_cast %add3A_437 : i32 to index
        %get3A_550 = arith.constant 64 : index
        %get3A_551 = tpu.vector_load %arg17[%get3A_549, %get3A_550] {strides = array<i32>} : memref<64x128xf32, #tpu.memory_space<vmem>>, vector<16xf32>,
        %sub3A_552 = arith.subf %get3A_545, %get3A_542 : vector<16xf32>
        %mul3A_553 = arith.mulf %sub3A_552, %gather3A_443 : vector<16xf32>
        %add3A_554 = arith.addf %get3A_542, %mul3A_553 : vector<16xf32>
        %sub3A_555 = arith.subf %get3A_551, %get3A_548 : vector<16xf32>
        %mul3A_556 = arith.mulf %sub3A_555, %gather3A_443 : vector<16xf32>
        %add3A_557 = arith.addf %get3A_548, %mul3A_556 : vector<16xf32>
        %sub3A_558 = arith.subf %add3A_557, %add3A_554 : vector<16xf32>
        %mul3A_559 = arith.mulf %sub3A_558, %gather3A_442 : vector<16xf32>
        %add3A_560 = arith.addf %add3A_554, %mul3A_559 : vector<16xf32>
        %swap3A_561 = arith.index_cast %add3A_437 : i32 to index
        %swap3A_562 = arith.constant 64 : index
        %swap3A_563 = tpu.vector_load %arg18[%swap3A_561, %swap3A_562] {strides = array<i32>} : memref<64x128xf32, #tpu.memory_space<vmem>>, vector<16xf32>,
        tpu.vector_store %arg18[%swap3A_561, %swap3A_562], %add3A_560 {strides = array<i32>} : memref<64x128xf32, #tpu.memory_space<vmem>>, vector<16xf32>,
        %get3A_564 = arith.index_cast %add3A_437 : i32 to index
        %get3A_565 = arith.constant 80 : index
        %get3A_566 = tpu.vector_load %arg14[%get3A_564, %get3A_565] {strides = array<i32>} : memref<64x128xf32, #tpu.memory_space<vmem>>, vector<16xf32>,
        %get3A_567 = arith.index_cast %add3A_437 : i32 to index
        %get3A_568 = arith.constant 80 : index
        %get3A_569 = tpu.vector_load %arg15[%get3A_567, %get3A_568] {strides = array<i32>} : memref<64x128xf32, #tpu.memory_space<vmem>>, vector<16xf32>,
        %get3A_570 = arith.index_cast %add3A_437 : i32 to index
        %get3A_571 = arith.constant 80 : index
        %get3A_572 = tpu.vector_load %arg16[%get3A_570, %get3A_571] {strides = array<i32>} : memref<64x128xf32, #tpu.memory_space<vmem>>, vector<16xf32>,
        %get3A_573 = arith.index_cast %add3A_437 : i32 to index
        %get3A_574 = arith.constant 80 : index
        %get3A_575 = tpu.vector_load %arg17[%get3A_573, %get3A_574] {strides = array<i32>} : memref<64x128xf32, #tpu.memory_space<vmem>>, vector<16xf32>,
        %sub3A_576 = arith.subf %get3A_569, %get3A_566 : vector<16xf32>
        %mul3A_577 = arith.mulf %sub3A_576, %gather3A_443 : vector<16xf32>
        %add3A_578 = arith.addf %get3A_566, %mul3A_577 : vector<16xf32>
        %sub3A_579 = arith.subf %get3A_575, %get3A_572 : vector<16xf32>
        %mul3A_580 = arith.mulf %sub3A_579, %gather3A_443 : vector<16xf32>
        %add3A_581 = arith.addf %get3A_572, %mul3A_580 : vector<16xf32>
        %sub3A_582 = arith.subf %add3A_581, %add3A_578 : vector<16xf32>
        %mul3A_583 = arith.mulf %sub3A_582, %gather3A_442 : vector<16xf32>
        %add3A_584 = arith.addf %add3A_578, %mul3A_583 : vector<16xf32>
        %swap3A_585 = arith.index_cast %add3A_437 : i32 to index
        %swap3A_586 = arith.constant 80 : index
        %swap3A_587 = tpu.vector_load %arg18[%swap3A_585, %swap3A_586] {strides = array<i32>} : memref<64x128xf32, #tpu.memory_space<vmem>>, vector<16xf32>,
        tpu.vector_store %arg18[%swap3A_585, %swap3A_586], %add3A_584 {strides = array<i32>} : memref<64x128xf32, #tpu.memory_space<vmem>>, vector<16xf32>,
        %mul3A_588 = arith.constant 4 : i32
        %mul3A_589 = arith.muli %mul3A_588, %scan3A_129 : i32
        %add3A_590 = arith.constant 3 : i32
        %add3A_591 = arith.addi %mul3A_589, %add3A_590 : i32
        %broadcast_in_dim3A_592 = arith.constant 0 : i32
        %broadcast_in_dim3A_593 = vector.broadcast %broadcast_in_dim3A_592 : i32 to vector<16xi32>
        %add3A_594 = vector.broadcast %add3A_591 : i32 to vector<16xi32>
        %add3A_595 = arith.addi %broadcast_in_dim3A_593, %add3A_594 : vector<16xi32>
        %gather3A_596 = tpu.vector_load_idx %arg12[%add3A_595] : memref<64xf32, #tpu.memory_space<vmem>>[vector<16xi32>], vector<16xf32>,
        %gather3A_597 = tpu.vector_load_idx %arg13[%add3A_595] : memref<64xf32, #tpu.memory_space<vmem>>[vector<16xi32>], vector<16xf32>,
        %get3A_598 = arith.index_cast %add3A_591 : i32 to index
        %get3A_599 = arith.constant 0 : index
        %get3A_600 = tpu.vector_load %arg14[%get3A_598, %get3A_599] {strides = array<i32>} : memref<64x128xf32, #tpu.memory_space<vmem>>, vector<16xf32>,
        %get3A_601 = arith.index_cast %add3A_591 : i32 to index
        %get3A_602 = arith.constant 0 : index
        %get3A_603 = tpu.vector_load %arg15[%get3A_601, %get3A_602] {strides = array<i32>} : memref<64x128xf32, #tpu.memory_space<vmem>>, vector<16xf32>,
        %get3A_604 = arith.index_cast %add3A_591 : i32 to index
        %get3A_605 = arith.constant 0 : index
        %get3A_606 = tpu.vector_load %arg16[%get3A_604, %get3A_605] {strides = array<i32>} : memref<64x128xf32, #tpu.memory_space<vmem>>, vector<16xf32>,
        %get3A_607 = arith.index_cast %add3A_591 : i32 to index
        %get3A_608 = arith.constant 0 : index
        %get3A_609 = tpu.vector_load %arg17[%get3A_607, %get3A_608] {strides = array<i32>} : memref<64x128xf32, #tpu.memory_space<vmem>>, vector<16xf32>,
        %sub3A_610 = arith.subf %get3A_603, %get3A_600 : vector<16xf32>
        %mul3A_611 = arith.mulf %sub3A_610, %gather3A_597 : vector<16xf32>
        %add3A_612 = arith.addf %get3A_600, %mul3A_611 : vector<16xf32>
        %sub3A_613 = arith.subf %get3A_609, %get3A_606 : vector<16xf32>
        %mul3A_614 = arith.mulf %sub3A_613, %gather3A_597 : vector<16xf32>
        %add3A_615 = arith.addf %get3A_606, %mul3A_614 : vector<16xf32>
        %sub3A_616 = arith.subf %add3A_615, %add3A_612 : vector<16xf32>
        %mul3A_617 = arith.mulf %sub3A_616, %gather3A_596 : vector<16xf32>
        %add3A_618 = arith.addf %add3A_612, %mul3A_617 : vector<16xf32>
        %swap3A_619 = arith.index_cast %add3A_591 : i32 to index
        %swap3A_620 = arith.constant 0 : index
        %swap3A_621 = tpu.vector_load %arg18[%swap3A_619, %swap3A_620] {strides = array<i32>} : memref<64x128xf32, #tpu.memory_space<vmem>>, vector<16xf32>,
        tpu.vector_store %arg18[%swap3A_619, %swap3A_620], %add3A_618 {strides = array<i32>} : memref<64x128xf32, #tpu.memory_space<vmem>>, vector<16xf32>,
        %get3A_622 = arith.index_cast %add3A_591 : i32 to index
        %get3A_623 = arith.constant 16 : index
        %get3A_624 = tpu.vector_load %arg14[%get3A_622, %get3A_623] {strides = array<i32>} : memref<64x128xf32, #tpu.memory_space<vmem>>, vector<16xf32>,
        %get3A_625 = arith.index_cast %add3A_591 : i32 to index
        %get3A_626 = arith.constant 16 : index
        %get3A_627 = tpu.vector_load %arg15[%get3A_625, %get3A_626] {strides = array<i32>} : memref<64x128xf32, #tpu.memory_space<vmem>>, vector<16xf32>,
        %get3A_628 = arith.index_cast %add3A_591 : i32 to index
        %get3A_629 = arith.constant 16 : index
        %get3A_630 = tpu.vector_load %arg16[%get3A_628, %get3A_629] {strides = array<i32>} : memref<64x128xf32, #tpu.memory_space<vmem>>, vector<16xf32>,
        %get3A_631 = arith.index_cast %add3A_591 : i32 to index
        %get3A_632 = arith.constant 16 : index
        %get3A_633 = tpu.vector_load %arg17[%get3A_631, %get3A_632] {strides = array<i32>} : memref<64x128xf32, #tpu.memory_space<vmem>>, vector<16xf32>,
        %sub3A_634 = arith.subf %get3A_627, %get3A_624 : vector<16xf32>
        %mul3A_635 = arith.mulf %sub3A_634, %gather3A_597 : vector<16xf32>
        %add3A_636 = arith.addf %get3A_624, %mul3A_635 : vector<16xf32>
        %sub3A_637 = arith.subf %get3A_633, %get3A_630 : vector<16xf32>
        %mul3A_638 = arith.mulf %sub3A_637, %gather3A_597 : vector<16xf32>
        %add3A_639 = arith.addf %get3A_630, %mul3A_638 : vector<16xf32>
        %sub3A_640 = arith.subf %add3A_639, %add3A_636 : vector<16xf32>
        %mul3A_641 = arith.mulf %sub3A_640, %gather3A_596 : vector<16xf32>
        %add3A_642 = arith.addf %add3A_636, %mul3A_641 : vector<16xf32>
        %swap3A_643 = arith.index_cast %add3A_591 : i32 to index
        %swap3A_644 = arith.constant 16 : index
        %swap3A_645 = tpu.vector_load %arg18[%swap3A_643, %swap3A_644] {strides = array<i32>} : memref<64x128xf32, #tpu.memory_space<vmem>>, vector<16xf32>,
        tpu.vector_store %arg18[%swap3A_643, %swap3A_644], %add3A_642 {strides = array<i32>} : memref<64x128xf32, #tpu.memory_space<vmem>>, vector<16xf32>,
        %get3A_646 = arith.index_cast %add3A_591 : i32 to index
        %get3A_647 = arith.constant 32 : index
        %get3A_648 = tpu.vector_load %arg14[%get3A_646, %get3A_647] {strides = array<i32>} : memref<64x128xf32, #tpu.memory_space<vmem>>, vector<16xf32>,
        %get3A_649 = arith.index_cast %add3A_591 : i32 to index
        %get3A_650 = arith.constant 32 : index
        %get3A_651 = tpu.vector_load %arg15[%get3A_649, %get3A_650] {strides = array<i32>} : memref<64x128xf32, #tpu.memory_space<vmem>>, vector<16xf32>,
        %get3A_652 = arith.index_cast %add3A_591 : i32 to index
        %get3A_653 = arith.constant 32 : index
        %get3A_654 = tpu.vector_load %arg16[%get3A_652, %get3A_653] {strides = array<i32>} : memref<64x128xf32, #tpu.memory_space<vmem>>, vector<16xf32>,
        %get3A_655 = arith.index_cast %add3A_591 : i32 to index
        %get3A_656 = arith.constant 32 : index
        %get3A_657 = tpu.vector_load %arg17[%get3A_655, %get3A_656] {strides = array<i32>} : memref<64x128xf32, #tpu.memory_space<vmem>>, vector<16xf32>,
        %sub3A_658 = arith.subf %get3A_651, %get3A_648 : vector<16xf32>
        %mul3A_659 = arith.mulf %sub3A_658, %gather3A_597 : vector<16xf32>
        %add3A_660 = arith.addf %get3A_648, %mul3A_659 : vector<16xf32>
        %sub3A_661 = arith.subf %get3A_657, %get3A_654 : vector<16xf32>
        %mul3A_662 = arith.mulf %sub3A_661, %gather3A_597 : vector<16xf32>
        %add3A_663 = arith.addf %get3A_654, %mul3A_662 : vector<16xf32>
        %sub3A_664 = arith.subf %add3A_663, %add3A_660 : vector<16xf32>
        %mul3A_665 = arith.mulf %sub3A_664, %gather3A_596 : vector<16xf32>
        %add3A_666 = arith.addf %add3A_660, %mul3A_665 : vector<16xf32>
        %swap3A_667 = arith.index_cast %add3A_591 : i32 to index
        %swap3A_668 = arith.constant 32 : index
        %swap3A_669 = tpu.vector_load %arg18[%swap3A_667, %swap3A_668] {strides = array<i32>} : memref<64x128xf32, #tpu.memory_space<vmem>>, vector<16xf32>,
        tpu.vector_store %arg18[%swap3A_667, %swap3A_668], %add3A_666 {strides = array<i32>} : memref<64x128xf32, #tpu.memory_space<vmem>>, vector<16xf32>,
        %get3A_670 = arith.index_cast %add3A_591 : i32 to index
        %get3A_671 = arith.constant 48 : index
        %get3A_672 = tpu.vector_load %arg14[%get3A_670, %get3A_671] {strides = array<i32>} : memref<64x128xf32, #tpu.memory_space<vmem>>, vector<16xf32>,
        %get3A_673 = arith.index_cast %add3A_591 : i32 to index
        %get3A_674 = arith.constant 48 : index
        %get3A_675 = tpu.vector_load %arg15[%get3A_673, %get3A_674] {strides = array<i32>} : memref<64x128xf32, #tpu.memory_space<vmem>>, vector<16xf32>,
        %get3A_676 = arith.index_cast %add3A_591 : i32 to index
        %get3A_677 = arith.constant 48 : index
        %get3A_678 = tpu.vector_load %arg16[%get3A_676, %get3A_677] {strides = array<i32>} : memref<64x128xf32, #tpu.memory_space<vmem>>, vector<16xf32>,
        %get3A_679 = arith.index_cast %add3A_591 : i32 to index
        %get3A_680 = arith.constant 48 : index
        %get3A_681 = tpu.vector_load %arg17[%get3A_679, %get3A_680] {strides = array<i32>} : memref<64x128xf32, #tpu.memory_space<vmem>>, vector<16xf32>,
        %sub3A_682 = arith.subf %get3A_675, %get3A_672 : vector<16xf32>
        %mul3A_683 = arith.mulf %sub3A_682, %gather3A_597 : vector<16xf32>
        %add3A_684 = arith.addf %get3A_672, %mul3A_683 : vector<16xf32>
        %sub3A_685 = arith.subf %get3A_681, %get3A_678 : vector<16xf32>
        %mul3A_686 = arith.mulf %sub3A_685, %gather3A_597 : vector<16xf32>
        %add3A_687 = arith.addf %get3A_678, %mul3A_686 : vector<16xf32>
        %sub3A_688 = arith.subf %add3A_687, %add3A_684 : vector<16xf32>
        %mul3A_689 = arith.mulf %sub3A_688, %gather3A_596 : vector<16xf32>
        %add3A_690 = arith.addf %add3A_684, %mul3A_689 : vector<16xf32>
        %swap3A_691 = arith.index_cast %add3A_591 : i32 to index
        %swap3A_692 = arith.constant 48 : index
        %swap3A_693 = tpu.vector_load %arg18[%swap3A_691, %swap3A_692] {strides = array<i32>} : memref<64x128xf32, #tpu.memory_space<vmem>>, vector<16xf32>,
        tpu.vector_store %arg18[%swap3A_691, %swap3A_692], %add3A_690 {strides = array<i32>} : memref<64x128xf32, #tpu.memory_space<vmem>>, vector<16xf32>,
        %get3A_694 = arith.index_cast %add3A_591 : i32 to index
        %get3A_695 = arith.constant 64 : index
        %get3A_696 = tpu.vector_load %arg14[%get3A_694, %get3A_695] {strides = array<i32>} : memref<64x128xf32, #tpu.memory_space<vmem>>, vector<16xf32>,
        %get3A_697 = arith.index_cast %add3A_591 : i32 to index
        %get3A_698 = arith.constant 64 : index
        %get3A_699 = tpu.vector_load %arg15[%get3A_697, %get3A_698] {strides = array<i32>} : memref<64x128xf32, #tpu.memory_space<vmem>>, vector<16xf32>,
        %get3A_700 = arith.index_cast %add3A_591 : i32 to index
        %get3A_701 = arith.constant 64 : index
        %get3A_702 = tpu.vector_load %arg16[%get3A_700, %get3A_701] {strides = array<i32>} : memref<64x128xf32, #tpu.memory_space<vmem>>, vector<16xf32>,
        %get3A_703 = arith.index_cast %add3A_591 : i32 to index
        %get3A_704 = arith.constant 64 : index
        %get3A_705 = tpu.vector_load %arg17[%get3A_703, %get3A_704] {strides = array<i32>} : memref<64x128xf32, #tpu.memory_space<vmem>>, vector<16xf32>,
        %sub3A_706 = arith.subf %get3A_699, %get3A_696 : vector<16xf32>
        %mul3A_707 = arith.mulf %sub3A_706, %gather3A_597 : vector<16xf32>
        %add3A_708 = arith.addf %get3A_696, %mul3A_707 : vector<16xf32>
        %sub3A_709 = arith.subf %get3A_705, %get3A_702 : vector<16xf32>
        %mul3A_710 = arith.mulf %sub3A_709, %gather3A_597 : vector<16xf32>
        %add3A_711 = arith.addf %get3A_702, %mul3A_710 : vector<16xf32>
        %sub3A_712 = arith.subf %add3A_711, %add3A_708 : vector<16xf32>
        %mul3A_713 = arith.mulf %sub3A_712, %gather3A_596 : vector<16xf32>
        %add3A_714 = arith.addf %add3A_708, %mul3A_713 : vector<16xf32>
        %swap3A_715 = arith.index_cast %add3A_591 : i32 to index
        %swap3A_716 = arith.constant 64 : index
        %swap3A_717 = tpu.vector_load %arg18[%swap3A_715, %swap3A_716] {strides = array<i32>} : memref<64x128xf32, #tpu.memory_space<vmem>>, vector<16xf32>,
        tpu.vector_store %arg18[%swap3A_715, %swap3A_716], %add3A_714 {strides = array<i32>} : memref<64x128xf32, #tpu.memory_space<vmem>>, vector<16xf32>,
        %get3A_718 = arith.index_cast %add3A_591 : i32 to index
        %get3A_719 = arith.constant 80 : index
        %get3A_720 = tpu.vector_load %arg14[%get3A_718, %get3A_719] {strides = array<i32>} : memref<64x128xf32, #tpu.memory_space<vmem>>, vector<16xf32>,
        %get3A_721 = arith.index_cast %add3A_591 : i32 to index
        %get3A_722 = arith.constant 80 : index
        %get3A_723 = tpu.vector_load %arg15[%get3A_721, %get3A_722] {strides = array<i32>} : memref<64x128xf32, #tpu.memory_space<vmem>>, vector<16xf32>,
        %get3A_724 = arith.index_cast %add3A_591 : i32 to index
        %get3A_725 = arith.constant 80 : index
        %get3A_726 = tpu.vector_load %arg16[%get3A_724, %get3A_725] {strides = array<i32>} : memref<64x128xf32, #tpu.memory_space<vmem>>, vector<16xf32>,
        %get3A_727 = arith.index_cast %add3A_591 : i32 to index
        %get3A_728 = arith.constant 80 : index
        %get3A_729 = tpu.vector_load %arg17[%get3A_727, %get3A_728] {strides = array<i32>} : memref<64x128xf32, #tpu.memory_space<vmem>>, vector<16xf32>,
        %sub3A_730 = arith.subf %get3A_723, %get3A_720 : vector<16xf32>
        %mul3A_731 = arith.mulf %sub3A_730, %gather3A_597 : vector<16xf32>
        %add3A_732 = arith.addf %get3A_720, %mul3A_731 : vector<16xf32>
        %sub3A_733 = arith.subf %get3A_729, %get3A_726 : vector<16xf32>
        %mul3A_734 = arith.mulf %sub3A_733, %gather3A_597 : vector<16xf32>
        %add3A_735 = arith.addf %get3A_726, %mul3A_734 : vector<16xf32>
        %sub3A_736 = arith.subf %add3A_735, %add3A_732 : vector<16xf32>
        %mul3A_737 = arith.mulf %sub3A_736, %gather3A_596 : vector<16xf32>
        %add3A_738 = arith.addf %add3A_732, %mul3A_737 : vector<16xf32>
        %swap3A_739 = arith.index_cast %add3A_591 : i32 to index
        %swap3A_740 = arith.constant 80 : index
        %swap3A_741 = tpu.vector_load %arg18[%swap3A_739, %swap3A_740] {strides = array<i32>} : memref<64x128xf32, #tpu.memory_space<vmem>>, vector<16xf32>,
        tpu.vector_store %arg18[%swap3A_739, %swap3A_740], %add3A_738 {strides = array<i32>} : memref<64x128xf32, #tpu.memory_space<vmem>>, vector<16xf32>,
      }
      %scan3A_83 = arith.constant 16 : i32
      %mul3A_84 = arith.constant 64 : i32
      %mul3A_85 = arith.muli %mul3A_41, %mul3A_84 : i32
      %add3A_86 = arith.addi %mul3A_2, %mul3A_85 : i32
      %dma_start3A_87 = arith.constant 0 : i32
      %dma_start3A_88 = tpu.memref_slice %arg5[%add3A_86, %dma_start3A_87] : memref<200704x128xf32, #tpu.memory_space<hbm>> -> memref<64x128xf32, #tpu.memory_space<hbm>>
      %dma_start3A_89 = arith.constant 0 : i32
      %dma_start3A_90 = tpu.memref_slice %arg5[%add3A_86, %dma_start3A_89] : memref<200704x128xf32, #tpu.memory_space<hbm>> -> memref<64x128xf32, #tpu.memory_space<hbm>>
      tpu.enqueue_dma source(%arg18 : memref<64x128xf32, #tpu.memory_space<vmem>>) target(%dma_start3A_90 : memref<64x128xf32, #tpu.memory_space<hbm>>) target_semaphore(%arg20 : memref<!tpu.dma_semaphore, #tpu.memory_space<semaphore_mem>>)
      %add3A_91 = arith.constant 2 : i32
      %add3A_92 = arith.addi %mul3A_41, %add3A_91 : i32
      %lt3A = arith.constant 98 : i32
      %lt3A_93 = arith.cmpi slt, %add3A_92, %lt3A : i32
      %convert_element_type3A_94 = arith.extui %lt3A_93 : i1 to i32
      %cond3A_95 = arith.constant 0 : i32
      %cond3A_96 = arith.cmpi ne, %convert_element_type3A_94, %cond3A_95 : i32
      scf.if %cond3A_96 {
        %add3A_129 = arith.constant 2 : i32
        %add3A_130 = arith.addi %mul3A_41, %add3A_129 : i32
        %mul3A_131 = arith.constant 64 : i32
        %mul3A_132 = arith.muli %add3A_130, %mul3A_131 : i32
        %scan3A_133 = arith.constant 0 : i32
        %scan3A_134 = arith.constant 0 : i32
        %scan3A_135 = arith.constant 4 : i32
        %scan3A_136 = arith.addi %scan3A_134, %scan3A_135 : i32
        %scan3A_137 = arith.constant 1 : i32
        scf.for %scan3A_151 = %scan3A_134 to %scan3A_136 step %scan3A_137  : i32 {
          %mul3A_152 = arith.constant 16 : i32
          %mul3A_153 = arith.muli %scan3A_151, %mul3A_152 : i32
          %add3A_154 = arith.addi %mul3A_132, %mul3A_153 : i32
          %add3A_155 = arith.addi %sub3A, %add3A_154 : i32
          %add3A_156 = vector.broadcast %add3A_155 : i32 to vector<16xi32>
          %add3A_157 = arith.addi %add3A_156, %iota3A : vector<16xi32>
          %shift_right_arithmetic3A = arith.constant 5 : i32
          %shift_right_arithmetic3A_158 = vector.broadcast %shift_right_arithmetic3A : i32 to vector<16xi32>
          %shift_right_arithmetic3A_159 = arith.shrsi %add3A_157, %shift_right_arithmetic3A_158 : vector<16xi32>
          %mul3A_160 = arith.constant 9363 : i32
          %mul3A_161 = vector.broadcast %mul3A_160 : i32 to vector<16xi32>
          %mul3A_162 = arith.muli %shift_right_arithmetic3A_159, %mul3A_161 : vector<16xi32>
          %shift_right_arithmetic3A_163 = arith.constant 16 : i32
          %shift_right_arithmetic3A_164 = vector.broadcast %shift_right_arithmetic3A_163 : i32 to vector<16xi32>
          %shift_right_arithmetic3A_165 = arith.shrsi %mul3A_162, %shift_right_arithmetic3A_164 : vector<16xi32>
          %mul3A_166 = arith.constant 224 : i32
          %mul3A_167 = vector.broadcast %mul3A_166 : i32 to vector<16xi32>
          %mul3A_168 = arith.muli %shift_right_arithmetic3A_165, %mul3A_167 : vector<16xi32>
          %sub3A_169 = arith.subi %add3A_157, %mul3A_168 : vector<16xi32>
          %convert_element_type3A_170 = arith.sitofp %shift_right_arithmetic3A_165 : vector<16xi32> to vector<16xf32>
          %get3A = arith.index_cast %add3A_154 : i32 to index
          %get3A_171 = tpu.vector_load %arg6[%get3A] {strides = array<i32>} : memref<6272xf32, #tpu.memory_space<vmem>>, vector<16xf32>,
          %add3A_172 = arith.addf %convert_element_type3A_170, %get3A_171 : vector<16xf32>
          %jit3A = arith.constant 0.000000e+00 : f32
          %jit3A_173 = arith.constant 2.230000e+02 : f32
          %max3A = vector.broadcast %jit3A : f32 to vector<16xf32>
          %max3A_174 = arith.maximumf %max3A, %add3A_172 : vector<16xf32>
          %min3A = vector.broadcast %jit3A_173 : f32 to vector<16xf32>
          %min3A_175 = arith.minimumf %min3A, %max3A_174 : vector<16xf32>
          %convert_element_type3A_176 = arith.sitofp %sub3A_169 : vector<16xi32> to vector<16xf32>
          %get3A_177 = arith.index_cast %add3A_154 : i32 to index
          %get3A_178 = tpu.vector_load %arg7[%get3A_177] {strides = array<i32>} : memref<6272xf32, #tpu.memory_space<vmem>>, vector<16xf32>,
          %add3A_179 = arith.addf %convert_element_type3A_176, %get3A_178 : vector<16xf32>
          %jit3A_180 = arith.constant 0.000000e+00 : f32
          %jit3A_181 = arith.constant 2.230000e+02 : f32
          %max3A_182 = vector.broadcast %jit3A_180 : f32 to vector<16xf32>
          %max3A_183 = arith.maximumf %max3A_182, %add3A_179 : vector<16xf32>
          %min3A_184 = vector.broadcast %jit3A_181 : f32 to vector<16xf32>
          %min3A_185 = arith.minimumf %min3A_184, %max3A_183 : vector<16xf32>
          %convert_element_type3A_186 = arith.fptosi %min3A_175 : vector<16xf32> to vector<16xi32>
          %min3A_187 = arith.constant 222 : i32
          %min3A_188 = vector.broadcast %min3A_187 : i32 to vector<16xi32>
          %min3A_189 = arith.minsi %convert_element_type3A_186, %min3A_188 : vector<16xi32>
          %convert_element_type3A_190 = arith.fptosi %min3A_185 : vector<16xf32> to vector<16xi32>
          %min3A_191 = arith.constant 222 : i32
          %min3A_192 = vector.broadcast %min3A_191 : i32 to vector<16xi32>
          %min3A_193 = arith.minsi %convert_element_type3A_190, %min3A_192 : vector<16xi32>
          %convert_element_type3A_194 = arith.sitofp %min3A_189 : vector<16xi32> to vector<16xf32>
          %sub3A_195 = arith.subf %min3A_175, %convert_element_type3A_194 : vector<16xf32>
          %convert_element_type3A_196 = arith.sitofp %min3A_193 : vector<16xi32> to vector<16xf32>
          %sub3A_197 = arith.subf %min3A_185, %convert_element_type3A_196 : vector<16xf32>
          %mul3A_198 = arith.constant 224 : i32
          %mul3A_199 = vector.broadcast %mul3A_198 : i32 to vector<16xi32>
          %mul3A_200 = arith.muli %min3A_189, %mul3A_199 : vector<16xi32>
          %add3A_201 = vector.broadcast %mul3A_5 : i32 to vector<16xi32>
          %add3A_202 = arith.addi %add3A_201, %mul3A_200 : vector<16xi32>
          %add3A_203 = arith.addi %add3A_202, %min3A_193 : vector<16xi32>
          %mul3A_204 = arith.constant 16 : i32
          %mul3A_205 = arith.muli %scan3A_151, %mul3A_204 : i32
          %swap3A = arith.index_cast %mul3A_205 : i32 to index
          %swap3A_206 = tpu.vector_load %arg8[%swap3A] {strides = array<i32>} : memref<64xi32, #tpu.memory_space<vmem>>, vector<16xi32>,
          tpu.vector_store %arg8[%swap3A], %add3A_203 {strides = array<i32>} : memref<64xi32, #tpu.memory_space<vmem>>, vector<16xi32>,
          %add3A_207 = arith.constant 1 : i32
          %add3A_208 = vector.broadcast %add3A_207 : i32 to vector<16xi32>
          %add3A_209 = arith.addi %add3A_203, %add3A_208 : vector<16xi32>
          %swap3A_210 = arith.index_cast %mul3A_205 : i32 to index
          %swap3A_211 = tpu.vector_load %arg9[%swap3A_210] {strides = array<i32>} : memref<64xi32, #tpu.memory_space<vmem>>, vector<16xi32>,
          tpu.vector_store %arg9[%swap3A_210], %add3A_209 {strides = array<i32>} : memref<64xi32, #tpu.memory_space<vmem>>, vector<16xi32>,
          %add3A_212 = arith.constant 224 : i32
          %add3A_213 = vector.broadcast %add3A_212 : i32 to vector<16xi32>
          %add3A_214 = arith.addi %add3A_203, %add3A_213 : vector<16xi32>
          %swap3A_215 = arith.index_cast %mul3A_205 : i32 to index
          %swap3A_216 = tpu.vector_load %arg10[%swap3A_215] {strides = array<i32>} : memref<64xi32, #tpu.memory_space<vmem>>, vector<16xi32>,
          tpu.vector_store %arg10[%swap3A_215], %add3A_214 {strides = array<i32>} : memref<64xi32, #tpu.memory_space<vmem>>, vector<16xi32>,
          %add3A_217 = arith.constant 225 : i32
          %add3A_218 = vector.broadcast %add3A_217 : i32 to vector<16xi32>
          %add3A_219 = arith.addi %add3A_203, %add3A_218 : vector<16xi32>
          %swap3A_220 = arith.index_cast %mul3A_205 : i32 to index
          %swap3A_221 = tpu.vector_load %arg11[%swap3A_220] {strides = array<i32>} : memref<64xi32, #tpu.memory_space<vmem>>, vector<16xi32>,
          tpu.vector_store %arg11[%swap3A_220], %add3A_219 {strides = array<i32>} : memref<64xi32, #tpu.memory_space<vmem>>, vector<16xi32>,
          %swap3A_222 = arith.index_cast %mul3A_205 : i32 to index
          %swap3A_223 = tpu.vector_load %arg12[%swap3A_222] {strides = array<i32>} : memref<64xf32, #tpu.memory_space<vmem>>, vector<16xf32>,
          tpu.vector_store %arg12[%swap3A_222], %sub3A_195 {strides = array<i32>} : memref<64xf32, #tpu.memory_space<vmem>>, vector<16xf32>,
          %swap3A_224 = arith.index_cast %mul3A_205 : i32 to index
          %swap3A_225 = tpu.vector_load %arg13[%swap3A_224] {strides = array<i32>} : memref<64xf32, #tpu.memory_space<vmem>>, vector<16xf32>,
          tpu.vector_store %arg13[%swap3A_224], %sub3A_197 {strides = array<i32>} : memref<64xf32, #tpu.memory_space<vmem>>, vector<16xf32>,
        }
        %scan3A_138 = arith.constant 4 : i32
        %dma_start3A_139 = arith.constant 0 : i32
        %dma_start3A_140 = arith.constant 0 : i32
        %dma_start3A_141 = tpu.memref_slice %arg4[%dma_start3A_139, %dma_start3A_140] : memref<200704x128xf32, #tpu.memory_space<hbm>> -> memref<200704x128xf32, #tpu.memory_space<hbm>>
        tpu.enqueue_indirect_dma source(%dma_start3A_141 : memref<200704x128xf32, #tpu.memory_space<hbm>>) target(%arg14 : memref<64x128xf32, #tpu.memory_space<vmem>>) offsets(%arg8 : memref<64xi32, #tpu.memory_space<vmem>>) semaphore(%arg19 : memref<!tpu.dma_semaphore, #tpu.memory_space<semaphore_mem>>)
        %dma_start3A_142 = arith.constant 0 : i32
        %dma_start3A_143 = arith.constant 0 : i32
        %dma_start3A_144 = tpu.memref_slice %arg4[%dma_start3A_142, %dma_start3A_143] : memref<200704x128xf32, #tpu.memory_space<hbm>> -> memref<200704x128xf32, #tpu.memory_space<hbm>>
        tpu.enqueue_indirect_dma source(%dma_start3A_144 : memref<200704x128xf32, #tpu.memory_space<hbm>>) target(%arg15 : memref<64x128xf32, #tpu.memory_space<vmem>>) offsets(%arg9 : memref<64xi32, #tpu.memory_space<vmem>>) semaphore(%arg19 : memref<!tpu.dma_semaphore, #tpu.memory_space<semaphore_mem>>)
        %dma_start3A_145 = arith.constant 0 : i32
        %dma_start3A_146 = arith.constant 0 : i32
        %dma_start3A_147 = tpu.memref_slice %arg4[%dma_start3A_145, %dma_start3A_146] : memref<200704x128xf32, #tpu.memory_space<hbm>> -> memref<200704x128xf32, #tpu.memory_space<hbm>>
        tpu.enqueue_indirect_dma source(%dma_start3A_147 : memref<200704x128xf32, #tpu.memory_space<hbm>>) target(%arg16 : memref<64x128xf32, #tpu.memory_space<vmem>>) offsets(%arg10 : memref<64xi32, #tpu.memory_space<vmem>>) semaphore(%arg19 : memref<!tpu.dma_semaphore, #tpu.memory_space<semaphore_mem>>)
        %dma_start3A_148 = arith.constant 0 : i32
        %dma_start3A_149 = arith.constant 0 : i32
        %dma_start3A_150 = tpu.memref_slice %arg4[%dma_start3A_148, %dma_start3A_149] : memref<200704x128xf32, #tpu.memory_space<hbm>> -> memref<200704x128xf32, #tpu.memory_space<hbm>>
        tpu.enqueue_indirect_dma source(%dma_start3A_150 : memref<200704x128xf32, #tpu.memory_space<hbm>>) target(%arg17 : memref<64x128xf32, #tpu.memory_space<vmem>>) offsets(%arg11 : memref<64xi32, #tpu.memory_space<vmem>>) semaphore(%arg19 : memref<!tpu.dma_semaphore, #tpu.memory_space<semaphore_mem>>)
      } else {
      }
      %add3A_97 = arith.constant 1 : i32
      %add3A_98 = arith.addi %mul3A_41, %add3A_97 : i32
      %dma_wait3A_99 = arith.constant 0 : i32
      %dma_wait3A_100 = arith.constant 0 : i32
      %dma_wait3A_101 = tpu.memref_slice %arg4[%dma_wait3A_99, %dma_wait3A_100] : memref<200704x128xf32, #tpu.memory_space<hbm>> -> memref<200704x128xf32, #tpu.memory_space<hbm>>
      tpu.wait_indirect_dma semaphore(%arg32 : memref<!tpu.dma_semaphore, #tpu.memory_space<semaphore_mem>>) src(%dma_wait3A_101 : memref<200704x128xf32, #tpu.memory_space<hbm>>) dst(%arg27 : memref<64x128xf32, #tpu.memory_space<vmem>>)
      %dma_wait3A_102 = arith.constant 0 : i32
      %dma_wait3A_103 = arith.constant 0 : i32
      %dma_wait3A_104 = tpu.memref_slice %arg4[%dma_wait3A_102, %dma_wait3A_103] : memref<200704x128xf32, #tpu.memory_space<hbm>> -> memref<200704x128xf32, #tpu.memory_space<hbm>>
      tpu.wait_indirect_dma semaphore(%arg32 : memref<!tpu.dma_semaphore, #tpu.memory_space<semaphore_mem>>) src(%dma_wait3A_104 : memref<200704x128xf32, #tpu.memory_space<hbm>>) dst(%arg28 : memref<64x128xf32, #tpu.memory_space<vmem>>)
      %dma_wait3A_105 = arith.constant 0 : i32
      %dma_wait3A_106 = arith.constant 0 : i32
      %dma_wait3A_107 = tpu.memref_slice %arg4[%dma_wait3A_105, %dma_wait3A_106] : memref<200704x128xf32, #tpu.memory_space<hbm>> -> memref<200704x128xf32, #tpu.memory_space<hbm>>
      tpu.wait_indirect_dma semaphore(%arg32 : memref<!tpu.dma_semaphore, #tpu.memory_space<semaphore_mem>>) src(%dma_wait3A_107 : memref<200704x128xf32, #tpu.memory_space<hbm>>) dst(%arg29 : memref<64x128xf32, #tpu.memory_space<vmem>>)
      %dma_wait3A_108 = arith.constant 0 : i32
      %dma_wait3A_109 = arith.constant 0 : i32
      %dma_wait3A_110 = tpu.memref_slice %arg4[%dma_wait3A_108, %dma_wait3A_109] : memref<200704x128xf32, #tpu.memory_space<hbm>> -> memref<200704x128xf32, #tpu.memory_space<hbm>>
      tpu.wait_indirect_dma semaphore(%arg32 : memref<!tpu.dma_semaphore, #tpu.memory_space<semaphore_mem>>) src(%dma_wait3A_110 : memref<200704x128xf32, #tpu.memory_space<hbm>>) dst(%arg30 : memref<64x128xf32, #tpu.memory_space<vmem>>)
      %ge3A_111 = arith.constant 2 : i32
      %ge3A_112 = arith.cmpi sge, %add3A_98, %ge3A_111 : i32
      %convert_element_type3A_113 = arith.extui %ge3A_112 : i1 to i32
      %cond3A_114 = arith.constant 0 : i32
      %cond3A_115 = arith.cmpi ne, %convert_element_type3A_113, %cond3A_114 : i32
      scf.if %cond3A_115 {
        %sub3A_129 = arith.constant 2 : i32
        %sub3A_130 = arith.subi %add3A_98, %sub3A_129 : i32
        %mul3A_131 = arith.constant 64 : i32
        %mul3A_132 = arith.muli %sub3A_130, %mul3A_131 : i32
        %add3A_133 = arith.addi %mul3A_2, %mul3A_132 : i32
        %dma_wait3A_134 = arith.constant 0 : i32
        %dma_wait3A_135 = tpu.memref_slice %arg5[%add3A_133, %dma_wait3A_134] : memref<200704x128xf32, #tpu.memory_space<hbm>> -> memref<64x128xf32, #tpu.memory_space<hbm>>
        %dma_wait3A_136 = arith.constant 0 : i32
        %dma_wait3A_137 = tpu.memref_slice %arg5[%add3A_133, %dma_wait3A_136] : memref<200704x128xf32, #tpu.memory_space<hbm>> -> memref<64x128xf32, #tpu.memory_space<hbm>>
        tpu.wait_dma2 semaphore(%arg33 : memref<!tpu.dma_semaphore, #tpu.memory_space<semaphore_mem>>) src(%arg31 : memref<64x128xf32, #tpu.memory_space<vmem>>) dst(%dma_wait3A_137 : memref<64x128xf32, #tpu.memory_space<hbm>>)
      } else {
      }
      %scan3A_116 = arith.constant 0 : i32
      %scan3A_117 = arith.constant 0 : i32
      %scan3A_118 = arith.constant 16 : i32
      %scan3A_119 = arith.addi %scan3A_117, %scan3A_118 : i32
      %scan3A_120 = arith.constant 1 : i32
      scf.for %scan3A_129 = %scan3A_117 to %scan3A_119 step %scan3A_120  : i32 {
        %mul3A_130 = arith.constant 4 : i32
        %mul3A_131 = arith.muli %mul3A_130, %scan3A_129 : i32
        %add3A_132 = arith.constant 0 : i32
        %add3A_133 = arith.addi %mul3A_131, %add3A_132 : i32
        %broadcast_in_dim3A = arith.constant 0 : i32
        %broadcast_in_dim3A_134 = vector.broadcast %broadcast_in_dim3A : i32 to vector<16xi32>
        %add3A_135 = vector.broadcast %add3A_133 : i32 to vector<16xi32>
        %add3A_136 = arith.addi %broadcast_in_dim3A_134, %add3A_135 : vector<16xi32>
        %gather3A = tpu.vector_load_idx %arg25[%add3A_136] : memref<64xf32, #tpu.memory_space<vmem>>[vector<16xi32>], vector<16xf32>,
        %gather3A_137 = tpu.vector_load_idx %arg26[%add3A_136] : memref<64xf32, #tpu.memory_space<vmem>>[vector<16xi32>], vector<16xf32>,
        %get3A = arith.index_cast %add3A_133 : i32 to index
        %get3A_138 = arith.constant 0 : index
        %get3A_139 = tpu.vector_load %arg27[%get3A, %get3A_138] {strides = array<i32>} : memref<64x128xf32, #tpu.memory_space<vmem>>, vector<16xf32>,
        %get3A_140 = arith.index_cast %add3A_133 : i32 to index
        %get3A_141 = arith.constant 0 : index
        %get3A_142 = tpu.vector_load %arg28[%get3A_140, %get3A_141] {strides = array<i32>} : memref<64x128xf32, #tpu.memory_space<vmem>>, vector<16xf32>,
        %get3A_143 = arith.index_cast %add3A_133 : i32 to index
        %get3A_144 = arith.constant 0 : index
        %get3A_145 = tpu.vector_load %arg29[%get3A_143, %get3A_144] {strides = array<i32>} : memref<64x128xf32, #tpu.memory_space<vmem>>, vector<16xf32>,
        %get3A_146 = arith.index_cast %add3A_133 : i32 to index
        %get3A_147 = arith.constant 0 : index
        %get3A_148 = tpu.vector_load %arg30[%get3A_146, %get3A_147] {strides = array<i32>} : memref<64x128xf32, #tpu.memory_space<vmem>>, vector<16xf32>,
        %sub3A_149 = arith.subf %get3A_142, %get3A_139 : vector<16xf32>
        %mul3A_150 = arith.mulf %sub3A_149, %gather3A_137 : vector<16xf32>
        %add3A_151 = arith.addf %get3A_139, %mul3A_150 : vector<16xf32>
        %sub3A_152 = arith.subf %get3A_148, %get3A_145 : vector<16xf32>
        %mul3A_153 = arith.mulf %sub3A_152, %gather3A_137 : vector<16xf32>
        %add3A_154 = arith.addf %get3A_145, %mul3A_153 : vector<16xf32>
        %sub3A_155 = arith.subf %add3A_154, %add3A_151 : vector<16xf32>
        %mul3A_156 = arith.mulf %sub3A_155, %gather3A : vector<16xf32>
        %add3A_157 = arith.addf %add3A_151, %mul3A_156 : vector<16xf32>
        %swap3A = arith.index_cast %add3A_133 : i32 to index
        %swap3A_158 = arith.constant 0 : index
        %swap3A_159 = tpu.vector_load %arg31[%swap3A, %swap3A_158] {strides = array<i32>} : memref<64x128xf32, #tpu.memory_space<vmem>>, vector<16xf32>,
        tpu.vector_store %arg31[%swap3A, %swap3A_158], %add3A_157 {strides = array<i32>} : memref<64x128xf32, #tpu.memory_space<vmem>>, vector<16xf32>,
        %get3A_160 = arith.index_cast %add3A_133 : i32 to index
        %get3A_161 = arith.constant 16 : index
        %get3A_162 = tpu.vector_load %arg27[%get3A_160, %get3A_161] {strides = array<i32>} : memref<64x128xf32, #tpu.memory_space<vmem>>, vector<16xf32>,
        %get3A_163 = arith.index_cast %add3A_133 : i32 to index
        %get3A_164 = arith.constant 16 : index
        %get3A_165 = tpu.vector_load %arg28[%get3A_163, %get3A_164] {strides = array<i32>} : memref<64x128xf32, #tpu.memory_space<vmem>>, vector<16xf32>,
        %get3A_166 = arith.index_cast %add3A_133 : i32 to index
        %get3A_167 = arith.constant 16 : index
        %get3A_168 = tpu.vector_load %arg29[%get3A_166, %get3A_167] {strides = array<i32>} : memref<64x128xf32, #tpu.memory_space<vmem>>, vector<16xf32>,
        %get3A_169 = arith.index_cast %add3A_133 : i32 to index
        %get3A_170 = arith.constant 16 : index
        %get3A_171 = tpu.vector_load %arg30[%get3A_169, %get3A_170] {strides = array<i32>} : memref<64x128xf32, #tpu.memory_space<vmem>>, vector<16xf32>,
        %sub3A_172 = arith.subf %get3A_165, %get3A_162 : vector<16xf32>
        %mul3A_173 = arith.mulf %sub3A_172, %gather3A_137 : vector<16xf32>
        %add3A_174 = arith.addf %get3A_162, %mul3A_173 : vector<16xf32>
        %sub3A_175 = arith.subf %get3A_171, %get3A_168 : vector<16xf32>
        %mul3A_176 = arith.mulf %sub3A_175, %gather3A_137 : vector<16xf32>
        %add3A_177 = arith.addf %get3A_168, %mul3A_176 : vector<16xf32>
        %sub3A_178 = arith.subf %add3A_177, %add3A_174 : vector<16xf32>
        %mul3A_179 = arith.mulf %sub3A_178, %gather3A : vector<16xf32>
        %add3A_180 = arith.addf %add3A_174, %mul3A_179 : vector<16xf32>
        %swap3A_181 = arith.index_cast %add3A_133 : i32 to index
        %swap3A_182 = arith.constant 16 : index
        %swap3A_183 = tpu.vector_load %arg31[%swap3A_181, %swap3A_182] {strides = array<i32>} : memref<64x128xf32, #tpu.memory_space<vmem>>, vector<16xf32>,
        tpu.vector_store %arg31[%swap3A_181, %swap3A_182], %add3A_180 {strides = array<i32>} : memref<64x128xf32, #tpu.memory_space<vmem>>, vector<16xf32>,
        %get3A_184 = arith.index_cast %add3A_133 : i32 to index
        %get3A_185 = arith.constant 32 : index
        %get3A_186 = tpu.vector_load %arg27[%get3A_184, %get3A_185] {strides = array<i32>} : memref<64x128xf32, #tpu.memory_space<vmem>>, vector<16xf32>,
        %get3A_187 = arith.index_cast %add3A_133 : i32 to index
        %get3A_188 = arith.constant 32 : index
        %get3A_189 = tpu.vector_load %arg28[%get3A_187, %get3A_188] {strides = array<i32>} : memref<64x128xf32, #tpu.memory_space<vmem>>, vector<16xf32>,
        %get3A_190 = arith.index_cast %add3A_133 : i32 to index
        %get3A_191 = arith.constant 32 : index
        %get3A_192 = tpu.vector_load %arg29[%get3A_190, %get3A_191] {strides = array<i32>} : memref<64x128xf32, #tpu.memory_space<vmem>>, vector<16xf32>,
        %get3A_193 = arith.index_cast %add3A_133 : i32 to index
        %get3A_194 = arith.constant 32 : index
        %get3A_195 = tpu.vector_load %arg30[%get3A_193, %get3A_194] {strides = array<i32>} : memref<64x128xf32, #tpu.memory_space<vmem>>, vector<16xf32>,
        %sub3A_196 = arith.subf %get3A_189, %get3A_186 : vector<16xf32>
        %mul3A_197 = arith.mulf %sub3A_196, %gather3A_137 : vector<16xf32>
        %add3A_198 = arith.addf %get3A_186, %mul3A_197 : vector<16xf32>
        %sub3A_199 = arith.subf %get3A_195, %get3A_192 : vector<16xf32>
        %mul3A_200 = arith.mulf %sub3A_199, %gather3A_137 : vector<16xf32>
        %add3A_201 = arith.addf %get3A_192, %mul3A_200 : vector<16xf32>
        %sub3A_202 = arith.subf %add3A_201, %add3A_198 : vector<16xf32>
        %mul3A_203 = arith.mulf %sub3A_202, %gather3A : vector<16xf32>
        %add3A_204 = arith.addf %add3A_198, %mul3A_203 : vector<16xf32>
        %swap3A_205 = arith.index_cast %add3A_133 : i32 to index
        %swap3A_206 = arith.constant 32 : index
        %swap3A_207 = tpu.vector_load %arg31[%swap3A_205, %swap3A_206] {strides = array<i32>} : memref<64x128xf32, #tpu.memory_space<vmem>>, vector<16xf32>,
        tpu.vector_store %arg31[%swap3A_205, %swap3A_206], %add3A_204 {strides = array<i32>} : memref<64x128xf32, #tpu.memory_space<vmem>>, vector<16xf32>,
        %get3A_208 = arith.index_cast %add3A_133 : i32 to index
        %get3A_209 = arith.constant 48 : index
        %get3A_210 = tpu.vector_load %arg27[%get3A_208, %get3A_209] {strides = array<i32>} : memref<64x128xf32, #tpu.memory_space<vmem>>, vector<16xf32>,
        %get3A_211 = arith.index_cast %add3A_133 : i32 to index
        %get3A_212 = arith.constant 48 : index
        %get3A_213 = tpu.vector_load %arg28[%get3A_211, %get3A_212] {strides = array<i32>} : memref<64x128xf32, #tpu.memory_space<vmem>>, vector<16xf32>,
        %get3A_214 = arith.index_cast %add3A_133 : i32 to index
        %get3A_215 = arith.constant 48 : index
        %get3A_216 = tpu.vector_load %arg29[%get3A_214, %get3A_215] {strides = array<i32>} : memref<64x128xf32, #tpu.memory_space<vmem>>, vector<16xf32>,
        %get3A_217 = arith.index_cast %add3A_133 : i32 to index
        %get3A_218 = arith.constant 48 : index
        %get3A_219 = tpu.vector_load %arg30[%get3A_217, %get3A_218] {strides = array<i32>} : memref<64x128xf32, #tpu.memory_space<vmem>>, vector<16xf32>,
        %sub3A_220 = arith.subf %get3A_213, %get3A_210 : vector<16xf32>
        %mul3A_221 = arith.mulf %sub3A_220, %gather3A_137 : vector<16xf32>
        %add3A_222 = arith.addf %get3A_210, %mul3A_221 : vector<16xf32>
        %sub3A_223 = arith.subf %get3A_219, %get3A_216 : vector<16xf32>
        %mul3A_224 = arith.mulf %sub3A_223, %gather3A_137 : vector<16xf32>
        %add3A_225 = arith.addf %get3A_216, %mul3A_224 : vector<16xf32>
        %sub3A_226 = arith.subf %add3A_225, %add3A_222 : vector<16xf32>
        %mul3A_227 = arith.mulf %sub3A_226, %gather3A : vector<16xf32>
        %add3A_228 = arith.addf %add3A_222, %mul3A_227 : vector<16xf32>
        %swap3A_229 = arith.index_cast %add3A_133 : i32 to index
        %swap3A_230 = arith.constant 48 : index
        %swap3A_231 = tpu.vector_load %arg31[%swap3A_229, %swap3A_230] {strides = array<i32>} : memref<64x128xf32, #tpu.memory_space<vmem>>, vector<16xf32>,
        tpu.vector_store %arg31[%swap3A_229, %swap3A_230], %add3A_228 {strides = array<i32>} : memref<64x128xf32, #tpu.memory_space<vmem>>, vector<16xf32>,
        %get3A_232 = arith.index_cast %add3A_133 : i32 to index
        %get3A_233 = arith.constant 64 : index
        %get3A_234 = tpu.vector_load %arg27[%get3A_232, %get3A_233] {strides = array<i32>} : memref<64x128xf32, #tpu.memory_space<vmem>>, vector<16xf32>,
        %get3A_235 = arith.index_cast %add3A_133 : i32 to index
        %get3A_236 = arith.constant 64 : index
        %get3A_237 = tpu.vector_load %arg28[%get3A_235, %get3A_236] {strides = array<i32>} : memref<64x128xf32, #tpu.memory_space<vmem>>, vector<16xf32>,
        %get3A_238 = arith.index_cast %add3A_133 : i32 to index
        %get3A_239 = arith.constant 64 : index
        %get3A_240 = tpu.vector_load %arg29[%get3A_238, %get3A_239] {strides = array<i32>} : memref<64x128xf32, #tpu.memory_space<vmem>>, vector<16xf32>,
        %get3A_241 = arith.index_cast %add3A_133 : i32 to index
        %get3A_242 = arith.constant 64 : index
        %get3A_243 = tpu.vector_load %arg30[%get3A_241, %get3A_242] {strides = array<i32>} : memref<64x128xf32, #tpu.memory_space<vmem>>, vector<16xf32>,
        %sub3A_244 = arith.subf %get3A_237, %get3A_234 : vector<16xf32>
        %mul3A_245 = arith.mulf %sub3A_244, %gather3A_137 : vector<16xf32>
        %add3A_246 = arith.addf %get3A_234, %mul3A_245 : vector<16xf32>
        %sub3A_247 = arith.subf %get3A_243, %get3A_240 : vector<16xf32>
        %mul3A_248 = arith.mulf %sub3A_247, %gather3A_137 : vector<16xf32>
        %add3A_249 = arith.addf %get3A_240, %mul3A_248 : vector<16xf32>
        %sub3A_250 = arith.subf %add3A_249, %add3A_246 : vector<16xf32>
        %mul3A_251 = arith.mulf %sub3A_250, %gather3A : vector<16xf32>
        %add3A_252 = arith.addf %add3A_246, %mul3A_251 : vector<16xf32>
        %swap3A_253 = arith.index_cast %add3A_133 : i32 to index
        %swap3A_254 = arith.constant 64 : index
        %swap3A_255 = tpu.vector_load %arg31[%swap3A_253, %swap3A_254] {strides = array<i32>} : memref<64x128xf32, #tpu.memory_space<vmem>>, vector<16xf32>,
        tpu.vector_store %arg31[%swap3A_253, %swap3A_254], %add3A_252 {strides = array<i32>} : memref<64x128xf32, #tpu.memory_space<vmem>>, vector<16xf32>,
        %get3A_256 = arith.index_cast %add3A_133 : i32 to index
        %get3A_257 = arith.constant 80 : index
        %get3A_258 = tpu.vector_load %arg27[%get3A_256, %get3A_257] {strides = array<i32>} : memref<64x128xf32, #tpu.memory_space<vmem>>, vector<16xf32>,
        %get3A_259 = arith.index_cast %add3A_133 : i32 to index
        %get3A_260 = arith.constant 80 : index
        %get3A_261 = tpu.vector_load %arg28[%get3A_259, %get3A_260] {strides = array<i32>} : memref<64x128xf32, #tpu.memory_space<vmem>>, vector<16xf32>,
        %get3A_262 = arith.index_cast %add3A_133 : i32 to index
        %get3A_263 = arith.constant 80 : index
        %get3A_264 = tpu.vector_load %arg29[%get3A_262, %get3A_263] {strides = array<i32>} : memref<64x128xf32, #tpu.memory_space<vmem>>, vector<16xf32>,
        %get3A_265 = arith.index_cast %add3A_133 : i32 to index
        %get3A_266 = arith.constant 80 : index
        %get3A_267 = tpu.vector_load %arg30[%get3A_265, %get3A_266] {strides = array<i32>} : memref<64x128xf32, #tpu.memory_space<vmem>>, vector<16xf32>,
        %sub3A_268 = arith.subf %get3A_261, %get3A_258 : vector<16xf32>
        %mul3A_269 = arith.mulf %sub3A_268, %gather3A_137 : vector<16xf32>
        %add3A_270 = arith.addf %get3A_258, %mul3A_269 : vector<16xf32>
        %sub3A_271 = arith.subf %get3A_267, %get3A_264 : vector<16xf32>
        %mul3A_272 = arith.mulf %sub3A_271, %gather3A_137 : vector<16xf32>
        %add3A_273 = arith.addf %get3A_264, %mul3A_272 : vector<16xf32>
        %sub3A_274 = arith.subf %add3A_273, %add3A_270 : vector<16xf32>
        %mul3A_275 = arith.mulf %sub3A_274, %gather3A : vector<16xf32>
        %add3A_276 = arith.addf %add3A_270, %mul3A_275 : vector<16xf32>
        %swap3A_277 = arith.index_cast %add3A_133 : i32 to index
        %swap3A_278 = arith.constant 80 : index
        %swap3A_279 = tpu.vector_load %arg31[%swap3A_277, %swap3A_278] {strides = array<i32>} : memref<64x128xf32, #tpu.memory_space<vmem>>, vector<16xf32>,
        tpu.vector_store %arg31[%swap3A_277, %swap3A_278], %add3A_276 {strides = array<i32>} : memref<64x128xf32, #tpu.memory_space<vmem>>, vector<16xf32>,
        %mul3A_280 = arith.constant 4 : i32
        %mul3A_281 = arith.muli %mul3A_280, %scan3A_129 : i32
        %add3A_282 = arith.constant 1 : i32
        %add3A_283 = arith.addi %mul3A_281, %add3A_282 : i32
        %broadcast_in_dim3A_284 = arith.constant 0 : i32
        %broadcast_in_dim3A_285 = vector.broadcast %broadcast_in_dim3A_284 : i32 to vector<16xi32>
        %add3A_286 = vector.broadcast %add3A_283 : i32 to vector<16xi32>
        %add3A_287 = arith.addi %broadcast_in_dim3A_285, %add3A_286 : vector<16xi32>
        %gather3A_288 = tpu.vector_load_idx %arg25[%add3A_287] : memref<64xf32, #tpu.memory_space<vmem>>[vector<16xi32>], vector<16xf32>,
        %gather3A_289 = tpu.vector_load_idx %arg26[%add3A_287] : memref<64xf32, #tpu.memory_space<vmem>>[vector<16xi32>], vector<16xf32>,
        %get3A_290 = arith.index_cast %add3A_283 : i32 to index
        %get3A_291 = arith.constant 0 : index
        %get3A_292 = tpu.vector_load %arg27[%get3A_290, %get3A_291] {strides = array<i32>} : memref<64x128xf32, #tpu.memory_space<vmem>>, vector<16xf32>,
        %get3A_293 = arith.index_cast %add3A_283 : i32 to index
        %get3A_294 = arith.constant 0 : index
        %get3A_295 = tpu.vector_load %arg28[%get3A_293, %get3A_294] {strides = array<i32>} : memref<64x128xf32, #tpu.memory_space<vmem>>, vector<16xf32>,
        %get3A_296 = arith.index_cast %add3A_283 : i32 to index
        %get3A_297 = arith.constant 0 : index
        %get3A_298 = tpu.vector_load %arg29[%get3A_296, %get3A_297] {strides = array<i32>} : memref<64x128xf32, #tpu.memory_space<vmem>>, vector<16xf32>,
        %get3A_299 = arith.index_cast %add3A_283 : i32 to index
        %get3A_300 = arith.constant 0 : index
        %get3A_301 = tpu.vector_load %arg30[%get3A_299, %get3A_300] {strides = array<i32>} : memref<64x128xf32, #tpu.memory_space<vmem>>, vector<16xf32>,
        %sub3A_302 = arith.subf %get3A_295, %get3A_292 : vector<16xf32>
        %mul3A_303 = arith.mulf %sub3A_302, %gather3A_289 : vector<16xf32>
        %add3A_304 = arith.addf %get3A_292, %mul3A_303 : vector<16xf32>
        %sub3A_305 = arith.subf %get3A_301, %get3A_298 : vector<16xf32>
        %mul3A_306 = arith.mulf %sub3A_305, %gather3A_289 : vector<16xf32>
        %add3A_307 = arith.addf %get3A_298, %mul3A_306 : vector<16xf32>
        %sub3A_308 = arith.subf %add3A_307, %add3A_304 : vector<16xf32>
        %mul3A_309 = arith.mulf %sub3A_308, %gather3A_288 : vector<16xf32>
        %add3A_310 = arith.addf %add3A_304, %mul3A_309 : vector<16xf32>
        %swap3A_311 = arith.index_cast %add3A_283 : i32 to index
        %swap3A_312 = arith.constant 0 : index
        %swap3A_313 = tpu.vector_load %arg31[%swap3A_311, %swap3A_312] {strides = array<i32>} : memref<64x128xf32, #tpu.memory_space<vmem>>, vector<16xf32>,
        tpu.vector_store %arg31[%swap3A_311, %swap3A_312], %add3A_310 {strides = array<i32>} : memref<64x128xf32, #tpu.memory_space<vmem>>, vector<16xf32>,
        %get3A_314 = arith.index_cast %add3A_283 : i32 to index
        %get3A_315 = arith.constant 16 : index
        %get3A_316 = tpu.vector_load %arg27[%get3A_314, %get3A_315] {strides = array<i32>} : memref<64x128xf32, #tpu.memory_space<vmem>>, vector<16xf32>,
        %get3A_317 = arith.index_cast %add3A_283 : i32 to index
        %get3A_318 = arith.constant 16 : index
        %get3A_319 = tpu.vector_load %arg28[%get3A_317, %get3A_318] {strides = array<i32>} : memref<64x128xf32, #tpu.memory_space<vmem>>, vector<16xf32>,
        %get3A_320 = arith.index_cast %add3A_283 : i32 to index
        %get3A_321 = arith.constant 16 : index
        %get3A_322 = tpu.vector_load %arg29[%get3A_320, %get3A_321] {strides = array<i32>} : memref<64x128xf32, #tpu.memory_space<vmem>>, vector<16xf32>,
        %get3A_323 = arith.index_cast %add3A_283 : i32 to index
        %get3A_324 = arith.constant 16 : index
        %get3A_325 = tpu.vector_load %arg30[%get3A_323, %get3A_324] {strides = array<i32>} : memref<64x128xf32, #tpu.memory_space<vmem>>, vector<16xf32>,
        %sub3A_326 = arith.subf %get3A_319, %get3A_316 : vector<16xf32>
        %mul3A_327 = arith.mulf %sub3A_326, %gather3A_289 : vector<16xf32>
        %add3A_328 = arith.addf %get3A_316, %mul3A_327 : vector<16xf32>
        %sub3A_329 = arith.subf %get3A_325, %get3A_322 : vector<16xf32>
        %mul3A_330 = arith.mulf %sub3A_329, %gather3A_289 : vector<16xf32>
        %add3A_331 = arith.addf %get3A_322, %mul3A_330 : vector<16xf32>
        %sub3A_332 = arith.subf %add3A_331, %add3A_328 : vector<16xf32>
        %mul3A_333 = arith.mulf %sub3A_332, %gather3A_288 : vector<16xf32>
        %add3A_334 = arith.addf %add3A_328, %mul3A_333 : vector<16xf32>
        %swap3A_335 = arith.index_cast %add3A_283 : i32 to index
        %swap3A_336 = arith.constant 16 : index
        %swap3A_337 = tpu.vector_load %arg31[%swap3A_335, %swap3A_336] {strides = array<i32>} : memref<64x128xf32, #tpu.memory_space<vmem>>, vector<16xf32>,
        tpu.vector_store %arg31[%swap3A_335, %swap3A_336], %add3A_334 {strides = array<i32>} : memref<64x128xf32, #tpu.memory_space<vmem>>, vector<16xf32>,
        %get3A_338 = arith.index_cast %add3A_283 : i32 to index
        %get3A_339 = arith.constant 32 : index
        %get3A_340 = tpu.vector_load %arg27[%get3A_338, %get3A_339] {strides = array<i32>} : memref<64x128xf32, #tpu.memory_space<vmem>>, vector<16xf32>,
        %get3A_341 = arith.index_cast %add3A_283 : i32 to index
        %get3A_342 = arith.constant 32 : index
        %get3A_343 = tpu.vector_load %arg28[%get3A_341, %get3A_342] {strides = array<i32>} : memref<64x128xf32, #tpu.memory_space<vmem>>, vector<16xf32>,
        %get3A_344 = arith.index_cast %add3A_283 : i32 to index
        %get3A_345 = arith.constant 32 : index
        %get3A_346 = tpu.vector_load %arg29[%get3A_344, %get3A_345] {strides = array<i32>} : memref<64x128xf32, #tpu.memory_space<vmem>>, vector<16xf32>,
        %get3A_347 = arith.index_cast %add3A_283 : i32 to index
        %get3A_348 = arith.constant 32 : index
        %get3A_349 = tpu.vector_load %arg30[%get3A_347, %get3A_348] {strides = array<i32>} : memref<64x128xf32, #tpu.memory_space<vmem>>, vector<16xf32>,
        %sub3A_350 = arith.subf %get3A_343, %get3A_340 : vector<16xf32>
        %mul3A_351 = arith.mulf %sub3A_350, %gather3A_289 : vector<16xf32>
        %add3A_352 = arith.addf %get3A_340, %mul3A_351 : vector<16xf32>
        %sub3A_353 = arith.subf %get3A_349, %get3A_346 : vector<16xf32>
        %mul3A_354 = arith.mulf %sub3A_353, %gather3A_289 : vector<16xf32>
        %add3A_355 = arith.addf %get3A_346, %mul3A_354 : vector<16xf32>
        %sub3A_356 = arith.subf %add3A_355, %add3A_352 : vector<16xf32>
        %mul3A_357 = arith.mulf %sub3A_356, %gather3A_288 : vector<16xf32>
        %add3A_358 = arith.addf %add3A_352, %mul3A_357 : vector<16xf32>
        %swap3A_359 = arith.index_cast %add3A_283 : i32 to index
        %swap3A_360 = arith.constant 32 : index
        %swap3A_361 = tpu.vector_load %arg31[%swap3A_359, %swap3A_360] {strides = array<i32>} : memref<64x128xf32, #tpu.memory_space<vmem>>, vector<16xf32>,
        tpu.vector_store %arg31[%swap3A_359, %swap3A_360], %add3A_358 {strides = array<i32>} : memref<64x128xf32, #tpu.memory_space<vmem>>, vector<16xf32>,
        %get3A_362 = arith.index_cast %add3A_283 : i32 to index
        %get3A_363 = arith.constant 48 : index
        %get3A_364 = tpu.vector_load %arg27[%get3A_362, %get3A_363] {strides = array<i32>} : memref<64x128xf32, #tpu.memory_space<vmem>>, vector<16xf32>,
        %get3A_365 = arith.index_cast %add3A_283 : i32 to index
        %get3A_366 = arith.constant 48 : index
        %get3A_367 = tpu.vector_load %arg28[%get3A_365, %get3A_366] {strides = array<i32>} : memref<64x128xf32, #tpu.memory_space<vmem>>, vector<16xf32>,
        %get3A_368 = arith.index_cast %add3A_283 : i32 to index
        %get3A_369 = arith.constant 48 : index
        %get3A_370 = tpu.vector_load %arg29[%get3A_368, %get3A_369] {strides = array<i32>} : memref<64x128xf32, #tpu.memory_space<vmem>>, vector<16xf32>,
        %get3A_371 = arith.index_cast %add3A_283 : i32 to index
        %get3A_372 = arith.constant 48 : index
        %get3A_373 = tpu.vector_load %arg30[%get3A_371, %get3A_372] {strides = array<i32>} : memref<64x128xf32, #tpu.memory_space<vmem>>, vector<16xf32>,
        %sub3A_374 = arith.subf %get3A_367, %get3A_364 : vector<16xf32>
        %mul3A_375 = arith.mulf %sub3A_374, %gather3A_289 : vector<16xf32>
        %add3A_376 = arith.addf %get3A_364, %mul3A_375 : vector<16xf32>
        %sub3A_377 = arith.subf %get3A_373, %get3A_370 : vector<16xf32>
        %mul3A_378 = arith.mulf %sub3A_377, %gather3A_289 : vector<16xf32>
        %add3A_379 = arith.addf %get3A_370, %mul3A_378 : vector<16xf32>
        %sub3A_380 = arith.subf %add3A_379, %add3A_376 : vector<16xf32>
        %mul3A_381 = arith.mulf %sub3A_380, %gather3A_288 : vector<16xf32>
        %add3A_382 = arith.addf %add3A_376, %mul3A_381 : vector<16xf32>
        %swap3A_383 = arith.index_cast %add3A_283 : i32 to index
        %swap3A_384 = arith.constant 48 : index
        %swap3A_385 = tpu.vector_load %arg31[%swap3A_383, %swap3A_384] {strides = array<i32>} : memref<64x128xf32, #tpu.memory_space<vmem>>, vector<16xf32>,
        tpu.vector_store %arg31[%swap3A_383, %swap3A_384], %add3A_382 {strides = array<i32>} : memref<64x128xf32, #tpu.memory_space<vmem>>, vector<16xf32>,
        %get3A_386 = arith.index_cast %add3A_283 : i32 to index
        %get3A_387 = arith.constant 64 : index
        %get3A_388 = tpu.vector_load %arg27[%get3A_386, %get3A_387] {strides = array<i32>} : memref<64x128xf32, #tpu.memory_space<vmem>>, vector<16xf32>,
        %get3A_389 = arith.index_cast %add3A_283 : i32 to index
        %get3A_390 = arith.constant 64 : index
        %get3A_391 = tpu.vector_load %arg28[%get3A_389, %get3A_390] {strides = array<i32>} : memref<64x128xf32, #tpu.memory_space<vmem>>, vector<16xf32>,
        %get3A_392 = arith.index_cast %add3A_283 : i32 to index
        %get3A_393 = arith.constant 64 : index
        %get3A_394 = tpu.vector_load %arg29[%get3A_392, %get3A_393] {strides = array<i32>} : memref<64x128xf32, #tpu.memory_space<vmem>>, vector<16xf32>,
        %get3A_395 = arith.index_cast %add3A_283 : i32 to index
        %get3A_396 = arith.constant 64 : index
        %get3A_397 = tpu.vector_load %arg30[%get3A_395, %get3A_396] {strides = array<i32>} : memref<64x128xf32, #tpu.memory_space<vmem>>, vector<16xf32>,
        %sub3A_398 = arith.subf %get3A_391, %get3A_388 : vector<16xf32>
        %mul3A_399 = arith.mulf %sub3A_398, %gather3A_289 : vector<16xf32>
        %add3A_400 = arith.addf %get3A_388, %mul3A_399 : vector<16xf32>
        %sub3A_401 = arith.subf %get3A_397, %get3A_394 : vector<16xf32>
        %mul3A_402 = arith.mulf %sub3A_401, %gather3A_289 : vector<16xf32>
        %add3A_403 = arith.addf %get3A_394, %mul3A_402 : vector<16xf32>
        %sub3A_404 = arith.subf %add3A_403, %add3A_400 : vector<16xf32>
        %mul3A_405 = arith.mulf %sub3A_404, %gather3A_288 : vector<16xf32>
        %add3A_406 = arith.addf %add3A_400, %mul3A_405 : vector<16xf32>
        %swap3A_407 = arith.index_cast %add3A_283 : i32 to index
        %swap3A_408 = arith.constant 64 : index
        %swap3A_409 = tpu.vector_load %arg31[%swap3A_407, %swap3A_408] {strides = array<i32>} : memref<64x128xf32, #tpu.memory_space<vmem>>, vector<16xf32>,
        tpu.vector_store %arg31[%swap3A_407, %swap3A_408], %add3A_406 {strides = array<i32>} : memref<64x128xf32, #tpu.memory_space<vmem>>, vector<16xf32>,
        %get3A_410 = arith.index_cast %add3A_283 : i32 to index
        %get3A_411 = arith.constant 80 : index
        %get3A_412 = tpu.vector_load %arg27[%get3A_410, %get3A_411] {strides = array<i32>} : memref<64x128xf32, #tpu.memory_space<vmem>>, vector<16xf32>,
        %get3A_413 = arith.index_cast %add3A_283 : i32 to index
        %get3A_414 = arith.constant 80 : index
        %get3A_415 = tpu.vector_load %arg28[%get3A_413, %get3A_414] {strides = array<i32>} : memref<64x128xf32, #tpu.memory_space<vmem>>, vector<16xf32>,
        %get3A_416 = arith.index_cast %add3A_283 : i32 to index
        %get3A_417 = arith.constant 80 : index
        %get3A_418 = tpu.vector_load %arg29[%get3A_416, %get3A_417] {strides = array<i32>} : memref<64x128xf32, #tpu.memory_space<vmem>>, vector<16xf32>,
        %get3A_419 = arith.index_cast %add3A_283 : i32 to index
        %get3A_420 = arith.constant 80 : index
        %get3A_421 = tpu.vector_load %arg30[%get3A_419, %get3A_420] {strides = array<i32>} : memref<64x128xf32, #tpu.memory_space<vmem>>, vector<16xf32>,
        %sub3A_422 = arith.subf %get3A_415, %get3A_412 : vector<16xf32>
        %mul3A_423 = arith.mulf %sub3A_422, %gather3A_289 : vector<16xf32>
        %add3A_424 = arith.addf %get3A_412, %mul3A_423 : vector<16xf32>
        %sub3A_425 = arith.subf %get3A_421, %get3A_418 : vector<16xf32>
        %mul3A_426 = arith.mulf %sub3A_425, %gather3A_289 : vector<16xf32>
        %add3A_427 = arith.addf %get3A_418, %mul3A_426 : vector<16xf32>
        %sub3A_428 = arith.subf %add3A_427, %add3A_424 : vector<16xf32>
        %mul3A_429 = arith.mulf %sub3A_428, %gather3A_288 : vector<16xf32>
        %add3A_430 = arith.addf %add3A_424, %mul3A_429 : vector<16xf32>
        %swap3A_431 = arith.index_cast %add3A_283 : i32 to index
        %swap3A_432 = arith.constant 80 : index
        %swap3A_433 = tpu.vector_load %arg31[%swap3A_431, %swap3A_432] {strides = array<i32>} : memref<64x128xf32, #tpu.memory_space<vmem>>, vector<16xf32>,
        tpu.vector_store %arg31[%swap3A_431, %swap3A_432], %add3A_430 {strides = array<i32>} : memref<64x128xf32, #tpu.memory_space<vmem>>, vector<16xf32>,
        %mul3A_434 = arith.constant 4 : i32
        %mul3A_435 = arith.muli %mul3A_434, %scan3A_129 : i32
        %add3A_436 = arith.constant 2 : i32
        %add3A_437 = arith.addi %mul3A_435, %add3A_436 : i32
        %broadcast_in_dim3A_438 = arith.constant 0 : i32
        %broadcast_in_dim3A_439 = vector.broadcast %broadcast_in_dim3A_438 : i32 to vector<16xi32>
        %add3A_440 = vector.broadcast %add3A_437 : i32 to vector<16xi32>
        %add3A_441 = arith.addi %broadcast_in_dim3A_439, %add3A_440 : vector<16xi32>
        %gather3A_442 = tpu.vector_load_idx %arg25[%add3A_441] : memref<64xf32, #tpu.memory_space<vmem>>[vector<16xi32>], vector<16xf32>,
        %gather3A_443 = tpu.vector_load_idx %arg26[%add3A_441] : memref<64xf32, #tpu.memory_space<vmem>>[vector<16xi32>], vector<16xf32>,
        %get3A_444 = arith.index_cast %add3A_437 : i32 to index
        %get3A_445 = arith.constant 0 : index
        %get3A_446 = tpu.vector_load %arg27[%get3A_444, %get3A_445] {strides = array<i32>} : memref<64x128xf32, #tpu.memory_space<vmem>>, vector<16xf32>,
        %get3A_447 = arith.index_cast %add3A_437 : i32 to index
        %get3A_448 = arith.constant 0 : index
        %get3A_449 = tpu.vector_load %arg28[%get3A_447, %get3A_448] {strides = array<i32>} : memref<64x128xf32, #tpu.memory_space<vmem>>, vector<16xf32>,
        %get3A_450 = arith.index_cast %add3A_437 : i32 to index
        %get3A_451 = arith.constant 0 : index
        %get3A_452 = tpu.vector_load %arg29[%get3A_450, %get3A_451] {strides = array<i32>} : memref<64x128xf32, #tpu.memory_space<vmem>>, vector<16xf32>,
        %get3A_453 = arith.index_cast %add3A_437 : i32 to index
        %get3A_454 = arith.constant 0 : index
        %get3A_455 = tpu.vector_load %arg30[%get3A_453, %get3A_454] {strides = array<i32>} : memref<64x128xf32, #tpu.memory_space<vmem>>, vector<16xf32>,
        %sub3A_456 = arith.subf %get3A_449, %get3A_446 : vector<16xf32>
        %mul3A_457 = arith.mulf %sub3A_456, %gather3A_443 : vector<16xf32>
        %add3A_458 = arith.addf %get3A_446, %mul3A_457 : vector<16xf32>
        %sub3A_459 = arith.subf %get3A_455, %get3A_452 : vector<16xf32>
        %mul3A_460 = arith.mulf %sub3A_459, %gather3A_443 : vector<16xf32>
        %add3A_461 = arith.addf %get3A_452, %mul3A_460 : vector<16xf32>
        %sub3A_462 = arith.subf %add3A_461, %add3A_458 : vector<16xf32>
        %mul3A_463 = arith.mulf %sub3A_462, %gather3A_442 : vector<16xf32>
        %add3A_464 = arith.addf %add3A_458, %mul3A_463 : vector<16xf32>
        %swap3A_465 = arith.index_cast %add3A_437 : i32 to index
        %swap3A_466 = arith.constant 0 : index
        %swap3A_467 = tpu.vector_load %arg31[%swap3A_465, %swap3A_466] {strides = array<i32>} : memref<64x128xf32, #tpu.memory_space<vmem>>, vector<16xf32>,
        tpu.vector_store %arg31[%swap3A_465, %swap3A_466], %add3A_464 {strides = array<i32>} : memref<64x128xf32, #tpu.memory_space<vmem>>, vector<16xf32>,
        %get3A_468 = arith.index_cast %add3A_437 : i32 to index
        %get3A_469 = arith.constant 16 : index
        %get3A_470 = tpu.vector_load %arg27[%get3A_468, %get3A_469] {strides = array<i32>} : memref<64x128xf32, #tpu.memory_space<vmem>>, vector<16xf32>,
        %get3A_471 = arith.index_cast %add3A_437 : i32 to index
        %get3A_472 = arith.constant 16 : index
        %get3A_473 = tpu.vector_load %arg28[%get3A_471, %get3A_472] {strides = array<i32>} : memref<64x128xf32, #tpu.memory_space<vmem>>, vector<16xf32>,
        %get3A_474 = arith.index_cast %add3A_437 : i32 to index
        %get3A_475 = arith.constant 16 : index
        %get3A_476 = tpu.vector_load %arg29[%get3A_474, %get3A_475] {strides = array<i32>} : memref<64x128xf32, #tpu.memory_space<vmem>>, vector<16xf32>,
        %get3A_477 = arith.index_cast %add3A_437 : i32 to index
        %get3A_478 = arith.constant 16 : index
        %get3A_479 = tpu.vector_load %arg30[%get3A_477, %get3A_478] {strides = array<i32>} : memref<64x128xf32, #tpu.memory_space<vmem>>, vector<16xf32>,
        %sub3A_480 = arith.subf %get3A_473, %get3A_470 : vector<16xf32>
        %mul3A_481 = arith.mulf %sub3A_480, %gather3A_443 : vector<16xf32>
        %add3A_482 = arith.addf %get3A_470, %mul3A_481 : vector<16xf32>
        %sub3A_483 = arith.subf %get3A_479, %get3A_476 : vector<16xf32>
        %mul3A_484 = arith.mulf %sub3A_483, %gather3A_443 : vector<16xf32>
        %add3A_485 = arith.addf %get3A_476, %mul3A_484 : vector<16xf32>
        %sub3A_486 = arith.subf %add3A_485, %add3A_482 : vector<16xf32>
        %mul3A_487 = arith.mulf %sub3A_486, %gather3A_442 : vector<16xf32>
        %add3A_488 = arith.addf %add3A_482, %mul3A_487 : vector<16xf32>
        %swap3A_489 = arith.index_cast %add3A_437 : i32 to index
        %swap3A_490 = arith.constant 16 : index
        %swap3A_491 = tpu.vector_load %arg31[%swap3A_489, %swap3A_490] {strides = array<i32>} : memref<64x128xf32, #tpu.memory_space<vmem>>, vector<16xf32>,
        tpu.vector_store %arg31[%swap3A_489, %swap3A_490], %add3A_488 {strides = array<i32>} : memref<64x128xf32, #tpu.memory_space<vmem>>, vector<16xf32>,
        %get3A_492 = arith.index_cast %add3A_437 : i32 to index
        %get3A_493 = arith.constant 32 : index
        %get3A_494 = tpu.vector_load %arg27[%get3A_492, %get3A_493] {strides = array<i32>} : memref<64x128xf32, #tpu.memory_space<vmem>>, vector<16xf32>,
        %get3A_495 = arith.index_cast %add3A_437 : i32 to index
        %get3A_496 = arith.constant 32 : index
        %get3A_497 = tpu.vector_load %arg28[%get3A_495, %get3A_496] {strides = array<i32>} : memref<64x128xf32, #tpu.memory_space<vmem>>, vector<16xf32>,
        %get3A_498 = arith.index_cast %add3A_437 : i32 to index
        %get3A_499 = arith.constant 32 : index
        %get3A_500 = tpu.vector_load %arg29[%get3A_498, %get3A_499] {strides = array<i32>} : memref<64x128xf32, #tpu.memory_space<vmem>>, vector<16xf32>,
        %get3A_501 = arith.index_cast %add3A_437 : i32 to index
        %get3A_502 = arith.constant 32 : index
        %get3A_503 = tpu.vector_load %arg30[%get3A_501, %get3A_502] {strides = array<i32>} : memref<64x128xf32, #tpu.memory_space<vmem>>, vector<16xf32>,
        %sub3A_504 = arith.subf %get3A_497, %get3A_494 : vector<16xf32>
        %mul3A_505 = arith.mulf %sub3A_504, %gather3A_443 : vector<16xf32>
        %add3A_506 = arith.addf %get3A_494, %mul3A_505 : vector<16xf32>
        %sub3A_507 = arith.subf %get3A_503, %get3A_500 : vector<16xf32>
        %mul3A_508 = arith.mulf %sub3A_507, %gather3A_443 : vector<16xf32>
        %add3A_509 = arith.addf %get3A_500, %mul3A_508 : vector<16xf32>
        %sub3A_510 = arith.subf %add3A_509, %add3A_506 : vector<16xf32>
        %mul3A_511 = arith.mulf %sub3A_510, %gather3A_442 : vector<16xf32>
        %add3A_512 = arith.addf %add3A_506, %mul3A_511 : vector<16xf32>
        %swap3A_513 = arith.index_cast %add3A_437 : i32 to index
        %swap3A_514 = arith.constant 32 : index
        %swap3A_515 = tpu.vector_load %arg31[%swap3A_513, %swap3A_514] {strides = array<i32>} : memref<64x128xf32, #tpu.memory_space<vmem>>, vector<16xf32>,
        tpu.vector_store %arg31[%swap3A_513, %swap3A_514], %add3A_512 {strides = array<i32>} : memref<64x128xf32, #tpu.memory_space<vmem>>, vector<16xf32>,
        %get3A_516 = arith.index_cast %add3A_437 : i32 to index
        %get3A_517 = arith.constant 48 : index
        %get3A_518 = tpu.vector_load %arg27[%get3A_516, %get3A_517] {strides = array<i32>} : memref<64x128xf32, #tpu.memory_space<vmem>>, vector<16xf32>,
        %get3A_519 = arith.index_cast %add3A_437 : i32 to index
        %get3A_520 = arith.constant 48 : index
        %get3A_521 = tpu.vector_load %arg28[%get3A_519, %get3A_520] {strides = array<i32>} : memref<64x128xf32, #tpu.memory_space<vmem>>, vector<16xf32>,
        %get3A_522 = arith.index_cast %add3A_437 : i32 to index
        %get3A_523 = arith.constant 48 : index
        %get3A_524 = tpu.vector_load %arg29[%get3A_522, %get3A_523] {strides = array<i32>} : memref<64x128xf32, #tpu.memory_space<vmem>>, vector<16xf32>,
        %get3A_525 = arith.index_cast %add3A_437 : i32 to index
        %get3A_526 = arith.constant 48 : index
        %get3A_527 = tpu.vector_load %arg30[%get3A_525, %get3A_526] {strides = array<i32>} : memref<64x128xf32, #tpu.memory_space<vmem>>, vector<16xf32>,
        %sub3A_528 = arith.subf %get3A_521, %get3A_518 : vector<16xf32>
        %mul3A_529 = arith.mulf %sub3A_528, %gather3A_443 : vector<16xf32>
        %add3A_530 = arith.addf %get3A_518, %mul3A_529 : vector<16xf32>
        %sub3A_531 = arith.subf %get3A_527, %get3A_524 : vector<16xf32>
        %mul3A_532 = arith.mulf %sub3A_531, %gather3A_443 : vector<16xf32>
        %add3A_533 = arith.addf %get3A_524, %mul3A_532 : vector<16xf32>
        %sub3A_534 = arith.subf %add3A_533, %add3A_530 : vector<16xf32>
        %mul3A_535 = arith.mulf %sub3A_534, %gather3A_442 : vector<16xf32>
        %add3A_536 = arith.addf %add3A_530, %mul3A_535 : vector<16xf32>
        %swap3A_537 = arith.index_cast %add3A_437 : i32 to index
        %swap3A_538 = arith.constant 48 : index
        %swap3A_539 = tpu.vector_load %arg31[%swap3A_537, %swap3A_538] {strides = array<i32>} : memref<64x128xf32, #tpu.memory_space<vmem>>, vector<16xf32>,
        tpu.vector_store %arg31[%swap3A_537, %swap3A_538], %add3A_536 {strides = array<i32>} : memref<64x128xf32, #tpu.memory_space<vmem>>, vector<16xf32>,
        %get3A_540 = arith.index_cast %add3A_437 : i32 to index
        %get3A_541 = arith.constant 64 : index
        %get3A_542 = tpu.vector_load %arg27[%get3A_540, %get3A_541] {strides = array<i32>} : memref<64x128xf32, #tpu.memory_space<vmem>>, vector<16xf32>,
        %get3A_543 = arith.index_cast %add3A_437 : i32 to index
        %get3A_544 = arith.constant 64 : index
        %get3A_545 = tpu.vector_load %arg28[%get3A_543, %get3A_544] {strides = array<i32>} : memref<64x128xf32, #tpu.memory_space<vmem>>, vector<16xf32>,
        %get3A_546 = arith.index_cast %add3A_437 : i32 to index
        %get3A_547 = arith.constant 64 : index
        %get3A_548 = tpu.vector_load %arg29[%get3A_546, %get3A_547] {strides = array<i32>} : memref<64x128xf32, #tpu.memory_space<vmem>>, vector<16xf32>,
        %get3A_549 = arith.index_cast %add3A_437 : i32 to index
        %get3A_550 = arith.constant 64 : index
        %get3A_551 = tpu.vector_load %arg30[%get3A_549, %get3A_550] {strides = array<i32>} : memref<64x128xf32, #tpu.memory_space<vmem>>, vector<16xf32>,
        %sub3A_552 = arith.subf %get3A_545, %get3A_542 : vector<16xf32>
        %mul3A_553 = arith.mulf %sub3A_552, %gather3A_443 : vector<16xf32>
        %add3A_554 = arith.addf %get3A_542, %mul3A_553 : vector<16xf32>
        %sub3A_555 = arith.subf %get3A_551, %get3A_548 : vector<16xf32>
        %mul3A_556 = arith.mulf %sub3A_555, %gather3A_443 : vector<16xf32>
        %add3A_557 = arith.addf %get3A_548, %mul3A_556 : vector<16xf32>
        %sub3A_558 = arith.subf %add3A_557, %add3A_554 : vector<16xf32>
        %mul3A_559 = arith.mulf %sub3A_558, %gather3A_442 : vector<16xf32>
        %add3A_560 = arith.addf %add3A_554, %mul3A_559 : vector<16xf32>
        %swap3A_561 = arith.index_cast %add3A_437 : i32 to index
        %swap3A_562 = arith.constant 64 : index
        %swap3A_563 = tpu.vector_load %arg31[%swap3A_561, %swap3A_562] {strides = array<i32>} : memref<64x128xf32, #tpu.memory_space<vmem>>, vector<16xf32>,
        tpu.vector_store %arg31[%swap3A_561, %swap3A_562], %add3A_560 {strides = array<i32>} : memref<64x128xf32, #tpu.memory_space<vmem>>, vector<16xf32>,
        %get3A_564 = arith.index_cast %add3A_437 : i32 to index
        %get3A_565 = arith.constant 80 : index
        %get3A_566 = tpu.vector_load %arg27[%get3A_564, %get3A_565] {strides = array<i32>} : memref<64x128xf32, #tpu.memory_space<vmem>>, vector<16xf32>,
        %get3A_567 = arith.index_cast %add3A_437 : i32 to index
        %get3A_568 = arith.constant 80 : index
        %get3A_569 = tpu.vector_load %arg28[%get3A_567, %get3A_568] {strides = array<i32>} : memref<64x128xf32, #tpu.memory_space<vmem>>, vector<16xf32>,
        %get3A_570 = arith.index_cast %add3A_437 : i32 to index
        %get3A_571 = arith.constant 80 : index
        %get3A_572 = tpu.vector_load %arg29[%get3A_570, %get3A_571] {strides = array<i32>} : memref<64x128xf32, #tpu.memory_space<vmem>>, vector<16xf32>,
        %get3A_573 = arith.index_cast %add3A_437 : i32 to index
        %get3A_574 = arith.constant 80 : index
        %get3A_575 = tpu.vector_load %arg30[%get3A_573, %get3A_574] {strides = array<i32>} : memref<64x128xf32, #tpu.memory_space<vmem>>, vector<16xf32>,
        %sub3A_576 = arith.subf %get3A_569, %get3A_566 : vector<16xf32>
        %mul3A_577 = arith.mulf %sub3A_576, %gather3A_443 : vector<16xf32>
        %add3A_578 = arith.addf %get3A_566, %mul3A_577 : vector<16xf32>
        %sub3A_579 = arith.subf %get3A_575, %get3A_572 : vector<16xf32>
        %mul3A_580 = arith.mulf %sub3A_579, %gather3A_443 : vector<16xf32>
        %add3A_581 = arith.addf %get3A_572, %mul3A_580 : vector<16xf32>
        %sub3A_582 = arith.subf %add3A_581, %add3A_578 : vector<16xf32>
        %mul3A_583 = arith.mulf %sub3A_582, %gather3A_442 : vector<16xf32>
        %add3A_584 = arith.addf %add3A_578, %mul3A_583 : vector<16xf32>
        %swap3A_585 = arith.index_cast %add3A_437 : i32 to index
        %swap3A_586 = arith.constant 80 : index
        %swap3A_587 = tpu.vector_load %arg31[%swap3A_585, %swap3A_586] {strides = array<i32>} : memref<64x128xf32, #tpu.memory_space<vmem>>, vector<16xf32>,
        tpu.vector_store %arg31[%swap3A_585, %swap3A_586], %add3A_584 {strides = array<i32>} : memref<64x128xf32, #tpu.memory_space<vmem>>, vector<16xf32>,
        %mul3A_588 = arith.constant 4 : i32
        %mul3A_589 = arith.muli %mul3A_588, %scan3A_129 : i32
        %add3A_590 = arith.constant 3 : i32
        %add3A_591 = arith.addi %mul3A_589, %add3A_590 : i32
        %broadcast_in_dim3A_592 = arith.constant 0 : i32
        %broadcast_in_dim3A_593 = vector.broadcast %broadcast_in_dim3A_592 : i32 to vector<16xi32>
        %add3A_594 = vector.broadcast %add3A_591 : i32 to vector<16xi32>
        %add3A_595 = arith.addi %broadcast_in_dim3A_593, %add3A_594 : vector<16xi32>
        %gather3A_596 = tpu.vector_load_idx %arg25[%add3A_595] : memref<64xf32, #tpu.memory_space<vmem>>[vector<16xi32>], vector<16xf32>,
        %gather3A_597 = tpu.vector_load_idx %arg26[%add3A_595] : memref<64xf32, #tpu.memory_space<vmem>>[vector<16xi32>], vector<16xf32>,
        %get3A_598 = arith.index_cast %add3A_591 : i32 to index
        %get3A_599 = arith.constant 0 : index
        %get3A_600 = tpu.vector_load %arg27[%get3A_598, %get3A_599] {strides = array<i32>} : memref<64x128xf32, #tpu.memory_space<vmem>>, vector<16xf32>,
        %get3A_601 = arith.index_cast %add3A_591 : i32 to index
        %get3A_602 = arith.constant 0 : index
        %get3A_603 = tpu.vector_load %arg28[%get3A_601, %get3A_602] {strides = array<i32>} : memref<64x128xf32, #tpu.memory_space<vmem>>, vector<16xf32>,
        %get3A_604 = arith.index_cast %add3A_591 : i32 to index
        %get3A_605 = arith.constant 0 : index
        %get3A_606 = tpu.vector_load %arg29[%get3A_604, %get3A_605] {strides = array<i32>} : memref<64x128xf32, #tpu.memory_space<vmem>>, vector<16xf32>,
        %get3A_607 = arith.index_cast %add3A_591 : i32 to index
        %get3A_608 = arith.constant 0 : index
        %get3A_609 = tpu.vector_load %arg30[%get3A_607, %get3A_608] {strides = array<i32>} : memref<64x128xf32, #tpu.memory_space<vmem>>, vector<16xf32>,
        %sub3A_610 = arith.subf %get3A_603, %get3A_600 : vector<16xf32>
        %mul3A_611 = arith.mulf %sub3A_610, %gather3A_597 : vector<16xf32>
        %add3A_612 = arith.addf %get3A_600, %mul3A_611 : vector<16xf32>
        %sub3A_613 = arith.subf %get3A_609, %get3A_606 : vector<16xf32>
        %mul3A_614 = arith.mulf %sub3A_613, %gather3A_597 : vector<16xf32>
        %add3A_615 = arith.addf %get3A_606, %mul3A_614 : vector<16xf32>
        %sub3A_616 = arith.subf %add3A_615, %add3A_612 : vector<16xf32>
        %mul3A_617 = arith.mulf %sub3A_616, %gather3A_596 : vector<16xf32>
        %add3A_618 = arith.addf %add3A_612, %mul3A_617 : vector<16xf32>
        %swap3A_619 = arith.index_cast %add3A_591 : i32 to index
        %swap3A_620 = arith.constant 0 : index
        %swap3A_621 = tpu.vector_load %arg31[%swap3A_619, %swap3A_620] {strides = array<i32>} : memref<64x128xf32, #tpu.memory_space<vmem>>, vector<16xf32>,
        tpu.vector_store %arg31[%swap3A_619, %swap3A_620], %add3A_618 {strides = array<i32>} : memref<64x128xf32, #tpu.memory_space<vmem>>, vector<16xf32>,
        %get3A_622 = arith.index_cast %add3A_591 : i32 to index
        %get3A_623 = arith.constant 16 : index
        %get3A_624 = tpu.vector_load %arg27[%get3A_622, %get3A_623] {strides = array<i32>} : memref<64x128xf32, #tpu.memory_space<vmem>>, vector<16xf32>,
        %get3A_625 = arith.index_cast %add3A_591 : i32 to index
        %get3A_626 = arith.constant 16 : index
        %get3A_627 = tpu.vector_load %arg28[%get3A_625, %get3A_626] {strides = array<i32>} : memref<64x128xf32, #tpu.memory_space<vmem>>, vector<16xf32>,
        %get3A_628 = arith.index_cast %add3A_591 : i32 to index
        %get3A_629 = arith.constant 16 : index
        %get3A_630 = tpu.vector_load %arg29[%get3A_628, %get3A_629] {strides = array<i32>} : memref<64x128xf32, #tpu.memory_space<vmem>>, vector<16xf32>,
        %get3A_631 = arith.index_cast %add3A_591 : i32 to index
        %get3A_632 = arith.constant 16 : index
        %get3A_633 = tpu.vector_load %arg30[%get3A_631, %get3A_632] {strides = array<i32>} : memref<64x128xf32, #tpu.memory_space<vmem>>, vector<16xf32>,
        %sub3A_634 = arith.subf %get3A_627, %get3A_624 : vector<16xf32>
        %mul3A_635 = arith.mulf %sub3A_634, %gather3A_597 : vector<16xf32>
        %add3A_636 = arith.addf %get3A_624, %mul3A_635 : vector<16xf32>
        %sub3A_637 = arith.subf %get3A_633, %get3A_630 : vector<16xf32>
        %mul3A_638 = arith.mulf %sub3A_637, %gather3A_597 : vector<16xf32>
        %add3A_639 = arith.addf %get3A_630, %mul3A_638 : vector<16xf32>
        %sub3A_640 = arith.subf %add3A_639, %add3A_636 : vector<16xf32>
        %mul3A_641 = arith.mulf %sub3A_640, %gather3A_596 : vector<16xf32>
        %add3A_642 = arith.addf %add3A_636, %mul3A_641 : vector<16xf32>
        %swap3A_643 = arith.index_cast %add3A_591 : i32 to index
        %swap3A_644 = arith.constant 16 : index
        %swap3A_645 = tpu.vector_load %arg31[%swap3A_643, %swap3A_644] {strides = array<i32>} : memref<64x128xf32, #tpu.memory_space<vmem>>, vector<16xf32>,
        tpu.vector_store %arg31[%swap3A_643, %swap3A_644], %add3A_642 {strides = array<i32>} : memref<64x128xf32, #tpu.memory_space<vmem>>, vector<16xf32>,
        %get3A_646 = arith.index_cast %add3A_591 : i32 to index
        %get3A_647 = arith.constant 32 : index
        %get3A_648 = tpu.vector_load %arg27[%get3A_646, %get3A_647] {strides = array<i32>} : memref<64x128xf32, #tpu.memory_space<vmem>>, vector<16xf32>,
        %get3A_649 = arith.index_cast %add3A_591 : i32 to index
        %get3A_650 = arith.constant 32 : index
        %get3A_651 = tpu.vector_load %arg28[%get3A_649, %get3A_650] {strides = array<i32>} : memref<64x128xf32, #tpu.memory_space<vmem>>, vector<16xf32>,
        %get3A_652 = arith.index_cast %add3A_591 : i32 to index
        %get3A_653 = arith.constant 32 : index
        %get3A_654 = tpu.vector_load %arg29[%get3A_652, %get3A_653] {strides = array<i32>} : memref<64x128xf32, #tpu.memory_space<vmem>>, vector<16xf32>,
        %get3A_655 = arith.index_cast %add3A_591 : i32 to index
        %get3A_656 = arith.constant 32 : index
        %get3A_657 = tpu.vector_load %arg30[%get3A_655, %get3A_656] {strides = array<i32>} : memref<64x128xf32, #tpu.memory_space<vmem>>, vector<16xf32>,
        %sub3A_658 = arith.subf %get3A_651, %get3A_648 : vector<16xf32>
        %mul3A_659 = arith.mulf %sub3A_658, %gather3A_597 : vector<16xf32>
        %add3A_660 = arith.addf %get3A_648, %mul3A_659 : vector<16xf32>
        %sub3A_661 = arith.subf %get3A_657, %get3A_654 : vector<16xf32>
        %mul3A_662 = arith.mulf %sub3A_661, %gather3A_597 : vector<16xf32>
        %add3A_663 = arith.addf %get3A_654, %mul3A_662 : vector<16xf32>
        %sub3A_664 = arith.subf %add3A_663, %add3A_660 : vector<16xf32>
        %mul3A_665 = arith.mulf %sub3A_664, %gather3A_596 : vector<16xf32>
        %add3A_666 = arith.addf %add3A_660, %mul3A_665 : vector<16xf32>
        %swap3A_667 = arith.index_cast %add3A_591 : i32 to index
        %swap3A_668 = arith.constant 32 : index
        %swap3A_669 = tpu.vector_load %arg31[%swap3A_667, %swap3A_668] {strides = array<i32>} : memref<64x128xf32, #tpu.memory_space<vmem>>, vector<16xf32>,
        tpu.vector_store %arg31[%swap3A_667, %swap3A_668], %add3A_666 {strides = array<i32>} : memref<64x128xf32, #tpu.memory_space<vmem>>, vector<16xf32>,
        %get3A_670 = arith.index_cast %add3A_591 : i32 to index
        %get3A_671 = arith.constant 48 : index
        %get3A_672 = tpu.vector_load %arg27[%get3A_670, %get3A_671] {strides = array<i32>} : memref<64x128xf32, #tpu.memory_space<vmem>>, vector<16xf32>,
        %get3A_673 = arith.index_cast %add3A_591 : i32 to index
        %get3A_674 = arith.constant 48 : index
        %get3A_675 = tpu.vector_load %arg28[%get3A_673, %get3A_674] {strides = array<i32>} : memref<64x128xf32, #tpu.memory_space<vmem>>, vector<16xf32>,
        %get3A_676 = arith.index_cast %add3A_591 : i32 to index
        %get3A_677 = arith.constant 48 : index
        %get3A_678 = tpu.vector_load %arg29[%get3A_676, %get3A_677] {strides = array<i32>} : memref<64x128xf32, #tpu.memory_space<vmem>>, vector<16xf32>,
        %get3A_679 = arith.index_cast %add3A_591 : i32 to index
        %get3A_680 = arith.constant 48 : index
        %get3A_681 = tpu.vector_load %arg30[%get3A_679, %get3A_680] {strides = array<i32>} : memref<64x128xf32, #tpu.memory_space<vmem>>, vector<16xf32>,
        %sub3A_682 = arith.subf %get3A_675, %get3A_672 : vector<16xf32>
        %mul3A_683 = arith.mulf %sub3A_682, %gather3A_597 : vector<16xf32>
        %add3A_684 = arith.addf %get3A_672, %mul3A_683 : vector<16xf32>
        %sub3A_685 = arith.subf %get3A_681, %get3A_678 : vector<16xf32>
        %mul3A_686 = arith.mulf %sub3A_685, %gather3A_597 : vector<16xf32>
        %add3A_687 = arith.addf %get3A_678, %mul3A_686 : vector<16xf32>
        %sub3A_688 = arith.subf %add3A_687, %add3A_684 : vector<16xf32>
        %mul3A_689 = arith.mulf %sub3A_688, %gather3A_596 : vector<16xf32>
        %add3A_690 = arith.addf %add3A_684, %mul3A_689 : vector<16xf32>
        %swap3A_691 = arith.index_cast %add3A_591 : i32 to index
        %swap3A_692 = arith.constant 48 : index
        %swap3A_693 = tpu.vector_load %arg31[%swap3A_691, %swap3A_692] {strides = array<i32>} : memref<64x128xf32, #tpu.memory_space<vmem>>, vector<16xf32>,
        tpu.vector_store %arg31[%swap3A_691, %swap3A_692], %add3A_690 {strides = array<i32>} : memref<64x128xf32, #tpu.memory_space<vmem>>, vector<16xf32>,
        %get3A_694 = arith.index_cast %add3A_591 : i32 to index
        %get3A_695 = arith.constant 64 : index
        %get3A_696 = tpu.vector_load %arg27[%get3A_694, %get3A_695] {strides = array<i32>} : memref<64x128xf32, #tpu.memory_space<vmem>>, vector<16xf32>,
        %get3A_697 = arith.index_cast %add3A_591 : i32 to index
        %get3A_698 = arith.constant 64 : index
        %get3A_699 = tpu.vector_load %arg28[%get3A_697, %get3A_698] {strides = array<i32>} : memref<64x128xf32, #tpu.memory_space<vmem>>, vector<16xf32>,
        %get3A_700 = arith.index_cast %add3A_591 : i32 to index
        %get3A_701 = arith.constant 64 : index
        %get3A_702 = tpu.vector_load %arg29[%get3A_700, %get3A_701] {strides = array<i32>} : memref<64x128xf32, #tpu.memory_space<vmem>>, vector<16xf32>,
        %get3A_703 = arith.index_cast %add3A_591 : i32 to index
        %get3A_704 = arith.constant 64 : index
        %get3A_705 = tpu.vector_load %arg30[%get3A_703, %get3A_704] {strides = array<i32>} : memref<64x128xf32, #tpu.memory_space<vmem>>, vector<16xf32>,
        %sub3A_706 = arith.subf %get3A_699, %get3A_696 : vector<16xf32>
        %mul3A_707 = arith.mulf %sub3A_706, %gather3A_597 : vector<16xf32>
        %add3A_708 = arith.addf %get3A_696, %mul3A_707 : vector<16xf32>
        %sub3A_709 = arith.subf %get3A_705, %get3A_702 : vector<16xf32>
        %mul3A_710 = arith.mulf %sub3A_709, %gather3A_597 : vector<16xf32>
        %add3A_711 = arith.addf %get3A_702, %mul3A_710 : vector<16xf32>
        %sub3A_712 = arith.subf %add3A_711, %add3A_708 : vector<16xf32>
        %mul3A_713 = arith.mulf %sub3A_712, %gather3A_596 : vector<16xf32>
        %add3A_714 = arith.addf %add3A_708, %mul3A_713 : vector<16xf32>
        %swap3A_715 = arith.index_cast %add3A_591 : i32 to index
        %swap3A_716 = arith.constant 64 : index
        %swap3A_717 = tpu.vector_load %arg31[%swap3A_715, %swap3A_716] {strides = array<i32>} : memref<64x128xf32, #tpu.memory_space<vmem>>, vector<16xf32>,
        tpu.vector_store %arg31[%swap3A_715, %swap3A_716], %add3A_714 {strides = array<i32>} : memref<64x128xf32, #tpu.memory_space<vmem>>, vector<16xf32>,
        %get3A_718 = arith.index_cast %add3A_591 : i32 to index
        %get3A_719 = arith.constant 80 : index
        %get3A_720 = tpu.vector_load %arg27[%get3A_718, %get3A_719] {strides = array<i32>} : memref<64x128xf32, #tpu.memory_space<vmem>>, vector<16xf32>,
        %get3A_721 = arith.index_cast %add3A_591 : i32 to index
        %get3A_722 = arith.constant 80 : index
        %get3A_723 = tpu.vector_load %arg28[%get3A_721, %get3A_722] {strides = array<i32>} : memref<64x128xf32, #tpu.memory_space<vmem>>, vector<16xf32>,
        %get3A_724 = arith.index_cast %add3A_591 : i32 to index
        %get3A_725 = arith.constant 80 : index
        %get3A_726 = tpu.vector_load %arg29[%get3A_724, %get3A_725] {strides = array<i32>} : memref<64x128xf32, #tpu.memory_space<vmem>>, vector<16xf32>,
        %get3A_727 = arith.index_cast %add3A_591 : i32 to index
        %get3A_728 = arith.constant 80 : index
        %get3A_729 = tpu.vector_load %arg30[%get3A_727, %get3A_728] {strides = array<i32>} : memref<64x128xf32, #tpu.memory_space<vmem>>, vector<16xf32>,
        %sub3A_730 = arith.subf %get3A_723, %get3A_720 : vector<16xf32>
        %mul3A_731 = arith.mulf %sub3A_730, %gather3A_597 : vector<16xf32>
        %add3A_732 = arith.addf %get3A_720, %mul3A_731 : vector<16xf32>
        %sub3A_733 = arith.subf %get3A_729, %get3A_726 : vector<16xf32>
        %mul3A_734 = arith.mulf %sub3A_733, %gather3A_597 : vector<16xf32>
        %add3A_735 = arith.addf %get3A_726, %mul3A_734 : vector<16xf32>
        %sub3A_736 = arith.subf %add3A_735, %add3A_732 : vector<16xf32>
        %mul3A_737 = arith.mulf %sub3A_736, %gather3A_596 : vector<16xf32>
        %add3A_738 = arith.addf %add3A_732, %mul3A_737 : vector<16xf32>
        %swap3A_739 = arith.index_cast %add3A_591 : i32 to index
        %swap3A_740 = arith.constant 80 : index
        %swap3A_741 = tpu.vector_load %arg31[%swap3A_739, %swap3A_740] {strides = array<i32>} : memref<64x128xf32, #tpu.memory_space<vmem>>, vector<16xf32>,
        tpu.vector_store %arg31[%swap3A_739, %swap3A_740], %add3A_738 {strides = array<i32>} : memref<64x128xf32, #tpu.memory_space<vmem>>, vector<16xf32>,
      }
      %scan3A_121 = arith.constant 16 : i32
      %mul3A_122 = arith.constant 64 : i32
      %mul3A_123 = arith.muli %add3A_98, %mul3A_122 : i32
      %add3A_124 = arith.addi %mul3A_2, %mul3A_123 : i32
      %dma_start3A_125 = arith.constant 0 : i32
      %dma_start3A_126 = tpu.memref_slice %arg5[%add3A_124, %dma_start3A_125] : memref<200704x128xf32, #tpu.memory_space<hbm>> -> memref<64x128xf32, #tpu.memory_space<hbm>>
      %dma_start3A_127 = arith.constant 0 : i32
      %dma_start3A_128 = tpu.memref_slice %arg5[%add3A_124, %dma_start3A_127] : memref<200704x128xf32, #tpu.memory_space<hbm>> -> memref<64x128xf32, #tpu.memory_space<hbm>>
      tpu.enqueue_dma source(%arg31 : memref<64x128xf32, #tpu.memory_space<vmem>>) target(%dma_start3A_128 : memref<64x128xf32, #tpu.memory_space<hbm>>) target_semaphore(%arg33 : memref<!tpu.dma_semaphore, #tpu.memory_space<semaphore_mem>>)
    }
    %scan3A_27 = arith.constant 49 : i32
    %add3A_28 = arith.constant 6144 : i32
    %add3A_29 = arith.addi %mul3A_2, %add3A_28 : i32
    %dma_wait3A = arith.constant 0 : i32
    %dma_wait3A_30 = tpu.memref_slice %arg5[%add3A_29, %dma_wait3A] : memref<200704x128xf32, #tpu.memory_space<hbm>> -> memref<64x128xf32, #tpu.memory_space<hbm>>
    %dma_wait3A_31 = arith.constant 0 : i32
    %dma_wait3A_32 = tpu.memref_slice %arg5[%add3A_29, %dma_wait3A_31] : memref<200704x128xf32, #tpu.memory_space<hbm>> -> memref<64x128xf32, #tpu.memory_space<hbm>>
    tpu.wait_dma2 semaphore(%arg20 : memref<!tpu.dma_semaphore, #tpu.memory_space<semaphore_mem>>) src(%arg18 : memref<64x128xf32, #tpu.memory_space<vmem>>) dst(%dma_wait3A_32 : memref<64x128xf32, #tpu.memory_space<hbm>>)
    %add3A_33 = arith.constant 6208 : i32
    %add3A_34 = arith.addi %mul3A_2, %add3A_33 : i32
    %dma_wait3A_35 = arith.constant 0 : i32
    %dma_wait3A_36 = tpu.memref_slice %arg5[%add3A_34, %dma_wait3A_35] : memref<200704x128xf32, #tpu.memory_space<hbm>> -> memref<64x128xf32, #tpu.memory_space<hbm>>
    %dma_wait3A_37 = arith.constant 0 : i32
    %dma_wait3A_38 = tpu.memref_slice %arg5[%add3A_34, %dma_wait3A_37] : memref<200704x128xf32, #tpu.memory_space<hbm>> -> memref<64x128xf32, #tpu.memory_space<hbm>>
    tpu.wait_dma2 semaphore(%arg33 : memref<!tpu.dma_semaphore, #tpu.memory_space<semaphore_mem>>) src(%arg31 : memref<64x128xf32, #tpu.memory_space<vmem>>) dst(%dma_wait3A_38 : memref<64x128xf32, #tpu.memory_space<hbm>>)
    return
  }
}

module attributes {stable_mosaic.version = 14 : i64} {
  func.func @_in_tr(%arg0: i32, %arg1: memref<64x96x224xf32, #tpu.memory_space<vmem>>, %arg2: memref<64x224x128xf32, #tpu.memory_space<vmem>>) attributes {dimension_semantics = [#tpu.dimension_semantics<arbitrary>], iteration_bounds = array<i64: 14>, scalar_prefetch = 0 : i64, scratch_operands = 0 : i64, tpu.core_type = #tpu.core_type<tc>, window_params = [{transform_indices = @transform_0, window_bounds = array<i64: 64, 96, 224>}, {transform_indices = @transform_1, window_bounds = array<i64: 64, 224, 128>}]} {
    %get3A = arith.constant 0 : index
    %get3A_0 = arith.constant 0 : index
    %get3A_1 = arith.constant 0 : index
    %get3A_2 = vector.load %arg1[%get3A, %get3A_0, %get3A_1] : memref<64x96x224xf32, #tpu.memory_space<vmem>>, vector<1x96x224xf32>
    %get3A_3 = vector.shape_cast %get3A_2 : vector<1x96x224xf32> to vector<96x224xf32>
    %transpose3A = tpu.transpose %get3A_3, [1, 0] : vector<96x224xf32> -> vector<224x96xf32>
    %broadcast_in_dim3A = arith.constant 0.000000e+00 : f32
    %broadcast_in_dim3A_4 = vector.broadcast %broadcast_in_dim3A : f32 to vector<224x32xf32>
    %concatenate3A = tpu.concatenate %transpose3A, %broadcast_in_dim3A_4 in 1 : vector<224x96xf32>, vector<224x32xf32> -> vector<224x128xf32>
    %swap3A = arith.constant 0 : index
    %swap3A_5 = arith.constant 0 : index
    %swap3A_6 = arith.constant 0 : index
    %swap3A_7 = vector.load %arg2[%swap3A, %swap3A_5, %swap3A_6] : memref<64x224x128xf32, #tpu.memory_space<vmem>>, vector<1x224x128xf32>
    %swap3A_8 = vector.shape_cast %swap3A_7 : vector<1x224x128xf32> to vector<224x128xf32>
    %swap3A_9 = vector.shape_cast %concatenate3A : vector<224x128xf32> to vector<1x224x128xf32>
    tpu.vector_store %arg2[%swap3A, %swap3A_5, %swap3A_6], %swap3A_9 {strides = array<i32>} : memref<64x224x128xf32, #tpu.memory_space<vmem>>, vector<1x224x128xf32>,
    %get3A_10 = arith.constant 1 : index
    %get3A_11 = arith.constant 0 : index
    %get3A_12 = arith.constant 0 : index
    %get3A_13 = vector.load %arg1[%get3A_10, %get3A_11, %get3A_12] : memref<64x96x224xf32, #tpu.memory_space<vmem>>, vector<1x96x224xf32>
    %get3A_14 = vector.shape_cast %get3A_13 : vector<1x96x224xf32> to vector<96x224xf32>
    %transpose3A_15 = tpu.transpose %get3A_14, [1, 0] : vector<96x224xf32> -> vector<224x96xf32>
    %broadcast_in_dim3A_16 = arith.constant 0.000000e+00 : f32
    %broadcast_in_dim3A_17 = vector.broadcast %broadcast_in_dim3A_16 : f32 to vector<224x32xf32>
    %concatenate3A_18 = tpu.concatenate %transpose3A_15, %broadcast_in_dim3A_17 in 1 : vector<224x96xf32>, vector<224x32xf32> -> vector<224x128xf32>
    %swap3A_19 = arith.constant 1 : index
    %swap3A_20 = arith.constant 0 : index
    %swap3A_21 = arith.constant 0 : index
    %swap3A_22 = vector.load %arg2[%swap3A_19, %swap3A_20, %swap3A_21] : memref<64x224x128xf32, #tpu.memory_space<vmem>>, vector<1x224x128xf32>
    %swap3A_23 = vector.shape_cast %swap3A_22 : vector<1x224x128xf32> to vector<224x128xf32>
    %swap3A_24 = vector.shape_cast %concatenate3A_18 : vector<224x128xf32> to vector<1x224x128xf32>
    tpu.vector_store %arg2[%swap3A_19, %swap3A_20, %swap3A_21], %swap3A_24 {strides = array<i32>} : memref<64x224x128xf32, #tpu.memory_space<vmem>>, vector<1x224x128xf32>,
    %get3A_25 = arith.constant 2 : index
    %get3A_26 = arith.constant 0 : index
    %get3A_27 = arith.constant 0 : index
    %get3A_28 = vector.load %arg1[%get3A_25, %get3A_26, %get3A_27] : memref<64x96x224xf32, #tpu.memory_space<vmem>>, vector<1x96x224xf32>
    %get3A_29 = vector.shape_cast %get3A_28 : vector<1x96x224xf32> to vector<96x224xf32>
    %transpose3A_30 = tpu.transpose %get3A_29, [1, 0] : vector<96x224xf32> -> vector<224x96xf32>
    %broadcast_in_dim3A_31 = arith.constant 0.000000e+00 : f32
    %broadcast_in_dim3A_32 = vector.broadcast %broadcast_in_dim3A_31 : f32 to vector<224x32xf32>
    %concatenate3A_33 = tpu.concatenate %transpose3A_30, %broadcast_in_dim3A_32 in 1 : vector<224x96xf32>, vector<224x32xf32> -> vector<224x128xf32>
    %swap3A_34 = arith.constant 2 : index
    %swap3A_35 = arith.constant 0 : index
    %swap3A_36 = arith.constant 0 : index
    %swap3A_37 = vector.load %arg2[%swap3A_34, %swap3A_35, %swap3A_36] : memref<64x224x128xf32, #tpu.memory_space<vmem>>, vector<1x224x128xf32>
    %swap3A_38 = vector.shape_cast %swap3A_37 : vector<1x224x128xf32> to vector<224x128xf32>
    %swap3A_39 = vector.shape_cast %concatenate3A_33 : vector<224x128xf32> to vector<1x224x128xf32>
    tpu.vector_store %arg2[%swap3A_34, %swap3A_35, %swap3A_36], %swap3A_39 {strides = array<i32>} : memref<64x224x128xf32, #tpu.memory_space<vmem>>, vector<1x224x128xf32>,
    %get3A_40 = arith.constant 3 : index
    %get3A_41 = arith.constant 0 : index
    %get3A_42 = arith.constant 0 : index
    %get3A_43 = vector.load %arg1[%get3A_40, %get3A_41, %get3A_42] : memref<64x96x224xf32, #tpu.memory_space<vmem>>, vector<1x96x224xf32>
    %get3A_44 = vector.shape_cast %get3A_43 : vector<1x96x224xf32> to vector<96x224xf32>
    %transpose3A_45 = tpu.transpose %get3A_44, [1, 0] : vector<96x224xf32> -> vector<224x96xf32>
    %broadcast_in_dim3A_46 = arith.constant 0.000000e+00 : f32
    %broadcast_in_dim3A_47 = vector.broadcast %broadcast_in_dim3A_46 : f32 to vector<224x32xf32>
    %concatenate3A_48 = tpu.concatenate %transpose3A_45, %broadcast_in_dim3A_47 in 1 : vector<224x96xf32>, vector<224x32xf32> -> vector<224x128xf32>
    %swap3A_49 = arith.constant 3 : index
    %swap3A_50 = arith.constant 0 : index
    %swap3A_51 = arith.constant 0 : index
    %swap3A_52 = vector.load %arg2[%swap3A_49, %swap3A_50, %swap3A_51] : memref<64x224x128xf32, #tpu.memory_space<vmem>>, vector<1x224x128xf32>
    %swap3A_53 = vector.shape_cast %swap3A_52 : vector<1x224x128xf32> to vector<224x128xf32>
    %swap3A_54 = vector.shape_cast %concatenate3A_48 : vector<224x128xf32> to vector<1x224x128xf32>
    tpu.vector_store %arg2[%swap3A_49, %swap3A_50, %swap3A_51], %swap3A_54 {strides = array<i32>} : memref<64x224x128xf32, #tpu.memory_space<vmem>>, vector<1x224x128xf32>,
    %get3A_55 = arith.constant 4 : index
    %get3A_56 = arith.constant 0 : index
    %get3A_57 = arith.constant 0 : index
    %get3A_58 = vector.load %arg1[%get3A_55, %get3A_56, %get3A_57] : memref<64x96x224xf32, #tpu.memory_space<vmem>>, vector<1x96x224xf32>
    %get3A_59 = vector.shape_cast %get3A_58 : vector<1x96x224xf32> to vector<96x224xf32>
    %transpose3A_60 = tpu.transpose %get3A_59, [1, 0] : vector<96x224xf32> -> vector<224x96xf32>
    %broadcast_in_dim3A_61 = arith.constant 0.000000e+00 : f32
    %broadcast_in_dim3A_62 = vector.broadcast %broadcast_in_dim3A_61 : f32 to vector<224x32xf32>
    %concatenate3A_63 = tpu.concatenate %transpose3A_60, %broadcast_in_dim3A_62 in 1 : vector<224x96xf32>, vector<224x32xf32> -> vector<224x128xf32>
    %swap3A_64 = arith.constant 4 : index
    %swap3A_65 = arith.constant 0 : index
    %swap3A_66 = arith.constant 0 : index
    %swap3A_67 = vector.load %arg2[%swap3A_64, %swap3A_65, %swap3A_66] : memref<64x224x128xf32, #tpu.memory_space<vmem>>, vector<1x224x128xf32>
    %swap3A_68 = vector.shape_cast %swap3A_67 : vector<1x224x128xf32> to vector<224x128xf32>
    %swap3A_69 = vector.shape_cast %concatenate3A_63 : vector<224x128xf32> to vector<1x224x128xf32>
    tpu.vector_store %arg2[%swap3A_64, %swap3A_65, %swap3A_66], %swap3A_69 {strides = array<i32>} : memref<64x224x128xf32, #tpu.memory_space<vmem>>, vector<1x224x128xf32>,
    %get3A_70 = arith.constant 5 : index
    %get3A_71 = arith.constant 0 : index
    %get3A_72 = arith.constant 0 : index
    %get3A_73 = vector.load %arg1[%get3A_70, %get3A_71, %get3A_72] : memref<64x96x224xf32, #tpu.memory_space<vmem>>, vector<1x96x224xf32>
    %get3A_74 = vector.shape_cast %get3A_73 : vector<1x96x224xf32> to vector<96x224xf32>
    %transpose3A_75 = tpu.transpose %get3A_74, [1, 0] : vector<96x224xf32> -> vector<224x96xf32>
    %broadcast_in_dim3A_76 = arith.constant 0.000000e+00 : f32
    %broadcast_in_dim3A_77 = vector.broadcast %broadcast_in_dim3A_76 : f32 to vector<224x32xf32>
    %concatenate3A_78 = tpu.concatenate %transpose3A_75, %broadcast_in_dim3A_77 in 1 : vector<224x96xf32>, vector<224x32xf32> -> vector<224x128xf32>
    %swap3A_79 = arith.constant 5 : index
    %swap3A_80 = arith.constant 0 : index
    %swap3A_81 = arith.constant 0 : index
    %swap3A_82 = vector.load %arg2[%swap3A_79, %swap3A_80, %swap3A_81] : memref<64x224x128xf32, #tpu.memory_space<vmem>>, vector<1x224x128xf32>
    %swap3A_83 = vector.shape_cast %swap3A_82 : vector<1x224x128xf32> to vector<224x128xf32>
    %swap3A_84 = vector.shape_cast %concatenate3A_78 : vector<224x128xf32> to vector<1x224x128xf32>
    tpu.vector_store %arg2[%swap3A_79, %swap3A_80, %swap3A_81], %swap3A_84 {strides = array<i32>} : memref<64x224x128xf32, #tpu.memory_space<vmem>>, vector<1x224x128xf32>,
    %get3A_85 = arith.constant 6 : index
    %get3A_86 = arith.constant 0 : index
    %get3A_87 = arith.constant 0 : index
    %get3A_88 = vector.load %arg1[%get3A_85, %get3A_86, %get3A_87] : memref<64x96x224xf32, #tpu.memory_space<vmem>>, vector<1x96x224xf32>
    %get3A_89 = vector.shape_cast %get3A_88 : vector<1x96x224xf32> to vector<96x224xf32>
    %transpose3A_90 = tpu.transpose %get3A_89, [1, 0] : vector<96x224xf32> -> vector<224x96xf32>
    %broadcast_in_dim3A_91 = arith.constant 0.000000e+00 : f32
    %broadcast_in_dim3A_92 = vector.broadcast %broadcast_in_dim3A_91 : f32 to vector<224x32xf32>
    %concatenate3A_93 = tpu.concatenate %transpose3A_90, %broadcast_in_dim3A_92 in 1 : vector<224x96xf32>, vector<224x32xf32> -> vector<224x128xf32>
    %swap3A_94 = arith.constant 6 : index
    %swap3A_95 = arith.constant 0 : index
    %swap3A_96 = arith.constant 0 : index
    %swap3A_97 = vector.load %arg2[%swap3A_94, %swap3A_95, %swap3A_96] : memref<64x224x128xf32, #tpu.memory_space<vmem>>, vector<1x224x128xf32>
    %swap3A_98 = vector.shape_cast %swap3A_97 : vector<1x224x128xf32> to vector<224x128xf32>
    %swap3A_99 = vector.shape_cast %concatenate3A_93 : vector<224x128xf32> to vector<1x224x128xf32>
    tpu.vector_store %arg2[%swap3A_94, %swap3A_95, %swap3A_96], %swap3A_99 {strides = array<i32>} : memref<64x224x128xf32, #tpu.memory_space<vmem>>, vector<1x224x128xf32>,
    %get3A_100 = arith.constant 7 : index
    %get3A_101 = arith.constant 0 : index
    %get3A_102 = arith.constant 0 : index
    %get3A_103 = vector.load %arg1[%get3A_100, %get3A_101, %get3A_102] : memref<64x96x224xf32, #tpu.memory_space<vmem>>, vector<1x96x224xf32>
    %get3A_104 = vector.shape_cast %get3A_103 : vector<1x96x224xf32> to vector<96x224xf32>
    %transpose3A_105 = tpu.transpose %get3A_104, [1, 0] : vector<96x224xf32> -> vector<224x96xf32>
    %broadcast_in_dim3A_106 = arith.constant 0.000000e+00 : f32
    %broadcast_in_dim3A_107 = vector.broadcast %broadcast_in_dim3A_106 : f32 to vector<224x32xf32>
    %concatenate3A_108 = tpu.concatenate %transpose3A_105, %broadcast_in_dim3A_107 in 1 : vector<224x96xf32>, vector<224x32xf32> -> vector<224x128xf32>
    %swap3A_109 = arith.constant 7 : index
    %swap3A_110 = arith.constant 0 : index
    %swap3A_111 = arith.constant 0 : index
    %swap3A_112 = vector.load %arg2[%swap3A_109, %swap3A_110, %swap3A_111] : memref<64x224x128xf32, #tpu.memory_space<vmem>>, vector<1x224x128xf32>
    %swap3A_113 = vector.shape_cast %swap3A_112 : vector<1x224x128xf32> to vector<224x128xf32>
    %swap3A_114 = vector.shape_cast %concatenate3A_108 : vector<224x128xf32> to vector<1x224x128xf32>
    tpu.vector_store %arg2[%swap3A_109, %swap3A_110, %swap3A_111], %swap3A_114 {strides = array<i32>} : memref<64x224x128xf32, #tpu.memory_space<vmem>>, vector<1x224x128xf32>,
    %get3A_115 = arith.constant 8 : index
    %get3A_116 = arith.constant 0 : index
    %get3A_117 = arith.constant 0 : index
    %get3A_118 = vector.load %arg1[%get3A_115, %get3A_116, %get3A_117] : memref<64x96x224xf32, #tpu.memory_space<vmem>>, vector<1x96x224xf32>
    %get3A_119 = vector.shape_cast %get3A_118 : vector<1x96x224xf32> to vector<96x224xf32>
    %transpose3A_120 = tpu.transpose %get3A_119, [1, 0] : vector<96x224xf32> -> vector<224x96xf32>
    %broadcast_in_dim3A_121 = arith.constant 0.000000e+00 : f32
    %broadcast_in_dim3A_122 = vector.broadcast %broadcast_in_dim3A_121 : f32 to vector<224x32xf32>
    %concatenate3A_123 = tpu.concatenate %transpose3A_120, %broadcast_in_dim3A_122 in 1 : vector<224x96xf32>, vector<224x32xf32> -> vector<224x128xf32>
    %swap3A_124 = arith.constant 8 : index
    %swap3A_125 = arith.constant 0 : index
    %swap3A_126 = arith.constant 0 : index
    %swap3A_127 = vector.load %arg2[%swap3A_124, %swap3A_125, %swap3A_126] : memref<64x224x128xf32, #tpu.memory_space<vmem>>, vector<1x224x128xf32>
    %swap3A_128 = vector.shape_cast %swap3A_127 : vector<1x224x128xf32> to vector<224x128xf32>
    %swap3A_129 = vector.shape_cast %concatenate3A_123 : vector<224x128xf32> to vector<1x224x128xf32>
    tpu.vector_store %arg2[%swap3A_124, %swap3A_125, %swap3A_126], %swap3A_129 {strides = array<i32>} : memref<64x224x128xf32, #tpu.memory_space<vmem>>, vector<1x224x128xf32>,
    %get3A_130 = arith.constant 9 : index
    %get3A_131 = arith.constant 0 : index
    %get3A_132 = arith.constant 0 : index
    %get3A_133 = vector.load %arg1[%get3A_130, %get3A_131, %get3A_132] : memref<64x96x224xf32, #tpu.memory_space<vmem>>, vector<1x96x224xf32>
    %get3A_134 = vector.shape_cast %get3A_133 : vector<1x96x224xf32> to vector<96x224xf32>
    %transpose3A_135 = tpu.transpose %get3A_134, [1, 0] : vector<96x224xf32> -> vector<224x96xf32>
    %broadcast_in_dim3A_136 = arith.constant 0.000000e+00 : f32
    %broadcast_in_dim3A_137 = vector.broadcast %broadcast_in_dim3A_136 : f32 to vector<224x32xf32>
    %concatenate3A_138 = tpu.concatenate %transpose3A_135, %broadcast_in_dim3A_137 in 1 : vector<224x96xf32>, vector<224x32xf32> -> vector<224x128xf32>
    %swap3A_139 = arith.constant 9 : index
    %swap3A_140 = arith.constant 0 : index
    %swap3A_141 = arith.constant 0 : index
    %swap3A_142 = vector.load %arg2[%swap3A_139, %swap3A_140, %swap3A_141] : memref<64x224x128xf32, #tpu.memory_space<vmem>>, vector<1x224x128xf32>
    %swap3A_143 = vector.shape_cast %swap3A_142 : vector<1x224x128xf32> to vector<224x128xf32>
    %swap3A_144 = vector.shape_cast %concatenate3A_138 : vector<224x128xf32> to vector<1x224x128xf32>
    tpu.vector_store %arg2[%swap3A_139, %swap3A_140, %swap3A_141], %swap3A_144 {strides = array<i32>} : memref<64x224x128xf32, #tpu.memory_space<vmem>>, vector<1x224x128xf32>,
    %get3A_145 = arith.constant 10 : index
    %get3A_146 = arith.constant 0 : index
    %get3A_147 = arith.constant 0 : index
    %get3A_148 = vector.load %arg1[%get3A_145, %get3A_146, %get3A_147] : memref<64x96x224xf32, #tpu.memory_space<vmem>>, vector<1x96x224xf32>
    %get3A_149 = vector.shape_cast %get3A_148 : vector<1x96x224xf32> to vector<96x224xf32>
    %transpose3A_150 = tpu.transpose %get3A_149, [1, 0] : vector<96x224xf32> -> vector<224x96xf32>
    %broadcast_in_dim3A_151 = arith.constant 0.000000e+00 : f32
    %broadcast_in_dim3A_152 = vector.broadcast %broadcast_in_dim3A_151 : f32 to vector<224x32xf32>
    %concatenate3A_153 = tpu.concatenate %transpose3A_150, %broadcast_in_dim3A_152 in 1 : vector<224x96xf32>, vector<224x32xf32> -> vector<224x128xf32>
    %swap3A_154 = arith.constant 10 : index
    %swap3A_155 = arith.constant 0 : index
    %swap3A_156 = arith.constant 0 : index
    %swap3A_157 = vector.load %arg2[%swap3A_154, %swap3A_155, %swap3A_156] : memref<64x224x128xf32, #tpu.memory_space<vmem>>, vector<1x224x128xf32>
    %swap3A_158 = vector.shape_cast %swap3A_157 : vector<1x224x128xf32> to vector<224x128xf32>
    %swap3A_159 = vector.shape_cast %concatenate3A_153 : vector<224x128xf32> to vector<1x224x128xf32>
    tpu.vector_store %arg2[%swap3A_154, %swap3A_155, %swap3A_156], %swap3A_159 {strides = array<i32>} : memref<64x224x128xf32, #tpu.memory_space<vmem>>, vector<1x224x128xf32>,
    %get3A_160 = arith.constant 11 : index
    %get3A_161 = arith.constant 0 : index
    %get3A_162 = arith.constant 0 : index
    %get3A_163 = vector.load %arg1[%get3A_160, %get3A_161, %get3A_162] : memref<64x96x224xf32, #tpu.memory_space<vmem>>, vector<1x96x224xf32>
    %get3A_164 = vector.shape_cast %get3A_163 : vector<1x96x224xf32> to vector<96x224xf32>
    %transpose3A_165 = tpu.transpose %get3A_164, [1, 0] : vector<96x224xf32> -> vector<224x96xf32>
    %broadcast_in_dim3A_166 = arith.constant 0.000000e+00 : f32
    %broadcast_in_dim3A_167 = vector.broadcast %broadcast_in_dim3A_166 : f32 to vector<224x32xf32>
    %concatenate3A_168 = tpu.concatenate %transpose3A_165, %broadcast_in_dim3A_167 in 1 : vector<224x96xf32>, vector<224x32xf32> -> vector<224x128xf32>
    %swap3A_169 = arith.constant 11 : index
    %swap3A_170 = arith.constant 0 : index
    %swap3A_171 = arith.constant 0 : index
    %swap3A_172 = vector.load %arg2[%swap3A_169, %swap3A_170, %swap3A_171] : memref<64x224x128xf32, #tpu.memory_space<vmem>>, vector<1x224x128xf32>
    %swap3A_173 = vector.shape_cast %swap3A_172 : vector<1x224x128xf32> to vector<224x128xf32>
    %swap3A_174 = vector.shape_cast %concatenate3A_168 : vector<224x128xf32> to vector<1x224x128xf32>
    tpu.vector_store %arg2[%swap3A_169, %swap3A_170, %swap3A_171], %swap3A_174 {strides = array<i32>} : memref<64x224x128xf32, #tpu.memory_space<vmem>>, vector<1x224x128xf32>,
    %get3A_175 = arith.constant 12 : index
    %get3A_176 = arith.constant 0 : index
    %get3A_177 = arith.constant 0 : index
    %get3A_178 = vector.load %arg1[%get3A_175, %get3A_176, %get3A_177] : memref<64x96x224xf32, #tpu.memory_space<vmem>>, vector<1x96x224xf32>
    %get3A_179 = vector.shape_cast %get3A_178 : vector<1x96x224xf32> to vector<96x224xf32>
    %transpose3A_180 = tpu.transpose %get3A_179, [1, 0] : vector<96x224xf32> -> vector<224x96xf32>
    %broadcast_in_dim3A_181 = arith.constant 0.000000e+00 : f32
    %broadcast_in_dim3A_182 = vector.broadcast %broadcast_in_dim3A_181 : f32 to vector<224x32xf32>
    %concatenate3A_183 = tpu.concatenate %transpose3A_180, %broadcast_in_dim3A_182 in 1 : vector<224x96xf32>, vector<224x32xf32> -> vector<224x128xf32>
    %swap3A_184 = arith.constant 12 : index
    %swap3A_185 = arith.constant 0 : index
    %swap3A_186 = arith.constant 0 : index
    %swap3A_187 = vector.load %arg2[%swap3A_184, %swap3A_185, %swap3A_186] : memref<64x224x128xf32, #tpu.memory_space<vmem>>, vector<1x224x128xf32>
    %swap3A_188 = vector.shape_cast %swap3A_187 : vector<1x224x128xf32> to vector<224x128xf32>
    %swap3A_189 = vector.shape_cast %concatenate3A_183 : vector<224x128xf32> to vector<1x224x128xf32>
    tpu.vector_store %arg2[%swap3A_184, %swap3A_185, %swap3A_186], %swap3A_189 {strides = array<i32>} : memref<64x224x128xf32, #tpu.memory_space<vmem>>, vector<1x224x128xf32>,
    %get3A_190 = arith.constant 13 : index
    %get3A_191 = arith.constant 0 : index
    %get3A_192 = arith.constant 0 : index
    %get3A_193 = vector.load %arg1[%get3A_190, %get3A_191, %get3A_192] : memref<64x96x224xf32, #tpu.memory_space<vmem>>, vector<1x96x224xf32>
    %get3A_194 = vector.shape_cast %get3A_193 : vector<1x96x224xf32> to vector<96x224xf32>
    %transpose3A_195 = tpu.transpose %get3A_194, [1, 0] : vector<96x224xf32> -> vector<224x96xf32>
    %broadcast_in_dim3A_196 = arith.constant 0.000000e+00 : f32
    %broadcast_in_dim3A_197 = vector.broadcast %broadcast_in_dim3A_196 : f32 to vector<224x32xf32>
    %concatenate3A_198 = tpu.concatenate %transpose3A_195, %broadcast_in_dim3A_197 in 1 : vector<224x96xf32>, vector<224x32xf32> -> vector<224x128xf32>
    %swap3A_199 = arith.constant 13 : index
    %swap3A_200 = arith.constant 0 : index
    %swap3A_201 = arith.constant 0 : index
    %swap3A_202 = vector.load %arg2[%swap3A_199, %swap3A_200, %swap3A_201] : memref<64x224x128xf32, #tpu.memory_space<vmem>>, vector<1x224x128xf32>
    %swap3A_203 = vector.shape_cast %swap3A_202 : vector<1x224x128xf32> to vector<224x128xf32>
    %swap3A_204 = vector.shape_cast %concatenate3A_198 : vector<224x128xf32> to vector<1x224x128xf32>
    tpu.vector_store %arg2[%swap3A_199, %swap3A_200, %swap3A_201], %swap3A_204 {strides = array<i32>} : memref<64x224x128xf32, #tpu.memory_space<vmem>>, vector<1x224x128xf32>,
    %get3A_205 = arith.constant 14 : index
    %get3A_206 = arith.constant 0 : index
    %get3A_207 = arith.constant 0 : index
    %get3A_208 = vector.load %arg1[%get3A_205, %get3A_206, %get3A_207] : memref<64x96x224xf32, #tpu.memory_space<vmem>>, vector<1x96x224xf32>
    %get3A_209 = vector.shape_cast %get3A_208 : vector<1x96x224xf32> to vector<96x224xf32>
    %transpose3A_210 = tpu.transpose %get3A_209, [1, 0] : vector<96x224xf32> -> vector<224x96xf32>
    %broadcast_in_dim3A_211 = arith.constant 0.000000e+00 : f32
    %broadcast_in_dim3A_212 = vector.broadcast %broadcast_in_dim3A_211 : f32 to vector<224x32xf32>
    %concatenate3A_213 = tpu.concatenate %transpose3A_210, %broadcast_in_dim3A_212 in 1 : vector<224x96xf32>, vector<224x32xf32> -> vector<224x128xf32>
    %swap3A_214 = arith.constant 14 : index
    %swap3A_215 = arith.constant 0 : index
    %swap3A_216 = arith.constant 0 : index
    %swap3A_217 = vector.load %arg2[%swap3A_214, %swap3A_215, %swap3A_216] : memref<64x224x128xf32, #tpu.memory_space<vmem>>, vector<1x224x128xf32>
    %swap3A_218 = vector.shape_cast %swap3A_217 : vector<1x224x128xf32> to vector<224x128xf32>
    %swap3A_219 = vector.shape_cast %concatenate3A_213 : vector<224x128xf32> to vector<1x224x128xf32>
    tpu.vector_store %arg2[%swap3A_214, %swap3A_215, %swap3A_216], %swap3A_219 {strides = array<i32>} : memref<64x224x128xf32, #tpu.memory_space<vmem>>, vector<1x224x128xf32>,
    %get3A_220 = arith.constant 15 : index
    %get3A_221 = arith.constant 0 : index
    %get3A_222 = arith.constant 0 : index
    %get3A_223 = vector.load %arg1[%get3A_220, %get3A_221, %get3A_222] : memref<64x96x224xf32, #tpu.memory_space<vmem>>, vector<1x96x224xf32>
    %get3A_224 = vector.shape_cast %get3A_223 : vector<1x96x224xf32> to vector<96x224xf32>
    %transpose3A_225 = tpu.transpose %get3A_224, [1, 0] : vector<96x224xf32> -> vector<224x96xf32>
    %broadcast_in_dim3A_226 = arith.constant 0.000000e+00 : f32
    %broadcast_in_dim3A_227 = vector.broadcast %broadcast_in_dim3A_226 : f32 to vector<224x32xf32>
    %concatenate3A_228 = tpu.concatenate %transpose3A_225, %broadcast_in_dim3A_227 in 1 : vector<224x96xf32>, vector<224x32xf32> -> vector<224x128xf32>
    %swap3A_229 = arith.constant 15 : index
    %swap3A_230 = arith.constant 0 : index
    %swap3A_231 = arith.constant 0 : index
    %swap3A_232 = vector.load %arg2[%swap3A_229, %swap3A_230, %swap3A_231] : memref<64x224x128xf32, #tpu.memory_space<vmem>>, vector<1x224x128xf32>
    %swap3A_233 = vector.shape_cast %swap3A_232 : vector<1x224x128xf32> to vector<224x128xf32>
    %swap3A_234 = vector.shape_cast %concatenate3A_228 : vector<224x128xf32> to vector<1x224x128xf32>
    tpu.vector_store %arg2[%swap3A_229, %swap3A_230, %swap3A_231], %swap3A_234 {strides = array<i32>} : memref<64x224x128xf32, #tpu.memory_space<vmem>>, vector<1x224x128xf32>,
    %get3A_235 = arith.constant 16 : index
    %get3A_236 = arith.constant 0 : index
    %get3A_237 = arith.constant 0 : index
    %get3A_238 = vector.load %arg1[%get3A_235, %get3A_236, %get3A_237] : memref<64x96x224xf32, #tpu.memory_space<vmem>>, vector<1x96x224xf32>
    %get3A_239 = vector.shape_cast %get3A_238 : vector<1x96x224xf32> to vector<96x224xf32>
    %transpose3A_240 = tpu.transpose %get3A_239, [1, 0] : vector<96x224xf32> -> vector<224x96xf32>
    %broadcast_in_dim3A_241 = arith.constant 0.000000e+00 : f32
    %broadcast_in_dim3A_242 = vector.broadcast %broadcast_in_dim3A_241 : f32 to vector<224x32xf32>
    %concatenate3A_243 = tpu.concatenate %transpose3A_240, %broadcast_in_dim3A_242 in 1 : vector<224x96xf32>, vector<224x32xf32> -> vector<224x128xf32>
    %swap3A_244 = arith.constant 16 : index
    %swap3A_245 = arith.constant 0 : index
    %swap3A_246 = arith.constant 0 : index
    %swap3A_247 = vector.load %arg2[%swap3A_244, %swap3A_245, %swap3A_246] : memref<64x224x128xf32, #tpu.memory_space<vmem>>, vector<1x224x128xf32>
    %swap3A_248 = vector.shape_cast %swap3A_247 : vector<1x224x128xf32> to vector<224x128xf32>
    %swap3A_249 = vector.shape_cast %concatenate3A_243 : vector<224x128xf32> to vector<1x224x128xf32>
    tpu.vector_store %arg2[%swap3A_244, %swap3A_245, %swap3A_246], %swap3A_249 {strides = array<i32>} : memref<64x224x128xf32, #tpu.memory_space<vmem>>, vector<1x224x128xf32>,
    %get3A_250 = arith.constant 17 : index
    %get3A_251 = arith.constant 0 : index
    %get3A_252 = arith.constant 0 : index
    %get3A_253 = vector.load %arg1[%get3A_250, %get3A_251, %get3A_252] : memref<64x96x224xf32, #tpu.memory_space<vmem>>, vector<1x96x224xf32>
    %get3A_254 = vector.shape_cast %get3A_253 : vector<1x96x224xf32> to vector<96x224xf32>
    %transpose3A_255 = tpu.transpose %get3A_254, [1, 0] : vector<96x224xf32> -> vector<224x96xf32>
    %broadcast_in_dim3A_256 = arith.constant 0.000000e+00 : f32
    %broadcast_in_dim3A_257 = vector.broadcast %broadcast_in_dim3A_256 : f32 to vector<224x32xf32>
    %concatenate3A_258 = tpu.concatenate %transpose3A_255, %broadcast_in_dim3A_257 in 1 : vector<224x96xf32>, vector<224x32xf32> -> vector<224x128xf32>
    %swap3A_259 = arith.constant 17 : index
    %swap3A_260 = arith.constant 0 : index
    %swap3A_261 = arith.constant 0 : index
    %swap3A_262 = vector.load %arg2[%swap3A_259, %swap3A_260, %swap3A_261] : memref<64x224x128xf32, #tpu.memory_space<vmem>>, vector<1x224x128xf32>
    %swap3A_263 = vector.shape_cast %swap3A_262 : vector<1x224x128xf32> to vector<224x128xf32>
    %swap3A_264 = vector.shape_cast %concatenate3A_258 : vector<224x128xf32> to vector<1x224x128xf32>
    tpu.vector_store %arg2[%swap3A_259, %swap3A_260, %swap3A_261], %swap3A_264 {strides = array<i32>} : memref<64x224x128xf32, #tpu.memory_space<vmem>>, vector<1x224x128xf32>,
    %get3A_265 = arith.constant 18 : index
    %get3A_266 = arith.constant 0 : index
    %get3A_267 = arith.constant 0 : index
    %get3A_268 = vector.load %arg1[%get3A_265, %get3A_266, %get3A_267] : memref<64x96x224xf32, #tpu.memory_space<vmem>>, vector<1x96x224xf32>
    %get3A_269 = vector.shape_cast %get3A_268 : vector<1x96x224xf32> to vector<96x224xf32>
    %transpose3A_270 = tpu.transpose %get3A_269, [1, 0] : vector<96x224xf32> -> vector<224x96xf32>
    %broadcast_in_dim3A_271 = arith.constant 0.000000e+00 : f32
    %broadcast_in_dim3A_272 = vector.broadcast %broadcast_in_dim3A_271 : f32 to vector<224x32xf32>
    %concatenate3A_273 = tpu.concatenate %transpose3A_270, %broadcast_in_dim3A_272 in 1 : vector<224x96xf32>, vector<224x32xf32> -> vector<224x128xf32>
    %swap3A_274 = arith.constant 18 : index
    %swap3A_275 = arith.constant 0 : index
    %swap3A_276 = arith.constant 0 : index
    %swap3A_277 = vector.load %arg2[%swap3A_274, %swap3A_275, %swap3A_276] : memref<64x224x128xf32, #tpu.memory_space<vmem>>, vector<1x224x128xf32>
    %swap3A_278 = vector.shape_cast %swap3A_277 : vector<1x224x128xf32> to vector<224x128xf32>
    %swap3A_279 = vector.shape_cast %concatenate3A_273 : vector<224x128xf32> to vector<1x224x128xf32>
    tpu.vector_store %arg2[%swap3A_274, %swap3A_275, %swap3A_276], %swap3A_279 {strides = array<i32>} : memref<64x224x128xf32, #tpu.memory_space<vmem>>, vector<1x224x128xf32>,
    %get3A_280 = arith.constant 19 : index
    %get3A_281 = arith.constant 0 : index
    %get3A_282 = arith.constant 0 : index
    %get3A_283 = vector.load %arg1[%get3A_280, %get3A_281, %get3A_282] : memref<64x96x224xf32, #tpu.memory_space<vmem>>, vector<1x96x224xf32>
    %get3A_284 = vector.shape_cast %get3A_283 : vector<1x96x224xf32> to vector<96x224xf32>
    %transpose3A_285 = tpu.transpose %get3A_284, [1, 0] : vector<96x224xf32> -> vector<224x96xf32>
    %broadcast_in_dim3A_286 = arith.constant 0.000000e+00 : f32
    %broadcast_in_dim3A_287 = vector.broadcast %broadcast_in_dim3A_286 : f32 to vector<224x32xf32>
    %concatenate3A_288 = tpu.concatenate %transpose3A_285, %broadcast_in_dim3A_287 in 1 : vector<224x96xf32>, vector<224x32xf32> -> vector<224x128xf32>
    %swap3A_289 = arith.constant 19 : index
    %swap3A_290 = arith.constant 0 : index
    %swap3A_291 = arith.constant 0 : index
    %swap3A_292 = vector.load %arg2[%swap3A_289, %swap3A_290, %swap3A_291] : memref<64x224x128xf32, #tpu.memory_space<vmem>>, vector<1x224x128xf32>
    %swap3A_293 = vector.shape_cast %swap3A_292 : vector<1x224x128xf32> to vector<224x128xf32>
    %swap3A_294 = vector.shape_cast %concatenate3A_288 : vector<224x128xf32> to vector<1x224x128xf32>
    tpu.vector_store %arg2[%swap3A_289, %swap3A_290, %swap3A_291], %swap3A_294 {strides = array<i32>} : memref<64x224x128xf32, #tpu.memory_space<vmem>>, vector<1x224x128xf32>,
    %get3A_295 = arith.constant 20 : index
    %get3A_296 = arith.constant 0 : index
    %get3A_297 = arith.constant 0 : index
    %get3A_298 = vector.load %arg1[%get3A_295, %get3A_296, %get3A_297] : memref<64x96x224xf32, #tpu.memory_space<vmem>>, vector<1x96x224xf32>
    %get3A_299 = vector.shape_cast %get3A_298 : vector<1x96x224xf32> to vector<96x224xf32>
    %transpose3A_300 = tpu.transpose %get3A_299, [1, 0] : vector<96x224xf32> -> vector<224x96xf32>
    %broadcast_in_dim3A_301 = arith.constant 0.000000e+00 : f32
    %broadcast_in_dim3A_302 = vector.broadcast %broadcast_in_dim3A_301 : f32 to vector<224x32xf32>
    %concatenate3A_303 = tpu.concatenate %transpose3A_300, %broadcast_in_dim3A_302 in 1 : vector<224x96xf32>, vector<224x32xf32> -> vector<224x128xf32>
    %swap3A_304 = arith.constant 20 : index
    %swap3A_305 = arith.constant 0 : index
    %swap3A_306 = arith.constant 0 : index
    %swap3A_307 = vector.load %arg2[%swap3A_304, %swap3A_305, %swap3A_306] : memref<64x224x128xf32, #tpu.memory_space<vmem>>, vector<1x224x128xf32>
    %swap3A_308 = vector.shape_cast %swap3A_307 : vector<1x224x128xf32> to vector<224x128xf32>
    %swap3A_309 = vector.shape_cast %concatenate3A_303 : vector<224x128xf32> to vector<1x224x128xf32>
    tpu.vector_store %arg2[%swap3A_304, %swap3A_305, %swap3A_306], %swap3A_309 {strides = array<i32>} : memref<64x224x128xf32, #tpu.memory_space<vmem>>, vector<1x224x128xf32>,
    %get3A_310 = arith.constant 21 : index
    %get3A_311 = arith.constant 0 : index
    %get3A_312 = arith.constant 0 : index
    %get3A_313 = vector.load %arg1[%get3A_310, %get3A_311, %get3A_312] : memref<64x96x224xf32, #tpu.memory_space<vmem>>, vector<1x96x224xf32>
    %get3A_314 = vector.shape_cast %get3A_313 : vector<1x96x224xf32> to vector<96x224xf32>
    %transpose3A_315 = tpu.transpose %get3A_314, [1, 0] : vector<96x224xf32> -> vector<224x96xf32>
    %broadcast_in_dim3A_316 = arith.constant 0.000000e+00 : f32
    %broadcast_in_dim3A_317 = vector.broadcast %broadcast_in_dim3A_316 : f32 to vector<224x32xf32>
    %concatenate3A_318 = tpu.concatenate %transpose3A_315, %broadcast_in_dim3A_317 in 1 : vector<224x96xf32>, vector<224x32xf32> -> vector<224x128xf32>
    %swap3A_319 = arith.constant 21 : index
    %swap3A_320 = arith.constant 0 : index
    %swap3A_321 = arith.constant 0 : index
    %swap3A_322 = vector.load %arg2[%swap3A_319, %swap3A_320, %swap3A_321] : memref<64x224x128xf32, #tpu.memory_space<vmem>>, vector<1x224x128xf32>
    %swap3A_323 = vector.shape_cast %swap3A_322 : vector<1x224x128xf32> to vector<224x128xf32>
    %swap3A_324 = vector.shape_cast %concatenate3A_318 : vector<224x128xf32> to vector<1x224x128xf32>
    tpu.vector_store %arg2[%swap3A_319, %swap3A_320, %swap3A_321], %swap3A_324 {strides = array<i32>} : memref<64x224x128xf32, #tpu.memory_space<vmem>>, vector<1x224x128xf32>,
    %get3A_325 = arith.constant 22 : index
    %get3A_326 = arith.constant 0 : index
    %get3A_327 = arith.constant 0 : index
    %get3A_328 = vector.load %arg1[%get3A_325, %get3A_326, %get3A_327] : memref<64x96x224xf32, #tpu.memory_space<vmem>>, vector<1x96x224xf32>
    %get3A_329 = vector.shape_cast %get3A_328 : vector<1x96x224xf32> to vector<96x224xf32>
    %transpose3A_330 = tpu.transpose %get3A_329, [1, 0] : vector<96x224xf32> -> vector<224x96xf32>
    %broadcast_in_dim3A_331 = arith.constant 0.000000e+00 : f32
    %broadcast_in_dim3A_332 = vector.broadcast %broadcast_in_dim3A_331 : f32 to vector<224x32xf32>
    %concatenate3A_333 = tpu.concatenate %transpose3A_330, %broadcast_in_dim3A_332 in 1 : vector<224x96xf32>, vector<224x32xf32> -> vector<224x128xf32>
    %swap3A_334 = arith.constant 22 : index
    %swap3A_335 = arith.constant 0 : index
    %swap3A_336 = arith.constant 0 : index
    %swap3A_337 = vector.load %arg2[%swap3A_334, %swap3A_335, %swap3A_336] : memref<64x224x128xf32, #tpu.memory_space<vmem>>, vector<1x224x128xf32>
    %swap3A_338 = vector.shape_cast %swap3A_337 : vector<1x224x128xf32> to vector<224x128xf32>
    %swap3A_339 = vector.shape_cast %concatenate3A_333 : vector<224x128xf32> to vector<1x224x128xf32>
    tpu.vector_store %arg2[%swap3A_334, %swap3A_335, %swap3A_336], %swap3A_339 {strides = array<i32>} : memref<64x224x128xf32, #tpu.memory_space<vmem>>, vector<1x224x128xf32>,
    %get3A_340 = arith.constant 23 : index
    %get3A_341 = arith.constant 0 : index
    %get3A_342 = arith.constant 0 : index
    %get3A_343 = vector.load %arg1[%get3A_340, %get3A_341, %get3A_342] : memref<64x96x224xf32, #tpu.memory_space<vmem>>, vector<1x96x224xf32>
    %get3A_344 = vector.shape_cast %get3A_343 : vector<1x96x224xf32> to vector<96x224xf32>
    %transpose3A_345 = tpu.transpose %get3A_344, [1, 0] : vector<96x224xf32> -> vector<224x96xf32>
    %broadcast_in_dim3A_346 = arith.constant 0.000000e+00 : f32
    %broadcast_in_dim3A_347 = vector.broadcast %broadcast_in_dim3A_346 : f32 to vector<224x32xf32>
    %concatenate3A_348 = tpu.concatenate %transpose3A_345, %broadcast_in_dim3A_347 in 1 : vector<224x96xf32>, vector<224x32xf32> -> vector<224x128xf32>
    %swap3A_349 = arith.constant 23 : index
    %swap3A_350 = arith.constant 0 : index
    %swap3A_351 = arith.constant 0 : index
    %swap3A_352 = vector.load %arg2[%swap3A_349, %swap3A_350, %swap3A_351] : memref<64x224x128xf32, #tpu.memory_space<vmem>>, vector<1x224x128xf32>
    %swap3A_353 = vector.shape_cast %swap3A_352 : vector<1x224x128xf32> to vector<224x128xf32>
    %swap3A_354 = vector.shape_cast %concatenate3A_348 : vector<224x128xf32> to vector<1x224x128xf32>
    tpu.vector_store %arg2[%swap3A_349, %swap3A_350, %swap3A_351], %swap3A_354 {strides = array<i32>} : memref<64x224x128xf32, #tpu.memory_space<vmem>>, vector<1x224x128xf32>,
    %get3A_355 = arith.constant 24 : index
    %get3A_356 = arith.constant 0 : index
    %get3A_357 = arith.constant 0 : index
    %get3A_358 = vector.load %arg1[%get3A_355, %get3A_356, %get3A_357] : memref<64x96x224xf32, #tpu.memory_space<vmem>>, vector<1x96x224xf32>
    %get3A_359 = vector.shape_cast %get3A_358 : vector<1x96x224xf32> to vector<96x224xf32>
    %transpose3A_360 = tpu.transpose %get3A_359, [1, 0] : vector<96x224xf32> -> vector<224x96xf32>
    %broadcast_in_dim3A_361 = arith.constant 0.000000e+00 : f32
    %broadcast_in_dim3A_362 = vector.broadcast %broadcast_in_dim3A_361 : f32 to vector<224x32xf32>
    %concatenate3A_363 = tpu.concatenate %transpose3A_360, %broadcast_in_dim3A_362 in 1 : vector<224x96xf32>, vector<224x32xf32> -> vector<224x128xf32>
    %swap3A_364 = arith.constant 24 : index
    %swap3A_365 = arith.constant 0 : index
    %swap3A_366 = arith.constant 0 : index
    %swap3A_367 = vector.load %arg2[%swap3A_364, %swap3A_365, %swap3A_366] : memref<64x224x128xf32, #tpu.memory_space<vmem>>, vector<1x224x128xf32>
    %swap3A_368 = vector.shape_cast %swap3A_367 : vector<1x224x128xf32> to vector<224x128xf32>
    %swap3A_369 = vector.shape_cast %concatenate3A_363 : vector<224x128xf32> to vector<1x224x128xf32>
    tpu.vector_store %arg2[%swap3A_364, %swap3A_365, %swap3A_366], %swap3A_369 {strides = array<i32>} : memref<64x224x128xf32, #tpu.memory_space<vmem>>, vector<1x224x128xf32>,
    %get3A_370 = arith.constant 25 : index
    %get3A_371 = arith.constant 0 : index
    %get3A_372 = arith.constant 0 : index
    %get3A_373 = vector.load %arg1[%get3A_370, %get3A_371, %get3A_372] : memref<64x96x224xf32, #tpu.memory_space<vmem>>, vector<1x96x224xf32>
    %get3A_374 = vector.shape_cast %get3A_373 : vector<1x96x224xf32> to vector<96x224xf32>
    %transpose3A_375 = tpu.transpose %get3A_374, [1, 0] : vector<96x224xf32> -> vector<224x96xf32>
    %broadcast_in_dim3A_376 = arith.constant 0.000000e+00 : f32
    %broadcast_in_dim3A_377 = vector.broadcast %broadcast_in_dim3A_376 : f32 to vector<224x32xf32>
    %concatenate3A_378 = tpu.concatenate %transpose3A_375, %broadcast_in_dim3A_377 in 1 : vector<224x96xf32>, vector<224x32xf32> -> vector<224x128xf32>
    %swap3A_379 = arith.constant 25 : index
    %swap3A_380 = arith.constant 0 : index
    %swap3A_381 = arith.constant 0 : index
    %swap3A_382 = vector.load %arg2[%swap3A_379, %swap3A_380, %swap3A_381] : memref<64x224x128xf32, #tpu.memory_space<vmem>>, vector<1x224x128xf32>
    %swap3A_383 = vector.shape_cast %swap3A_382 : vector<1x224x128xf32> to vector<224x128xf32>
    %swap3A_384 = vector.shape_cast %concatenate3A_378 : vector<224x128xf32> to vector<1x224x128xf32>
    tpu.vector_store %arg2[%swap3A_379, %swap3A_380, %swap3A_381], %swap3A_384 {strides = array<i32>} : memref<64x224x128xf32, #tpu.memory_space<vmem>>, vector<1x224x128xf32>,
    %get3A_385 = arith.constant 26 : index
    %get3A_386 = arith.constant 0 : index
    %get3A_387 = arith.constant 0 : index
    %get3A_388 = vector.load %arg1[%get3A_385, %get3A_386, %get3A_387] : memref<64x96x224xf32, #tpu.memory_space<vmem>>, vector<1x96x224xf32>
    %get3A_389 = vector.shape_cast %get3A_388 : vector<1x96x224xf32> to vector<96x224xf32>
    %transpose3A_390 = tpu.transpose %get3A_389, [1, 0] : vector<96x224xf32> -> vector<224x96xf32>
    %broadcast_in_dim3A_391 = arith.constant 0.000000e+00 : f32
    %broadcast_in_dim3A_392 = vector.broadcast %broadcast_in_dim3A_391 : f32 to vector<224x32xf32>
    %concatenate3A_393 = tpu.concatenate %transpose3A_390, %broadcast_in_dim3A_392 in 1 : vector<224x96xf32>, vector<224x32xf32> -> vector<224x128xf32>
    %swap3A_394 = arith.constant 26 : index
    %swap3A_395 = arith.constant 0 : index
    %swap3A_396 = arith.constant 0 : index
    %swap3A_397 = vector.load %arg2[%swap3A_394, %swap3A_395, %swap3A_396] : memref<64x224x128xf32, #tpu.memory_space<vmem>>, vector<1x224x128xf32>
    %swap3A_398 = vector.shape_cast %swap3A_397 : vector<1x224x128xf32> to vector<224x128xf32>
    %swap3A_399 = vector.shape_cast %concatenate3A_393 : vector<224x128xf32> to vector<1x224x128xf32>
    tpu.vector_store %arg2[%swap3A_394, %swap3A_395, %swap3A_396], %swap3A_399 {strides = array<i32>} : memref<64x224x128xf32, #tpu.memory_space<vmem>>, vector<1x224x128xf32>,
    %get3A_400 = arith.constant 27 : index
    %get3A_401 = arith.constant 0 : index
    %get3A_402 = arith.constant 0 : index
    %get3A_403 = vector.load %arg1[%get3A_400, %get3A_401, %get3A_402] : memref<64x96x224xf32, #tpu.memory_space<vmem>>, vector<1x96x224xf32>
    %get3A_404 = vector.shape_cast %get3A_403 : vector<1x96x224xf32> to vector<96x224xf32>
    %transpose3A_405 = tpu.transpose %get3A_404, [1, 0] : vector<96x224xf32> -> vector<224x96xf32>
    %broadcast_in_dim3A_406 = arith.constant 0.000000e+00 : f32
    %broadcast_in_dim3A_407 = vector.broadcast %broadcast_in_dim3A_406 : f32 to vector<224x32xf32>
    %concatenate3A_408 = tpu.concatenate %transpose3A_405, %broadcast_in_dim3A_407 in 1 : vector<224x96xf32>, vector<224x32xf32> -> vector<224x128xf32>
    %swap3A_409 = arith.constant 27 : index
    %swap3A_410 = arith.constant 0 : index
    %swap3A_411 = arith.constant 0 : index
    %swap3A_412 = vector.load %arg2[%swap3A_409, %swap3A_410, %swap3A_411] : memref<64x224x128xf32, #tpu.memory_space<vmem>>, vector<1x224x128xf32>
    %swap3A_413 = vector.shape_cast %swap3A_412 : vector<1x224x128xf32> to vector<224x128xf32>
    %swap3A_414 = vector.shape_cast %concatenate3A_408 : vector<224x128xf32> to vector<1x224x128xf32>
    tpu.vector_store %arg2[%swap3A_409, %swap3A_410, %swap3A_411], %swap3A_414 {strides = array<i32>} : memref<64x224x128xf32, #tpu.memory_space<vmem>>, vector<1x224x128xf32>,
    %get3A_415 = arith.constant 28 : index
    %get3A_416 = arith.constant 0 : index
    %get3A_417 = arith.constant 0 : index
    %get3A_418 = vector.load %arg1[%get3A_415, %get3A_416, %get3A_417] : memref<64x96x224xf32, #tpu.memory_space<vmem>>, vector<1x96x224xf32>
    %get3A_419 = vector.shape_cast %get3A_418 : vector<1x96x224xf32> to vector<96x224xf32>
    %transpose3A_420 = tpu.transpose %get3A_419, [1, 0] : vector<96x224xf32> -> vector<224x96xf32>
    %broadcast_in_dim3A_421 = arith.constant 0.000000e+00 : f32
    %broadcast_in_dim3A_422 = vector.broadcast %broadcast_in_dim3A_421 : f32 to vector<224x32xf32>
    %concatenate3A_423 = tpu.concatenate %transpose3A_420, %broadcast_in_dim3A_422 in 1 : vector<224x96xf32>, vector<224x32xf32> -> vector<224x128xf32>
    %swap3A_424 = arith.constant 28 : index
    %swap3A_425 = arith.constant 0 : index
    %swap3A_426 = arith.constant 0 : index
    %swap3A_427 = vector.load %arg2[%swap3A_424, %swap3A_425, %swap3A_426] : memref<64x224x128xf32, #tpu.memory_space<vmem>>, vector<1x224x128xf32>
    %swap3A_428 = vector.shape_cast %swap3A_427 : vector<1x224x128xf32> to vector<224x128xf32>
    %swap3A_429 = vector.shape_cast %concatenate3A_423 : vector<224x128xf32> to vector<1x224x128xf32>
    tpu.vector_store %arg2[%swap3A_424, %swap3A_425, %swap3A_426], %swap3A_429 {strides = array<i32>} : memref<64x224x128xf32, #tpu.memory_space<vmem>>, vector<1x224x128xf32>,
    %get3A_430 = arith.constant 29 : index
    %get3A_431 = arith.constant 0 : index
    %get3A_432 = arith.constant 0 : index
    %get3A_433 = vector.load %arg1[%get3A_430, %get3A_431, %get3A_432] : memref<64x96x224xf32, #tpu.memory_space<vmem>>, vector<1x96x224xf32>
    %get3A_434 = vector.shape_cast %get3A_433 : vector<1x96x224xf32> to vector<96x224xf32>
    %transpose3A_435 = tpu.transpose %get3A_434, [1, 0] : vector<96x224xf32> -> vector<224x96xf32>
    %broadcast_in_dim3A_436 = arith.constant 0.000000e+00 : f32
    %broadcast_in_dim3A_437 = vector.broadcast %broadcast_in_dim3A_436 : f32 to vector<224x32xf32>
    %concatenate3A_438 = tpu.concatenate %transpose3A_435, %broadcast_in_dim3A_437 in 1 : vector<224x96xf32>, vector<224x32xf32> -> vector<224x128xf32>
    %swap3A_439 = arith.constant 29 : index
    %swap3A_440 = arith.constant 0 : index
    %swap3A_441 = arith.constant 0 : index
    %swap3A_442 = vector.load %arg2[%swap3A_439, %swap3A_440, %swap3A_441] : memref<64x224x128xf32, #tpu.memory_space<vmem>>, vector<1x224x128xf32>
    %swap3A_443 = vector.shape_cast %swap3A_442 : vector<1x224x128xf32> to vector<224x128xf32>
    %swap3A_444 = vector.shape_cast %concatenate3A_438 : vector<224x128xf32> to vector<1x224x128xf32>
    tpu.vector_store %arg2[%swap3A_439, %swap3A_440, %swap3A_441], %swap3A_444 {strides = array<i32>} : memref<64x224x128xf32, #tpu.memory_space<vmem>>, vector<1x224x128xf32>,
    %get3A_445 = arith.constant 30 : index
    %get3A_446 = arith.constant 0 : index
    %get3A_447 = arith.constant 0 : index
    %get3A_448 = vector.load %arg1[%get3A_445, %get3A_446, %get3A_447] : memref<64x96x224xf32, #tpu.memory_space<vmem>>, vector<1x96x224xf32>
    %get3A_449 = vector.shape_cast %get3A_448 : vector<1x96x224xf32> to vector<96x224xf32>
    %transpose3A_450 = tpu.transpose %get3A_449, [1, 0] : vector<96x224xf32> -> vector<224x96xf32>
    %broadcast_in_dim3A_451 = arith.constant 0.000000e+00 : f32
    %broadcast_in_dim3A_452 = vector.broadcast %broadcast_in_dim3A_451 : f32 to vector<224x32xf32>
    %concatenate3A_453 = tpu.concatenate %transpose3A_450, %broadcast_in_dim3A_452 in 1 : vector<224x96xf32>, vector<224x32xf32> -> vector<224x128xf32>
    %swap3A_454 = arith.constant 30 : index
    %swap3A_455 = arith.constant 0 : index
    %swap3A_456 = arith.constant 0 : index
    %swap3A_457 = vector.load %arg2[%swap3A_454, %swap3A_455, %swap3A_456] : memref<64x224x128xf32, #tpu.memory_space<vmem>>, vector<1x224x128xf32>
    %swap3A_458 = vector.shape_cast %swap3A_457 : vector<1x224x128xf32> to vector<224x128xf32>
    %swap3A_459 = vector.shape_cast %concatenate3A_453 : vector<224x128xf32> to vector<1x224x128xf32>
    tpu.vector_store %arg2[%swap3A_454, %swap3A_455, %swap3A_456], %swap3A_459 {strides = array<i32>} : memref<64x224x128xf32, #tpu.memory_space<vmem>>, vector<1x224x128xf32>,
    %get3A_460 = arith.constant 31 : index
    %get3A_461 = arith.constant 0 : index
    %get3A_462 = arith.constant 0 : index
    %get3A_463 = vector.load %arg1[%get3A_460, %get3A_461, %get3A_462] : memref<64x96x224xf32, #tpu.memory_space<vmem>>, vector<1x96x224xf32>
    %get3A_464 = vector.shape_cast %get3A_463 : vector<1x96x224xf32> to vector<96x224xf32>
    %transpose3A_465 = tpu.transpose %get3A_464, [1, 0] : vector<96x224xf32> -> vector<224x96xf32>
    %broadcast_in_dim3A_466 = arith.constant 0.000000e+00 : f32
    %broadcast_in_dim3A_467 = vector.broadcast %broadcast_in_dim3A_466 : f32 to vector<224x32xf32>
    %concatenate3A_468 = tpu.concatenate %transpose3A_465, %broadcast_in_dim3A_467 in 1 : vector<224x96xf32>, vector<224x32xf32> -> vector<224x128xf32>
    %swap3A_469 = arith.constant 31 : index
    %swap3A_470 = arith.constant 0 : index
    %swap3A_471 = arith.constant 0 : index
    %swap3A_472 = vector.load %arg2[%swap3A_469, %swap3A_470, %swap3A_471] : memref<64x224x128xf32, #tpu.memory_space<vmem>>, vector<1x224x128xf32>
    %swap3A_473 = vector.shape_cast %swap3A_472 : vector<1x224x128xf32> to vector<224x128xf32>
    %swap3A_474 = vector.shape_cast %concatenate3A_468 : vector<224x128xf32> to vector<1x224x128xf32>
    tpu.vector_store %arg2[%swap3A_469, %swap3A_470, %swap3A_471], %swap3A_474 {strides = array<i32>} : memref<64x224x128xf32, #tpu.memory_space<vmem>>, vector<1x224x128xf32>,
    %get3A_475 = arith.constant 32 : index
    %get3A_476 = arith.constant 0 : index
    %get3A_477 = arith.constant 0 : index
    %get3A_478 = vector.load %arg1[%get3A_475, %get3A_476, %get3A_477] : memref<64x96x224xf32, #tpu.memory_space<vmem>>, vector<1x96x224xf32>
    %get3A_479 = vector.shape_cast %get3A_478 : vector<1x96x224xf32> to vector<96x224xf32>
    %transpose3A_480 = tpu.transpose %get3A_479, [1, 0] : vector<96x224xf32> -> vector<224x96xf32>
    %broadcast_in_dim3A_481 = arith.constant 0.000000e+00 : f32
    %broadcast_in_dim3A_482 = vector.broadcast %broadcast_in_dim3A_481 : f32 to vector<224x32xf32>
    %concatenate3A_483 = tpu.concatenate %transpose3A_480, %broadcast_in_dim3A_482 in 1 : vector<224x96xf32>, vector<224x32xf32> -> vector<224x128xf32>
    %swap3A_484 = arith.constant 32 : index
    %swap3A_485 = arith.constant 0 : index
    %swap3A_486 = arith.constant 0 : index
    %swap3A_487 = vector.load %arg2[%swap3A_484, %swap3A_485, %swap3A_486] : memref<64x224x128xf32, #tpu.memory_space<vmem>>, vector<1x224x128xf32>
    %swap3A_488 = vector.shape_cast %swap3A_487 : vector<1x224x128xf32> to vector<224x128xf32>
    %swap3A_489 = vector.shape_cast %concatenate3A_483 : vector<224x128xf32> to vector<1x224x128xf32>
    tpu.vector_store %arg2[%swap3A_484, %swap3A_485, %swap3A_486], %swap3A_489 {strides = array<i32>} : memref<64x224x128xf32, #tpu.memory_space<vmem>>, vector<1x224x128xf32>,
    %get3A_490 = arith.constant 33 : index
    %get3A_491 = arith.constant 0 : index
    %get3A_492 = arith.constant 0 : index
    %get3A_493 = vector.load %arg1[%get3A_490, %get3A_491, %get3A_492] : memref<64x96x224xf32, #tpu.memory_space<vmem>>, vector<1x96x224xf32>
    %get3A_494 = vector.shape_cast %get3A_493 : vector<1x96x224xf32> to vector<96x224xf32>
    %transpose3A_495 = tpu.transpose %get3A_494, [1, 0] : vector<96x224xf32> -> vector<224x96xf32>
    %broadcast_in_dim3A_496 = arith.constant 0.000000e+00 : f32
    %broadcast_in_dim3A_497 = vector.broadcast %broadcast_in_dim3A_496 : f32 to vector<224x32xf32>
    %concatenate3A_498 = tpu.concatenate %transpose3A_495, %broadcast_in_dim3A_497 in 1 : vector<224x96xf32>, vector<224x32xf32> -> vector<224x128xf32>
    %swap3A_499 = arith.constant 33 : index
    %swap3A_500 = arith.constant 0 : index
    %swap3A_501 = arith.constant 0 : index
    %swap3A_502 = vector.load %arg2[%swap3A_499, %swap3A_500, %swap3A_501] : memref<64x224x128xf32, #tpu.memory_space<vmem>>, vector<1x224x128xf32>
    %swap3A_503 = vector.shape_cast %swap3A_502 : vector<1x224x128xf32> to vector<224x128xf32>
    %swap3A_504 = vector.shape_cast %concatenate3A_498 : vector<224x128xf32> to vector<1x224x128xf32>
    tpu.vector_store %arg2[%swap3A_499, %swap3A_500, %swap3A_501], %swap3A_504 {strides = array<i32>} : memref<64x224x128xf32, #tpu.memory_space<vmem>>, vector<1x224x128xf32>,
    %get3A_505 = arith.constant 34 : index
    %get3A_506 = arith.constant 0 : index
    %get3A_507 = arith.constant 0 : index
    %get3A_508 = vector.load %arg1[%get3A_505, %get3A_506, %get3A_507] : memref<64x96x224xf32, #tpu.memory_space<vmem>>, vector<1x96x224xf32>
    %get3A_509 = vector.shape_cast %get3A_508 : vector<1x96x224xf32> to vector<96x224xf32>
    %transpose3A_510 = tpu.transpose %get3A_509, [1, 0] : vector<96x224xf32> -> vector<224x96xf32>
    %broadcast_in_dim3A_511 = arith.constant 0.000000e+00 : f32
    %broadcast_in_dim3A_512 = vector.broadcast %broadcast_in_dim3A_511 : f32 to vector<224x32xf32>
    %concatenate3A_513 = tpu.concatenate %transpose3A_510, %broadcast_in_dim3A_512 in 1 : vector<224x96xf32>, vector<224x32xf32> -> vector<224x128xf32>
    %swap3A_514 = arith.constant 34 : index
    %swap3A_515 = arith.constant 0 : index
    %swap3A_516 = arith.constant 0 : index
    %swap3A_517 = vector.load %arg2[%swap3A_514, %swap3A_515, %swap3A_516] : memref<64x224x128xf32, #tpu.memory_space<vmem>>, vector<1x224x128xf32>
    %swap3A_518 = vector.shape_cast %swap3A_517 : vector<1x224x128xf32> to vector<224x128xf32>
    %swap3A_519 = vector.shape_cast %concatenate3A_513 : vector<224x128xf32> to vector<1x224x128xf32>
    tpu.vector_store %arg2[%swap3A_514, %swap3A_515, %swap3A_516], %swap3A_519 {strides = array<i32>} : memref<64x224x128xf32, #tpu.memory_space<vmem>>, vector<1x224x128xf32>,
    %get3A_520 = arith.constant 35 : index
    %get3A_521 = arith.constant 0 : index
    %get3A_522 = arith.constant 0 : index
    %get3A_523 = vector.load %arg1[%get3A_520, %get3A_521, %get3A_522] : memref<64x96x224xf32, #tpu.memory_space<vmem>>, vector<1x96x224xf32>
    %get3A_524 = vector.shape_cast %get3A_523 : vector<1x96x224xf32> to vector<96x224xf32>
    %transpose3A_525 = tpu.transpose %get3A_524, [1, 0] : vector<96x224xf32> -> vector<224x96xf32>
    %broadcast_in_dim3A_526 = arith.constant 0.000000e+00 : f32
    %broadcast_in_dim3A_527 = vector.broadcast %broadcast_in_dim3A_526 : f32 to vector<224x32xf32>
    %concatenate3A_528 = tpu.concatenate %transpose3A_525, %broadcast_in_dim3A_527 in 1 : vector<224x96xf32>, vector<224x32xf32> -> vector<224x128xf32>
    %swap3A_529 = arith.constant 35 : index
    %swap3A_530 = arith.constant 0 : index
    %swap3A_531 = arith.constant 0 : index
    %swap3A_532 = vector.load %arg2[%swap3A_529, %swap3A_530, %swap3A_531] : memref<64x224x128xf32, #tpu.memory_space<vmem>>, vector<1x224x128xf32>
    %swap3A_533 = vector.shape_cast %swap3A_532 : vector<1x224x128xf32> to vector<224x128xf32>
    %swap3A_534 = vector.shape_cast %concatenate3A_528 : vector<224x128xf32> to vector<1x224x128xf32>
    tpu.vector_store %arg2[%swap3A_529, %swap3A_530, %swap3A_531], %swap3A_534 {strides = array<i32>} : memref<64x224x128xf32, #tpu.memory_space<vmem>>, vector<1x224x128xf32>,
    %get3A_535 = arith.constant 36 : index
    %get3A_536 = arith.constant 0 : index
    %get3A_537 = arith.constant 0 : index
    %get3A_538 = vector.load %arg1[%get3A_535, %get3A_536, %get3A_537] : memref<64x96x224xf32, #tpu.memory_space<vmem>>, vector<1x96x224xf32>
    %get3A_539 = vector.shape_cast %get3A_538 : vector<1x96x224xf32> to vector<96x224xf32>
    %transpose3A_540 = tpu.transpose %get3A_539, [1, 0] : vector<96x224xf32> -> vector<224x96xf32>
    %broadcast_in_dim3A_541 = arith.constant 0.000000e+00 : f32
    %broadcast_in_dim3A_542 = vector.broadcast %broadcast_in_dim3A_541 : f32 to vector<224x32xf32>
    %concatenate3A_543 = tpu.concatenate %transpose3A_540, %broadcast_in_dim3A_542 in 1 : vector<224x96xf32>, vector<224x32xf32> -> vector<224x128xf32>
    %swap3A_544 = arith.constant 36 : index
    %swap3A_545 = arith.constant 0 : index
    %swap3A_546 = arith.constant 0 : index
    %swap3A_547 = vector.load %arg2[%swap3A_544, %swap3A_545, %swap3A_546] : memref<64x224x128xf32, #tpu.memory_space<vmem>>, vector<1x224x128xf32>
    %swap3A_548 = vector.shape_cast %swap3A_547 : vector<1x224x128xf32> to vector<224x128xf32>
    %swap3A_549 = vector.shape_cast %concatenate3A_543 : vector<224x128xf32> to vector<1x224x128xf32>
    tpu.vector_store %arg2[%swap3A_544, %swap3A_545, %swap3A_546], %swap3A_549 {strides = array<i32>} : memref<64x224x128xf32, #tpu.memory_space<vmem>>, vector<1x224x128xf32>,
    %get3A_550 = arith.constant 37 : index
    %get3A_551 = arith.constant 0 : index
    %get3A_552 = arith.constant 0 : index
    %get3A_553 = vector.load %arg1[%get3A_550, %get3A_551, %get3A_552] : memref<64x96x224xf32, #tpu.memory_space<vmem>>, vector<1x96x224xf32>
    %get3A_554 = vector.shape_cast %get3A_553 : vector<1x96x224xf32> to vector<96x224xf32>
    %transpose3A_555 = tpu.transpose %get3A_554, [1, 0] : vector<96x224xf32> -> vector<224x96xf32>
    %broadcast_in_dim3A_556 = arith.constant 0.000000e+00 : f32
    %broadcast_in_dim3A_557 = vector.broadcast %broadcast_in_dim3A_556 : f32 to vector<224x32xf32>
    %concatenate3A_558 = tpu.concatenate %transpose3A_555, %broadcast_in_dim3A_557 in 1 : vector<224x96xf32>, vector<224x32xf32> -> vector<224x128xf32>
    %swap3A_559 = arith.constant 37 : index
    %swap3A_560 = arith.constant 0 : index
    %swap3A_561 = arith.constant 0 : index
    %swap3A_562 = vector.load %arg2[%swap3A_559, %swap3A_560, %swap3A_561] : memref<64x224x128xf32, #tpu.memory_space<vmem>>, vector<1x224x128xf32>
    %swap3A_563 = vector.shape_cast %swap3A_562 : vector<1x224x128xf32> to vector<224x128xf32>
    %swap3A_564 = vector.shape_cast %concatenate3A_558 : vector<224x128xf32> to vector<1x224x128xf32>
    tpu.vector_store %arg2[%swap3A_559, %swap3A_560, %swap3A_561], %swap3A_564 {strides = array<i32>} : memref<64x224x128xf32, #tpu.memory_space<vmem>>, vector<1x224x128xf32>,
    %get3A_565 = arith.constant 38 : index
    %get3A_566 = arith.constant 0 : index
    %get3A_567 = arith.constant 0 : index
    %get3A_568 = vector.load %arg1[%get3A_565, %get3A_566, %get3A_567] : memref<64x96x224xf32, #tpu.memory_space<vmem>>, vector<1x96x224xf32>
    %get3A_569 = vector.shape_cast %get3A_568 : vector<1x96x224xf32> to vector<96x224xf32>
    %transpose3A_570 = tpu.transpose %get3A_569, [1, 0] : vector<96x224xf32> -> vector<224x96xf32>
    %broadcast_in_dim3A_571 = arith.constant 0.000000e+00 : f32
    %broadcast_in_dim3A_572 = vector.broadcast %broadcast_in_dim3A_571 : f32 to vector<224x32xf32>
    %concatenate3A_573 = tpu.concatenate %transpose3A_570, %broadcast_in_dim3A_572 in 1 : vector<224x96xf32>, vector<224x32xf32> -> vector<224x128xf32>
    %swap3A_574 = arith.constant 38 : index
    %swap3A_575 = arith.constant 0 : index
    %swap3A_576 = arith.constant 0 : index
    %swap3A_577 = vector.load %arg2[%swap3A_574, %swap3A_575, %swap3A_576] : memref<64x224x128xf32, #tpu.memory_space<vmem>>, vector<1x224x128xf32>
    %swap3A_578 = vector.shape_cast %swap3A_577 : vector<1x224x128xf32> to vector<224x128xf32>
    %swap3A_579 = vector.shape_cast %concatenate3A_573 : vector<224x128xf32> to vector<1x224x128xf32>
    tpu.vector_store %arg2[%swap3A_574, %swap3A_575, %swap3A_576], %swap3A_579 {strides = array<i32>} : memref<64x224x128xf32, #tpu.memory_space<vmem>>, vector<1x224x128xf32>,
    %get3A_580 = arith.constant 39 : index
    %get3A_581 = arith.constant 0 : index
    %get3A_582 = arith.constant 0 : index
    %get3A_583 = vector.load %arg1[%get3A_580, %get3A_581, %get3A_582] : memref<64x96x224xf32, #tpu.memory_space<vmem>>, vector<1x96x224xf32>
    %get3A_584 = vector.shape_cast %get3A_583 : vector<1x96x224xf32> to vector<96x224xf32>
    %transpose3A_585 = tpu.transpose %get3A_584, [1, 0] : vector<96x224xf32> -> vector<224x96xf32>
    %broadcast_in_dim3A_586 = arith.constant 0.000000e+00 : f32
    %broadcast_in_dim3A_587 = vector.broadcast %broadcast_in_dim3A_586 : f32 to vector<224x32xf32>
    %concatenate3A_588 = tpu.concatenate %transpose3A_585, %broadcast_in_dim3A_587 in 1 : vector<224x96xf32>, vector<224x32xf32> -> vector<224x128xf32>
    %swap3A_589 = arith.constant 39 : index
    %swap3A_590 = arith.constant 0 : index
    %swap3A_591 = arith.constant 0 : index
    %swap3A_592 = vector.load %arg2[%swap3A_589, %swap3A_590, %swap3A_591] : memref<64x224x128xf32, #tpu.memory_space<vmem>>, vector<1x224x128xf32>
    %swap3A_593 = vector.shape_cast %swap3A_592 : vector<1x224x128xf32> to vector<224x128xf32>
    %swap3A_594 = vector.shape_cast %concatenate3A_588 : vector<224x128xf32> to vector<1x224x128xf32>
    tpu.vector_store %arg2[%swap3A_589, %swap3A_590, %swap3A_591], %swap3A_594 {strides = array<i32>} : memref<64x224x128xf32, #tpu.memory_space<vmem>>, vector<1x224x128xf32>,
    %get3A_595 = arith.constant 40 : index
    %get3A_596 = arith.constant 0 : index
    %get3A_597 = arith.constant 0 : index
    %get3A_598 = vector.load %arg1[%get3A_595, %get3A_596, %get3A_597] : memref<64x96x224xf32, #tpu.memory_space<vmem>>, vector<1x96x224xf32>
    %get3A_599 = vector.shape_cast %get3A_598 : vector<1x96x224xf32> to vector<96x224xf32>
    %transpose3A_600 = tpu.transpose %get3A_599, [1, 0] : vector<96x224xf32> -> vector<224x96xf32>
    %broadcast_in_dim3A_601 = arith.constant 0.000000e+00 : f32
    %broadcast_in_dim3A_602 = vector.broadcast %broadcast_in_dim3A_601 : f32 to vector<224x32xf32>
    %concatenate3A_603 = tpu.concatenate %transpose3A_600, %broadcast_in_dim3A_602 in 1 : vector<224x96xf32>, vector<224x32xf32> -> vector<224x128xf32>
    %swap3A_604 = arith.constant 40 : index
    %swap3A_605 = arith.constant 0 : index
    %swap3A_606 = arith.constant 0 : index
    %swap3A_607 = vector.load %arg2[%swap3A_604, %swap3A_605, %swap3A_606] : memref<64x224x128xf32, #tpu.memory_space<vmem>>, vector<1x224x128xf32>
    %swap3A_608 = vector.shape_cast %swap3A_607 : vector<1x224x128xf32> to vector<224x128xf32>
    %swap3A_609 = vector.shape_cast %concatenate3A_603 : vector<224x128xf32> to vector<1x224x128xf32>
    tpu.vector_store %arg2[%swap3A_604, %swap3A_605, %swap3A_606], %swap3A_609 {strides = array<i32>} : memref<64x224x128xf32, #tpu.memory_space<vmem>>, vector<1x224x128xf32>,
    %get3A_610 = arith.constant 41 : index
    %get3A_611 = arith.constant 0 : index
    %get3A_612 = arith.constant 0 : index
    %get3A_613 = vector.load %arg1[%get3A_610, %get3A_611, %get3A_612] : memref<64x96x224xf32, #tpu.memory_space<vmem>>, vector<1x96x224xf32>
    %get3A_614 = vector.shape_cast %get3A_613 : vector<1x96x224xf32> to vector<96x224xf32>
    %transpose3A_615 = tpu.transpose %get3A_614, [1, 0] : vector<96x224xf32> -> vector<224x96xf32>
    %broadcast_in_dim3A_616 = arith.constant 0.000000e+00 : f32
    %broadcast_in_dim3A_617 = vector.broadcast %broadcast_in_dim3A_616 : f32 to vector<224x32xf32>
    %concatenate3A_618 = tpu.concatenate %transpose3A_615, %broadcast_in_dim3A_617 in 1 : vector<224x96xf32>, vector<224x32xf32> -> vector<224x128xf32>
    %swap3A_619 = arith.constant 41 : index
    %swap3A_620 = arith.constant 0 : index
    %swap3A_621 = arith.constant 0 : index
    %swap3A_622 = vector.load %arg2[%swap3A_619, %swap3A_620, %swap3A_621] : memref<64x224x128xf32, #tpu.memory_space<vmem>>, vector<1x224x128xf32>
    %swap3A_623 = vector.shape_cast %swap3A_622 : vector<1x224x128xf32> to vector<224x128xf32>
    %swap3A_624 = vector.shape_cast %concatenate3A_618 : vector<224x128xf32> to vector<1x224x128xf32>
    tpu.vector_store %arg2[%swap3A_619, %swap3A_620, %swap3A_621], %swap3A_624 {strides = array<i32>} : memref<64x224x128xf32, #tpu.memory_space<vmem>>, vector<1x224x128xf32>,
    %get3A_625 = arith.constant 42 : index
    %get3A_626 = arith.constant 0 : index
    %get3A_627 = arith.constant 0 : index
    %get3A_628 = vector.load %arg1[%get3A_625, %get3A_626, %get3A_627] : memref<64x96x224xf32, #tpu.memory_space<vmem>>, vector<1x96x224xf32>
    %get3A_629 = vector.shape_cast %get3A_628 : vector<1x96x224xf32> to vector<96x224xf32>
    %transpose3A_630 = tpu.transpose %get3A_629, [1, 0] : vector<96x224xf32> -> vector<224x96xf32>
    %broadcast_in_dim3A_631 = arith.constant 0.000000e+00 : f32
    %broadcast_in_dim3A_632 = vector.broadcast %broadcast_in_dim3A_631 : f32 to vector<224x32xf32>
    %concatenate3A_633 = tpu.concatenate %transpose3A_630, %broadcast_in_dim3A_632 in 1 : vector<224x96xf32>, vector<224x32xf32> -> vector<224x128xf32>
    %swap3A_634 = arith.constant 42 : index
    %swap3A_635 = arith.constant 0 : index
    %swap3A_636 = arith.constant 0 : index
    %swap3A_637 = vector.load %arg2[%swap3A_634, %swap3A_635, %swap3A_636] : memref<64x224x128xf32, #tpu.memory_space<vmem>>, vector<1x224x128xf32>
    %swap3A_638 = vector.shape_cast %swap3A_637 : vector<1x224x128xf32> to vector<224x128xf32>
    %swap3A_639 = vector.shape_cast %concatenate3A_633 : vector<224x128xf32> to vector<1x224x128xf32>
    tpu.vector_store %arg2[%swap3A_634, %swap3A_635, %swap3A_636], %swap3A_639 {strides = array<i32>} : memref<64x224x128xf32, #tpu.memory_space<vmem>>, vector<1x224x128xf32>,
    %get3A_640 = arith.constant 43 : index
    %get3A_641 = arith.constant 0 : index
    %get3A_642 = arith.constant 0 : index
    %get3A_643 = vector.load %arg1[%get3A_640, %get3A_641, %get3A_642] : memref<64x96x224xf32, #tpu.memory_space<vmem>>, vector<1x96x224xf32>
    %get3A_644 = vector.shape_cast %get3A_643 : vector<1x96x224xf32> to vector<96x224xf32>
    %transpose3A_645 = tpu.transpose %get3A_644, [1, 0] : vector<96x224xf32> -> vector<224x96xf32>
    %broadcast_in_dim3A_646 = arith.constant 0.000000e+00 : f32
    %broadcast_in_dim3A_647 = vector.broadcast %broadcast_in_dim3A_646 : f32 to vector<224x32xf32>
    %concatenate3A_648 = tpu.concatenate %transpose3A_645, %broadcast_in_dim3A_647 in 1 : vector<224x96xf32>, vector<224x32xf32> -> vector<224x128xf32>
    %swap3A_649 = arith.constant 43 : index
    %swap3A_650 = arith.constant 0 : index
    %swap3A_651 = arith.constant 0 : index
    %swap3A_652 = vector.load %arg2[%swap3A_649, %swap3A_650, %swap3A_651] : memref<64x224x128xf32, #tpu.memory_space<vmem>>, vector<1x224x128xf32>
    %swap3A_653 = vector.shape_cast %swap3A_652 : vector<1x224x128xf32> to vector<224x128xf32>
    %swap3A_654 = vector.shape_cast %concatenate3A_648 : vector<224x128xf32> to vector<1x224x128xf32>
    tpu.vector_store %arg2[%swap3A_649, %swap3A_650, %swap3A_651], %swap3A_654 {strides = array<i32>} : memref<64x224x128xf32, #tpu.memory_space<vmem>>, vector<1x224x128xf32>,
    %get3A_655 = arith.constant 44 : index
    %get3A_656 = arith.constant 0 : index
    %get3A_657 = arith.constant 0 : index
    %get3A_658 = vector.load %arg1[%get3A_655, %get3A_656, %get3A_657] : memref<64x96x224xf32, #tpu.memory_space<vmem>>, vector<1x96x224xf32>
    %get3A_659 = vector.shape_cast %get3A_658 : vector<1x96x224xf32> to vector<96x224xf32>
    %transpose3A_660 = tpu.transpose %get3A_659, [1, 0] : vector<96x224xf32> -> vector<224x96xf32>
    %broadcast_in_dim3A_661 = arith.constant 0.000000e+00 : f32
    %broadcast_in_dim3A_662 = vector.broadcast %broadcast_in_dim3A_661 : f32 to vector<224x32xf32>
    %concatenate3A_663 = tpu.concatenate %transpose3A_660, %broadcast_in_dim3A_662 in 1 : vector<224x96xf32>, vector<224x32xf32> -> vector<224x128xf32>
    %swap3A_664 = arith.constant 44 : index
    %swap3A_665 = arith.constant 0 : index
    %swap3A_666 = arith.constant 0 : index
    %swap3A_667 = vector.load %arg2[%swap3A_664, %swap3A_665, %swap3A_666] : memref<64x224x128xf32, #tpu.memory_space<vmem>>, vector<1x224x128xf32>
    %swap3A_668 = vector.shape_cast %swap3A_667 : vector<1x224x128xf32> to vector<224x128xf32>
    %swap3A_669 = vector.shape_cast %concatenate3A_663 : vector<224x128xf32> to vector<1x224x128xf32>
    tpu.vector_store %arg2[%swap3A_664, %swap3A_665, %swap3A_666], %swap3A_669 {strides = array<i32>} : memref<64x224x128xf32, #tpu.memory_space<vmem>>, vector<1x224x128xf32>,
    %get3A_670 = arith.constant 45 : index
    %get3A_671 = arith.constant 0 : index
    %get3A_672 = arith.constant 0 : index
    %get3A_673 = vector.load %arg1[%get3A_670, %get3A_671, %get3A_672] : memref<64x96x224xf32, #tpu.memory_space<vmem>>, vector<1x96x224xf32>
    %get3A_674 = vector.shape_cast %get3A_673 : vector<1x96x224xf32> to vector<96x224xf32>
    %transpose3A_675 = tpu.transpose %get3A_674, [1, 0] : vector<96x224xf32> -> vector<224x96xf32>
    %broadcast_in_dim3A_676 = arith.constant 0.000000e+00 : f32
    %broadcast_in_dim3A_677 = vector.broadcast %broadcast_in_dim3A_676 : f32 to vector<224x32xf32>
    %concatenate3A_678 = tpu.concatenate %transpose3A_675, %broadcast_in_dim3A_677 in 1 : vector<224x96xf32>, vector<224x32xf32> -> vector<224x128xf32>
    %swap3A_679 = arith.constant 45 : index
    %swap3A_680 = arith.constant 0 : index
    %swap3A_681 = arith.constant 0 : index
    %swap3A_682 = vector.load %arg2[%swap3A_679, %swap3A_680, %swap3A_681] : memref<64x224x128xf32, #tpu.memory_space<vmem>>, vector<1x224x128xf32>
    %swap3A_683 = vector.shape_cast %swap3A_682 : vector<1x224x128xf32> to vector<224x128xf32>
    %swap3A_684 = vector.shape_cast %concatenate3A_678 : vector<224x128xf32> to vector<1x224x128xf32>
    tpu.vector_store %arg2[%swap3A_679, %swap3A_680, %swap3A_681], %swap3A_684 {strides = array<i32>} : memref<64x224x128xf32, #tpu.memory_space<vmem>>, vector<1x224x128xf32>,
    %get3A_685 = arith.constant 46 : index
    %get3A_686 = arith.constant 0 : index
    %get3A_687 = arith.constant 0 : index
    %get3A_688 = vector.load %arg1[%get3A_685, %get3A_686, %get3A_687] : memref<64x96x224xf32, #tpu.memory_space<vmem>>, vector<1x96x224xf32>
    %get3A_689 = vector.shape_cast %get3A_688 : vector<1x96x224xf32> to vector<96x224xf32>
    %transpose3A_690 = tpu.transpose %get3A_689, [1, 0] : vector<96x224xf32> -> vector<224x96xf32>
    %broadcast_in_dim3A_691 = arith.constant 0.000000e+00 : f32
    %broadcast_in_dim3A_692 = vector.broadcast %broadcast_in_dim3A_691 : f32 to vector<224x32xf32>
    %concatenate3A_693 = tpu.concatenate %transpose3A_690, %broadcast_in_dim3A_692 in 1 : vector<224x96xf32>, vector<224x32xf32> -> vector<224x128xf32>
    %swap3A_694 = arith.constant 46 : index
    %swap3A_695 = arith.constant 0 : index
    %swap3A_696 = arith.constant 0 : index
    %swap3A_697 = vector.load %arg2[%swap3A_694, %swap3A_695, %swap3A_696] : memref<64x224x128xf32, #tpu.memory_space<vmem>>, vector<1x224x128xf32>
    %swap3A_698 = vector.shape_cast %swap3A_697 : vector<1x224x128xf32> to vector<224x128xf32>
    %swap3A_699 = vector.shape_cast %concatenate3A_693 : vector<224x128xf32> to vector<1x224x128xf32>
    tpu.vector_store %arg2[%swap3A_694, %swap3A_695, %swap3A_696], %swap3A_699 {strides = array<i32>} : memref<64x224x128xf32, #tpu.memory_space<vmem>>, vector<1x224x128xf32>,
    %get3A_700 = arith.constant 47 : index
    %get3A_701 = arith.constant 0 : index
    %get3A_702 = arith.constant 0 : index
    %get3A_703 = vector.load %arg1[%get3A_700, %get3A_701, %get3A_702] : memref<64x96x224xf32, #tpu.memory_space<vmem>>, vector<1x96x224xf32>
    %get3A_704 = vector.shape_cast %get3A_703 : vector<1x96x224xf32> to vector<96x224xf32>
    %transpose3A_705 = tpu.transpose %get3A_704, [1, 0] : vector<96x224xf32> -> vector<224x96xf32>
    %broadcast_in_dim3A_706 = arith.constant 0.000000e+00 : f32
    %broadcast_in_dim3A_707 = vector.broadcast %broadcast_in_dim3A_706 : f32 to vector<224x32xf32>
    %concatenate3A_708 = tpu.concatenate %transpose3A_705, %broadcast_in_dim3A_707 in 1 : vector<224x96xf32>, vector<224x32xf32> -> vector<224x128xf32>
    %swap3A_709 = arith.constant 47 : index
    %swap3A_710 = arith.constant 0 : index
    %swap3A_711 = arith.constant 0 : index
    %swap3A_712 = vector.load %arg2[%swap3A_709, %swap3A_710, %swap3A_711] : memref<64x224x128xf32, #tpu.memory_space<vmem>>, vector<1x224x128xf32>
    %swap3A_713 = vector.shape_cast %swap3A_712 : vector<1x224x128xf32> to vector<224x128xf32>
    %swap3A_714 = vector.shape_cast %concatenate3A_708 : vector<224x128xf32> to vector<1x224x128xf32>
    tpu.vector_store %arg2[%swap3A_709, %swap3A_710, %swap3A_711], %swap3A_714 {strides = array<i32>} : memref<64x224x128xf32, #tpu.memory_space<vmem>>, vector<1x224x128xf32>,
    %get3A_715 = arith.constant 48 : index
    %get3A_716 = arith.constant 0 : index
    %get3A_717 = arith.constant 0 : index
    %get3A_718 = vector.load %arg1[%get3A_715, %get3A_716, %get3A_717] : memref<64x96x224xf32, #tpu.memory_space<vmem>>, vector<1x96x224xf32>
    %get3A_719 = vector.shape_cast %get3A_718 : vector<1x96x224xf32> to vector<96x224xf32>
    %transpose3A_720 = tpu.transpose %get3A_719, [1, 0] : vector<96x224xf32> -> vector<224x96xf32>
    %broadcast_in_dim3A_721 = arith.constant 0.000000e+00 : f32
    %broadcast_in_dim3A_722 = vector.broadcast %broadcast_in_dim3A_721 : f32 to vector<224x32xf32>
    %concatenate3A_723 = tpu.concatenate %transpose3A_720, %broadcast_in_dim3A_722 in 1 : vector<224x96xf32>, vector<224x32xf32> -> vector<224x128xf32>
    %swap3A_724 = arith.constant 48 : index
    %swap3A_725 = arith.constant 0 : index
    %swap3A_726 = arith.constant 0 : index
    %swap3A_727 = vector.load %arg2[%swap3A_724, %swap3A_725, %swap3A_726] : memref<64x224x128xf32, #tpu.memory_space<vmem>>, vector<1x224x128xf32>
    %swap3A_728 = vector.shape_cast %swap3A_727 : vector<1x224x128xf32> to vector<224x128xf32>
    %swap3A_729 = vector.shape_cast %concatenate3A_723 : vector<224x128xf32> to vector<1x224x128xf32>
    tpu.vector_store %arg2[%swap3A_724, %swap3A_725, %swap3A_726], %swap3A_729 {strides = array<i32>} : memref<64x224x128xf32, #tpu.memory_space<vmem>>, vector<1x224x128xf32>,
    %get3A_730 = arith.constant 49 : index
    %get3A_731 = arith.constant 0 : index
    %get3A_732 = arith.constant 0 : index
    %get3A_733 = vector.load %arg1[%get3A_730, %get3A_731, %get3A_732] : memref<64x96x224xf32, #tpu.memory_space<vmem>>, vector<1x96x224xf32>
    %get3A_734 = vector.shape_cast %get3A_733 : vector<1x96x224xf32> to vector<96x224xf32>
    %transpose3A_735 = tpu.transpose %get3A_734, [1, 0] : vector<96x224xf32> -> vector<224x96xf32>
    %broadcast_in_dim3A_736 = arith.constant 0.000000e+00 : f32
    %broadcast_in_dim3A_737 = vector.broadcast %broadcast_in_dim3A_736 : f32 to vector<224x32xf32>
    %concatenate3A_738 = tpu.concatenate %transpose3A_735, %broadcast_in_dim3A_737 in 1 : vector<224x96xf32>, vector<224x32xf32> -> vector<224x128xf32>
    %swap3A_739 = arith.constant 49 : index
    %swap3A_740 = arith.constant 0 : index
    %swap3A_741 = arith.constant 0 : index
    %swap3A_742 = vector.load %arg2[%swap3A_739, %swap3A_740, %swap3A_741] : memref<64x224x128xf32, #tpu.memory_space<vmem>>, vector<1x224x128xf32>
    %swap3A_743 = vector.shape_cast %swap3A_742 : vector<1x224x128xf32> to vector<224x128xf32>
    %swap3A_744 = vector.shape_cast %concatenate3A_738 : vector<224x128xf32> to vector<1x224x128xf32>
    tpu.vector_store %arg2[%swap3A_739, %swap3A_740, %swap3A_741], %swap3A_744 {strides = array<i32>} : memref<64x224x128xf32, #tpu.memory_space<vmem>>, vector<1x224x128xf32>,
    %get3A_745 = arith.constant 50 : index
    %get3A_746 = arith.constant 0 : index
    %get3A_747 = arith.constant 0 : index
    %get3A_748 = vector.load %arg1[%get3A_745, %get3A_746, %get3A_747] : memref<64x96x224xf32, #tpu.memory_space<vmem>>, vector<1x96x224xf32>
    %get3A_749 = vector.shape_cast %get3A_748 : vector<1x96x224xf32> to vector<96x224xf32>
    %transpose3A_750 = tpu.transpose %get3A_749, [1, 0] : vector<96x224xf32> -> vector<224x96xf32>
    %broadcast_in_dim3A_751 = arith.constant 0.000000e+00 : f32
    %broadcast_in_dim3A_752 = vector.broadcast %broadcast_in_dim3A_751 : f32 to vector<224x32xf32>
    %concatenate3A_753 = tpu.concatenate %transpose3A_750, %broadcast_in_dim3A_752 in 1 : vector<224x96xf32>, vector<224x32xf32> -> vector<224x128xf32>
    %swap3A_754 = arith.constant 50 : index
    %swap3A_755 = arith.constant 0 : index
    %swap3A_756 = arith.constant 0 : index
    %swap3A_757 = vector.load %arg2[%swap3A_754, %swap3A_755, %swap3A_756] : memref<64x224x128xf32, #tpu.memory_space<vmem>>, vector<1x224x128xf32>
    %swap3A_758 = vector.shape_cast %swap3A_757 : vector<1x224x128xf32> to vector<224x128xf32>
    %swap3A_759 = vector.shape_cast %concatenate3A_753 : vector<224x128xf32> to vector<1x224x128xf32>
    tpu.vector_store %arg2[%swap3A_754, %swap3A_755, %swap3A_756], %swap3A_759 {strides = array<i32>} : memref<64x224x128xf32, #tpu.memory_space<vmem>>, vector<1x224x128xf32>,
    %get3A_760 = arith.constant 51 : index
    %get3A_761 = arith.constant 0 : index
    %get3A_762 = arith.constant 0 : index
    %get3A_763 = vector.load %arg1[%get3A_760, %get3A_761, %get3A_762] : memref<64x96x224xf32, #tpu.memory_space<vmem>>, vector<1x96x224xf32>
    %get3A_764 = vector.shape_cast %get3A_763 : vector<1x96x224xf32> to vector<96x224xf32>
    %transpose3A_765 = tpu.transpose %get3A_764, [1, 0] : vector<96x224xf32> -> vector<224x96xf32>
    %broadcast_in_dim3A_766 = arith.constant 0.000000e+00 : f32
    %broadcast_in_dim3A_767 = vector.broadcast %broadcast_in_dim3A_766 : f32 to vector<224x32xf32>
    %concatenate3A_768 = tpu.concatenate %transpose3A_765, %broadcast_in_dim3A_767 in 1 : vector<224x96xf32>, vector<224x32xf32> -> vector<224x128xf32>
    %swap3A_769 = arith.constant 51 : index
    %swap3A_770 = arith.constant 0 : index
    %swap3A_771 = arith.constant 0 : index
    %swap3A_772 = vector.load %arg2[%swap3A_769, %swap3A_770, %swap3A_771] : memref<64x224x128xf32, #tpu.memory_space<vmem>>, vector<1x224x128xf32>
    %swap3A_773 = vector.shape_cast %swap3A_772 : vector<1x224x128xf32> to vector<224x128xf32>
    %swap3A_774 = vector.shape_cast %concatenate3A_768 : vector<224x128xf32> to vector<1x224x128xf32>
    tpu.vector_store %arg2[%swap3A_769, %swap3A_770, %swap3A_771], %swap3A_774 {strides = array<i32>} : memref<64x224x128xf32, #tpu.memory_space<vmem>>, vector<1x224x128xf32>,
    %get3A_775 = arith.constant 52 : index
    %get3A_776 = arith.constant 0 : index
    %get3A_777 = arith.constant 0 : index
    %get3A_778 = vector.load %arg1[%get3A_775, %get3A_776, %get3A_777] : memref<64x96x224xf32, #tpu.memory_space<vmem>>, vector<1x96x224xf32>
    %get3A_779 = vector.shape_cast %get3A_778 : vector<1x96x224xf32> to vector<96x224xf32>
    %transpose3A_780 = tpu.transpose %get3A_779, [1, 0] : vector<96x224xf32> -> vector<224x96xf32>
    %broadcast_in_dim3A_781 = arith.constant 0.000000e+00 : f32
    %broadcast_in_dim3A_782 = vector.broadcast %broadcast_in_dim3A_781 : f32 to vector<224x32xf32>
    %concatenate3A_783 = tpu.concatenate %transpose3A_780, %broadcast_in_dim3A_782 in 1 : vector<224x96xf32>, vector<224x32xf32> -> vector<224x128xf32>
    %swap3A_784 = arith.constant 52 : index
    %swap3A_785 = arith.constant 0 : index
    %swap3A_786 = arith.constant 0 : index
    %swap3A_787 = vector.load %arg2[%swap3A_784, %swap3A_785, %swap3A_786] : memref<64x224x128xf32, #tpu.memory_space<vmem>>, vector<1x224x128xf32>
    %swap3A_788 = vector.shape_cast %swap3A_787 : vector<1x224x128xf32> to vector<224x128xf32>
    %swap3A_789 = vector.shape_cast %concatenate3A_783 : vector<224x128xf32> to vector<1x224x128xf32>
    tpu.vector_store %arg2[%swap3A_784, %swap3A_785, %swap3A_786], %swap3A_789 {strides = array<i32>} : memref<64x224x128xf32, #tpu.memory_space<vmem>>, vector<1x224x128xf32>,
    %get3A_790 = arith.constant 53 : index
    %get3A_791 = arith.constant 0 : index
    %get3A_792 = arith.constant 0 : index
    %get3A_793 = vector.load %arg1[%get3A_790, %get3A_791, %get3A_792] : memref<64x96x224xf32, #tpu.memory_space<vmem>>, vector<1x96x224xf32>
    %get3A_794 = vector.shape_cast %get3A_793 : vector<1x96x224xf32> to vector<96x224xf32>
    %transpose3A_795 = tpu.transpose %get3A_794, [1, 0] : vector<96x224xf32> -> vector<224x96xf32>
    %broadcast_in_dim3A_796 = arith.constant 0.000000e+00 : f32
    %broadcast_in_dim3A_797 = vector.broadcast %broadcast_in_dim3A_796 : f32 to vector<224x32xf32>
    %concatenate3A_798 = tpu.concatenate %transpose3A_795, %broadcast_in_dim3A_797 in 1 : vector<224x96xf32>, vector<224x32xf32> -> vector<224x128xf32>
    %swap3A_799 = arith.constant 53 : index
    %swap3A_800 = arith.constant 0 : index
    %swap3A_801 = arith.constant 0 : index
    %swap3A_802 = vector.load %arg2[%swap3A_799, %swap3A_800, %swap3A_801] : memref<64x224x128xf32, #tpu.memory_space<vmem>>, vector<1x224x128xf32>
    %swap3A_803 = vector.shape_cast %swap3A_802 : vector<1x224x128xf32> to vector<224x128xf32>
    %swap3A_804 = vector.shape_cast %concatenate3A_798 : vector<224x128xf32> to vector<1x224x128xf32>
    tpu.vector_store %arg2[%swap3A_799, %swap3A_800, %swap3A_801], %swap3A_804 {strides = array<i32>} : memref<64x224x128xf32, #tpu.memory_space<vmem>>, vector<1x224x128xf32>,
    %get3A_805 = arith.constant 54 : index
    %get3A_806 = arith.constant 0 : index
    %get3A_807 = arith.constant 0 : index
    %get3A_808 = vector.load %arg1[%get3A_805, %get3A_806, %get3A_807] : memref<64x96x224xf32, #tpu.memory_space<vmem>>, vector<1x96x224xf32>
    %get3A_809 = vector.shape_cast %get3A_808 : vector<1x96x224xf32> to vector<96x224xf32>
    %transpose3A_810 = tpu.transpose %get3A_809, [1, 0] : vector<96x224xf32> -> vector<224x96xf32>
    %broadcast_in_dim3A_811 = arith.constant 0.000000e+00 : f32
    %broadcast_in_dim3A_812 = vector.broadcast %broadcast_in_dim3A_811 : f32 to vector<224x32xf32>
    %concatenate3A_813 = tpu.concatenate %transpose3A_810, %broadcast_in_dim3A_812 in 1 : vector<224x96xf32>, vector<224x32xf32> -> vector<224x128xf32>
    %swap3A_814 = arith.constant 54 : index
    %swap3A_815 = arith.constant 0 : index
    %swap3A_816 = arith.constant 0 : index
    %swap3A_817 = vector.load %arg2[%swap3A_814, %swap3A_815, %swap3A_816] : memref<64x224x128xf32, #tpu.memory_space<vmem>>, vector<1x224x128xf32>
    %swap3A_818 = vector.shape_cast %swap3A_817 : vector<1x224x128xf32> to vector<224x128xf32>
    %swap3A_819 = vector.shape_cast %concatenate3A_813 : vector<224x128xf32> to vector<1x224x128xf32>
    tpu.vector_store %arg2[%swap3A_814, %swap3A_815, %swap3A_816], %swap3A_819 {strides = array<i32>} : memref<64x224x128xf32, #tpu.memory_space<vmem>>, vector<1x224x128xf32>,
    %get3A_820 = arith.constant 55 : index
    %get3A_821 = arith.constant 0 : index
    %get3A_822 = arith.constant 0 : index
    %get3A_823 = vector.load %arg1[%get3A_820, %get3A_821, %get3A_822] : memref<64x96x224xf32, #tpu.memory_space<vmem>>, vector<1x96x224xf32>
    %get3A_824 = vector.shape_cast %get3A_823 : vector<1x96x224xf32> to vector<96x224xf32>
    %transpose3A_825 = tpu.transpose %get3A_824, [1, 0] : vector<96x224xf32> -> vector<224x96xf32>
    %broadcast_in_dim3A_826 = arith.constant 0.000000e+00 : f32
    %broadcast_in_dim3A_827 = vector.broadcast %broadcast_in_dim3A_826 : f32 to vector<224x32xf32>
    %concatenate3A_828 = tpu.concatenate %transpose3A_825, %broadcast_in_dim3A_827 in 1 : vector<224x96xf32>, vector<224x32xf32> -> vector<224x128xf32>
    %swap3A_829 = arith.constant 55 : index
    %swap3A_830 = arith.constant 0 : index
    %swap3A_831 = arith.constant 0 : index
    %swap3A_832 = vector.load %arg2[%swap3A_829, %swap3A_830, %swap3A_831] : memref<64x224x128xf32, #tpu.memory_space<vmem>>, vector<1x224x128xf32>
    %swap3A_833 = vector.shape_cast %swap3A_832 : vector<1x224x128xf32> to vector<224x128xf32>
    %swap3A_834 = vector.shape_cast %concatenate3A_828 : vector<224x128xf32> to vector<1x224x128xf32>
    tpu.vector_store %arg2[%swap3A_829, %swap3A_830, %swap3A_831], %swap3A_834 {strides = array<i32>} : memref<64x224x128xf32, #tpu.memory_space<vmem>>, vector<1x224x128xf32>,
    %get3A_835 = arith.constant 56 : index
    %get3A_836 = arith.constant 0 : index
    %get3A_837 = arith.constant 0 : index
    %get3A_838 = vector.load %arg1[%get3A_835, %get3A_836, %get3A_837] : memref<64x96x224xf32, #tpu.memory_space<vmem>>, vector<1x96x224xf32>
    %get3A_839 = vector.shape_cast %get3A_838 : vector<1x96x224xf32> to vector<96x224xf32>
    %transpose3A_840 = tpu.transpose %get3A_839, [1, 0] : vector<96x224xf32> -> vector<224x96xf32>
    %broadcast_in_dim3A_841 = arith.constant 0.000000e+00 : f32
    %broadcast_in_dim3A_842 = vector.broadcast %broadcast_in_dim3A_841 : f32 to vector<224x32xf32>
    %concatenate3A_843 = tpu.concatenate %transpose3A_840, %broadcast_in_dim3A_842 in 1 : vector<224x96xf32>, vector<224x32xf32> -> vector<224x128xf32>
    %swap3A_844 = arith.constant 56 : index
    %swap3A_845 = arith.constant 0 : index
    %swap3A_846 = arith.constant 0 : index
    %swap3A_847 = vector.load %arg2[%swap3A_844, %swap3A_845, %swap3A_846] : memref<64x224x128xf32, #tpu.memory_space<vmem>>, vector<1x224x128xf32>
    %swap3A_848 = vector.shape_cast %swap3A_847 : vector<1x224x128xf32> to vector<224x128xf32>
    %swap3A_849 = vector.shape_cast %concatenate3A_843 : vector<224x128xf32> to vector<1x224x128xf32>
    tpu.vector_store %arg2[%swap3A_844, %swap3A_845, %swap3A_846], %swap3A_849 {strides = array<i32>} : memref<64x224x128xf32, #tpu.memory_space<vmem>>, vector<1x224x128xf32>,
    %get3A_850 = arith.constant 57 : index
    %get3A_851 = arith.constant 0 : index
    %get3A_852 = arith.constant 0 : index
    %get3A_853 = vector.load %arg1[%get3A_850, %get3A_851, %get3A_852] : memref<64x96x224xf32, #tpu.memory_space<vmem>>, vector<1x96x224xf32>
    %get3A_854 = vector.shape_cast %get3A_853 : vector<1x96x224xf32> to vector<96x224xf32>
    %transpose3A_855 = tpu.transpose %get3A_854, [1, 0] : vector<96x224xf32> -> vector<224x96xf32>
    %broadcast_in_dim3A_856 = arith.constant 0.000000e+00 : f32
    %broadcast_in_dim3A_857 = vector.broadcast %broadcast_in_dim3A_856 : f32 to vector<224x32xf32>
    %concatenate3A_858 = tpu.concatenate %transpose3A_855, %broadcast_in_dim3A_857 in 1 : vector<224x96xf32>, vector<224x32xf32> -> vector<224x128xf32>
    %swap3A_859 = arith.constant 57 : index
    %swap3A_860 = arith.constant 0 : index
    %swap3A_861 = arith.constant 0 : index
    %swap3A_862 = vector.load %arg2[%swap3A_859, %swap3A_860, %swap3A_861] : memref<64x224x128xf32, #tpu.memory_space<vmem>>, vector<1x224x128xf32>
    %swap3A_863 = vector.shape_cast %swap3A_862 : vector<1x224x128xf32> to vector<224x128xf32>
    %swap3A_864 = vector.shape_cast %concatenate3A_858 : vector<224x128xf32> to vector<1x224x128xf32>
    tpu.vector_store %arg2[%swap3A_859, %swap3A_860, %swap3A_861], %swap3A_864 {strides = array<i32>} : memref<64x224x128xf32, #tpu.memory_space<vmem>>, vector<1x224x128xf32>,
    %get3A_865 = arith.constant 58 : index
    %get3A_866 = arith.constant 0 : index
    %get3A_867 = arith.constant 0 : index
    %get3A_868 = vector.load %arg1[%get3A_865, %get3A_866, %get3A_867] : memref<64x96x224xf32, #tpu.memory_space<vmem>>, vector<1x96x224xf32>
    %get3A_869 = vector.shape_cast %get3A_868 : vector<1x96x224xf32> to vector<96x224xf32>
    %transpose3A_870 = tpu.transpose %get3A_869, [1, 0] : vector<96x224xf32> -> vector<224x96xf32>
    %broadcast_in_dim3A_871 = arith.constant 0.000000e+00 : f32
    %broadcast_in_dim3A_872 = vector.broadcast %broadcast_in_dim3A_871 : f32 to vector<224x32xf32>
    %concatenate3A_873 = tpu.concatenate %transpose3A_870, %broadcast_in_dim3A_872 in 1 : vector<224x96xf32>, vector<224x32xf32> -> vector<224x128xf32>
    %swap3A_874 = arith.constant 58 : index
    %swap3A_875 = arith.constant 0 : index
    %swap3A_876 = arith.constant 0 : index
    %swap3A_877 = vector.load %arg2[%swap3A_874, %swap3A_875, %swap3A_876] : memref<64x224x128xf32, #tpu.memory_space<vmem>>, vector<1x224x128xf32>
    %swap3A_878 = vector.shape_cast %swap3A_877 : vector<1x224x128xf32> to vector<224x128xf32>
    %swap3A_879 = vector.shape_cast %concatenate3A_873 : vector<224x128xf32> to vector<1x224x128xf32>
    tpu.vector_store %arg2[%swap3A_874, %swap3A_875, %swap3A_876], %swap3A_879 {strides = array<i32>} : memref<64x224x128xf32, #tpu.memory_space<vmem>>, vector<1x224x128xf32>,
    %get3A_880 = arith.constant 59 : index
    %get3A_881 = arith.constant 0 : index
    %get3A_882 = arith.constant 0 : index
    %get3A_883 = vector.load %arg1[%get3A_880, %get3A_881, %get3A_882] : memref<64x96x224xf32, #tpu.memory_space<vmem>>, vector<1x96x224xf32>
    %get3A_884 = vector.shape_cast %get3A_883 : vector<1x96x224xf32> to vector<96x224xf32>
    %transpose3A_885 = tpu.transpose %get3A_884, [1, 0] : vector<96x224xf32> -> vector<224x96xf32>
    %broadcast_in_dim3A_886 = arith.constant 0.000000e+00 : f32
    %broadcast_in_dim3A_887 = vector.broadcast %broadcast_in_dim3A_886 : f32 to vector<224x32xf32>
    %concatenate3A_888 = tpu.concatenate %transpose3A_885, %broadcast_in_dim3A_887 in 1 : vector<224x96xf32>, vector<224x32xf32> -> vector<224x128xf32>
    %swap3A_889 = arith.constant 59 : index
    %swap3A_890 = arith.constant 0 : index
    %swap3A_891 = arith.constant 0 : index
    %swap3A_892 = vector.load %arg2[%swap3A_889, %swap3A_890, %swap3A_891] : memref<64x224x128xf32, #tpu.memory_space<vmem>>, vector<1x224x128xf32>
    %swap3A_893 = vector.shape_cast %swap3A_892 : vector<1x224x128xf32> to vector<224x128xf32>
    %swap3A_894 = vector.shape_cast %concatenate3A_888 : vector<224x128xf32> to vector<1x224x128xf32>
    tpu.vector_store %arg2[%swap3A_889, %swap3A_890, %swap3A_891], %swap3A_894 {strides = array<i32>} : memref<64x224x128xf32, #tpu.memory_space<vmem>>, vector<1x224x128xf32>,
    %get3A_895 = arith.constant 60 : index
    %get3A_896 = arith.constant 0 : index
    %get3A_897 = arith.constant 0 : index
    %get3A_898 = vector.load %arg1[%get3A_895, %get3A_896, %get3A_897] : memref<64x96x224xf32, #tpu.memory_space<vmem>>, vector<1x96x224xf32>
    %get3A_899 = vector.shape_cast %get3A_898 : vector<1x96x224xf32> to vector<96x224xf32>
    %transpose3A_900 = tpu.transpose %get3A_899, [1, 0] : vector<96x224xf32> -> vector<224x96xf32>
    %broadcast_in_dim3A_901 = arith.constant 0.000000e+00 : f32
    %broadcast_in_dim3A_902 = vector.broadcast %broadcast_in_dim3A_901 : f32 to vector<224x32xf32>
    %concatenate3A_903 = tpu.concatenate %transpose3A_900, %broadcast_in_dim3A_902 in 1 : vector<224x96xf32>, vector<224x32xf32> -> vector<224x128xf32>
    %swap3A_904 = arith.constant 60 : index
    %swap3A_905 = arith.constant 0 : index
    %swap3A_906 = arith.constant 0 : index
    %swap3A_907 = vector.load %arg2[%swap3A_904, %swap3A_905, %swap3A_906] : memref<64x224x128xf32, #tpu.memory_space<vmem>>, vector<1x224x128xf32>
    %swap3A_908 = vector.shape_cast %swap3A_907 : vector<1x224x128xf32> to vector<224x128xf32>
    %swap3A_909 = vector.shape_cast %concatenate3A_903 : vector<224x128xf32> to vector<1x224x128xf32>
    tpu.vector_store %arg2[%swap3A_904, %swap3A_905, %swap3A_906], %swap3A_909 {strides = array<i32>} : memref<64x224x128xf32, #tpu.memory_space<vmem>>, vector<1x224x128xf32>,
    %get3A_910 = arith.constant 61 : index
    %get3A_911 = arith.constant 0 : index
    %get3A_912 = arith.constant 0 : index
    %get3A_913 = vector.load %arg1[%get3A_910, %get3A_911, %get3A_912] : memref<64x96x224xf32, #tpu.memory_space<vmem>>, vector<1x96x224xf32>
    %get3A_914 = vector.shape_cast %get3A_913 : vector<1x96x224xf32> to vector<96x224xf32>
    %transpose3A_915 = tpu.transpose %get3A_914, [1, 0] : vector<96x224xf32> -> vector<224x96xf32>
    %broadcast_in_dim3A_916 = arith.constant 0.000000e+00 : f32
    %broadcast_in_dim3A_917 = vector.broadcast %broadcast_in_dim3A_916 : f32 to vector<224x32xf32>
    %concatenate3A_918 = tpu.concatenate %transpose3A_915, %broadcast_in_dim3A_917 in 1 : vector<224x96xf32>, vector<224x32xf32> -> vector<224x128xf32>
    %swap3A_919 = arith.constant 61 : index
    %swap3A_920 = arith.constant 0 : index
    %swap3A_921 = arith.constant 0 : index
    %swap3A_922 = vector.load %arg2[%swap3A_919, %swap3A_920, %swap3A_921] : memref<64x224x128xf32, #tpu.memory_space<vmem>>, vector<1x224x128xf32>
    %swap3A_923 = vector.shape_cast %swap3A_922 : vector<1x224x128xf32> to vector<224x128xf32>
    %swap3A_924 = vector.shape_cast %concatenate3A_918 : vector<224x128xf32> to vector<1x224x128xf32>
    tpu.vector_store %arg2[%swap3A_919, %swap3A_920, %swap3A_921], %swap3A_924 {strides = array<i32>} : memref<64x224x128xf32, #tpu.memory_space<vmem>>, vector<1x224x128xf32>,
    %get3A_925 = arith.constant 62 : index
    %get3A_926 = arith.constant 0 : index
    %get3A_927 = arith.constant 0 : index
    %get3A_928 = vector.load %arg1[%get3A_925, %get3A_926, %get3A_927] : memref<64x96x224xf32, #tpu.memory_space<vmem>>, vector<1x96x224xf32>
    %get3A_929 = vector.shape_cast %get3A_928 : vector<1x96x224xf32> to vector<96x224xf32>
    %transpose3A_930 = tpu.transpose %get3A_929, [1, 0] : vector<96x224xf32> -> vector<224x96xf32>
    %broadcast_in_dim3A_931 = arith.constant 0.000000e+00 : f32
    %broadcast_in_dim3A_932 = vector.broadcast %broadcast_in_dim3A_931 : f32 to vector<224x32xf32>
    %concatenate3A_933 = tpu.concatenate %transpose3A_930, %broadcast_in_dim3A_932 in 1 : vector<224x96xf32>, vector<224x32xf32> -> vector<224x128xf32>
    %swap3A_934 = arith.constant 62 : index
    %swap3A_935 = arith.constant 0 : index
    %swap3A_936 = arith.constant 0 : index
    %swap3A_937 = vector.load %arg2[%swap3A_934, %swap3A_935, %swap3A_936] : memref<64x224x128xf32, #tpu.memory_space<vmem>>, vector<1x224x128xf32>
    %swap3A_938 = vector.shape_cast %swap3A_937 : vector<1x224x128xf32> to vector<224x128xf32>
    %swap3A_939 = vector.shape_cast %concatenate3A_933 : vector<224x128xf32> to vector<1x224x128xf32>
    tpu.vector_store %arg2[%swap3A_934, %swap3A_935, %swap3A_936], %swap3A_939 {strides = array<i32>} : memref<64x224x128xf32, #tpu.memory_space<vmem>>, vector<1x224x128xf32>,
    %get3A_940 = arith.constant 63 : index
    %get3A_941 = arith.constant 0 : index
    %get3A_942 = arith.constant 0 : index
    %get3A_943 = vector.load %arg1[%get3A_940, %get3A_941, %get3A_942] : memref<64x96x224xf32, #tpu.memory_space<vmem>>, vector<1x96x224xf32>
    %get3A_944 = vector.shape_cast %get3A_943 : vector<1x96x224xf32> to vector<96x224xf32>
    %transpose3A_945 = tpu.transpose %get3A_944, [1, 0] : vector<96x224xf32> -> vector<224x96xf32>
    %broadcast_in_dim3A_946 = arith.constant 0.000000e+00 : f32
    %broadcast_in_dim3A_947 = vector.broadcast %broadcast_in_dim3A_946 : f32 to vector<224x32xf32>
    %concatenate3A_948 = tpu.concatenate %transpose3A_945, %broadcast_in_dim3A_947 in 1 : vector<224x96xf32>, vector<224x32xf32> -> vector<224x128xf32>
    %swap3A_949 = arith.constant 63 : index
    %swap3A_950 = arith.constant 0 : index
    %swap3A_951 = arith.constant 0 : index
    %swap3A_952 = vector.load %arg2[%swap3A_949, %swap3A_950, %swap3A_951] : memref<64x224x128xf32, #tpu.memory_space<vmem>>, vector<1x224x128xf32>
    %swap3A_953 = vector.shape_cast %swap3A_952 : vector<1x224x128xf32> to vector<224x128xf32>
    %swap3A_954 = vector.shape_cast %concatenate3A_948 : vector<224x128xf32> to vector<1x224x128xf32>
    tpu.vector_store %arg2[%swap3A_949, %swap3A_950, %swap3A_951], %swap3A_954 {strides = array<i32>} : memref<64x224x128xf32, #tpu.memory_space<vmem>>, vector<1x224x128xf32>,
    return
  }
  func.func @transform_0(%arg0: i32) -> (i32, i32, i32) {
    %c0_i32 = arith.constant 0 : i32
    %c0_i32_0 = arith.constant 0 : i32
    %c0_i32_1 = arith.constant 0 : i32
    return %arg0, %c0_i32, %c0_i32_0 : i32, i32, i32
  }
  func.func @transform_1(%arg0: i32) -> (i32, i32, i32) {
    %c0_i32 = arith.constant 0 : i32
    %c0_i32_0 = arith.constant 0 : i32
    %c0_i32_1 = arith.constant 0 : i32
    return %arg0, %c0_i32, %c0_i32_0 : i32, i32, i32
  }
}

module attributes {stable_mosaic.version = 14 : i64} {
  func.func @_out_tr(%arg0: i32, %arg1: memref<64x224x128xf32, #tpu.memory_space<vmem>>, %arg2: memref<64x96x224xf32, #tpu.memory_space<vmem>>) attributes {dimension_semantics = [#tpu.dimension_semantics<arbitrary>], iteration_bounds = array<i64: 14>, scalar_prefetch = 0 : i64, scratch_operands = 0 : i64, tpu.core_type = #tpu.core_type<tc>, window_params = [{transform_indices = @transform_0, window_bounds = array<i64: 64, 224, 128>}, {transform_indices = @transform_1, window_bounds = array<i64: 64, 96, 224>}]} {
    %get3A = arith.constant 0 : index
    %get3A_0 = arith.constant 0 : index
    %get3A_1 = arith.constant 0 : index
    %get3A_2 = vector.load %arg1[%get3A, %get3A_0, %get3A_1] : memref<64x224x128xf32, #tpu.memory_space<vmem>>, vector<1x224x96xf32>
    %get3A_3 = vector.shape_cast %get3A_2 : vector<1x224x96xf32> to vector<224x96xf32>
    %transpose3A = tpu.transpose %get3A_3, [1, 0] : vector<224x96xf32> -> vector<96x224xf32>
    %swap3A = arith.constant 0 : index
    %swap3A_4 = arith.constant 0 : index
    %swap3A_5 = arith.constant 0 : index
    %swap3A_6 = vector.load %arg2[%swap3A, %swap3A_4, %swap3A_5] : memref<64x96x224xf32, #tpu.memory_space<vmem>>, vector<1x96x224xf32>
    %swap3A_7 = vector.shape_cast %swap3A_6 : vector<1x96x224xf32> to vector<96x224xf32>
    %swap3A_8 = vector.shape_cast %transpose3A : vector<96x224xf32> to vector<1x96x224xf32>
    tpu.vector_store %arg2[%swap3A, %swap3A_4, %swap3A_5], %swap3A_8 {strides = array<i32>} : memref<64x96x224xf32, #tpu.memory_space<vmem>>, vector<1x96x224xf32>,
    %get3A_9 = arith.constant 1 : index
    %get3A_10 = arith.constant 0 : index
    %get3A_11 = arith.constant 0 : index
    %get3A_12 = vector.load %arg1[%get3A_9, %get3A_10, %get3A_11] : memref<64x224x128xf32, #tpu.memory_space<vmem>>, vector<1x224x96xf32>
    %get3A_13 = vector.shape_cast %get3A_12 : vector<1x224x96xf32> to vector<224x96xf32>
    %transpose3A_14 = tpu.transpose %get3A_13, [1, 0] : vector<224x96xf32> -> vector<96x224xf32>
    %swap3A_15 = arith.constant 1 : index
    %swap3A_16 = arith.constant 0 : index
    %swap3A_17 = arith.constant 0 : index
    %swap3A_18 = vector.load %arg2[%swap3A_15, %swap3A_16, %swap3A_17] : memref<64x96x224xf32, #tpu.memory_space<vmem>>, vector<1x96x224xf32>
    %swap3A_19 = vector.shape_cast %swap3A_18 : vector<1x96x224xf32> to vector<96x224xf32>
    %swap3A_20 = vector.shape_cast %transpose3A_14 : vector<96x224xf32> to vector<1x96x224xf32>
    tpu.vector_store %arg2[%swap3A_15, %swap3A_16, %swap3A_17], %swap3A_20 {strides = array<i32>} : memref<64x96x224xf32, #tpu.memory_space<vmem>>, vector<1x96x224xf32>,
    %get3A_21 = arith.constant 2 : index
    %get3A_22 = arith.constant 0 : index
    %get3A_23 = arith.constant 0 : index
    %get3A_24 = vector.load %arg1[%get3A_21, %get3A_22, %get3A_23] : memref<64x224x128xf32, #tpu.memory_space<vmem>>, vector<1x224x96xf32>
    %get3A_25 = vector.shape_cast %get3A_24 : vector<1x224x96xf32> to vector<224x96xf32>
    %transpose3A_26 = tpu.transpose %get3A_25, [1, 0] : vector<224x96xf32> -> vector<96x224xf32>
    %swap3A_27 = arith.constant 2 : index
    %swap3A_28 = arith.constant 0 : index
    %swap3A_29 = arith.constant 0 : index
    %swap3A_30 = vector.load %arg2[%swap3A_27, %swap3A_28, %swap3A_29] : memref<64x96x224xf32, #tpu.memory_space<vmem>>, vector<1x96x224xf32>
    %swap3A_31 = vector.shape_cast %swap3A_30 : vector<1x96x224xf32> to vector<96x224xf32>
    %swap3A_32 = vector.shape_cast %transpose3A_26 : vector<96x224xf32> to vector<1x96x224xf32>
    tpu.vector_store %arg2[%swap3A_27, %swap3A_28, %swap3A_29], %swap3A_32 {strides = array<i32>} : memref<64x96x224xf32, #tpu.memory_space<vmem>>, vector<1x96x224xf32>,
    %get3A_33 = arith.constant 3 : index
    %get3A_34 = arith.constant 0 : index
    %get3A_35 = arith.constant 0 : index
    %get3A_36 = vector.load %arg1[%get3A_33, %get3A_34, %get3A_35] : memref<64x224x128xf32, #tpu.memory_space<vmem>>, vector<1x224x96xf32>
    %get3A_37 = vector.shape_cast %get3A_36 : vector<1x224x96xf32> to vector<224x96xf32>
    %transpose3A_38 = tpu.transpose %get3A_37, [1, 0] : vector<224x96xf32> -> vector<96x224xf32>
    %swap3A_39 = arith.constant 3 : index
    %swap3A_40 = arith.constant 0 : index
    %swap3A_41 = arith.constant 0 : index
    %swap3A_42 = vector.load %arg2[%swap3A_39, %swap3A_40, %swap3A_41] : memref<64x96x224xf32, #tpu.memory_space<vmem>>, vector<1x96x224xf32>
    %swap3A_43 = vector.shape_cast %swap3A_42 : vector<1x96x224xf32> to vector<96x224xf32>
    %swap3A_44 = vector.shape_cast %transpose3A_38 : vector<96x224xf32> to vector<1x96x224xf32>
    tpu.vector_store %arg2[%swap3A_39, %swap3A_40, %swap3A_41], %swap3A_44 {strides = array<i32>} : memref<64x96x224xf32, #tpu.memory_space<vmem>>, vector<1x96x224xf32>,
    %get3A_45 = arith.constant 4 : index
    %get3A_46 = arith.constant 0 : index
    %get3A_47 = arith.constant 0 : index
    %get3A_48 = vector.load %arg1[%get3A_45, %get3A_46, %get3A_47] : memref<64x224x128xf32, #tpu.memory_space<vmem>>, vector<1x224x96xf32>
    %get3A_49 = vector.shape_cast %get3A_48 : vector<1x224x96xf32> to vector<224x96xf32>
    %transpose3A_50 = tpu.transpose %get3A_49, [1, 0] : vector<224x96xf32> -> vector<96x224xf32>
    %swap3A_51 = arith.constant 4 : index
    %swap3A_52 = arith.constant 0 : index
    %swap3A_53 = arith.constant 0 : index
    %swap3A_54 = vector.load %arg2[%swap3A_51, %swap3A_52, %swap3A_53] : memref<64x96x224xf32, #tpu.memory_space<vmem>>, vector<1x96x224xf32>
    %swap3A_55 = vector.shape_cast %swap3A_54 : vector<1x96x224xf32> to vector<96x224xf32>
    %swap3A_56 = vector.shape_cast %transpose3A_50 : vector<96x224xf32> to vector<1x96x224xf32>
    tpu.vector_store %arg2[%swap3A_51, %swap3A_52, %swap3A_53], %swap3A_56 {strides = array<i32>} : memref<64x96x224xf32, #tpu.memory_space<vmem>>, vector<1x96x224xf32>,
    %get3A_57 = arith.constant 5 : index
    %get3A_58 = arith.constant 0 : index
    %get3A_59 = arith.constant 0 : index
    %get3A_60 = vector.load %arg1[%get3A_57, %get3A_58, %get3A_59] : memref<64x224x128xf32, #tpu.memory_space<vmem>>, vector<1x224x96xf32>
    %get3A_61 = vector.shape_cast %get3A_60 : vector<1x224x96xf32> to vector<224x96xf32>
    %transpose3A_62 = tpu.transpose %get3A_61, [1, 0] : vector<224x96xf32> -> vector<96x224xf32>
    %swap3A_63 = arith.constant 5 : index
    %swap3A_64 = arith.constant 0 : index
    %swap3A_65 = arith.constant 0 : index
    %swap3A_66 = vector.load %arg2[%swap3A_63, %swap3A_64, %swap3A_65] : memref<64x96x224xf32, #tpu.memory_space<vmem>>, vector<1x96x224xf32>
    %swap3A_67 = vector.shape_cast %swap3A_66 : vector<1x96x224xf32> to vector<96x224xf32>
    %swap3A_68 = vector.shape_cast %transpose3A_62 : vector<96x224xf32> to vector<1x96x224xf32>
    tpu.vector_store %arg2[%swap3A_63, %swap3A_64, %swap3A_65], %swap3A_68 {strides = array<i32>} : memref<64x96x224xf32, #tpu.memory_space<vmem>>, vector<1x96x224xf32>,
    %get3A_69 = arith.constant 6 : index
    %get3A_70 = arith.constant 0 : index
    %get3A_71 = arith.constant 0 : index
    %get3A_72 = vector.load %arg1[%get3A_69, %get3A_70, %get3A_71] : memref<64x224x128xf32, #tpu.memory_space<vmem>>, vector<1x224x96xf32>
    %get3A_73 = vector.shape_cast %get3A_72 : vector<1x224x96xf32> to vector<224x96xf32>
    %transpose3A_74 = tpu.transpose %get3A_73, [1, 0] : vector<224x96xf32> -> vector<96x224xf32>
    %swap3A_75 = arith.constant 6 : index
    %swap3A_76 = arith.constant 0 : index
    %swap3A_77 = arith.constant 0 : index
    %swap3A_78 = vector.load %arg2[%swap3A_75, %swap3A_76, %swap3A_77] : memref<64x96x224xf32, #tpu.memory_space<vmem>>, vector<1x96x224xf32>
    %swap3A_79 = vector.shape_cast %swap3A_78 : vector<1x96x224xf32> to vector<96x224xf32>
    %swap3A_80 = vector.shape_cast %transpose3A_74 : vector<96x224xf32> to vector<1x96x224xf32>
    tpu.vector_store %arg2[%swap3A_75, %swap3A_76, %swap3A_77], %swap3A_80 {strides = array<i32>} : memref<64x96x224xf32, #tpu.memory_space<vmem>>, vector<1x96x224xf32>,
    %get3A_81 = arith.constant 7 : index
    %get3A_82 = arith.constant 0 : index
    %get3A_83 = arith.constant 0 : index
    %get3A_84 = vector.load %arg1[%get3A_81, %get3A_82, %get3A_83] : memref<64x224x128xf32, #tpu.memory_space<vmem>>, vector<1x224x96xf32>
    %get3A_85 = vector.shape_cast %get3A_84 : vector<1x224x96xf32> to vector<224x96xf32>
    %transpose3A_86 = tpu.transpose %get3A_85, [1, 0] : vector<224x96xf32> -> vector<96x224xf32>
    %swap3A_87 = arith.constant 7 : index
    %swap3A_88 = arith.constant 0 : index
    %swap3A_89 = arith.constant 0 : index
    %swap3A_90 = vector.load %arg2[%swap3A_87, %swap3A_88, %swap3A_89] : memref<64x96x224xf32, #tpu.memory_space<vmem>>, vector<1x96x224xf32>
    %swap3A_91 = vector.shape_cast %swap3A_90 : vector<1x96x224xf32> to vector<96x224xf32>
    %swap3A_92 = vector.shape_cast %transpose3A_86 : vector<96x224xf32> to vector<1x96x224xf32>
    tpu.vector_store %arg2[%swap3A_87, %swap3A_88, %swap3A_89], %swap3A_92 {strides = array<i32>} : memref<64x96x224xf32, #tpu.memory_space<vmem>>, vector<1x96x224xf32>,
    %get3A_93 = arith.constant 8 : index
    %get3A_94 = arith.constant 0 : index
    %get3A_95 = arith.constant 0 : index
    %get3A_96 = vector.load %arg1[%get3A_93, %get3A_94, %get3A_95] : memref<64x224x128xf32, #tpu.memory_space<vmem>>, vector<1x224x96xf32>
    %get3A_97 = vector.shape_cast %get3A_96 : vector<1x224x96xf32> to vector<224x96xf32>
    %transpose3A_98 = tpu.transpose %get3A_97, [1, 0] : vector<224x96xf32> -> vector<96x224xf32>
    %swap3A_99 = arith.constant 8 : index
    %swap3A_100 = arith.constant 0 : index
    %swap3A_101 = arith.constant 0 : index
    %swap3A_102 = vector.load %arg2[%swap3A_99, %swap3A_100, %swap3A_101] : memref<64x96x224xf32, #tpu.memory_space<vmem>>, vector<1x96x224xf32>
    %swap3A_103 = vector.shape_cast %swap3A_102 : vector<1x96x224xf32> to vector<96x224xf32>
    %swap3A_104 = vector.shape_cast %transpose3A_98 : vector<96x224xf32> to vector<1x96x224xf32>
    tpu.vector_store %arg2[%swap3A_99, %swap3A_100, %swap3A_101], %swap3A_104 {strides = array<i32>} : memref<64x96x224xf32, #tpu.memory_space<vmem>>, vector<1x96x224xf32>,
    %get3A_105 = arith.constant 9 : index
    %get3A_106 = arith.constant 0 : index
    %get3A_107 = arith.constant 0 : index
    %get3A_108 = vector.load %arg1[%get3A_105, %get3A_106, %get3A_107] : memref<64x224x128xf32, #tpu.memory_space<vmem>>, vector<1x224x96xf32>
    %get3A_109 = vector.shape_cast %get3A_108 : vector<1x224x96xf32> to vector<224x96xf32>
    %transpose3A_110 = tpu.transpose %get3A_109, [1, 0] : vector<224x96xf32> -> vector<96x224xf32>
    %swap3A_111 = arith.constant 9 : index
    %swap3A_112 = arith.constant 0 : index
    %swap3A_113 = arith.constant 0 : index
    %swap3A_114 = vector.load %arg2[%swap3A_111, %swap3A_112, %swap3A_113] : memref<64x96x224xf32, #tpu.memory_space<vmem>>, vector<1x96x224xf32>
    %swap3A_115 = vector.shape_cast %swap3A_114 : vector<1x96x224xf32> to vector<96x224xf32>
    %swap3A_116 = vector.shape_cast %transpose3A_110 : vector<96x224xf32> to vector<1x96x224xf32>
    tpu.vector_store %arg2[%swap3A_111, %swap3A_112, %swap3A_113], %swap3A_116 {strides = array<i32>} : memref<64x96x224xf32, #tpu.memory_space<vmem>>, vector<1x96x224xf32>,
    %get3A_117 = arith.constant 10 : index
    %get3A_118 = arith.constant 0 : index
    %get3A_119 = arith.constant 0 : index
    %get3A_120 = vector.load %arg1[%get3A_117, %get3A_118, %get3A_119] : memref<64x224x128xf32, #tpu.memory_space<vmem>>, vector<1x224x96xf32>
    %get3A_121 = vector.shape_cast %get3A_120 : vector<1x224x96xf32> to vector<224x96xf32>
    %transpose3A_122 = tpu.transpose %get3A_121, [1, 0] : vector<224x96xf32> -> vector<96x224xf32>
    %swap3A_123 = arith.constant 10 : index
    %swap3A_124 = arith.constant 0 : index
    %swap3A_125 = arith.constant 0 : index
    %swap3A_126 = vector.load %arg2[%swap3A_123, %swap3A_124, %swap3A_125] : memref<64x96x224xf32, #tpu.memory_space<vmem>>, vector<1x96x224xf32>
    %swap3A_127 = vector.shape_cast %swap3A_126 : vector<1x96x224xf32> to vector<96x224xf32>
    %swap3A_128 = vector.shape_cast %transpose3A_122 : vector<96x224xf32> to vector<1x96x224xf32>
    tpu.vector_store %arg2[%swap3A_123, %swap3A_124, %swap3A_125], %swap3A_128 {strides = array<i32>} : memref<64x96x224xf32, #tpu.memory_space<vmem>>, vector<1x96x224xf32>,
    %get3A_129 = arith.constant 11 : index
    %get3A_130 = arith.constant 0 : index
    %get3A_131 = arith.constant 0 : index
    %get3A_132 = vector.load %arg1[%get3A_129, %get3A_130, %get3A_131] : memref<64x224x128xf32, #tpu.memory_space<vmem>>, vector<1x224x96xf32>
    %get3A_133 = vector.shape_cast %get3A_132 : vector<1x224x96xf32> to vector<224x96xf32>
    %transpose3A_134 = tpu.transpose %get3A_133, [1, 0] : vector<224x96xf32> -> vector<96x224xf32>
    %swap3A_135 = arith.constant 11 : index
    %swap3A_136 = arith.constant 0 : index
    %swap3A_137 = arith.constant 0 : index
    %swap3A_138 = vector.load %arg2[%swap3A_135, %swap3A_136, %swap3A_137] : memref<64x96x224xf32, #tpu.memory_space<vmem>>, vector<1x96x224xf32>
    %swap3A_139 = vector.shape_cast %swap3A_138 : vector<1x96x224xf32> to vector<96x224xf32>
    %swap3A_140 = vector.shape_cast %transpose3A_134 : vector<96x224xf32> to vector<1x96x224xf32>
    tpu.vector_store %arg2[%swap3A_135, %swap3A_136, %swap3A_137], %swap3A_140 {strides = array<i32>} : memref<64x96x224xf32, #tpu.memory_space<vmem>>, vector<1x96x224xf32>,
    %get3A_141 = arith.constant 12 : index
    %get3A_142 = arith.constant 0 : index
    %get3A_143 = arith.constant 0 : index
    %get3A_144 = vector.load %arg1[%get3A_141, %get3A_142, %get3A_143] : memref<64x224x128xf32, #tpu.memory_space<vmem>>, vector<1x224x96xf32>
    %get3A_145 = vector.shape_cast %get3A_144 : vector<1x224x96xf32> to vector<224x96xf32>
    %transpose3A_146 = tpu.transpose %get3A_145, [1, 0] : vector<224x96xf32> -> vector<96x224xf32>
    %swap3A_147 = arith.constant 12 : index
    %swap3A_148 = arith.constant 0 : index
    %swap3A_149 = arith.constant 0 : index
    %swap3A_150 = vector.load %arg2[%swap3A_147, %swap3A_148, %swap3A_149] : memref<64x96x224xf32, #tpu.memory_space<vmem>>, vector<1x96x224xf32>
    %swap3A_151 = vector.shape_cast %swap3A_150 : vector<1x96x224xf32> to vector<96x224xf32>
    %swap3A_152 = vector.shape_cast %transpose3A_146 : vector<96x224xf32> to vector<1x96x224xf32>
    tpu.vector_store %arg2[%swap3A_147, %swap3A_148, %swap3A_149], %swap3A_152 {strides = array<i32>} : memref<64x96x224xf32, #tpu.memory_space<vmem>>, vector<1x96x224xf32>,
    %get3A_153 = arith.constant 13 : index
    %get3A_154 = arith.constant 0 : index
    %get3A_155 = arith.constant 0 : index
    %get3A_156 = vector.load %arg1[%get3A_153, %get3A_154, %get3A_155] : memref<64x224x128xf32, #tpu.memory_space<vmem>>, vector<1x224x96xf32>
    %get3A_157 = vector.shape_cast %get3A_156 : vector<1x224x96xf32> to vector<224x96xf32>
    %transpose3A_158 = tpu.transpose %get3A_157, [1, 0] : vector<224x96xf32> -> vector<96x224xf32>
    %swap3A_159 = arith.constant 13 : index
    %swap3A_160 = arith.constant 0 : index
    %swap3A_161 = arith.constant 0 : index
    %swap3A_162 = vector.load %arg2[%swap3A_159, %swap3A_160, %swap3A_161] : memref<64x96x224xf32, #tpu.memory_space<vmem>>, vector<1x96x224xf32>
    %swap3A_163 = vector.shape_cast %swap3A_162 : vector<1x96x224xf32> to vector<96x224xf32>
    %swap3A_164 = vector.shape_cast %transpose3A_158 : vector<96x224xf32> to vector<1x96x224xf32>
    tpu.vector_store %arg2[%swap3A_159, %swap3A_160, %swap3A_161], %swap3A_164 {strides = array<i32>} : memref<64x96x224xf32, #tpu.memory_space<vmem>>, vector<1x96x224xf32>,
    %get3A_165 = arith.constant 14 : index
    %get3A_166 = arith.constant 0 : index
    %get3A_167 = arith.constant 0 : index
    %get3A_168 = vector.load %arg1[%get3A_165, %get3A_166, %get3A_167] : memref<64x224x128xf32, #tpu.memory_space<vmem>>, vector<1x224x96xf32>
    %get3A_169 = vector.shape_cast %get3A_168 : vector<1x224x96xf32> to vector<224x96xf32>
    %transpose3A_170 = tpu.transpose %get3A_169, [1, 0] : vector<224x96xf32> -> vector<96x224xf32>
    %swap3A_171 = arith.constant 14 : index
    %swap3A_172 = arith.constant 0 : index
    %swap3A_173 = arith.constant 0 : index
    %swap3A_174 = vector.load %arg2[%swap3A_171, %swap3A_172, %swap3A_173] : memref<64x96x224xf32, #tpu.memory_space<vmem>>, vector<1x96x224xf32>
    %swap3A_175 = vector.shape_cast %swap3A_174 : vector<1x96x224xf32> to vector<96x224xf32>
    %swap3A_176 = vector.shape_cast %transpose3A_170 : vector<96x224xf32> to vector<1x96x224xf32>
    tpu.vector_store %arg2[%swap3A_171, %swap3A_172, %swap3A_173], %swap3A_176 {strides = array<i32>} : memref<64x96x224xf32, #tpu.memory_space<vmem>>, vector<1x96x224xf32>,
    %get3A_177 = arith.constant 15 : index
    %get3A_178 = arith.constant 0 : index
    %get3A_179 = arith.constant 0 : index
    %get3A_180 = vector.load %arg1[%get3A_177, %get3A_178, %get3A_179] : memref<64x224x128xf32, #tpu.memory_space<vmem>>, vector<1x224x96xf32>
    %get3A_181 = vector.shape_cast %get3A_180 : vector<1x224x96xf32> to vector<224x96xf32>
    %transpose3A_182 = tpu.transpose %get3A_181, [1, 0] : vector<224x96xf32> -> vector<96x224xf32>
    %swap3A_183 = arith.constant 15 : index
    %swap3A_184 = arith.constant 0 : index
    %swap3A_185 = arith.constant 0 : index
    %swap3A_186 = vector.load %arg2[%swap3A_183, %swap3A_184, %swap3A_185] : memref<64x96x224xf32, #tpu.memory_space<vmem>>, vector<1x96x224xf32>
    %swap3A_187 = vector.shape_cast %swap3A_186 : vector<1x96x224xf32> to vector<96x224xf32>
    %swap3A_188 = vector.shape_cast %transpose3A_182 : vector<96x224xf32> to vector<1x96x224xf32>
    tpu.vector_store %arg2[%swap3A_183, %swap3A_184, %swap3A_185], %swap3A_188 {strides = array<i32>} : memref<64x96x224xf32, #tpu.memory_space<vmem>>, vector<1x96x224xf32>,
    %get3A_189 = arith.constant 16 : index
    %get3A_190 = arith.constant 0 : index
    %get3A_191 = arith.constant 0 : index
    %get3A_192 = vector.load %arg1[%get3A_189, %get3A_190, %get3A_191] : memref<64x224x128xf32, #tpu.memory_space<vmem>>, vector<1x224x96xf32>
    %get3A_193 = vector.shape_cast %get3A_192 : vector<1x224x96xf32> to vector<224x96xf32>
    %transpose3A_194 = tpu.transpose %get3A_193, [1, 0] : vector<224x96xf32> -> vector<96x224xf32>
    %swap3A_195 = arith.constant 16 : index
    %swap3A_196 = arith.constant 0 : index
    %swap3A_197 = arith.constant 0 : index
    %swap3A_198 = vector.load %arg2[%swap3A_195, %swap3A_196, %swap3A_197] : memref<64x96x224xf32, #tpu.memory_space<vmem>>, vector<1x96x224xf32>
    %swap3A_199 = vector.shape_cast %swap3A_198 : vector<1x96x224xf32> to vector<96x224xf32>
    %swap3A_200 = vector.shape_cast %transpose3A_194 : vector<96x224xf32> to vector<1x96x224xf32>
    tpu.vector_store %arg2[%swap3A_195, %swap3A_196, %swap3A_197], %swap3A_200 {strides = array<i32>} : memref<64x96x224xf32, #tpu.memory_space<vmem>>, vector<1x96x224xf32>,
    %get3A_201 = arith.constant 17 : index
    %get3A_202 = arith.constant 0 : index
    %get3A_203 = arith.constant 0 : index
    %get3A_204 = vector.load %arg1[%get3A_201, %get3A_202, %get3A_203] : memref<64x224x128xf32, #tpu.memory_space<vmem>>, vector<1x224x96xf32>
    %get3A_205 = vector.shape_cast %get3A_204 : vector<1x224x96xf32> to vector<224x96xf32>
    %transpose3A_206 = tpu.transpose %get3A_205, [1, 0] : vector<224x96xf32> -> vector<96x224xf32>
    %swap3A_207 = arith.constant 17 : index
    %swap3A_208 = arith.constant 0 : index
    %swap3A_209 = arith.constant 0 : index
    %swap3A_210 = vector.load %arg2[%swap3A_207, %swap3A_208, %swap3A_209] : memref<64x96x224xf32, #tpu.memory_space<vmem>>, vector<1x96x224xf32>
    %swap3A_211 = vector.shape_cast %swap3A_210 : vector<1x96x224xf32> to vector<96x224xf32>
    %swap3A_212 = vector.shape_cast %transpose3A_206 : vector<96x224xf32> to vector<1x96x224xf32>
    tpu.vector_store %arg2[%swap3A_207, %swap3A_208, %swap3A_209], %swap3A_212 {strides = array<i32>} : memref<64x96x224xf32, #tpu.memory_space<vmem>>, vector<1x96x224xf32>,
    %get3A_213 = arith.constant 18 : index
    %get3A_214 = arith.constant 0 : index
    %get3A_215 = arith.constant 0 : index
    %get3A_216 = vector.load %arg1[%get3A_213, %get3A_214, %get3A_215] : memref<64x224x128xf32, #tpu.memory_space<vmem>>, vector<1x224x96xf32>
    %get3A_217 = vector.shape_cast %get3A_216 : vector<1x224x96xf32> to vector<224x96xf32>
    %transpose3A_218 = tpu.transpose %get3A_217, [1, 0] : vector<224x96xf32> -> vector<96x224xf32>
    %swap3A_219 = arith.constant 18 : index
    %swap3A_220 = arith.constant 0 : index
    %swap3A_221 = arith.constant 0 : index
    %swap3A_222 = vector.load %arg2[%swap3A_219, %swap3A_220, %swap3A_221] : memref<64x96x224xf32, #tpu.memory_space<vmem>>, vector<1x96x224xf32>
    %swap3A_223 = vector.shape_cast %swap3A_222 : vector<1x96x224xf32> to vector<96x224xf32>
    %swap3A_224 = vector.shape_cast %transpose3A_218 : vector<96x224xf32> to vector<1x96x224xf32>
    tpu.vector_store %arg2[%swap3A_219, %swap3A_220, %swap3A_221], %swap3A_224 {strides = array<i32>} : memref<64x96x224xf32, #tpu.memory_space<vmem>>, vector<1x96x224xf32>,
    %get3A_225 = arith.constant 19 : index
    %get3A_226 = arith.constant 0 : index
    %get3A_227 = arith.constant 0 : index
    %get3A_228 = vector.load %arg1[%get3A_225, %get3A_226, %get3A_227] : memref<64x224x128xf32, #tpu.memory_space<vmem>>, vector<1x224x96xf32>
    %get3A_229 = vector.shape_cast %get3A_228 : vector<1x224x96xf32> to vector<224x96xf32>
    %transpose3A_230 = tpu.transpose %get3A_229, [1, 0] : vector<224x96xf32> -> vector<96x224xf32>
    %swap3A_231 = arith.constant 19 : index
    %swap3A_232 = arith.constant 0 : index
    %swap3A_233 = arith.constant 0 : index
    %swap3A_234 = vector.load %arg2[%swap3A_231, %swap3A_232, %swap3A_233] : memref<64x96x224xf32, #tpu.memory_space<vmem>>, vector<1x96x224xf32>
    %swap3A_235 = vector.shape_cast %swap3A_234 : vector<1x96x224xf32> to vector<96x224xf32>
    %swap3A_236 = vector.shape_cast %transpose3A_230 : vector<96x224xf32> to vector<1x96x224xf32>
    tpu.vector_store %arg2[%swap3A_231, %swap3A_232, %swap3A_233], %swap3A_236 {strides = array<i32>} : memref<64x96x224xf32, #tpu.memory_space<vmem>>, vector<1x96x224xf32>,
    %get3A_237 = arith.constant 20 : index
    %get3A_238 = arith.constant 0 : index
    %get3A_239 = arith.constant 0 : index
    %get3A_240 = vector.load %arg1[%get3A_237, %get3A_238, %get3A_239] : memref<64x224x128xf32, #tpu.memory_space<vmem>>, vector<1x224x96xf32>
    %get3A_241 = vector.shape_cast %get3A_240 : vector<1x224x96xf32> to vector<224x96xf32>
    %transpose3A_242 = tpu.transpose %get3A_241, [1, 0] : vector<224x96xf32> -> vector<96x224xf32>
    %swap3A_243 = arith.constant 20 : index
    %swap3A_244 = arith.constant 0 : index
    %swap3A_245 = arith.constant 0 : index
    %swap3A_246 = vector.load %arg2[%swap3A_243, %swap3A_244, %swap3A_245] : memref<64x96x224xf32, #tpu.memory_space<vmem>>, vector<1x96x224xf32>
    %swap3A_247 = vector.shape_cast %swap3A_246 : vector<1x96x224xf32> to vector<96x224xf32>
    %swap3A_248 = vector.shape_cast %transpose3A_242 : vector<96x224xf32> to vector<1x96x224xf32>
    tpu.vector_store %arg2[%swap3A_243, %swap3A_244, %swap3A_245], %swap3A_248 {strides = array<i32>} : memref<64x96x224xf32, #tpu.memory_space<vmem>>, vector<1x96x224xf32>,
    %get3A_249 = arith.constant 21 : index
    %get3A_250 = arith.constant 0 : index
    %get3A_251 = arith.constant 0 : index
    %get3A_252 = vector.load %arg1[%get3A_249, %get3A_250, %get3A_251] : memref<64x224x128xf32, #tpu.memory_space<vmem>>, vector<1x224x96xf32>
    %get3A_253 = vector.shape_cast %get3A_252 : vector<1x224x96xf32> to vector<224x96xf32>
    %transpose3A_254 = tpu.transpose %get3A_253, [1, 0] : vector<224x96xf32> -> vector<96x224xf32>
    %swap3A_255 = arith.constant 21 : index
    %swap3A_256 = arith.constant 0 : index
    %swap3A_257 = arith.constant 0 : index
    %swap3A_258 = vector.load %arg2[%swap3A_255, %swap3A_256, %swap3A_257] : memref<64x96x224xf32, #tpu.memory_space<vmem>>, vector<1x96x224xf32>
    %swap3A_259 = vector.shape_cast %swap3A_258 : vector<1x96x224xf32> to vector<96x224xf32>
    %swap3A_260 = vector.shape_cast %transpose3A_254 : vector<96x224xf32> to vector<1x96x224xf32>
    tpu.vector_store %arg2[%swap3A_255, %swap3A_256, %swap3A_257], %swap3A_260 {strides = array<i32>} : memref<64x96x224xf32, #tpu.memory_space<vmem>>, vector<1x96x224xf32>,
    %get3A_261 = arith.constant 22 : index
    %get3A_262 = arith.constant 0 : index
    %get3A_263 = arith.constant 0 : index
    %get3A_264 = vector.load %arg1[%get3A_261, %get3A_262, %get3A_263] : memref<64x224x128xf32, #tpu.memory_space<vmem>>, vector<1x224x96xf32>
    %get3A_265 = vector.shape_cast %get3A_264 : vector<1x224x96xf32> to vector<224x96xf32>
    %transpose3A_266 = tpu.transpose %get3A_265, [1, 0] : vector<224x96xf32> -> vector<96x224xf32>
    %swap3A_267 = arith.constant 22 : index
    %swap3A_268 = arith.constant 0 : index
    %swap3A_269 = arith.constant 0 : index
    %swap3A_270 = vector.load %arg2[%swap3A_267, %swap3A_268, %swap3A_269] : memref<64x96x224xf32, #tpu.memory_space<vmem>>, vector<1x96x224xf32>
    %swap3A_271 = vector.shape_cast %swap3A_270 : vector<1x96x224xf32> to vector<96x224xf32>
    %swap3A_272 = vector.shape_cast %transpose3A_266 : vector<96x224xf32> to vector<1x96x224xf32>
    tpu.vector_store %arg2[%swap3A_267, %swap3A_268, %swap3A_269], %swap3A_272 {strides = array<i32>} : memref<64x96x224xf32, #tpu.memory_space<vmem>>, vector<1x96x224xf32>,
    %get3A_273 = arith.constant 23 : index
    %get3A_274 = arith.constant 0 : index
    %get3A_275 = arith.constant 0 : index
    %get3A_276 = vector.load %arg1[%get3A_273, %get3A_274, %get3A_275] : memref<64x224x128xf32, #tpu.memory_space<vmem>>, vector<1x224x96xf32>
    %get3A_277 = vector.shape_cast %get3A_276 : vector<1x224x96xf32> to vector<224x96xf32>
    %transpose3A_278 = tpu.transpose %get3A_277, [1, 0] : vector<224x96xf32> -> vector<96x224xf32>
    %swap3A_279 = arith.constant 23 : index
    %swap3A_280 = arith.constant 0 : index
    %swap3A_281 = arith.constant 0 : index
    %swap3A_282 = vector.load %arg2[%swap3A_279, %swap3A_280, %swap3A_281] : memref<64x96x224xf32, #tpu.memory_space<vmem>>, vector<1x96x224xf32>
    %swap3A_283 = vector.shape_cast %swap3A_282 : vector<1x96x224xf32> to vector<96x224xf32>
    %swap3A_284 = vector.shape_cast %transpose3A_278 : vector<96x224xf32> to vector<1x96x224xf32>
    tpu.vector_store %arg2[%swap3A_279, %swap3A_280, %swap3A_281], %swap3A_284 {strides = array<i32>} : memref<64x96x224xf32, #tpu.memory_space<vmem>>, vector<1x96x224xf32>,
    %get3A_285 = arith.constant 24 : index
    %get3A_286 = arith.constant 0 : index
    %get3A_287 = arith.constant 0 : index
    %get3A_288 = vector.load %arg1[%get3A_285, %get3A_286, %get3A_287] : memref<64x224x128xf32, #tpu.memory_space<vmem>>, vector<1x224x96xf32>
    %get3A_289 = vector.shape_cast %get3A_288 : vector<1x224x96xf32> to vector<224x96xf32>
    %transpose3A_290 = tpu.transpose %get3A_289, [1, 0] : vector<224x96xf32> -> vector<96x224xf32>
    %swap3A_291 = arith.constant 24 : index
    %swap3A_292 = arith.constant 0 : index
    %swap3A_293 = arith.constant 0 : index
    %swap3A_294 = vector.load %arg2[%swap3A_291, %swap3A_292, %swap3A_293] : memref<64x96x224xf32, #tpu.memory_space<vmem>>, vector<1x96x224xf32>
    %swap3A_295 = vector.shape_cast %swap3A_294 : vector<1x96x224xf32> to vector<96x224xf32>
    %swap3A_296 = vector.shape_cast %transpose3A_290 : vector<96x224xf32> to vector<1x96x224xf32>
    tpu.vector_store %arg2[%swap3A_291, %swap3A_292, %swap3A_293], %swap3A_296 {strides = array<i32>} : memref<64x96x224xf32, #tpu.memory_space<vmem>>, vector<1x96x224xf32>,
    %get3A_297 = arith.constant 25 : index
    %get3A_298 = arith.constant 0 : index
    %get3A_299 = arith.constant 0 : index
    %get3A_300 = vector.load %arg1[%get3A_297, %get3A_298, %get3A_299] : memref<64x224x128xf32, #tpu.memory_space<vmem>>, vector<1x224x96xf32>
    %get3A_301 = vector.shape_cast %get3A_300 : vector<1x224x96xf32> to vector<224x96xf32>
    %transpose3A_302 = tpu.transpose %get3A_301, [1, 0] : vector<224x96xf32> -> vector<96x224xf32>
    %swap3A_303 = arith.constant 25 : index
    %swap3A_304 = arith.constant 0 : index
    %swap3A_305 = arith.constant 0 : index
    %swap3A_306 = vector.load %arg2[%swap3A_303, %swap3A_304, %swap3A_305] : memref<64x96x224xf32, #tpu.memory_space<vmem>>, vector<1x96x224xf32>
    %swap3A_307 = vector.shape_cast %swap3A_306 : vector<1x96x224xf32> to vector<96x224xf32>
    %swap3A_308 = vector.shape_cast %transpose3A_302 : vector<96x224xf32> to vector<1x96x224xf32>
    tpu.vector_store %arg2[%swap3A_303, %swap3A_304, %swap3A_305], %swap3A_308 {strides = array<i32>} : memref<64x96x224xf32, #tpu.memory_space<vmem>>, vector<1x96x224xf32>,
    %get3A_309 = arith.constant 26 : index
    %get3A_310 = arith.constant 0 : index
    %get3A_311 = arith.constant 0 : index
    %get3A_312 = vector.load %arg1[%get3A_309, %get3A_310, %get3A_311] : memref<64x224x128xf32, #tpu.memory_space<vmem>>, vector<1x224x96xf32>
    %get3A_313 = vector.shape_cast %get3A_312 : vector<1x224x96xf32> to vector<224x96xf32>
    %transpose3A_314 = tpu.transpose %get3A_313, [1, 0] : vector<224x96xf32> -> vector<96x224xf32>
    %swap3A_315 = arith.constant 26 : index
    %swap3A_316 = arith.constant 0 : index
    %swap3A_317 = arith.constant 0 : index
    %swap3A_318 = vector.load %arg2[%swap3A_315, %swap3A_316, %swap3A_317] : memref<64x96x224xf32, #tpu.memory_space<vmem>>, vector<1x96x224xf32>
    %swap3A_319 = vector.shape_cast %swap3A_318 : vector<1x96x224xf32> to vector<96x224xf32>
    %swap3A_320 = vector.shape_cast %transpose3A_314 : vector<96x224xf32> to vector<1x96x224xf32>
    tpu.vector_store %arg2[%swap3A_315, %swap3A_316, %swap3A_317], %swap3A_320 {strides = array<i32>} : memref<64x96x224xf32, #tpu.memory_space<vmem>>, vector<1x96x224xf32>,
    %get3A_321 = arith.constant 27 : index
    %get3A_322 = arith.constant 0 : index
    %get3A_323 = arith.constant 0 : index
    %get3A_324 = vector.load %arg1[%get3A_321, %get3A_322, %get3A_323] : memref<64x224x128xf32, #tpu.memory_space<vmem>>, vector<1x224x96xf32>
    %get3A_325 = vector.shape_cast %get3A_324 : vector<1x224x96xf32> to vector<224x96xf32>
    %transpose3A_326 = tpu.transpose %get3A_325, [1, 0] : vector<224x96xf32> -> vector<96x224xf32>
    %swap3A_327 = arith.constant 27 : index
    %swap3A_328 = arith.constant 0 : index
    %swap3A_329 = arith.constant 0 : index
    %swap3A_330 = vector.load %arg2[%swap3A_327, %swap3A_328, %swap3A_329] : memref<64x96x224xf32, #tpu.memory_space<vmem>>, vector<1x96x224xf32>
    %swap3A_331 = vector.shape_cast %swap3A_330 : vector<1x96x224xf32> to vector<96x224xf32>
    %swap3A_332 = vector.shape_cast %transpose3A_326 : vector<96x224xf32> to vector<1x96x224xf32>
    tpu.vector_store %arg2[%swap3A_327, %swap3A_328, %swap3A_329], %swap3A_332 {strides = array<i32>} : memref<64x96x224xf32, #tpu.memory_space<vmem>>, vector<1x96x224xf32>,
    %get3A_333 = arith.constant 28 : index
    %get3A_334 = arith.constant 0 : index
    %get3A_335 = arith.constant 0 : index
    %get3A_336 = vector.load %arg1[%get3A_333, %get3A_334, %get3A_335] : memref<64x224x128xf32, #tpu.memory_space<vmem>>, vector<1x224x96xf32>
    %get3A_337 = vector.shape_cast %get3A_336 : vector<1x224x96xf32> to vector<224x96xf32>
    %transpose3A_338 = tpu.transpose %get3A_337, [1, 0] : vector<224x96xf32> -> vector<96x224xf32>
    %swap3A_339 = arith.constant 28 : index
    %swap3A_340 = arith.constant 0 : index
    %swap3A_341 = arith.constant 0 : index
    %swap3A_342 = vector.load %arg2[%swap3A_339, %swap3A_340, %swap3A_341] : memref<64x96x224xf32, #tpu.memory_space<vmem>>, vector<1x96x224xf32>
    %swap3A_343 = vector.shape_cast %swap3A_342 : vector<1x96x224xf32> to vector<96x224xf32>
    %swap3A_344 = vector.shape_cast %transpose3A_338 : vector<96x224xf32> to vector<1x96x224xf32>
    tpu.vector_store %arg2[%swap3A_339, %swap3A_340, %swap3A_341], %swap3A_344 {strides = array<i32>} : memref<64x96x224xf32, #tpu.memory_space<vmem>>, vector<1x96x224xf32>,
    %get3A_345 = arith.constant 29 : index
    %get3A_346 = arith.constant 0 : index
    %get3A_347 = arith.constant 0 : index
    %get3A_348 = vector.load %arg1[%get3A_345, %get3A_346, %get3A_347] : memref<64x224x128xf32, #tpu.memory_space<vmem>>, vector<1x224x96xf32>
    %get3A_349 = vector.shape_cast %get3A_348 : vector<1x224x96xf32> to vector<224x96xf32>
    %transpose3A_350 = tpu.transpose %get3A_349, [1, 0] : vector<224x96xf32> -> vector<96x224xf32>
    %swap3A_351 = arith.constant 29 : index
    %swap3A_352 = arith.constant 0 : index
    %swap3A_353 = arith.constant 0 : index
    %swap3A_354 = vector.load %arg2[%swap3A_351, %swap3A_352, %swap3A_353] : memref<64x96x224xf32, #tpu.memory_space<vmem>>, vector<1x96x224xf32>
    %swap3A_355 = vector.shape_cast %swap3A_354 : vector<1x96x224xf32> to vector<96x224xf32>
    %swap3A_356 = vector.shape_cast %transpose3A_350 : vector<96x224xf32> to vector<1x96x224xf32>
    tpu.vector_store %arg2[%swap3A_351, %swap3A_352, %swap3A_353], %swap3A_356 {strides = array<i32>} : memref<64x96x224xf32, #tpu.memory_space<vmem>>, vector<1x96x224xf32>,
    %get3A_357 = arith.constant 30 : index
    %get3A_358 = arith.constant 0 : index
    %get3A_359 = arith.constant 0 : index
    %get3A_360 = vector.load %arg1[%get3A_357, %get3A_358, %get3A_359] : memref<64x224x128xf32, #tpu.memory_space<vmem>>, vector<1x224x96xf32>
    %get3A_361 = vector.shape_cast %get3A_360 : vector<1x224x96xf32> to vector<224x96xf32>
    %transpose3A_362 = tpu.transpose %get3A_361, [1, 0] : vector<224x96xf32> -> vector<96x224xf32>
    %swap3A_363 = arith.constant 30 : index
    %swap3A_364 = arith.constant 0 : index
    %swap3A_365 = arith.constant 0 : index
    %swap3A_366 = vector.load %arg2[%swap3A_363, %swap3A_364, %swap3A_365] : memref<64x96x224xf32, #tpu.memory_space<vmem>>, vector<1x96x224xf32>
    %swap3A_367 = vector.shape_cast %swap3A_366 : vector<1x96x224xf32> to vector<96x224xf32>
    %swap3A_368 = vector.shape_cast %transpose3A_362 : vector<96x224xf32> to vector<1x96x224xf32>
    tpu.vector_store %arg2[%swap3A_363, %swap3A_364, %swap3A_365], %swap3A_368 {strides = array<i32>} : memref<64x96x224xf32, #tpu.memory_space<vmem>>, vector<1x96x224xf32>,
    %get3A_369 = arith.constant 31 : index
    %get3A_370 = arith.constant 0 : index
    %get3A_371 = arith.constant 0 : index
    %get3A_372 = vector.load %arg1[%get3A_369, %get3A_370, %get3A_371] : memref<64x224x128xf32, #tpu.memory_space<vmem>>, vector<1x224x96xf32>
    %get3A_373 = vector.shape_cast %get3A_372 : vector<1x224x96xf32> to vector<224x96xf32>
    %transpose3A_374 = tpu.transpose %get3A_373, [1, 0] : vector<224x96xf32> -> vector<96x224xf32>
    %swap3A_375 = arith.constant 31 : index
    %swap3A_376 = arith.constant 0 : index
    %swap3A_377 = arith.constant 0 : index
    %swap3A_378 = vector.load %arg2[%swap3A_375, %swap3A_376, %swap3A_377] : memref<64x96x224xf32, #tpu.memory_space<vmem>>, vector<1x96x224xf32>
    %swap3A_379 = vector.shape_cast %swap3A_378 : vector<1x96x224xf32> to vector<96x224xf32>
    %swap3A_380 = vector.shape_cast %transpose3A_374 : vector<96x224xf32> to vector<1x96x224xf32>
    tpu.vector_store %arg2[%swap3A_375, %swap3A_376, %swap3A_377], %swap3A_380 {strides = array<i32>} : memref<64x96x224xf32, #tpu.memory_space<vmem>>, vector<1x96x224xf32>,
    %get3A_381 = arith.constant 32 : index
    %get3A_382 = arith.constant 0 : index
    %get3A_383 = arith.constant 0 : index
    %get3A_384 = vector.load %arg1[%get3A_381, %get3A_382, %get3A_383] : memref<64x224x128xf32, #tpu.memory_space<vmem>>, vector<1x224x96xf32>
    %get3A_385 = vector.shape_cast %get3A_384 : vector<1x224x96xf32> to vector<224x96xf32>
    %transpose3A_386 = tpu.transpose %get3A_385, [1, 0] : vector<224x96xf32> -> vector<96x224xf32>
    %swap3A_387 = arith.constant 32 : index
    %swap3A_388 = arith.constant 0 : index
    %swap3A_389 = arith.constant 0 : index
    %swap3A_390 = vector.load %arg2[%swap3A_387, %swap3A_388, %swap3A_389] : memref<64x96x224xf32, #tpu.memory_space<vmem>>, vector<1x96x224xf32>
    %swap3A_391 = vector.shape_cast %swap3A_390 : vector<1x96x224xf32> to vector<96x224xf32>
    %swap3A_392 = vector.shape_cast %transpose3A_386 : vector<96x224xf32> to vector<1x96x224xf32>
    tpu.vector_store %arg2[%swap3A_387, %swap3A_388, %swap3A_389], %swap3A_392 {strides = array<i32>} : memref<64x96x224xf32, #tpu.memory_space<vmem>>, vector<1x96x224xf32>,
    %get3A_393 = arith.constant 33 : index
    %get3A_394 = arith.constant 0 : index
    %get3A_395 = arith.constant 0 : index
    %get3A_396 = vector.load %arg1[%get3A_393, %get3A_394, %get3A_395] : memref<64x224x128xf32, #tpu.memory_space<vmem>>, vector<1x224x96xf32>
    %get3A_397 = vector.shape_cast %get3A_396 : vector<1x224x96xf32> to vector<224x96xf32>
    %transpose3A_398 = tpu.transpose %get3A_397, [1, 0] : vector<224x96xf32> -> vector<96x224xf32>
    %swap3A_399 = arith.constant 33 : index
    %swap3A_400 = arith.constant 0 : index
    %swap3A_401 = arith.constant 0 : index
    %swap3A_402 = vector.load %arg2[%swap3A_399, %swap3A_400, %swap3A_401] : memref<64x96x224xf32, #tpu.memory_space<vmem>>, vector<1x96x224xf32>
    %swap3A_403 = vector.shape_cast %swap3A_402 : vector<1x96x224xf32> to vector<96x224xf32>
    %swap3A_404 = vector.shape_cast %transpose3A_398 : vector<96x224xf32> to vector<1x96x224xf32>
    tpu.vector_store %arg2[%swap3A_399, %swap3A_400, %swap3A_401], %swap3A_404 {strides = array<i32>} : memref<64x96x224xf32, #tpu.memory_space<vmem>>, vector<1x96x224xf32>,
    %get3A_405 = arith.constant 34 : index
    %get3A_406 = arith.constant 0 : index
    %get3A_407 = arith.constant 0 : index
    %get3A_408 = vector.load %arg1[%get3A_405, %get3A_406, %get3A_407] : memref<64x224x128xf32, #tpu.memory_space<vmem>>, vector<1x224x96xf32>
    %get3A_409 = vector.shape_cast %get3A_408 : vector<1x224x96xf32> to vector<224x96xf32>
    %transpose3A_410 = tpu.transpose %get3A_409, [1, 0] : vector<224x96xf32> -> vector<96x224xf32>
    %swap3A_411 = arith.constant 34 : index
    %swap3A_412 = arith.constant 0 : index
    %swap3A_413 = arith.constant 0 : index
    %swap3A_414 = vector.load %arg2[%swap3A_411, %swap3A_412, %swap3A_413] : memref<64x96x224xf32, #tpu.memory_space<vmem>>, vector<1x96x224xf32>
    %swap3A_415 = vector.shape_cast %swap3A_414 : vector<1x96x224xf32> to vector<96x224xf32>
    %swap3A_416 = vector.shape_cast %transpose3A_410 : vector<96x224xf32> to vector<1x96x224xf32>
    tpu.vector_store %arg2[%swap3A_411, %swap3A_412, %swap3A_413], %swap3A_416 {strides = array<i32>} : memref<64x96x224xf32, #tpu.memory_space<vmem>>, vector<1x96x224xf32>,
    %get3A_417 = arith.constant 35 : index
    %get3A_418 = arith.constant 0 : index
    %get3A_419 = arith.constant 0 : index
    %get3A_420 = vector.load %arg1[%get3A_417, %get3A_418, %get3A_419] : memref<64x224x128xf32, #tpu.memory_space<vmem>>, vector<1x224x96xf32>
    %get3A_421 = vector.shape_cast %get3A_420 : vector<1x224x96xf32> to vector<224x96xf32>
    %transpose3A_422 = tpu.transpose %get3A_421, [1, 0] : vector<224x96xf32> -> vector<96x224xf32>
    %swap3A_423 = arith.constant 35 : index
    %swap3A_424 = arith.constant 0 : index
    %swap3A_425 = arith.constant 0 : index
    %swap3A_426 = vector.load %arg2[%swap3A_423, %swap3A_424, %swap3A_425] : memref<64x96x224xf32, #tpu.memory_space<vmem>>, vector<1x96x224xf32>
    %swap3A_427 = vector.shape_cast %swap3A_426 : vector<1x96x224xf32> to vector<96x224xf32>
    %swap3A_428 = vector.shape_cast %transpose3A_422 : vector<96x224xf32> to vector<1x96x224xf32>
    tpu.vector_store %arg2[%swap3A_423, %swap3A_424, %swap3A_425], %swap3A_428 {strides = array<i32>} : memref<64x96x224xf32, #tpu.memory_space<vmem>>, vector<1x96x224xf32>,
    %get3A_429 = arith.constant 36 : index
    %get3A_430 = arith.constant 0 : index
    %get3A_431 = arith.constant 0 : index
    %get3A_432 = vector.load %arg1[%get3A_429, %get3A_430, %get3A_431] : memref<64x224x128xf32, #tpu.memory_space<vmem>>, vector<1x224x96xf32>
    %get3A_433 = vector.shape_cast %get3A_432 : vector<1x224x96xf32> to vector<224x96xf32>
    %transpose3A_434 = tpu.transpose %get3A_433, [1, 0] : vector<224x96xf32> -> vector<96x224xf32>
    %swap3A_435 = arith.constant 36 : index
    %swap3A_436 = arith.constant 0 : index
    %swap3A_437 = arith.constant 0 : index
    %swap3A_438 = vector.load %arg2[%swap3A_435, %swap3A_436, %swap3A_437] : memref<64x96x224xf32, #tpu.memory_space<vmem>>, vector<1x96x224xf32>
    %swap3A_439 = vector.shape_cast %swap3A_438 : vector<1x96x224xf32> to vector<96x224xf32>
    %swap3A_440 = vector.shape_cast %transpose3A_434 : vector<96x224xf32> to vector<1x96x224xf32>
    tpu.vector_store %arg2[%swap3A_435, %swap3A_436, %swap3A_437], %swap3A_440 {strides = array<i32>} : memref<64x96x224xf32, #tpu.memory_space<vmem>>, vector<1x96x224xf32>,
    %get3A_441 = arith.constant 37 : index
    %get3A_442 = arith.constant 0 : index
    %get3A_443 = arith.constant 0 : index
    %get3A_444 = vector.load %arg1[%get3A_441, %get3A_442, %get3A_443] : memref<64x224x128xf32, #tpu.memory_space<vmem>>, vector<1x224x96xf32>
    %get3A_445 = vector.shape_cast %get3A_444 : vector<1x224x96xf32> to vector<224x96xf32>
    %transpose3A_446 = tpu.transpose %get3A_445, [1, 0] : vector<224x96xf32> -> vector<96x224xf32>
    %swap3A_447 = arith.constant 37 : index
    %swap3A_448 = arith.constant 0 : index
    %swap3A_449 = arith.constant 0 : index
    %swap3A_450 = vector.load %arg2[%swap3A_447, %swap3A_448, %swap3A_449] : memref<64x96x224xf32, #tpu.memory_space<vmem>>, vector<1x96x224xf32>
    %swap3A_451 = vector.shape_cast %swap3A_450 : vector<1x96x224xf32> to vector<96x224xf32>
    %swap3A_452 = vector.shape_cast %transpose3A_446 : vector<96x224xf32> to vector<1x96x224xf32>
    tpu.vector_store %arg2[%swap3A_447, %swap3A_448, %swap3A_449], %swap3A_452 {strides = array<i32>} : memref<64x96x224xf32, #tpu.memory_space<vmem>>, vector<1x96x224xf32>,
    %get3A_453 = arith.constant 38 : index
    %get3A_454 = arith.constant 0 : index
    %get3A_455 = arith.constant 0 : index
    %get3A_456 = vector.load %arg1[%get3A_453, %get3A_454, %get3A_455] : memref<64x224x128xf32, #tpu.memory_space<vmem>>, vector<1x224x96xf32>
    %get3A_457 = vector.shape_cast %get3A_456 : vector<1x224x96xf32> to vector<224x96xf32>
    %transpose3A_458 = tpu.transpose %get3A_457, [1, 0] : vector<224x96xf32> -> vector<96x224xf32>
    %swap3A_459 = arith.constant 38 : index
    %swap3A_460 = arith.constant 0 : index
    %swap3A_461 = arith.constant 0 : index
    %swap3A_462 = vector.load %arg2[%swap3A_459, %swap3A_460, %swap3A_461] : memref<64x96x224xf32, #tpu.memory_space<vmem>>, vector<1x96x224xf32>
    %swap3A_463 = vector.shape_cast %swap3A_462 : vector<1x96x224xf32> to vector<96x224xf32>
    %swap3A_464 = vector.shape_cast %transpose3A_458 : vector<96x224xf32> to vector<1x96x224xf32>
    tpu.vector_store %arg2[%swap3A_459, %swap3A_460, %swap3A_461], %swap3A_464 {strides = array<i32>} : memref<64x96x224xf32, #tpu.memory_space<vmem>>, vector<1x96x224xf32>,
    %get3A_465 = arith.constant 39 : index
    %get3A_466 = arith.constant 0 : index
    %get3A_467 = arith.constant 0 : index
    %get3A_468 = vector.load %arg1[%get3A_465, %get3A_466, %get3A_467] : memref<64x224x128xf32, #tpu.memory_space<vmem>>, vector<1x224x96xf32>
    %get3A_469 = vector.shape_cast %get3A_468 : vector<1x224x96xf32> to vector<224x96xf32>
    %transpose3A_470 = tpu.transpose %get3A_469, [1, 0] : vector<224x96xf32> -> vector<96x224xf32>
    %swap3A_471 = arith.constant 39 : index
    %swap3A_472 = arith.constant 0 : index
    %swap3A_473 = arith.constant 0 : index
    %swap3A_474 = vector.load %arg2[%swap3A_471, %swap3A_472, %swap3A_473] : memref<64x96x224xf32, #tpu.memory_space<vmem>>, vector<1x96x224xf32>
    %swap3A_475 = vector.shape_cast %swap3A_474 : vector<1x96x224xf32> to vector<96x224xf32>
    %swap3A_476 = vector.shape_cast %transpose3A_470 : vector<96x224xf32> to vector<1x96x224xf32>
    tpu.vector_store %arg2[%swap3A_471, %swap3A_472, %swap3A_473], %swap3A_476 {strides = array<i32>} : memref<64x96x224xf32, #tpu.memory_space<vmem>>, vector<1x96x224xf32>,
    %get3A_477 = arith.constant 40 : index
    %get3A_478 = arith.constant 0 : index
    %get3A_479 = arith.constant 0 : index
    %get3A_480 = vector.load %arg1[%get3A_477, %get3A_478, %get3A_479] : memref<64x224x128xf32, #tpu.memory_space<vmem>>, vector<1x224x96xf32>
    %get3A_481 = vector.shape_cast %get3A_480 : vector<1x224x96xf32> to vector<224x96xf32>
    %transpose3A_482 = tpu.transpose %get3A_481, [1, 0] : vector<224x96xf32> -> vector<96x224xf32>
    %swap3A_483 = arith.constant 40 : index
    %swap3A_484 = arith.constant 0 : index
    %swap3A_485 = arith.constant 0 : index
    %swap3A_486 = vector.load %arg2[%swap3A_483, %swap3A_484, %swap3A_485] : memref<64x96x224xf32, #tpu.memory_space<vmem>>, vector<1x96x224xf32>
    %swap3A_487 = vector.shape_cast %swap3A_486 : vector<1x96x224xf32> to vector<96x224xf32>
    %swap3A_488 = vector.shape_cast %transpose3A_482 : vector<96x224xf32> to vector<1x96x224xf32>
    tpu.vector_store %arg2[%swap3A_483, %swap3A_484, %swap3A_485], %swap3A_488 {strides = array<i32>} : memref<64x96x224xf32, #tpu.memory_space<vmem>>, vector<1x96x224xf32>,
    %get3A_489 = arith.constant 41 : index
    %get3A_490 = arith.constant 0 : index
    %get3A_491 = arith.constant 0 : index
    %get3A_492 = vector.load %arg1[%get3A_489, %get3A_490, %get3A_491] : memref<64x224x128xf32, #tpu.memory_space<vmem>>, vector<1x224x96xf32>
    %get3A_493 = vector.shape_cast %get3A_492 : vector<1x224x96xf32> to vector<224x96xf32>
    %transpose3A_494 = tpu.transpose %get3A_493, [1, 0] : vector<224x96xf32> -> vector<96x224xf32>
    %swap3A_495 = arith.constant 41 : index
    %swap3A_496 = arith.constant 0 : index
    %swap3A_497 = arith.constant 0 : index
    %swap3A_498 = vector.load %arg2[%swap3A_495, %swap3A_496, %swap3A_497] : memref<64x96x224xf32, #tpu.memory_space<vmem>>, vector<1x96x224xf32>
    %swap3A_499 = vector.shape_cast %swap3A_498 : vector<1x96x224xf32> to vector<96x224xf32>
    %swap3A_500 = vector.shape_cast %transpose3A_494 : vector<96x224xf32> to vector<1x96x224xf32>
    tpu.vector_store %arg2[%swap3A_495, %swap3A_496, %swap3A_497], %swap3A_500 {strides = array<i32>} : memref<64x96x224xf32, #tpu.memory_space<vmem>>, vector<1x96x224xf32>,
    %get3A_501 = arith.constant 42 : index
    %get3A_502 = arith.constant 0 : index
    %get3A_503 = arith.constant 0 : index
    %get3A_504 = vector.load %arg1[%get3A_501, %get3A_502, %get3A_503] : memref<64x224x128xf32, #tpu.memory_space<vmem>>, vector<1x224x96xf32>
    %get3A_505 = vector.shape_cast %get3A_504 : vector<1x224x96xf32> to vector<224x96xf32>
    %transpose3A_506 = tpu.transpose %get3A_505, [1, 0] : vector<224x96xf32> -> vector<96x224xf32>
    %swap3A_507 = arith.constant 42 : index
    %swap3A_508 = arith.constant 0 : index
    %swap3A_509 = arith.constant 0 : index
    %swap3A_510 = vector.load %arg2[%swap3A_507, %swap3A_508, %swap3A_509] : memref<64x96x224xf32, #tpu.memory_space<vmem>>, vector<1x96x224xf32>
    %swap3A_511 = vector.shape_cast %swap3A_510 : vector<1x96x224xf32> to vector<96x224xf32>
    %swap3A_512 = vector.shape_cast %transpose3A_506 : vector<96x224xf32> to vector<1x96x224xf32>
    tpu.vector_store %arg2[%swap3A_507, %swap3A_508, %swap3A_509], %swap3A_512 {strides = array<i32>} : memref<64x96x224xf32, #tpu.memory_space<vmem>>, vector<1x96x224xf32>,
    %get3A_513 = arith.constant 43 : index
    %get3A_514 = arith.constant 0 : index
    %get3A_515 = arith.constant 0 : index
    %get3A_516 = vector.load %arg1[%get3A_513, %get3A_514, %get3A_515] : memref<64x224x128xf32, #tpu.memory_space<vmem>>, vector<1x224x96xf32>
    %get3A_517 = vector.shape_cast %get3A_516 : vector<1x224x96xf32> to vector<224x96xf32>
    %transpose3A_518 = tpu.transpose %get3A_517, [1, 0] : vector<224x96xf32> -> vector<96x224xf32>
    %swap3A_519 = arith.constant 43 : index
    %swap3A_520 = arith.constant 0 : index
    %swap3A_521 = arith.constant 0 : index
    %swap3A_522 = vector.load %arg2[%swap3A_519, %swap3A_520, %swap3A_521] : memref<64x96x224xf32, #tpu.memory_space<vmem>>, vector<1x96x224xf32>
    %swap3A_523 = vector.shape_cast %swap3A_522 : vector<1x96x224xf32> to vector<96x224xf32>
    %swap3A_524 = vector.shape_cast %transpose3A_518 : vector<96x224xf32> to vector<1x96x224xf32>
    tpu.vector_store %arg2[%swap3A_519, %swap3A_520, %swap3A_521], %swap3A_524 {strides = array<i32>} : memref<64x96x224xf32, #tpu.memory_space<vmem>>, vector<1x96x224xf32>,
    %get3A_525 = arith.constant 44 : index
    %get3A_526 = arith.constant 0 : index
    %get3A_527 = arith.constant 0 : index
    %get3A_528 = vector.load %arg1[%get3A_525, %get3A_526, %get3A_527] : memref<64x224x128xf32, #tpu.memory_space<vmem>>, vector<1x224x96xf32>
    %get3A_529 = vector.shape_cast %get3A_528 : vector<1x224x96xf32> to vector<224x96xf32>
    %transpose3A_530 = tpu.transpose %get3A_529, [1, 0] : vector<224x96xf32> -> vector<96x224xf32>
    %swap3A_531 = arith.constant 44 : index
    %swap3A_532 = arith.constant 0 : index
    %swap3A_533 = arith.constant 0 : index
    %swap3A_534 = vector.load %arg2[%swap3A_531, %swap3A_532, %swap3A_533] : memref<64x96x224xf32, #tpu.memory_space<vmem>>, vector<1x96x224xf32>
    %swap3A_535 = vector.shape_cast %swap3A_534 : vector<1x96x224xf32> to vector<96x224xf32>
    %swap3A_536 = vector.shape_cast %transpose3A_530 : vector<96x224xf32> to vector<1x96x224xf32>
    tpu.vector_store %arg2[%swap3A_531, %swap3A_532, %swap3A_533], %swap3A_536 {strides = array<i32>} : memref<64x96x224xf32, #tpu.memory_space<vmem>>, vector<1x96x224xf32>,
    %get3A_537 = arith.constant 45 : index
    %get3A_538 = arith.constant 0 : index
    %get3A_539 = arith.constant 0 : index
    %get3A_540 = vector.load %arg1[%get3A_537, %get3A_538, %get3A_539] : memref<64x224x128xf32, #tpu.memory_space<vmem>>, vector<1x224x96xf32>
    %get3A_541 = vector.shape_cast %get3A_540 : vector<1x224x96xf32> to vector<224x96xf32>
    %transpose3A_542 = tpu.transpose %get3A_541, [1, 0] : vector<224x96xf32> -> vector<96x224xf32>
    %swap3A_543 = arith.constant 45 : index
    %swap3A_544 = arith.constant 0 : index
    %swap3A_545 = arith.constant 0 : index
    %swap3A_546 = vector.load %arg2[%swap3A_543, %swap3A_544, %swap3A_545] : memref<64x96x224xf32, #tpu.memory_space<vmem>>, vector<1x96x224xf32>
    %swap3A_547 = vector.shape_cast %swap3A_546 : vector<1x96x224xf32> to vector<96x224xf32>
    %swap3A_548 = vector.shape_cast %transpose3A_542 : vector<96x224xf32> to vector<1x96x224xf32>
    tpu.vector_store %arg2[%swap3A_543, %swap3A_544, %swap3A_545], %swap3A_548 {strides = array<i32>} : memref<64x96x224xf32, #tpu.memory_space<vmem>>, vector<1x96x224xf32>,
    %get3A_549 = arith.constant 46 : index
    %get3A_550 = arith.constant 0 : index
    %get3A_551 = arith.constant 0 : index
    %get3A_552 = vector.load %arg1[%get3A_549, %get3A_550, %get3A_551] : memref<64x224x128xf32, #tpu.memory_space<vmem>>, vector<1x224x96xf32>
    %get3A_553 = vector.shape_cast %get3A_552 : vector<1x224x96xf32> to vector<224x96xf32>
    %transpose3A_554 = tpu.transpose %get3A_553, [1, 0] : vector<224x96xf32> -> vector<96x224xf32>
    %swap3A_555 = arith.constant 46 : index
    %swap3A_556 = arith.constant 0 : index
    %swap3A_557 = arith.constant 0 : index
    %swap3A_558 = vector.load %arg2[%swap3A_555, %swap3A_556, %swap3A_557] : memref<64x96x224xf32, #tpu.memory_space<vmem>>, vector<1x96x224xf32>
    %swap3A_559 = vector.shape_cast %swap3A_558 : vector<1x96x224xf32> to vector<96x224xf32>
    %swap3A_560 = vector.shape_cast %transpose3A_554 : vector<96x224xf32> to vector<1x96x224xf32>
    tpu.vector_store %arg2[%swap3A_555, %swap3A_556, %swap3A_557], %swap3A_560 {strides = array<i32>} : memref<64x96x224xf32, #tpu.memory_space<vmem>>, vector<1x96x224xf32>,
    %get3A_561 = arith.constant 47 : index
    %get3A_562 = arith.constant 0 : index
    %get3A_563 = arith.constant 0 : index
    %get3A_564 = vector.load %arg1[%get3A_561, %get3A_562, %get3A_563] : memref<64x224x128xf32, #tpu.memory_space<vmem>>, vector<1x224x96xf32>
    %get3A_565 = vector.shape_cast %get3A_564 : vector<1x224x96xf32> to vector<224x96xf32>
    %transpose3A_566 = tpu.transpose %get3A_565, [1, 0] : vector<224x96xf32> -> vector<96x224xf32>
    %swap3A_567 = arith.constant 47 : index
    %swap3A_568 = arith.constant 0 : index
    %swap3A_569 = arith.constant 0 : index
    %swap3A_570 = vector.load %arg2[%swap3A_567, %swap3A_568, %swap3A_569] : memref<64x96x224xf32, #tpu.memory_space<vmem>>, vector<1x96x224xf32>
    %swap3A_571 = vector.shape_cast %swap3A_570 : vector<1x96x224xf32> to vector<96x224xf32>
    %swap3A_572 = vector.shape_cast %transpose3A_566 : vector<96x224xf32> to vector<1x96x224xf32>
    tpu.vector_store %arg2[%swap3A_567, %swap3A_568, %swap3A_569], %swap3A_572 {strides = array<i32>} : memref<64x96x224xf32, #tpu.memory_space<vmem>>, vector<1x96x224xf32>,
    %get3A_573 = arith.constant 48 : index
    %get3A_574 = arith.constant 0 : index
    %get3A_575 = arith.constant 0 : index
    %get3A_576 = vector.load %arg1[%get3A_573, %get3A_574, %get3A_575] : memref<64x224x128xf32, #tpu.memory_space<vmem>>, vector<1x224x96xf32>
    %get3A_577 = vector.shape_cast %get3A_576 : vector<1x224x96xf32> to vector<224x96xf32>
    %transpose3A_578 = tpu.transpose %get3A_577, [1, 0] : vector<224x96xf32> -> vector<96x224xf32>
    %swap3A_579 = arith.constant 48 : index
    %swap3A_580 = arith.constant 0 : index
    %swap3A_581 = arith.constant 0 : index
    %swap3A_582 = vector.load %arg2[%swap3A_579, %swap3A_580, %swap3A_581] : memref<64x96x224xf32, #tpu.memory_space<vmem>>, vector<1x96x224xf32>
    %swap3A_583 = vector.shape_cast %swap3A_582 : vector<1x96x224xf32> to vector<96x224xf32>
    %swap3A_584 = vector.shape_cast %transpose3A_578 : vector<96x224xf32> to vector<1x96x224xf32>
    tpu.vector_store %arg2[%swap3A_579, %swap3A_580, %swap3A_581], %swap3A_584 {strides = array<i32>} : memref<64x96x224xf32, #tpu.memory_space<vmem>>, vector<1x96x224xf32>,
    %get3A_585 = arith.constant 49 : index
    %get3A_586 = arith.constant 0 : index
    %get3A_587 = arith.constant 0 : index
    %get3A_588 = vector.load %arg1[%get3A_585, %get3A_586, %get3A_587] : memref<64x224x128xf32, #tpu.memory_space<vmem>>, vector<1x224x96xf32>
    %get3A_589 = vector.shape_cast %get3A_588 : vector<1x224x96xf32> to vector<224x96xf32>
    %transpose3A_590 = tpu.transpose %get3A_589, [1, 0] : vector<224x96xf32> -> vector<96x224xf32>
    %swap3A_591 = arith.constant 49 : index
    %swap3A_592 = arith.constant 0 : index
    %swap3A_593 = arith.constant 0 : index
    %swap3A_594 = vector.load %arg2[%swap3A_591, %swap3A_592, %swap3A_593] : memref<64x96x224xf32, #tpu.memory_space<vmem>>, vector<1x96x224xf32>
    %swap3A_595 = vector.shape_cast %swap3A_594 : vector<1x96x224xf32> to vector<96x224xf32>
    %swap3A_596 = vector.shape_cast %transpose3A_590 : vector<96x224xf32> to vector<1x96x224xf32>
    tpu.vector_store %arg2[%swap3A_591, %swap3A_592, %swap3A_593], %swap3A_596 {strides = array<i32>} : memref<64x96x224xf32, #tpu.memory_space<vmem>>, vector<1x96x224xf32>,
    %get3A_597 = arith.constant 50 : index
    %get3A_598 = arith.constant 0 : index
    %get3A_599 = arith.constant 0 : index
    %get3A_600 = vector.load %arg1[%get3A_597, %get3A_598, %get3A_599] : memref<64x224x128xf32, #tpu.memory_space<vmem>>, vector<1x224x96xf32>
    %get3A_601 = vector.shape_cast %get3A_600 : vector<1x224x96xf32> to vector<224x96xf32>
    %transpose3A_602 = tpu.transpose %get3A_601, [1, 0] : vector<224x96xf32> -> vector<96x224xf32>
    %swap3A_603 = arith.constant 50 : index
    %swap3A_604 = arith.constant 0 : index
    %swap3A_605 = arith.constant 0 : index
    %swap3A_606 = vector.load %arg2[%swap3A_603, %swap3A_604, %swap3A_605] : memref<64x96x224xf32, #tpu.memory_space<vmem>>, vector<1x96x224xf32>
    %swap3A_607 = vector.shape_cast %swap3A_606 : vector<1x96x224xf32> to vector<96x224xf32>
    %swap3A_608 = vector.shape_cast %transpose3A_602 : vector<96x224xf32> to vector<1x96x224xf32>
    tpu.vector_store %arg2[%swap3A_603, %swap3A_604, %swap3A_605], %swap3A_608 {strides = array<i32>} : memref<64x96x224xf32, #tpu.memory_space<vmem>>, vector<1x96x224xf32>,
    %get3A_609 = arith.constant 51 : index
    %get3A_610 = arith.constant 0 : index
    %get3A_611 = arith.constant 0 : index
    %get3A_612 = vector.load %arg1[%get3A_609, %get3A_610, %get3A_611] : memref<64x224x128xf32, #tpu.memory_space<vmem>>, vector<1x224x96xf32>
    %get3A_613 = vector.shape_cast %get3A_612 : vector<1x224x96xf32> to vector<224x96xf32>
    %transpose3A_614 = tpu.transpose %get3A_613, [1, 0] : vector<224x96xf32> -> vector<96x224xf32>
    %swap3A_615 = arith.constant 51 : index
    %swap3A_616 = arith.constant 0 : index
    %swap3A_617 = arith.constant 0 : index
    %swap3A_618 = vector.load %arg2[%swap3A_615, %swap3A_616, %swap3A_617] : memref<64x96x224xf32, #tpu.memory_space<vmem>>, vector<1x96x224xf32>
    %swap3A_619 = vector.shape_cast %swap3A_618 : vector<1x96x224xf32> to vector<96x224xf32>
    %swap3A_620 = vector.shape_cast %transpose3A_614 : vector<96x224xf32> to vector<1x96x224xf32>
    tpu.vector_store %arg2[%swap3A_615, %swap3A_616, %swap3A_617], %swap3A_620 {strides = array<i32>} : memref<64x96x224xf32, #tpu.memory_space<vmem>>, vector<1x96x224xf32>,
    %get3A_621 = arith.constant 52 : index
    %get3A_622 = arith.constant 0 : index
    %get3A_623 = arith.constant 0 : index
    %get3A_624 = vector.load %arg1[%get3A_621, %get3A_622, %get3A_623] : memref<64x224x128xf32, #tpu.memory_space<vmem>>, vector<1x224x96xf32>
    %get3A_625 = vector.shape_cast %get3A_624 : vector<1x224x96xf32> to vector<224x96xf32>
    %transpose3A_626 = tpu.transpose %get3A_625, [1, 0] : vector<224x96xf32> -> vector<96x224xf32>
    %swap3A_627 = arith.constant 52 : index
    %swap3A_628 = arith.constant 0 : index
    %swap3A_629 = arith.constant 0 : index
    %swap3A_630 = vector.load %arg2[%swap3A_627, %swap3A_628, %swap3A_629] : memref<64x96x224xf32, #tpu.memory_space<vmem>>, vector<1x96x224xf32>
    %swap3A_631 = vector.shape_cast %swap3A_630 : vector<1x96x224xf32> to vector<96x224xf32>
    %swap3A_632 = vector.shape_cast %transpose3A_626 : vector<96x224xf32> to vector<1x96x224xf32>
    tpu.vector_store %arg2[%swap3A_627, %swap3A_628, %swap3A_629], %swap3A_632 {strides = array<i32>} : memref<64x96x224xf32, #tpu.memory_space<vmem>>, vector<1x96x224xf32>,
    %get3A_633 = arith.constant 53 : index
    %get3A_634 = arith.constant 0 : index
    %get3A_635 = arith.constant 0 : index
    %get3A_636 = vector.load %arg1[%get3A_633, %get3A_634, %get3A_635] : memref<64x224x128xf32, #tpu.memory_space<vmem>>, vector<1x224x96xf32>
    %get3A_637 = vector.shape_cast %get3A_636 : vector<1x224x96xf32> to vector<224x96xf32>
    %transpose3A_638 = tpu.transpose %get3A_637, [1, 0] : vector<224x96xf32> -> vector<96x224xf32>
    %swap3A_639 = arith.constant 53 : index
    %swap3A_640 = arith.constant 0 : index
    %swap3A_641 = arith.constant 0 : index
    %swap3A_642 = vector.load %arg2[%swap3A_639, %swap3A_640, %swap3A_641] : memref<64x96x224xf32, #tpu.memory_space<vmem>>, vector<1x96x224xf32>
    %swap3A_643 = vector.shape_cast %swap3A_642 : vector<1x96x224xf32> to vector<96x224xf32>
    %swap3A_644 = vector.shape_cast %transpose3A_638 : vector<96x224xf32> to vector<1x96x224xf32>
    tpu.vector_store %arg2[%swap3A_639, %swap3A_640, %swap3A_641], %swap3A_644 {strides = array<i32>} : memref<64x96x224xf32, #tpu.memory_space<vmem>>, vector<1x96x224xf32>,
    %get3A_645 = arith.constant 54 : index
    %get3A_646 = arith.constant 0 : index
    %get3A_647 = arith.constant 0 : index
    %get3A_648 = vector.load %arg1[%get3A_645, %get3A_646, %get3A_647] : memref<64x224x128xf32, #tpu.memory_space<vmem>>, vector<1x224x96xf32>
    %get3A_649 = vector.shape_cast %get3A_648 : vector<1x224x96xf32> to vector<224x96xf32>
    %transpose3A_650 = tpu.transpose %get3A_649, [1, 0] : vector<224x96xf32> -> vector<96x224xf32>
    %swap3A_651 = arith.constant 54 : index
    %swap3A_652 = arith.constant 0 : index
    %swap3A_653 = arith.constant 0 : index
    %swap3A_654 = vector.load %arg2[%swap3A_651, %swap3A_652, %swap3A_653] : memref<64x96x224xf32, #tpu.memory_space<vmem>>, vector<1x96x224xf32>
    %swap3A_655 = vector.shape_cast %swap3A_654 : vector<1x96x224xf32> to vector<96x224xf32>
    %swap3A_656 = vector.shape_cast %transpose3A_650 : vector<96x224xf32> to vector<1x96x224xf32>
    tpu.vector_store %arg2[%swap3A_651, %swap3A_652, %swap3A_653], %swap3A_656 {strides = array<i32>} : memref<64x96x224xf32, #tpu.memory_space<vmem>>, vector<1x96x224xf32>,
    %get3A_657 = arith.constant 55 : index
    %get3A_658 = arith.constant 0 : index
    %get3A_659 = arith.constant 0 : index
    %get3A_660 = vector.load %arg1[%get3A_657, %get3A_658, %get3A_659] : memref<64x224x128xf32, #tpu.memory_space<vmem>>, vector<1x224x96xf32>
    %get3A_661 = vector.shape_cast %get3A_660 : vector<1x224x96xf32> to vector<224x96xf32>
    %transpose3A_662 = tpu.transpose %get3A_661, [1, 0] : vector<224x96xf32> -> vector<96x224xf32>
    %swap3A_663 = arith.constant 55 : index
    %swap3A_664 = arith.constant 0 : index
    %swap3A_665 = arith.constant 0 : index
    %swap3A_666 = vector.load %arg2[%swap3A_663, %swap3A_664, %swap3A_665] : memref<64x96x224xf32, #tpu.memory_space<vmem>>, vector<1x96x224xf32>
    %swap3A_667 = vector.shape_cast %swap3A_666 : vector<1x96x224xf32> to vector<96x224xf32>
    %swap3A_668 = vector.shape_cast %transpose3A_662 : vector<96x224xf32> to vector<1x96x224xf32>
    tpu.vector_store %arg2[%swap3A_663, %swap3A_664, %swap3A_665], %swap3A_668 {strides = array<i32>} : memref<64x96x224xf32, #tpu.memory_space<vmem>>, vector<1x96x224xf32>,
    %get3A_669 = arith.constant 56 : index
    %get3A_670 = arith.constant 0 : index
    %get3A_671 = arith.constant 0 : index
    %get3A_672 = vector.load %arg1[%get3A_669, %get3A_670, %get3A_671] : memref<64x224x128xf32, #tpu.memory_space<vmem>>, vector<1x224x96xf32>
    %get3A_673 = vector.shape_cast %get3A_672 : vector<1x224x96xf32> to vector<224x96xf32>
    %transpose3A_674 = tpu.transpose %get3A_673, [1, 0] : vector<224x96xf32> -> vector<96x224xf32>
    %swap3A_675 = arith.constant 56 : index
    %swap3A_676 = arith.constant 0 : index
    %swap3A_677 = arith.constant 0 : index
    %swap3A_678 = vector.load %arg2[%swap3A_675, %swap3A_676, %swap3A_677] : memref<64x96x224xf32, #tpu.memory_space<vmem>>, vector<1x96x224xf32>
    %swap3A_679 = vector.shape_cast %swap3A_678 : vector<1x96x224xf32> to vector<96x224xf32>
    %swap3A_680 = vector.shape_cast %transpose3A_674 : vector<96x224xf32> to vector<1x96x224xf32>
    tpu.vector_store %arg2[%swap3A_675, %swap3A_676, %swap3A_677], %swap3A_680 {strides = array<i32>} : memref<64x96x224xf32, #tpu.memory_space<vmem>>, vector<1x96x224xf32>,
    %get3A_681 = arith.constant 57 : index
    %get3A_682 = arith.constant 0 : index
    %get3A_683 = arith.constant 0 : index
    %get3A_684 = vector.load %arg1[%get3A_681, %get3A_682, %get3A_683] : memref<64x224x128xf32, #tpu.memory_space<vmem>>, vector<1x224x96xf32>
    %get3A_685 = vector.shape_cast %get3A_684 : vector<1x224x96xf32> to vector<224x96xf32>
    %transpose3A_686 = tpu.transpose %get3A_685, [1, 0] : vector<224x96xf32> -> vector<96x224xf32>
    %swap3A_687 = arith.constant 57 : index
    %swap3A_688 = arith.constant 0 : index
    %swap3A_689 = arith.constant 0 : index
    %swap3A_690 = vector.load %arg2[%swap3A_687, %swap3A_688, %swap3A_689] : memref<64x96x224xf32, #tpu.memory_space<vmem>>, vector<1x96x224xf32>
    %swap3A_691 = vector.shape_cast %swap3A_690 : vector<1x96x224xf32> to vector<96x224xf32>
    %swap3A_692 = vector.shape_cast %transpose3A_686 : vector<96x224xf32> to vector<1x96x224xf32>
    tpu.vector_store %arg2[%swap3A_687, %swap3A_688, %swap3A_689], %swap3A_692 {strides = array<i32>} : memref<64x96x224xf32, #tpu.memory_space<vmem>>, vector<1x96x224xf32>,
    %get3A_693 = arith.constant 58 : index
    %get3A_694 = arith.constant 0 : index
    %get3A_695 = arith.constant 0 : index
    %get3A_696 = vector.load %arg1[%get3A_693, %get3A_694, %get3A_695] : memref<64x224x128xf32, #tpu.memory_space<vmem>>, vector<1x224x96xf32>
    %get3A_697 = vector.shape_cast %get3A_696 : vector<1x224x96xf32> to vector<224x96xf32>
    %transpose3A_698 = tpu.transpose %get3A_697, [1, 0] : vector<224x96xf32> -> vector<96x224xf32>
    %swap3A_699 = arith.constant 58 : index
    %swap3A_700 = arith.constant 0 : index
    %swap3A_701 = arith.constant 0 : index
    %swap3A_702 = vector.load %arg2[%swap3A_699, %swap3A_700, %swap3A_701] : memref<64x96x224xf32, #tpu.memory_space<vmem>>, vector<1x96x224xf32>
    %swap3A_703 = vector.shape_cast %swap3A_702 : vector<1x96x224xf32> to vector<96x224xf32>
    %swap3A_704 = vector.shape_cast %transpose3A_698 : vector<96x224xf32> to vector<1x96x224xf32>
    tpu.vector_store %arg2[%swap3A_699, %swap3A_700, %swap3A_701], %swap3A_704 {strides = array<i32>} : memref<64x96x224xf32, #tpu.memory_space<vmem>>, vector<1x96x224xf32>,
    %get3A_705 = arith.constant 59 : index
    %get3A_706 = arith.constant 0 : index
    %get3A_707 = arith.constant 0 : index
    %get3A_708 = vector.load %arg1[%get3A_705, %get3A_706, %get3A_707] : memref<64x224x128xf32, #tpu.memory_space<vmem>>, vector<1x224x96xf32>
    %get3A_709 = vector.shape_cast %get3A_708 : vector<1x224x96xf32> to vector<224x96xf32>
    %transpose3A_710 = tpu.transpose %get3A_709, [1, 0] : vector<224x96xf32> -> vector<96x224xf32>
    %swap3A_711 = arith.constant 59 : index
    %swap3A_712 = arith.constant 0 : index
    %swap3A_713 = arith.constant 0 : index
    %swap3A_714 = vector.load %arg2[%swap3A_711, %swap3A_712, %swap3A_713] : memref<64x96x224xf32, #tpu.memory_space<vmem>>, vector<1x96x224xf32>
    %swap3A_715 = vector.shape_cast %swap3A_714 : vector<1x96x224xf32> to vector<96x224xf32>
    %swap3A_716 = vector.shape_cast %transpose3A_710 : vector<96x224xf32> to vector<1x96x224xf32>
    tpu.vector_store %arg2[%swap3A_711, %swap3A_712, %swap3A_713], %swap3A_716 {strides = array<i32>} : memref<64x96x224xf32, #tpu.memory_space<vmem>>, vector<1x96x224xf32>,
    %get3A_717 = arith.constant 60 : index
    %get3A_718 = arith.constant 0 : index
    %get3A_719 = arith.constant 0 : index
    %get3A_720 = vector.load %arg1[%get3A_717, %get3A_718, %get3A_719] : memref<64x224x128xf32, #tpu.memory_space<vmem>>, vector<1x224x96xf32>
    %get3A_721 = vector.shape_cast %get3A_720 : vector<1x224x96xf32> to vector<224x96xf32>
    %transpose3A_722 = tpu.transpose %get3A_721, [1, 0] : vector<224x96xf32> -> vector<96x224xf32>
    %swap3A_723 = arith.constant 60 : index
    %swap3A_724 = arith.constant 0 : index
    %swap3A_725 = arith.constant 0 : index
    %swap3A_726 = vector.load %arg2[%swap3A_723, %swap3A_724, %swap3A_725] : memref<64x96x224xf32, #tpu.memory_space<vmem>>, vector<1x96x224xf32>
    %swap3A_727 = vector.shape_cast %swap3A_726 : vector<1x96x224xf32> to vector<96x224xf32>
    %swap3A_728 = vector.shape_cast %transpose3A_722 : vector<96x224xf32> to vector<1x96x224xf32>
    tpu.vector_store %arg2[%swap3A_723, %swap3A_724, %swap3A_725], %swap3A_728 {strides = array<i32>} : memref<64x96x224xf32, #tpu.memory_space<vmem>>, vector<1x96x224xf32>,
    %get3A_729 = arith.constant 61 : index
    %get3A_730 = arith.constant 0 : index
    %get3A_731 = arith.constant 0 : index
    %get3A_732 = vector.load %arg1[%get3A_729, %get3A_730, %get3A_731] : memref<64x224x128xf32, #tpu.memory_space<vmem>>, vector<1x224x96xf32>
    %get3A_733 = vector.shape_cast %get3A_732 : vector<1x224x96xf32> to vector<224x96xf32>
    %transpose3A_734 = tpu.transpose %get3A_733, [1, 0] : vector<224x96xf32> -> vector<96x224xf32>
    %swap3A_735 = arith.constant 61 : index
    %swap3A_736 = arith.constant 0 : index
    %swap3A_737 = arith.constant 0 : index
    %swap3A_738 = vector.load %arg2[%swap3A_735, %swap3A_736, %swap3A_737] : memref<64x96x224xf32, #tpu.memory_space<vmem>>, vector<1x96x224xf32>
    %swap3A_739 = vector.shape_cast %swap3A_738 : vector<1x96x224xf32> to vector<96x224xf32>
    %swap3A_740 = vector.shape_cast %transpose3A_734 : vector<96x224xf32> to vector<1x96x224xf32>
    tpu.vector_store %arg2[%swap3A_735, %swap3A_736, %swap3A_737], %swap3A_740 {strides = array<i32>} : memref<64x96x224xf32, #tpu.memory_space<vmem>>, vector<1x96x224xf32>,
    %get3A_741 = arith.constant 62 : index
    %get3A_742 = arith.constant 0 : index
    %get3A_743 = arith.constant 0 : index
    %get3A_744 = vector.load %arg1[%get3A_741, %get3A_742, %get3A_743] : memref<64x224x128xf32, #tpu.memory_space<vmem>>, vector<1x224x96xf32>
    %get3A_745 = vector.shape_cast %get3A_744 : vector<1x224x96xf32> to vector<224x96xf32>
    %transpose3A_746 = tpu.transpose %get3A_745, [1, 0] : vector<224x96xf32> -> vector<96x224xf32>
    %swap3A_747 = arith.constant 62 : index
    %swap3A_748 = arith.constant 0 : index
    %swap3A_749 = arith.constant 0 : index
    %swap3A_750 = vector.load %arg2[%swap3A_747, %swap3A_748, %swap3A_749] : memref<64x96x224xf32, #tpu.memory_space<vmem>>, vector<1x96x224xf32>
    %swap3A_751 = vector.shape_cast %swap3A_750 : vector<1x96x224xf32> to vector<96x224xf32>
    %swap3A_752 = vector.shape_cast %transpose3A_746 : vector<96x224xf32> to vector<1x96x224xf32>
    tpu.vector_store %arg2[%swap3A_747, %swap3A_748, %swap3A_749], %swap3A_752 {strides = array<i32>} : memref<64x96x224xf32, #tpu.memory_space<vmem>>, vector<1x96x224xf32>,
    %get3A_753 = arith.constant 63 : index
    %get3A_754 = arith.constant 0 : index
    %get3A_755 = arith.constant 0 : index
    %get3A_756 = vector.load %arg1[%get3A_753, %get3A_754, %get3A_755] : memref<64x224x128xf32, #tpu.memory_space<vmem>>, vector<1x224x96xf32>
    %get3A_757 = vector.shape_cast %get3A_756 : vector<1x224x96xf32> to vector<224x96xf32>
    %transpose3A_758 = tpu.transpose %get3A_757, [1, 0] : vector<224x96xf32> -> vector<96x224xf32>
    %swap3A_759 = arith.constant 63 : index
    %swap3A_760 = arith.constant 0 : index
    %swap3A_761 = arith.constant 0 : index
    %swap3A_762 = vector.load %arg2[%swap3A_759, %swap3A_760, %swap3A_761] : memref<64x96x224xf32, #tpu.memory_space<vmem>>, vector<1x96x224xf32>
    %swap3A_763 = vector.shape_cast %swap3A_762 : vector<1x96x224xf32> to vector<96x224xf32>
    %swap3A_764 = vector.shape_cast %transpose3A_758 : vector<96x224xf32> to vector<1x96x224xf32>
    tpu.vector_store %arg2[%swap3A_759, %swap3A_760, %swap3A_761], %swap3A_764 {strides = array<i32>} : memref<64x96x224xf32, #tpu.memory_space<vmem>>, vector<1x96x224xf32>,
    return
  }
  func.func @transform_0(%arg0: i32) -> (i32, i32, i32) {
    %c0_i32 = arith.constant 0 : i32
    %c0_i32_0 = arith.constant 0 : i32
    %c0_i32_1 = arith.constant 0 : i32
    return %arg0, %c0_i32, %c0_i32_0 : i32, i32, i32
  }
  func.func @transform_1(%arg0: i32) -> (i32, i32, i32) {
    %c0_i32 = arith.constant 0 : i32
    %c0_i32_0 = arith.constant 0 : i32
    %c0_i32_1 = arith.constant 0 : i32
    return %arg0, %c0_i32, %c0_i32_0 : i32, i32, i32
  }
}

</mosaic_0001>

<sc_bundles>
// kernel: kernel.5.cloned.1.call-start
scs
__scs_entry_jumppad:
0x0: {  	(pc) =	sbr.rel $0x88, $3  }
0x1: {  	(tag) =	ssettag $0x0;
	lr =	simm.s32 $0x1  }
0x2: {  	[smem:$0x3F9F] =	sst lr;
	_ =	strace $0xD0000000  }
0x3: {  	_ = 	snop  }
0x4: {  	_ = 	snop  }
0x5: {  	_ = 	snop  }
0x6: {  	_ = 	snop  }
0x7: {  	_ = 	snop  }
__scs_overlays_trampoline_lowered:
0x8: {  	[smem:$0x3FAE] =	sst s0  }
0x9: {  	[smem:$0x3FAF] =	sst s1  }
0xa: {  	[smem:$0x3FB0] =	sst s2  }
0xb: {  	[smem:$0x3FB1] =	sst s3  }
0xc: {  	[smem:$0x3FB2] =	sst s4  }
0xd: {  	[smem:$0x3FB3] =	sst s5  }
0xe: {  	[smem:$0x3FB4] =	sst s6  }
0xf: {  	[smem:$0x3FB5] =	sst s7  }
0x10: {  	[smem:$0x3FB6] =	sst s8  }
0x11: {  	[smem:$0x3FB7] =	sst s9;
	s0 =	simm.s32 @!p0 $0x0  }
0x12: {  	s1 =	sld [smem:$0x3F9D];
	s0 =	simm.s32 @p0 $0x1  }
0x13: {  	[smem:$0x3FB8] =	sst s0;
	s0 =	simm.s32 @!p1 $0x0  }
0x14: {  	s2 =	sld [smem:$0x3F9C];
	s0 =	simm.s32 @p1 $0x1  }
0x15: {  	[smem:$0x3FB9] =	sst s0;
	s0 =	simm.s32 @!p2 $0x0  }
0x16: {  	s3 =	sld [smem:$0x3FDB];
	s0 =	simm.s32 @p2 $0x1  }
0x17: {  	s4 =	simm.s32 $0x1BF5;
	[smem:$0x3FBB] =	sst s0  }
0x18: {  	s0 =	sld [smem:$0x3F9E];
	_ =	swait.ge [sflag:s4], $0x0  }
0x19: {  	s7 =	sld [smem:$0x3F9F]  }
0x1a: {  	s8 =	sadd.s32 $0xFFFFE003, lr  }
0x1b: {  	s9 =	sadd.s32 $0xFFFFFEF7, lr;
	s5 =	simm.s32 $0xFFFFFFFF;
	p2 =	slt.u32 s8, $0xFFFFF086  }
0x1c: {  	p1 =	slt.u32 s9, $0xF7A;
	s5 =	simm.s32 @!p2 $0x0  }
0x1d: {  	s5 =	simm.s32 @p1 $0x1;
	p0 =	seq.s32 s7, s2  }
0x1e: {  	s7 =	smul.u32 @!p0 $0xF7A, s2;
	p2 =	seq.s32 @!p0 s5, $0x0  }
0x1f: {  	s9 =	smul.u32 $0xF7A, s1;
	s8 =	simm.s32 @!p0 $0x1BF5;
	p2 =	por !p2, p0  }
0x20: {  	[sflag:s8] =	ssyncset.s32 @!p0 $0xFFFFF086;
	s6 =	sadd.s32 @!p0 s3, s7;
	s7 =	simm.s32 @!p0 $0x108  }
0x21: {  	s3 =	sadd.s32 s3, s9;
	s6 =	sadd.s32 @!p0 $0x88, s6;
	s7 =	simm.s32 @p2 $0x1082  }
0x22: {  	[simem:s7], [sflag:s8] =	dma.local @!p0 [hbm:s6], $0xF7A  }
0x23: {  	s9 =	sor.u32 $0xD0000000, s2;
	s6 =	simm.s32 $0x108;
	_ =	swait.ge @!p0 [sflag:s8], $0x0  }
0x24: {  	s3 =	sadd.s32 $0x88, s3;
	s6 =	simm.s32 @!p1 $0x1082;
	[sflag:s4] =	ssyncset.s32 $0xFFFFF086  }
0x25: {  	[simem:s6], [sflag:s4] =	dma.local [hbm:s3], $0xF7A  }
0x26: {  	[smem:$0x3F9F] =	sst s1;
	(tag) =	ssettag s2;
	_ =	strace s9  }
0x27: {  	s1 =	sld [smem:$0x3FAF]  }
0x28: {  	s2 =	sld [smem:$0x3FB0]  }
0x29: {  	s4 =	sld [smem:$0x3FB2]  }
0x2a: {  	p0 =	seq.s32 s5, $0x0;
	s5 =	sld [smem:$0x3FB3]  }
0x2b: {  	s6 =	sld [smem:$0x3FB4]  }
0x2c: {  	s7 =	sld [smem:$0x3FB5]  }
0x2d: {  	s3 =	simm.s32 $0x108;
	s8 =	sld [smem:$0x3FB6]  }
0x2e: {  	s3 =	simm.s32 @!p0 $0x1082;
	s9 =	sld [smem:$0x3FB7]  }
0x2f: {  	lr =	sadd.s32 s0, s3;
	s0 =	sld [smem:$0x3FAE]  }
0x30: {  	s3 =	sld [smem:$0x3FB1]  }
0x31: {  	[smem:$0x3FBA] =	sst s10  }
0x32: {  	s10 =	sld [smem:$0x3FB8];
	_ =	sdelay $0x3  }
0x33: {  	p0 =	seq.s32 s10, $0x1;
	s10 =	sld [smem:$0x3FBA];
	_ =	sdelay $0x3  }
0x34: {  	[smem:$0x3FBA] =	sst s10  }
0x35: {  	s10 =	sld [smem:$0x3FB9];
	_ =	sdelay $0x3  }
0x36: {  	p1 =	seq.s32 s10, $0x1;
	s10 =	sld [smem:$0x3FBA];
	_ =	sdelay $0x3  }
0x37: {  	[smem:$0x3FBA] =	sst s10  }
0x38: {  	s10 =	sld [smem:$0x3FBB]  }
0x39: {  	_ = 	snop;
	(pc) =	sbr.ind lr, $3  }
0x3a: {  	_ = 	snop  }
0x3b: {  	_ = 	snop  }
0x3c: {  	p2 =	seq.s32 s10, $0x1;
	s10 =	sld [smem:$0x3FBA]  }
0x3d: {  	_ =	shalt  }
0x3e: {  	_ =	shalt  }
0x3f: {  	_ =	shalt  }
0x40: {  	_ =	shalt  }
0x41: {  	_ =	shalt  }
0x42: {  	_ =	shalt  }
0x43: {  	_ =	shalt  }
0x44: {  	_ =	shalt  }
0x45: {  	_ =	shalt  }
0x46: {  	_ =	shalt  }
0x47: {  	_ =	shalt  }
0x48: {  	_ =	shalt  }
0x49: {  	_ =	shalt  }
0x4a: {  	_ =	shalt  }
0x4b: {  	_ =	shalt  }
0x4c: {  	_ =	shalt  }
0x4d: {  	_ =	shalt  }
0x4e: {  	_ =	shalt  }
0x4f: {  	_ =	shalt  }
0x50: {  	_ =	shalt  }
0x51: {  	_ =	shalt  }
0x52: {  	_ =	shalt  }
0x53: {  	_ =	shalt  }
0x54: {  	_ =	shalt  }
0x55: {  	_ =	shalt  }
0x56: {  	_ =	shalt  }
0x57: {  	_ =	shalt  }
0x58: {  	_ =	shalt  }
0x59: {  	_ =	shalt  }
0x5a: {  	_ =	shalt  }
0x5b: {  	_ =	shalt  }
0x5c: {  	_ =	shalt  }
0x5d: {  	_ =	shalt  }
0x5e: {  	_ =	shalt  }
0x5f: {  	_ =	shalt  }
0x60: {  	_ =	shalt  }
0x61: {  	_ =	shalt  }
0x62: {  	_ =	shalt  }
0x63: {  	_ =	shalt  }
0x64: {  	_ =	shalt  }
0x65: {  	_ =	shalt  }
0x66: {  	_ =	shalt  }
0x67: {  	_ =	shalt  }
0x68: {  	_ =	shalt  }
0x69: {  	_ =	shalt  }
0x6a: {  	_ =	shalt  }
0x6b: {  	_ =	shalt  }
0x6c: {  	_ =	shalt  }
0x6d: {  	_ =	shalt  }
0x6e: {  	_ =	shalt  }
0x6f: {  	_ =	shalt  }
0x70: {  	_ =	shalt  }
0x71: {  	_ =	shalt  }
0x72: {  	_ =	shalt  }
0x73: {  	_ =	shalt  }
0x74: {  	_ =	shalt  }
0x75: {  	_ =	shalt  }
0x76: {  	_ =	shalt  }
0x77: {  	_ =	shalt  }
0x78: {  	_ =	shalt  }
0x79: {  	_ =	shalt  }
0x7a: {  	_ =	shalt  }
0x7b: {  	_ =	shalt  }
0x7c: {  	_ =	shalt  }
0x7d: {  	_ =	shalt  }
0x7e: {  	_ =	shalt  }
0x7f: {  	_ =	shalt  }
0x80: {  	_ =	shalt  }
0x81: {  	_ =	shalt  }
0x82: {  	_ =	shalt  }
0x83: {  	_ =	shalt  }
0x84: {  	_ =	shalt  }
0x85: {  	_ =	shalt  }
0x86: {  	_ =	shalt  }
0x87: {  	_ =	shalt  }
.Lfunc_end0:
.L_simem_size_0:
called_computation_lowered:
.L_overlay_start_0:
0x88: {  	s2 =	sld [smem:$0x3FD9]  }
0x89: {  	s3 =	sld [smem:$0x3FFE];
	_ =	sdelay $0x1  }
0x8a: {  	s1 =	srdreg.scid  }
0x8b: {  	s0 =	sand.u32 $0x1, s1  }
0x8c: {  	s17 =	sshll.u32 s0, $0xA;
	s2 =	sadd.s32 s3, s2  }
0x8d: {  	s2 =	sadd.s32 s2, s17  }
0x8e: {  	[smem:$0x3FC6] =	sst s2  }
0x8f: {  	_ = 	snop  }
0x90: {  	s2 =	sld [smem:$0x3FD0];
	(tm) =	ssettm $0x1  }
0x91: {  	s18 =	sld [smem:$0x3FFB];
	_ =	sdelay $0x3  }
0x92: {  	_ =	strace s18  }
0x93: {  	s3 =	sld [smem:$0x3FFC];
	_ =	sdelay $0x3  }
0x94: {  	_ =	strace s3  }
0x95: {  	s3 =	sld [smem:$0x3FFD];
	_ =	sdelay $0x3  }
0x96: {  	_ =	strace s3  }
0x97: {  	_ =	strace $0x8FFFFFFF  }
0x98: {  	s19 =	sld [smem:$0x3FDB];
	_ =	sdelay $0x1  }
0x99: {  	s4 =	simm.s32 $_scs_section_size  }
0x9a: {  	s5 =	simm.s32 $_size__tile_overlayer_lowered;
	s6 =	simm.s32 $_tile_overlayer_lowered  }
0x9b: {  	s22 =	simm.s32 $0x1BFF;
	s21 =	sshll.u32 s6, $0x1;
	s3 =	sadd.s32 s4, s19  }
0x9c: {  	s7 =	simm.s32 $0x0;
	s20 =	sshll.u32 s5, $0x1;
	s5 =	sadd.s32 s21, s3  }
0x9d: {  	[timem:s7], [sflag:s22] =	dma.local [hbm:s5], s20  }
0x9e: {  	_ =	swait.ge [sflag:s22], s20  }
0x9f: {  	s4 =	ssub.s32 $0x0, s20;
	[sflag:s22] =	ssyncset.done $0x0  }
0xa0: {  	[sflag:s22] =	ssyncadd.s32 s4;
	_ =	sdelay $0x1  }
0xa1: {  	s23 =	simm.s32 $0x1B8B  }
0xa2: {  	_ =	swait.ge [sflag:s23], $0x1  }
0xa3: {  	[sflag:s23] =	ssyncset.done $0x0  }
0xa4: {  	s25 =	simm.s32 $0x1B8E;
	s24 =	sld [smem:$0x3FFE];
	[sflag:s23] =	ssyncadd.s32 $0xFFFFFFFF  }
0xa5: {  	s26 =	simm.s32 $execute0_lowered;
	[smem:$0x3FD2] =	sst s25  }
0xa6: {  	s5 =	sshll.u32 s26, $0x1;
	_ =	strace $0x80000046;
	[dreg:$0x1] =	wrdreg $0xFFFFFFFF  }
0xa7: {  	s28 =	simm.s32 $_size_execute0_lowered;
	s3 =	sadd.s32 s3, s5;
	[dreg:$0x0] =	wrdreg $0x0  }
0xa8: {  	s5 =	sshll.u32 s28, $0x1;
	[dreg:$0x2] =	wrdreg s3  }
0xa9: {  	[dreg:$0x3] =	wrdreg s5  }
0xaa: {  	[dreg:$0x4] =	wrdreg $0xC0  }
0xab: {  	_ =	task [dreg:s7], $0x5FFFF  }
0xac: {  	[dreg:$0x1] =	wrdreg $0xFFFFFFFF  }
0xad: {  	[dreg:$0x0] =	wrdreg $0x60  }
0xae: {  	[dreg:$0x2] =	wrdreg s24  }
0xaf: {  	[dreg:$0x3] =	wrdreg s2  }
0xb0: {  	[dreg:$0x4] =	wrdreg $0x9  }
0xb1: {  	_ =	task.clear_ibuf [dreg:s7], $0x5FFFF;
	_ =	strace $0x90000046  }
0xb2: {  	s29 =	simm.s32 $0x9;
	_ =	strace $0x80000048  }
0xb3: {  	_ =	swait.ge [sflag:s29], $0x1  }
0xb4: {  	[sflag:s29] =	ssyncadd.s32 $0xFFFFFFFF  }
0xb5: {  	_ =	strace $0x90000048  }
0xb6: {  	_ =	sfence  }
0xb7: {  	s30 =	sld [smem:$0x0];
	_ =	sdelay $0x2  }
0xb8: {  	s31 =	sshll.u32 s1, $0xD;
	s1 =	sshrl.u32 s1, $0x2  }
0xb9: {  	s3 =	sand.u32 $0x4000, s31;
	s1 =	sadd.s32 s1, s30  }
0xba: {  	s0 =	sor.u32 s3, s0;
	s1 =	sshll.u32 s1, $0x11  }
0xbb: {  	s0 =	sor.u32 s1, s0  }
0xbc: {  	s0 =	sadd.s32 $0x8F2B, s0  }
0xbd: {  	[sflag:s0] =	ssyncadd.remote.s32 $0x1  }
0xbe: {  	_ =	sfence.sel $0xFFFF  }
0xbf: {  	[dreg:$0x0] =	wrdreg $0xFFFFFFFF;
	(pc) =	sbr.abs _section_cstart, $3  }
0xc0: {  	[dreg:$0x1] =	wrdreg $0xFFFFFFFF  }
0xc1: {  	_ =	task.clear_ibuf [dreg:s7], $0x2FFFF;
	_ =	strace $0x9FFFFFFF  }
0xc2: {  	(tm) =	ssettm $0x7FFFFFFF  }
0xc3: {  	_ =	shalt  }
tec
execute0_lowered:
.L_overlay_start_1:
0x0: {  	(tag) =	ssettag $0x1  }
0x1: {  	s0 =	srdreg.scid  }
0x2: {  	s5 =	stileid.u32;
	s1 =	rddreg [dreg:$0x0]  }
0x3: {  	s6 =	rddreg [dreg:$0x1];
	s23 =	simm.s32 $0x40;
	s29 =	simm.s32 $0xD700  }
0x4: {  	s30 =	simm.s32 $0xD480;
	s31 =	simm.s32 $0xD580;
	s14 =	simm.s32 $0x3300  }
0x5: {  	s13 =	simm.s32 $0x15700;
	s16 =	simm.s32 $0x0;
	s0 =	sand.u32 $0x1, s0  }
0x6: {  	s2 =	sshll.u32 s5, $0x1;
	s10 =	smul.u32 $0x3100, s5;
	s12 =	sshrl.u32 s5, $0x2  }
0x7: {  	s7 =	sor.u32 s0, s2;
	s11 =	ssub.s32 $0x2, s0;
	s0 =	smul.u32 $0x1880, s0  }
0x8: {  	s4 =	sadd.s32 $0x6800, s1;
	s2 =	simm.s32 $0x0;
	s15 =	smul.u32 $0xC400, s12  }
0x9: {  	s5 =	sadd.s32 $0x316800, s1;
	s3 =	smul.u32 $0x1880, s7;
	[smem:$0x7FF] =	sst s2  }
0xa: {  	s12 =	simm.s32 $0xD680;
	s26 =	sshrl.u32 s11, $0x1;
	_ =	strace $0x80000047  }
0xb: {  	s0 =	sadd.s32 s0, s10;
	s10 =	simm.s32 $0x3;
	s8 =	sshrl.u32 s3, $0x3  }
0xc: {  	s0 =	ssub.s32 s0, s15;
	s9 =	sadd.s32 s8, s1;
	s1 =	ssub.s32 s11, s26  }
0xd: {  	s6 =	sadd.s32 s6, s8;
	s8 =	smul.u32 $0xC4000, s7;
	[dreg:$0x5] =	wrdreg s0  }
0xe: {  	s28 =	sor.u32 $0x40, s0;
	s0 =	sadd.s32 $0x80, s0;
	[dreg:$0x4] =	wrdreg s6  }
0xf: {  	s26 =	simm.s32 $0xD400;
	s7 =	simm.s32 $0xB400;
	[dreg:$0x7] =	wrdreg s28  }
0x10: {  	s11 =	simm.s32 $0xD600;
	s9 =	sadd.s32 $0x600, s9;
	[dreg:$0x8] =	wrdreg s0  }
0x11: {  	s1 =	smax.u32 s1, $0x1;
	s0 =	simm.s32 $0x1;
	[dreg:$0x3] =	wrdreg s9  }
0x12: {  	v1 =	vlaneseq.u32;
	v0 =	vmov s15;
	s6 =	simm.s32 $0x3380;
	[dreg:$0x6] =	wrdreg s1;
	s1 =	simm.s32 $0x13700  }
.LBB2_1:
0x13: {  	[dreg:$0x9] =	wrdreg s16  }
0x14: {  	s9 =	rddreg [dreg:$0x3];
	s24 =	simm.s32 $0x5  }
0x15: {  	[tilespmem:s2], [sflag:$0x5] =	stream.linear.gather [hbm4b:s9+s2], $0x1880, $0x38;
	[tilespmem:$0x17700] =	vst v63  }
0x16: {  	_ =	swait.ge [sflag:s24], $0x1880  }
0x17: {  	[sflag:s24] =	ssyncset.done $0x0  }
0x18: {  	s15 =	simm.s32 $0x1880;
	s25 =	rddreg [dreg:$0x4];
	[sflag:s24] =	ssyncadd.s32 $0xFFFFE780  }
0x19: {  	[tilespmem:s15], [sflag:$0x5] =	stream.linear.gather [hbm4b:s25+s2], $0x1880, $0x38;
	[tilespmem:$0x17700] =	vst v63  }
0x1a: {  	_ =	swait.ge [sflag:s24], $0x1880  }
0x1b: {  	s28 =	rddreg [dreg:$0x5]  }
0x1c: {  	v2 =	vmov s28  }
0x1d: {  	[sflag:s24] =	ssyncset.done $0x0;
	v2 =	vshra.s32 v2, $0x5  }
0x1e: {  	s9 =	simm.s32 $0x0;
	[sflag:s24] =	ssyncadd.s32 $0xFFFFE780;
	v2 =	vmul.u32 $0x2493, v2  }
0x1f: {  	v3 =	vld [tilespmem:s9+$0x0]  }
0x20: {  	v2 =	vshra.s32 v2, $0x10  }
0x21: {  	v4 =	vmul.u32 $0xFFFFFF20, v2  }
0x22: {  	v5 =	vld [tilespmem:s9+$0x1880];
	v2 =	vcvt.s32.f32 v2  }
0x23: {  	v4 =	vadd.s32 s28, v4  }
0x24: {  	v2 =	vadd.f32 v2, v3;
	v3 =	vadd.s32 v1, v4  }
0x25: {  	v3 =	vcvt.s32.f32 v3  }
0x26: {  	v2 =	vmax.f32 v2, $0.0e+00  }
0x27: {  	s16 =	sadd.s32 $0x10, s28;
	v2 =	vmin.f32 v2, $2.230000000e+02;
	v3 =	vadd.f32 v3, v5  }
0x28: {  	v4 =	vtrunc.f32 v2;
	v5 =	vmov s16  }
0x29: {  	s15 =	simm.s32 $0x10;
	v4 =	vcvt.f32.s32 v4;
	v5 =	vshra.s32 v5, $0x5;
	v3 =	vmax.f32 v3, $0.0e+00  }
0x2a: {  	v6 =	vld [tilespmem:s15+$0x0];
	v5 =	vmul.u32 $0x2493, v5;
	v3 =	vmin.f32 v3, $2.230000000e+02  }
0x2b: {  	vm0 =	vlt.s32 v4, $0xDE;
	v7 =	vtrunc.f32 v3  }
0x2c: {  	v4 =	vnsel vm0, $0xDE, v4;
	v5 =	vshra.s32 v5, $0x10;
	v7 =	vcvt.f32.s32 v7  }
0x2d: {  	v8 =	vcvt.s32.f32 v4;
	v9 =	vmul.u32 $0xFFFFFF20, v5;
	v5 =	vcvt.s32.f32 v5  }
0x2e: {  	v4 =	vmul.u32 $0xE0, v4  }
0x2f: {  	vm15 =	vlt.s32 v7, $0xDE;
	v2 =	vsub.f32 v2, v8;
	v6 =	vadd.f32 v5, v6;
	v5 =	vld [tilespmem:s15+$0x1880]  }
0x30: {  	v4 =	vadd.s32 v0, v4;
	v8 =	vadd.s32 s16, v9;
	v7 =	vnsel vm15, $0xDE, v7  }
0x31: {  	v8 =	vadd.s32 v1, v8;
	v9 =	vcvt.s32.f32 v7;
	[tilespmem:s9+$0x3300] =	vst v2;
	v2 =	vmax.f32 v6, $0.0e+00  }
0x32: {  	v4 =	vadd.s32 v7, v4;
	v7 =	vcvt.s32.f32 v8;
	v2 =	vmin.f32 v2, $2.230000000e+02  }
0x33: {  	s17 =	simm.s32 $0x80;
	[tilespmem:s9+$0x3100] =	vst v4;
	v8 =	vadd.s32 $0xE1, v4;
	v6 =	vsub.f32 v3, v9;
	v3 =	vadd.s32 $0x1, v4  }
.LBB2_2:
0x34: {  	p0 =	sne.s32 s17, $0xC0;
	v5 =	vadd.f32 v7, v5;
	v4 =	vadd.s32 $0xE0, v4;
	[tilespmem:s9+$0x3280] =	vst v8;
	s18 =	smov.u32 s17;
	s17 =	sadd.s32 $0x40, s17  }
0x35: {  	v7 =	vtrunc.f32 v2;
	s16 =	sadd.s32 $0x10, s16;
	[tilespmem:s9+$0x3380] =	vst v6  }
0x36: {  	v6 =	vmov s16;
	v7 =	vcvt.f32.s32 v7;
	v5 =	vmax.f32 v5, $0.0e+00;
	[tilespmem:s9+$0x3200] =	vst v4  }
0x37: {  	v4 =	vshra.s32 v6, $0x5;
	v6 =	vmin.f32 v5, $2.230000000e+02;
	[tilespmem:s9+$0x3180] =	vst v3;
	s9 =	smov.u32 s15;
	s15 =	sshra.s32 s18, $0x2  }
0x38: {  	v3 =	vmul.u32 $0x2493, v4;
	vm0 =	vlt.s32 v7, $0xDE;
	v4 =	vld [tilespmem:s15+$0x0];
	v5 =	vtrunc.f32 v6  }
0x39: {  	v7 =	vnsel vm0, $0xDE, v7;
	v8 =	vcvt.f32.s32 v5  }
0x3a: {  	v3 =	vshra.s32 v3, $0x10;
	v9 =	vcvt.s32.f32 v7;
	v7 =	vmul.u32 $0xE0, v7  }
0x3b: {  	v10 =	vmul.u32 $0xFFFFFF20, v3;
	v3 =	vcvt.s32.f32 v3;
	vm0 =	vlt.s32 v8, $0xDE  }
.Ltmp0:
0x3c: {  	v2 =	vsub.f32 v2, v9;
	v7 =	vadd.s32 v0, v7;
	v5 =	vld [tilespmem:s15+$0x1880];
	v8 =	vnsel vm0, $0xDE, v8;
	(pc) =	sbr.rel @p0 .LBB2_2-.Ltmp0, $4  }
0x3d: {  	v9 =	vadd.s32 s16, v10;
	v3 =	vadd.f32 v3, v4;
	v10 =	vcvt.s32.f32 v8  }
0x3e: {  	v9 =	vadd.s32 v1, v9;
	v4 =	vadd.s32 v8, v7;
	[tilespmem:s9+$0x3300] =	vst v2  }
0x3f: {  	v7 =	vcvt.s32.f32 v9;
	v2 =	vmax.f32 v3, $0.0e+00;
	v6 =	vsub.f32 v6, v10;
	[tilespmem:s9+$0x3100] =	vst v4  }
0x40: {  	v8 =	vadd.s32 $0xE1, v4;
	v3 =	vadd.s32 $0x1, v4;
	v2 =	vmin.f32 v2, $2.230000000e+02  }
0x41: {  	v5 =	vadd.f32 v7, v5;
	v58 =	vtrunc.f32 v2  }
0x42: {  	v7 =	vcvt.f32.s32 v58  }
0x43: {  	v5 =	vmax.f32 v5, $0.0e+00  }
0x44: {  	v5 =	vmin.f32 v5, $2.230000000e+02;
	vm0 =	vlt.s32 v7, $0xDE  }
0x45: {  	v9 =	vtrunc.f32 v5;
	v7 =	vnsel vm0, $0xDE, v7  }
0x46: {  	[tilespmem:s9+$0x3280] =	vst v8;
	v9 =	vcvt.f32.s32 v9;
	v59 =	vcvt.s32.f32 v7  }
0x47: {  	[tilespmem:s9+$0x3380] =	vst v6;
	v60 =	vmul.u32 $0xE0, v7  }
0x48: {  	v4 =	vadd.s32 $0xE0, v4;
	[tilespmem:s9+$0x3180] =	vst v3;
	vm15 =	vlt.s32 v9, $0xDE;
	v2 =	vsub.f32 v2, v59  }
0x49: {  	[tilespmem:s9+$0x3200] =	vst v4;
	v3 =	vadd.s32 v0, v60;
	v61 =	vnsel vm15, $0xDE, v9  }
0x4a: {  	v62 =	vcvt.s32.f32 v61;
	v3 =	vadd.s32 v61, v3;
	[tilespmem:s15+$0x3300] =	vst v2  }
0x4b: {  	[tilespmem:s15+$0x3100] =	vst v3;
	v4 =	vadd.s32 $0xE1, v3  }
0x4c: {  	v63 =	vadd.s32 $0xE0, v3;
	v2 =	vsub.f32 v5, v62;
	[tilespmem:s15+$0x3280] =	vst v4  }
0x4d: {  	[tilespmem:s15+$0x3200] =	vst v63  }
0x4e: {  	s18 =	simm.s32 $0x3100;
	s16 =	simm.s32 $0x3400;
	s19 =	simm.s32 $0x3180;
	[tilespmem:s15+$0x3380] =	vst v2;
	v2 =	vadd.s32 $0x1, v3  }
0x4f: {  	s20 =	simm.s32 $0x5400;
	s21 =	simm.s32 $0x3200;
	s9 =	simm.s32 $0x40;
	[tilespmem:s15+$0x3180] =	vst v2  }
0x50: {  	[tilespmem:s16], [sflag:$0x1] =	stream.indirect.gather [hbm4b:s4+s9], $0x80, s18, s9, $0xb8;
	[tilespmem:$0x17700] =	vst v63  }
0x51: {  	s22 =	simm.s32 $0x7400;
	s24 =	simm.s32 $0x3280;
	s25 =	simm.s32 $0x9400  }
0x52: {  	[tilespmem:s20], [sflag:$0x1] =	stream.indirect.gather [hbm4b:s4+s9], $0x80, s19, s9, $0xb8;
	[tilespmem:$0x17700] =	vst v63  }
0x53: {  	s17 =	simm.s32 $0x80;
	s28 =	rddreg [dreg:$0x8];
	s15 =	simm.s32 $0x0  }
0x54: {  	[tilespmem:s22], [sflag:$0x1] =	stream.indirect.gather [hbm4b:s4+s9], $0x80, s21, s9, $0xb8;
	[tilespmem:$0x17700] =	vst v63  }
0x55: {  	s16 =	simm.s32 $0x18C0;
	s18 =	simm.s32 $0x1900;
	s20 =	rddreg [dreg:$0x7]  }
0x56: {  	[tilespmem:s25], [sflag:$0x1] =	stream.indirect.gather [hbm4b:s4+s9], $0x80, s24, s9, $0xb8;
	[tilespmem:$0x17700] =	vst v63  }
.LBB2_4:
0x57: {  	v3 =	vmov s9;
	_ =	sdelay $0x1  }
0x58: {  	v4 =	vmov s20  }
0x59: {  	v2 =	vmov s16;
	v4 =	vshra.s32 v4, $0x5  }
0x5a: {  	s22 =	simm.s32 $0x0;
	v4 =	vmul.u32 $0x2493, v4  }
0x5b: {  	v5 =	vld.idx.msk [tilespmem:v3+s22+$0x0 ss:$0x1], $0xffff  }
0x5c: {  	v4 =	vshra.s32 v4, $0x10  }
0x5d: {  	v6 =	vmul.u32 $0xFFFFFF20, v4  }
0x5e: {  	v7 =	vld.idx.msk [tilespmem:v2+s22+$0x0 ss:$0x1], $0xffff;
	v4 =	vcvt.s32.f32 v4  }
0x5f: {  	v6 =	vadd.s32 s20, v6  }
0x60: {  	v6 =	vadd.s32 v1, v6;
	v4 =	vadd.f32 v4, v5  }
0x61: {  	v5 =	vcvt.s32.f32 v6  }
0x62: {  	v4 =	vmax.f32 v4, $0.0e+00  }
0x63: {  	v5 =	vadd.f32 v5, v7;
	v4 =	vmin.f32 v4, $2.230000000e+02  }
0x64: {  	v6 =	vtrunc.f32 v4  }
0x65: {  	v5 =	vmax.f32 v5, $0.0e+00;
	v6 =	vcvt.f32.s32 v6  }
0x66: {  	v7 =	vmin.f32 v5, $2.230000000e+02  }
0x67: {  	v5 =	vtrunc.f32 v7;
	vm0 =	vlt.s32 v6, $0xDE  }
0x68: {  	v5 =	vcvt.f32.s32 v5;
	v6 =	vnsel vm0, $0xDE, v6  }
0x69: {  	v8 =	vcvt.s32.f32 v6;
	v6 =	vmul.u32 $0xE0, v6  }
0x6a: {  	vm15 =	vlt.s32 v5, $0xDE  }
0x6b: {  	v5 =	vnsel vm15, $0xDE, v5;
	v8 =	vsub.f32 v4, v8;
	v4 =	vadd.s32 v0, v6  }
0x6c: {  	v4 =	vadd.s32 v5, v4  }
0x6d: {  	v6 =	vcvt.s32.f32 v5;
	v5 =	vadd.s32 $0xE1, v4;
	[tilespmem:s22+$0xD600] =	vst v8  }
0x6e: {  	s19 =	sshll.u32 s15, $0x7;
	s24 =	simm.s32 $0x40;
	v8 =	vadd.s32 $0xE0, v4;
	[tilespmem:s22+$0xD580] =	vst v5  }
0x6f: {  	s25 =	smov.u32 s20;
	s21 =	sor.u32 $0x40, s19;
	s19 =	simm.s32 $0x80;
	v6 =	vsub.f32 v7, v6;
	v5 =	vadd.s32 $0x1, v4;
	[tilespmem:s22+$0xD500] =	vst v8  }
.LBB2_5:
0x70: {  	p0 =	sne.s32 s19, $0xC0;
	[tilespmem:s22+$0xD480] =	vst v5;
	s25 =	sadd.s32 $0x10, s25  }
0x71: {  	v5 =	vmov s25;
	[tilespmem:s22+$0xD680] =	vst v6  }
0x72: {  	v5 =	vshra.s32 v5, $0x5;
	[tilespmem:s22+$0xD400] =	vst v4;
	s22 =	sshra.s32 s24, $0x2;
	s24 =	smov.u32 s19  }
0x73: {  	v4 =	vmul.u32 $0x2493, v5;
	v5 =	vld.idx.msk [tilespmem:v3+s22+$0x0 ss:$0x1], $0xffff;
	_ =	sdelay $0x1  }
0x74: {  	v4 =	vshra.s32 v4, $0x10  }
0x75: {  	v6 =	vmul.u32 $0xFFFFFF20, v4;
	v7 =	vld.idx.msk [tilespmem:v2+s22+$0x0 ss:$0x1], $0xffff  }
0x76: {  	v4 =	vcvt.s32.f32 v4  }
0x77: {  	v6 =	vadd.s32 s25, v6  }
0x78: {  	v4 =	vadd.f32 v4, v5;
	v6 =	vadd.s32 v1, v6  }
0x79: {  	v5 =	vcvt.s32.f32 v6  }
0x7a: {  	v4 =	vmax.f32 v4, $0.0e+00  }
0x7b: {  	v4 =	vmin.f32 v4, $2.230000000e+02;
	v5 =	vadd.f32 v5, v7  }
0x7c: {  	v6 =	vtrunc.f32 v4  }
0x7d: {  	v6 =	vcvt.f32.s32 v6;
	v5 =	vmax.f32 v5, $0.0e+00  }
0x7e: {  	v7 =	vmin.f32 v5, $2.230000000e+02  }
0x7f: {  	vm0 =	vlt.s32 v6, $0xDE;
	v5 =	vtrunc.f32 v7  }
0x80: {  	v6 =	vnsel vm0, $0xDE, v6;
	v5 =	vcvt.f32.s32 v5  }
0x81: {  	v8 =	vcvt.s32.f32 v6;
	v6 =	vmul.u32 $0xE0, v6  }
0x82: {  	vm0 =	vlt.s32 v5, $0xDE  }
.Ltmp1:
0x83: {  	v8 =	vsub.f32 v4, v8;
	v4 =	vadd.s32 v0, v6;
	v5 =	vnsel vm0, $0xDE, v5;
	(pc) =	sbr.rel @p0 .LBB2_5-.Ltmp1, $4  }
0x84: {  	v6 =	vcvt.s32.f32 v5;
	v4 =	vadd.s32 v5, v4  }
0x85: {  	v5 =	vadd.s32 $0x1, v4;
	v9 =	vadd.s32 $0xE0, v4;
	v10 =	vadd.s32 $0xE1, v4;
	[tilespmem:s22+$0xD600] =	vst v8  }
0x86: {  	v6 =	vsub.f32 v7, v6;
	[tilespmem:s22+$0xD580] =	vst v10  }
0x87: {  	s19 =	sadd.s32 $0x40, s19;
	[tilespmem:s22+$0xD500] =	vst v9  }
0x88: {  	_ = 	snop  }
0x89: {  	s19 =	sadd.s32 $0x10, s25;
	[tilespmem:s22+$0xD480] =	vst v5  }
0x8a: {  	[tilespmem:s22+$0xD680] =	vst v6;
	v55 =	vmov s19  }
0x8b: {  	s24 =	sshra.s32 s24, $0x2;
	[tilespmem:s22+$0xD400] =	vst v4;
	v5 =	vshra.s32 v55, $0x5  }
0x8c: {  	v3 =	vld.idx.msk [tilespmem:v3+s24+$0x0 ss:$0x1], $0xffff;
	v56 =	vmul.u32 $0x2493, v5;
	_ =	sdelay $0x1  }
0x8d: {  	v4 =	vshra.s32 v56, $0x10  }
0x8e: {  	v57 =	vmul.u32 $0xFFFFFF20, v4;
	v4 =	vcvt.s32.f32 v4  }
0x8f: {  	v2 =	vld.idx.msk [tilespmem:v2+s24+$0x0 ss:$0x1], $0xffff  }
0x90: {  	v5 =	vadd.s32 s19, v57;
	v3 =	vadd.f32 v4, v3  }
0x91: {  	v5 =	vadd.s32 v1, v5  }
0x92: {  	v58 =	vcvt.s32.f32 v5;
	v3 =	vmax.f32 v3, $0.0e+00  }
0x93: {  	v3 =	vmin.f32 v3, $2.230000000e+02  }
0x94: {  	v2 =	vadd.f32 v58, v2;
	v59 =	vtrunc.f32 v3  }
0x95: {  	v4 =	vcvt.f32.s32 v59  }
0x96: {  	v2 =	vmax.f32 v2, $0.0e+00  }
0x97: {  	v2 =	vmin.f32 v2, $2.230000000e+02;
	vm0 =	vlt.s32 v4, $0xDE  }
0x98: {  	v60 =	vtrunc.f32 v2;
	v4 =	vnsel vm0, $0xDE, v4  }
0x99: {  	v5 =	vcvt.f32.s32 v60;
	v61 =	vcvt.s32.f32 v4  }
0x9a: {  	v4 =	vmul.u32 $0xE0, v4  }
0x9b: {  	vm15 =	vlt.s32 v5, $0xDE;
	v3 =	vsub.f32 v3, v61  }
0x9c: {  	v4 =	vadd.s32 v0, v4;
	v5 =	vnsel vm15, $0xDE, v5  }
0x9d: {  	v4 =	vadd.s32 v5, v4;
	[tilespmem:s24+$0xD600] =	vst v3  }
0x9e: {  	v5 =	vcvt.s32.f32 v5;
	v62 =	vadd.s32 $0xE1, v4;
	[tilespmem:s24+$0xD400] =	vst v4  }
0x9f: {  	v3 =	vadd.s32 $0xE0, v4;
	[tilespmem:s24+$0xD580] =	vst v62  }
0xa0: {  	v63 =	vadd.s32 $0x1, v4;
	v2 =	vsub.f32 v2, v5;
	[tilespmem:s24+$0xD500] =	vst v3  }
0xa1: {  	[tilespmem:s24+$0xD480] =	vst v63  }
0xa2: {  	[tilespmem:s24+$0xD680] =	vst v2  }
0xa3: {  	[tilespmem:s29], [sflag:$0x3] =	stream.indirect.gather [hbm4b:s4+s23], $0x80, s26, s23, $0xb8;
	[tilespmem:$0x17700] =	vst v63  }
0xa4: {  	s22 =	simm.s32 $0xF700  }
0xa5: {  	[tilespmem:s22], [sflag:$0x3] =	stream.indirect.gather [hbm4b:s4+s23], $0x80, s30, s23, $0xb8;
	[tilespmem:$0x17700] =	vst v63  }
0xa6: {  	s25 =	simm.s32 $0x11700;
	s24 =	simm.s32 $0xD500  }
0xa7: {  	[tilespmem:s25], [sflag:$0x3] =	stream.indirect.gather [hbm4b:s4+s23], $0x80, s24, s23, $0xb8;
	[tilespmem:$0x17700] =	vst v63  }
0xa8: {  	_ = 	snop  }
0xa9: {  	[tilespmem:s1], [sflag:$0x3] =	stream.indirect.gather [hbm4b:s4+s23], $0x80, s31, s23, $0xb8;
	[tilespmem:$0x17700] =	vst v63  }
0xaa: {  	_ =	swait.ge [sflag:s0], $0x2000  }
0xab: {  	[sflag:s0] =	ssyncset.done $0x0  }
0xac: {  	[sflag:s0] =	ssyncadd.s32 $0xFFFFE000  }
0xad: {  	_ =	swait.ge [sflag:s0], $0x2000  }
0xae: {  	[sflag:s0] =	ssyncset.done $0x0  }
0xaf: {  	[sflag:s0] =	ssyncadd.s32 $0xFFFFE000  }
0xb0: {  	_ =	swait.ge [sflag:s0], $0x2000  }
0xb1: {  	[sflag:s0] =	ssyncset.done $0x0  }
0xb2: {  	[sflag:s0] =	ssyncadd.s32 $0xFFFFE000  }
0xb3: {  	_ =	swait.ge [sflag:s0], $0x2000  }
0xb4: {  	p0 =	seq.s32 s15, $0x0;
	[sflag:s0] =	ssyncset.done $0x0  }
0xb5: {  	s19 =	simm.s32 @!p0 $0x2;
	[sflag:s0] =	ssyncadd.s32 $0xFFFFE000  }
0xb6: {  	_ =	swait.ge @!p0 [sflag:s19], $0x2000  }
0xb7: {  	[sflag:s19] =	ssyncset.done @!p0 $0x0  }
0xb8: {  	s22 =	simm.s32 $0x0;
	s24 =	simm.s32 $0x0;
	[sflag:s19] =	ssyncadd.s32 @!p0 $0xFFFFE000  }
.LBB2_7:
0xb9: {  	s25 =	sshra.s32 s24, $0x2  }
0xba: {  	v4 =	vld [tilespmem:s25+$0x3400]  }
0xbb: {  	v5 =	vld [tilespmem:s25+$0x5400]  }
0xbc: {  	v6 =	vld [tilespmem:s25+$0x7400]  }
0xbd: {  	v7 =	vld [tilespmem:s25+$0x9400]  }
0xbe: {  	v8 =	vld [tilespmem:s25+$0x3410]  }
0xbf: {  	v9 =	vld [tilespmem:s25+$0x5410]  }
0xc0: {  	v10 =	vld [tilespmem:s25+$0x7410]  }
0xc1: {  	v11 =	vld [tilespmem:s25+$0x9410]  }
0xc2: {  	v12 =	vld [tilespmem:s25+$0x3420]  }
0xc3: {  	v13 =	vld [tilespmem:s25+$0x5420]  }
0xc4: {  	v14 =	vld [tilespmem:s25+$0x7420]  }
0xc5: {  	v15 =	vld [tilespmem:s25+$0x9420]  }
0xc6: {  	v2 =	vmov s22;
	v16 =	vld [tilespmem:s25+$0x3430]  }
0xc7: {  	v2 =	vand.u32 $0xFFFFFFFC, v2;
	v17 =	vld [tilespmem:s25+$0x5430]  }
0xc8: {  	v18 =	vld [tilespmem:s25+$0x7430];
	v2 =	vbroadcast v2, $0x0  }
0xc9: {  	v19 =	vld [tilespmem:s25+$0x9430]  }
0xca: {  	v20 =	vld [tilespmem:s25+$0x3440]  }
0xcb: {  	v50 =	vld [tilespmem:s25+$0x5440]  }
0xcc: {  	v55 =	vld [tilespmem:s25+$0x3450]  }
0xcd: {  	v21 =	vld [tilespmem:s25+$0x5450]  }
0xce: {  	v3 =	vld.idx.msk [tilespmem:v2+s14+$0x0], $0xffff  }
0xcf: {  	v2 =	vld.idx.msk [tilespmem:v2+s6+$0x0], $0xffff  }
0xd0: {  	v22 =	vld [tilespmem:s25+$0x7450];
	v5 =	vsub.f32 v5, v4  }
0xd1: {  	v58 =	vld [tilespmem:s25+$0x9450];
	v7 =	vsub.f32 v7, v6;
	v9 =	vsub.f32 v9, v8  }
0xd2: {  	v53 =	vld [tilespmem:s25+$0x7440];
	v11 =	vsub.f32 v11, v10;
	v13 =	vsub.f32 v13, v12  }
0xd3: {  	v54 =	vld [tilespmem:s25+$0x9440];
	v15 =	vsub.f32 v15, v14;
	v17 =	vsub.f32 v17, v16  }
0xd4: {  	v24 =	vld [tilespmem:s25+$0x3480];
	v19 =	vsub.f32 v19, v18;
	v5 =	vmul.f32 v5, v2;
	v7 =	vmul.f32 v7, v2  }
0xd5: {  	v25 =	vld [tilespmem:s25+$0x5480];
	v63 =	vsub.f32 v21, v55;
	v9 =	vmul.f32 v9, v2;
	v11 =	vmul.f32 v11, v2  }
0xd6: {  	v26 =	vld [tilespmem:s25+$0x7480];
	v57 =	vmul.f32 v15, v2;
	v15 =	vsub.f32 v58, v22;
	v4 =	vadd.f32 v5, v4  }
0xd7: {  	v27 =	vld [tilespmem:s25+$0x9480];
	v56 =	vmul.f32 v13, v2;
	v49 =	vadd.f32 v7, v6;
	v51 =	vadd.f32 v9, v8  }
0xd8: {  	v28 =	vld [tilespmem:s25+$0x3490];
	v60 =	vmul.f32 v19, v2;
	v52 =	vadd.f32 v11, v10;
	v61 =	vadd.f32 v57, v14  }
0xd9: {  	v29 =	vld [tilespmem:s25+$0x5490];
	v59 =	vmul.f32 v17, v2;
	v6 =	vsub.f32 v50, v20;
	v10 =	vsub.f32 v54, v53  }
0xda: {  	v30 =	vld [tilespmem:s25+$0x7490];
	v62 =	vadd.f32 v60, v18;
	v14 =	vmul.f32 v63, v2;
	v5 =	vsub.f32 v49, v4  }
0xdb: {  	v31 =	vld [tilespmem:s25+$0x9490];
	v8 =	vsub.f32 v52, v51;
	v6 =	vmul.f32 v6, v2;
	v10 =	vmul.f32 v10, v2  }
0xdc: {  	v32 =	vld [tilespmem:s25+$0x34A0];
	v2 =	vmul.f32 v15, v2;
	v17 =	vadd.f32 v14, v55;
	v5 =	vmul.f32 v5, v3  }
0xdd: {  	v33 =	vld [tilespmem:s25+$0x54A0];
	v8 =	vmul.f32 v8, v3;
	v6 =	vadd.f32 v6, v20;
	v9 =	vadd.f32 v10, v53  }
0xde: {  	v34 =	vld [tilespmem:s25+$0x74A0];
	v2 =	vadd.f32 v2, v22;
	v4 =	vadd.f32 v5, v4  }
0xdf: {  	v35 =	vld [tilespmem:s25+$0x94A0];
	v7 =	vadd.f32 v8, v51;
	v5 =	vadd.f32 v56, v12  }
0xe0: {  	v36 =	vld [tilespmem:s25+$0x34B0];
	v8 =	vadd.f32 v59, v16;
	v9 =	vsub.f32 v9, v6  }
0xe1: {  	s19 =	sadd.s32 $0x1, s22;
	v37 =	vld [tilespmem:s25+$0x54B0];
	v2 =	vsub.f32 v2, v17;
	v12 =	vsub.f32 v61, v5  }
0xe2: {  	v38 =	vld [tilespmem:s25+$0x74B0];
	v19 =	vmov s19;
	v13 =	vsub.f32 v62, v8;
	v21 =	vmul.f32 v9, v3  }
0xe3: {  	v39 =	vld [tilespmem:s25+$0x94B0];
	v2 =	vmul.f32 v2, v3;
	v18 =	vmul.f32 v12, v3;
	v12 =	vand.u32 $0xFFFFFFFD, v19  }
0xe4: {  	v45 =	vld [tilespmem:s25+$0x74C0];
	[tilespmem:s25+$0xB400] =	vst v4;
	v13 =	vmul.f32 v13, v3;
	v3 =	vadd.f32 v21, v6;
	v22 =	vbroadcast v12, $0x0  }
0xe5: {  	v47 =	vld [tilespmem:s25+$0x34D0];
	[tilespmem:s25+$0xB410] =	vst v7;
	v2 =	vadd.f32 v2, v17  }
0xe6: {  	v48 =	vld [tilespmem:s25+$0x54D0];
	v20 =	vadd.f32 v18, v5;
	[tilespmem:s25+$0xB440] =	vst v3  }
0xe7: {  	v46 =	vld [tilespmem:s25+$0x94C0];
	v23 =	vadd.f32 v13, v8;
	[tilespmem:s25+$0xB450] =	vst v2  }
0xe8: {  	v40 =	vld [tilespmem:s25+$0x34C0];
	[tilespmem:s25+$0xB420] =	vst v20  }
0xe9: {  	v42 =	vld [tilespmem:s25+$0x54C0];
	[tilespmem:s25+$0xB430] =	vst v23  }
0xea: {  	v11 =	vsub.f32 v31, v30;
	v3 =	vld.idx.msk [tilespmem:v22+s6+$0x0], $0xffff  }
0xeb: {  	v57 =	vsub.f32 v48, v47;
	v31 =	vld [tilespmem:s25+$0x3520];
	v15 =	vsub.f32 v35, v34  }
0xec: {  	v49 =	vld [tilespmem:s25+$0x74D0];
	v10 =	vsub.f32 v46, v45;
	v7 =	vsub.f32 v27, v26  }
0xed: {  	v52 =	vld [tilespmem:s25+$0x94D0];
	v9 =	vsub.f32 v29, v28;
	v5 =	vsub.f32 v25, v24  }
0xee: {  	v35 =	vld [tilespmem:s25+$0x3530];
	v17 =	vsub.f32 v37, v36;
	v19 =	vsub.f32 v39, v38  }
0xef: {  	v46 =	vld [tilespmem:s25+$0x3550];
	v13 =	vsub.f32 v33, v32;
	v5 =	vmul.f32 v5, v3;
	v7 =	vmul.f32 v7, v3  }
0xf0: {  	v27 =	vld [tilespmem:s25+$0x3510];
	v6 =	vsub.f32 v42, v40;
	v9 =	vmul.f32 v9, v3;
	v11 =	vmul.f32 v11, v3  }
0xf1: {  	v2 =	vld.idx.msk [tilespmem:v22+s14+$0x0], $0xffff;
	v50 =	vmul.f32 v13, v3;
	v4 =	vadd.f32 v5, v24;
	v41 =	vadd.f32 v7, v26  }
0xf2: {  	v29 =	vld [tilespmem:s25+$0x7510];
	v51 =	vmul.f32 v15, v3;
	v43 =	vadd.f32 v9, v28;
	v44 =	vadd.f32 v11, v30  }
0xf3: {  	v37 =	vld [tilespmem:s25+$0x7530];
	v54 =	vmul.f32 v19, v3;
	v15 =	vsub.f32 v52, v49;
	v6 =	vmul.f32 v6, v3  }
0xf4: {  	v39 =	vld [tilespmem:s25+$0x3540];
	v10 =	vmul.f32 v10, v3;
	v5 =	vsub.f32 v41, v4;
	v8 =	vsub.f32 v44, v43  }
0xf5: {  	v25 =	vld [tilespmem:s25+$0x7500];
	v14 =	vmul.f32 v57, v3;
	v55 =	vadd.f32 v51, v34;
	v56 =	vadd.f32 v54, v38  }
0xf6: {  	v33 =	vld [tilespmem:s25+$0x7520];
	v6 =	vadd.f32 v6, v40;
	v5 =	vmul.f32 v5, v2;
	v8 =	vmul.f32 v8, v2  }
0xf7: {  	v53 =	vmul.f32 v17, v3;
	v52 =	vld [tilespmem:s25+$0x7550];
	v9 =	vadd.f32 v10, v45;
	v58 =	vadd.f32 v14, v47  }
0xf8: {  	v3 =	vmul.f32 v15, v3;
	v24 =	vld [tilespmem:s25+$0x5500];
	v4 =	vadd.f32 v5, v4;
	v7 =	vadd.f32 v8, v43  }
0xf9: {  	v26 =	vld [tilespmem:s25+$0x9500];
	v5 =	vadd.f32 v50, v32;
	v8 =	vadd.f32 v53, v36  }
0xfa: {  	v28 =	vld [tilespmem:s25+$0x5510];
	v3 =	vadd.f32 v3, v49;
	v9 =	vsub.f32 v9, v6  }
0xfb: {  	s19 =	sadd.s32 $0x2, s22;
	v30 =	vld [tilespmem:s25+$0x9510];
	v12 =	vsub.f32 v55, v5;
	v13 =	vsub.f32 v56, v8  }
0xfc: {  	v60 =	vmov s19;
	v34 =	vld [tilespmem:s25+$0x9520];
	v3 =	vsub.f32 v3, v58;
	v62 =	vmul.f32 v9, v2  }
0xfd: {  	v38 =	vld [tilespmem:s25+$0x9530];
	v59 =	vmul.f32 v12, v2;
	v13 =	vmul.f32 v13, v2;
	v12 =	vand.u32 $0xFFFFFFFE, v60  }
0xfe: {  	v40 =	vld [tilespmem:s25+$0x5540];
	[tilespmem:s25+$0xB480] =	vst v4;
	v2 =	vmul.f32 v3, v2;
	v3 =	vadd.f32 v62, v6;
	v63 =	vbroadcast v12, $0x0  }
0xff: {  	v41 =	vld [tilespmem:s25+$0x7540];
	[tilespmem:s25+$0xB490] =	vst v7;
	v61 =	vadd.f32 v59, v5  }
0x100: {  	v49 =	vld [tilespmem:s25+$0x5550];
	v23 =	vadd.f32 v13, v8;
	[tilespmem:s25+$0xB4C0] =	vst v3  }
0x101: {  	v32 =	vld [tilespmem:s25+$0x5520];
	v2 =	vadd.f32 v2, v58;
	[tilespmem:s25+$0xB4A0] =	vst v61  }
0x102: {  	v3 =	vld [tilespmem:s25+$0x3500];
	[tilespmem:s25+$0xB4B0] =	vst v23  }
0x103: {  	v36 =	vld [tilespmem:s25+$0x5530];
	[tilespmem:s25+$0xB4D0] =	vst v2  }
0x104: {  	v2 =	vld.idx.msk [tilespmem:v63+s6+$0x0], $0xffff  }
0x105: {  	v11 =	vsub.f32 v30, v29;
	v43 =	vld [tilespmem:s25+$0x9540]  }
0x106: {  	v48 =	vsub.f32 v34, v33;
	v51 =	vsub.f32 v38, v37;
	v30 =	vld [tilespmem:s25+$0x5590]  }
0x107: {  	v55 =	vsub.f32 v40, v39;
	v23 =	vld [tilespmem:s25+$0x9550];
	v4 =	vsub.f32 v24, v3  }
0x108: {  	v34 =	vld [tilespmem:s25+$0x55A0];
	v6 =	vsub.f32 v26, v25;
	v8 =	vsub.f32 v28, v27  }
0x109: {  	v38 =	vld [tilespmem:s25+$0x55B0];
	v47 =	vsub.f32 v32, v31;
	v50 =	vsub.f32 v36, v35;
	v4 =	vmul.f32 v4, v2  }
0x10a: {  	v40 =	vld [tilespmem:s25+$0x95B0];
	v5 =	vsub.f32 v43, v41;
	v6 =	vmul.f32 v6, v2;
	v8 =	vmul.f32 v8, v2  }
0x10b: {  	v62 =	vld [tilespmem:s25+$0x5580];
	v13 =	vsub.f32 v49, v46;
	v11 =	vmul.f32 v11, v2;
	v10 =	vmul.f32 v47, v2  }
0x10c: {  	v32 =	vld [tilespmem:s25+$0x9590];
	v56 =	vsub.f32 v23, v52;
	v15 =	vmul.f32 v50, v2;
	v17 =	vmul.f32 v51, v2  }
0x10d: {  	v36 =	vld [tilespmem:s25+$0x95A0];
	v5 =	vmul.f32 v5, v2;
	v3 =	vadd.f32 v4, v3;
	v42 =	vadd.f32 v6, v25  }
0x10e: {  	v9 =	vld.idx.msk [tilespmem:v63+s14+$0x0], $0xffff;
	v13 =	vmul.f32 v13, v2;
	v44 =	vadd.f32 v8, v27;
	v45 =	vadd.f32 v11, v29  }
0x10f: {  	v28 =	vld [tilespmem:s25+$0x9580];
	v11 =	vmul.f32 v48, v2;
	v10 =	vadd.f32 v10, v31;
	v53 =	vadd.f32 v15, v35  }
0x110: {  	v43 =	vld [tilespmem:s25+$0x75C0];
	v54 =	vadd.f32 v17, v37;
	v15 =	vmul.f32 v55, v2;
	v5 =	vadd.f32 v5, v41  }
0x111: {  	v63 =	vld [tilespmem:s25+$0x7580];
	v2 =	vmul.f32 v56, v2;
	v8 =	vadd.f32 v13, v46;
	v4 =	vsub.f32 v42, v3  }
0x112: {  	v24 =	vld [tilespmem:s25+$0x35D0];
	v7 =	vsub.f32 v45, v44;
	v11 =	vadd.f32 v11, v33  }
0x113: {  	v47 =	vld [tilespmem:s25+$0x55D0];
	v14 =	vsub.f32 v54, v53;
	v2 =	vadd.f32 v2, v52;
	v4 =	vmul.f32 v4, v9  }
0x114: {  	v50 =	vld [tilespmem:s25+$0x75D0];
	v15 =	vadd.f32 v15, v39;
	v11 =	vsub.f32 v11, v10;
	v7 =	vmul.f32 v7, v9  }
0x115: {  	v29 =	vld [tilespmem:s25+$0x3590];
	v58 =	vmul.f32 v14, v9;
	v2 =	vsub.f32 v2, v8;
	v3 =	vadd.f32 v4, v3  }
0x116: {  	v31 =	vld [tilespmem:s25+$0x7590];
	v5 =	vsub.f32 v5, v15;
	v57 =	vmul.f32 v11, v9;
	v6 =	vadd.f32 v7, v44  }
0x117: {  	s19 =	sadd.s32 $0x3, s22;
	v35 =	vld [tilespmem:s25+$0x75A0];
	v60 =	vadd.f32 v58, v53;
	v2 =	vmul.f32 v2, v9;
	[tilespmem:s25+$0xB500] =	vst v3  }
0x118: {  	v61 =	vmov s19;
	v37 =	vld [tilespmem:s25+$0x35B0];
	v59 =	vmul.f32 v5, v9;
	v3 =	vadd.f32 v57, v10;
	[tilespmem:s25+$0xB510] =	vst v6  }
0x119: {  	v41 =	vld [tilespmem:s25+$0x35C0];
	[tilespmem:s25+$0xB530] =	vst v60;
	v2 =	vadd.f32 v2, v8  }
0x11a: {  	v33 =	vld [tilespmem:s25+$0x35A0];
	[tilespmem:s25+$0xB520] =	vst v3;
	v3 =	vadd.f32 v59, v15  }
0x11b: {  	v39 =	vld [tilespmem:s25+$0x75B0];
	[tilespmem:s25+$0xB550] =	vst v2  }
0x11c: {  	v42 =	vld [tilespmem:s25+$0x55C0];
	[tilespmem:s25+$0xB540] =	vst v3  }
0x11d: {  	v2 =	vld.idx.msk [tilespmem:v61+s6+$0x0], $0xffff  }
0x11e: {  	v13 =	vsub.f32 v47, v24;
	v44 =	vld [tilespmem:s25+$0x95C0]  }
0x11f: {  	v49 =	vsub.f32 v36, v35;
	v52 =	vsub.f32 v38, v37;
	v53 =	vld [tilespmem:s25+$0x95D0]  }
0x120: {  	v7 =	vsub.f32 v28, v63;
	v9 =	vsub.f32 v30, v29;
	v3 =	vld [tilespmem:s25+$0x3580]  }
0x121: {  	v11 =	vsub.f32 v32, v31;
	v46 =	vsub.f32 v34, v33  }
0x122: {  	v55 =	vsub.f32 v40, v39;
	v56 =	vsub.f32 v42, v41;
	v7 =	vmul.f32 v7, v2  }
0x123: {  	v57 =	vsub.f32 v44, v43;
	v45 =	vmul.f32 v9, v2;
	v48 =	vmul.f32 v11, v2  }
0x124: {  	v58 =	vsub.f32 v53, v50;
	v51 =	vmul.f32 v46, v2;
	v54 =	vmul.f32 v49, v2  }
0x125: {  	v4 =	vsub.f32 v62, v3;
	v9 =	vmul.f32 v52, v2;
	v11 =	vmul.f32 v55, v2  }
0x126: {  	v12 =	vmul.f32 v56, v2;
	v5 =	vadd.f32 v7, v63;
	v7 =	vadd.f32 v48, v31  }
0x127: {  	v6 =	vld.idx.msk [tilespmem:v61+s14+$0x0], $0xffff;
	v4 =	vmul.f32 v4, v2;
	v8 =	vadd.f32 v51, v33;
	v10 =	vadd.f32 v54, v35  }
0x128: {  	v14 =	vmul.f32 v57, v2;
	v9 =	vadd.f32 v9, v37;
	v11 =	vadd.f32 v11, v39  }
0x129: {  	v13 =	vmul.f32 v13, v2;
	v12 =	vadd.f32 v12, v41;
	v3 =	vadd.f32 v4, v3  }
0x12a: {  	v2 =	vmul.f32 v58, v2;
	v4 =	vadd.f32 v45, v29;
	v11 =	vsub.f32 v11, v9  }
0x12b: {  	v13 =	vadd.f32 v13, v24;
	v5 =	vsub.f32 v5, v3  }
0x12c: {  	v2 =	vadd.f32 v2, v50;
	v7 =	vsub.f32 v7, v4;
	v61 =	vmul.f32 v11, v6  }
0x12d: {  	v14 =	vadd.f32 v14, v43;
	v10 =	vsub.f32 v10, v8;
	v5 =	vmul.f32 v5, v6  }
0x12e: {  	v2 =	vsub.f32 v2, v13;
	v7 =	vmul.f32 v7, v6;
	v63 =	vadd.f32 v61, v9  }
0x12f: {  	v60 =	vsub.f32 v14, v12;
	v59 =	vmul.f32 v10, v6;
	v3 =	vadd.f32 v5, v3  }
0x130: {  	p1 =	sne.s32 s24, $0x7800;
	v2 =	vmul.f32 v2, v6;
	v4 =	vadd.f32 v7, v4;
	[tilespmem:s25+$0xB5B0] =	vst v63  }
.Ltmp2:
0x131: {  	v62 =	vmul.f32 v60, v6;
	[tilespmem:s25+$0xB580] =	vst v3;
	v3 =	vadd.f32 v59, v8;
	(pc) =	sbr.rel @p1 .LBB2_7-.Ltmp2, $4  }
0x132: {  	v2 =	vadd.f32 v2, v13;
	[tilespmem:s25+$0xB590] =	vst v4  }
0x133: {  	[tilespmem:s25+$0xB5A0] =	vst v3;
	v3 =	vadd.f32 v62, v12  }
0x134: {  	[tilespmem:s25+$0xB5D0] =	vst v2  }
0x135: {  	s24 =	sadd.s32 $0x800, s24;
	s22 =	sadd.s32 $0x4, s22;
	[tilespmem:s25+$0xB5C0] =	vst v3  }
0x136: {  	p1 =	seq.s32 s15, $0x30  }
.Ltmp3:
0x137: {  	s19 =	sshll.u32 s15, $0xE;
	(pc) =	sbr.rel @p1 .LBB2_12-.Ltmp3, $4  }
0x138: {  	s19 =	sadd.s32 s8, s19  }
0x139: {  	s19 =	sshrl.u32 s19, $0x3  }
0x13a: {  	s22 =	simm.s32 $0x0;
	s19 =	sadd.s32 s5, s19  }
0x13b: {  	[hbm4b:s19+s22] =	stream.linear.scatter [tilespmem:s7], [sflag:$0x2], $0x2000, $0x38;
	[tilespmem:$0x17700] =	vst v63  }
0x13c: {  	v2 =	vmov s28  }
0x13d: {  	v2 =	vshra.s32 v2, $0x5  }
0x13e: {  	s19 =	sadd.s32 $0x0, s17;
	v2 =	vmul.u32 $0x2493, v2  }
0x13f: {  	v3 =	vld [tilespmem:s19+$0x0]  }
0x140: {  	v2 =	vshra.s32 v2, $0x10  }
0x141: {  	s30 =	sadd.s32 $0x0, s18;
	v4 =	vmul.u32 $0xFFFFFF20, v2  }
0x142: {  	v5 =	vld [tilespmem:s30+$0x0];
	v2 =	vcvt.s32.f32 v2  }
0x143: {  	v4 =	vadd.s32 s28, v4  }
0x144: {  	v2 =	vadd.f32 v2, v3;
	v4 =	vadd.s32 v1, v4  }
0x145: {  	v3 =	vcvt.s32.f32 v4  }
0x146: {  	v2 =	vmax.f32 v2, $0.0e+00  }
0x147: {  	v2 =	vmin.f32 v2, $2.230000000e+02;
	v3 =	vadd.f32 v3, v5  }
0x148: {  	v4 =	vtrunc.f32 v2  }
0x149: {  	v4 =	vcvt.f32.s32 v4;
	v3 =	vmax.f32 v3, $0.0e+00  }
0x14a: {  	v6 =	vmin.f32 v3, $2.230000000e+02  }
0x14b: {  	vm0 =	vlt.s32 v4, $0xDE;
	v3 =	vtrunc.f32 v6  }
0x14c: {  	v4 =	vnsel vm0, $0xDE, v4;
	v3 =	vcvt.f32.s32 v3  }
0x14d: {  	v5 =	vcvt.s32.f32 v4;
	v4 =	vmul.u32 $0xE0, v4  }
0x14e: {  	vm15 =	vlt.s32 v3, $0xDE  }
0x14f: {  	v5 =	vsub.f32 v2, v5;
	v2 =	vadd.s32 v0, v4;
	v3 =	vnsel vm15, $0xDE, v3  }
0x150: {  	s24 =	simm.s32 $0x0;
	v4 =	vcvt.s32.f32 v3;
	v2 =	vadd.s32 v3, v2  }
0x151: {  	[tilespmem:s24+$0x3300] =	vst v5;
	v7 =	vadd.s32 $0xE1, v2  }
0x152: {  	s25 =	simm.s32 $0x40;
	s26 =	simm.s32 $0x80;
	s19 =	smov.u32 s28;
	v3 =	vadd.s32 $0x1, v2;
	v5 =	vadd.s32 $0xE0, v2;
	v4 =	vsub.f32 v6, v4;
	[tilespmem:s24+$0x3280] =	vst v7  }
.LBB2_10:
0x153: {  	p1 =	sne.s32 s26, $0xC0;
	[tilespmem:s24+$0x3200] =	vst v5;
	s19 =	sadd.s32 $0x10, s19  }
0x154: {  	v5 =	vmov s19;
	[tilespmem:s24+$0x3180] =	vst v3  }
0x155: {  	s29 =	sshra.s32 s25, $0x2;
	s25 =	smov.u32 s26;
	v3 =	vshra.s32 v5, $0x5;
	[tilespmem:s24+$0x3380] =	vst v4  }
0x156: {  	s30 =	sadd.s32 s29, s17;
	v3 =	vmul.u32 $0x2493, v3;
	[tilespmem:s24+$0x3100] =	vst v2;
	s24 =	smov.u32 s29  }
0x157: {  	v2 =	vld [tilespmem:s30+$0x0]  }
0x158: {  	v3 =	vshra.s32 v3, $0x10  }
0x159: {  	s29 =	sadd.s32 s24, s18;
	v4 =	vmul.u32 $0xFFFFFF20, v3  }
0x15a: {  	v3 =	vcvt.s32.f32 v3;
	v5 =	vld [tilespmem:s29+$0x0]  }
0x15b: {  	v4 =	vadd.s32 s19, v4  }
0x15c: {  	v4 =	vadd.s32 v1, v4;
	v2 =	vadd.f32 v3, v2  }
0x15d: {  	v3 =	vcvt.s32.f32 v4  }
0x15e: {  	v2 =	vmax.f32 v2, $0.0e+00  }
0x15f: {  	v2 =	vmin.f32 v2, $2.230000000e+02;
	v3 =	vadd.f32 v3, v5  }
0x160: {  	v4 =	vtrunc.f32 v2  }
0x161: {  	v3 =	vmax.f32 v3, $0.0e+00;
	v4 =	vcvt.f32.s32 v4  }
0x162: {  	v6 =	vmin.f32 v3, $2.230000000e+02  }
0x163: {  	vm0 =	vlt.s32 v4, $0xDE;
	v3 =	vtrunc.f32 v6  }
0x164: {  	v4 =	vnsel vm0, $0xDE, v4;
	v3 =	vcvt.f32.s32 v3  }
0x165: {  	v5 =	vcvt.s32.f32 v4;
	v4 =	vmul.u32 $0xE0, v4  }
.Ltmp4:
0x166: {  	vm0 =	vlt.s32 v3, $0xDE;
	(pc) =	sbr.rel @p1 .LBB2_10-.Ltmp4, $4  }
0x167: {  	v3 =	vnsel vm0, $0xDE, v3;
	v7 =	vsub.f32 v2, v5;
	v2 =	vadd.s32 v0, v4  }
0x168: {  	v4 =	vcvt.s32.f32 v3;
	v2 =	vadd.s32 v3, v2  }
0x169: {  	v3 =	vadd.s32 $0x1, v2;
	v5 =	vadd.s32 $0xE0, v2;
	v8 =	vadd.s32 $0xE1, v2;
	[tilespmem:s24+$0x3300] =	vst v7  }
0x16a: {  	s26 =	sadd.s32 $0x40, s26;
	v4 =	vsub.f32 v6, v4;
	[tilespmem:s24+$0x3280] =	vst v8  }
0x16b: {  	[tilespmem:s24+$0x3200] =	vst v5  }
0x16c: {  	s19 =	sadd.s32 $0x10, s19;
	[tilespmem:s24+$0x3180] =	vst v3  }
0x16d: {  	s25 =	sshra.s32 s25, $0x2;
	[tilespmem:s24+$0x3100] =	vst v2;
	v57 =	vmov s19  }
0x16e: {  	[tilespmem:s24+$0x3380] =	vst v4;
	s26 =	sadd.s32 s25, s17;
	v3 =	vshra.s32 v57, $0x5  }
0x16f: {  	v2 =	vld [tilespmem:s26+$0x0];
	v3 =	vmul.u32 $0x2493, v3;
	_ =	sdelay $0x1  }
0x170: {  	v3 =	vshra.s32 v3, $0x10  }
0x171: {  	s26 =	sadd.s32 s25, s18;
	v58 =	vmul.u32 $0xFFFFFF20, v3;
	v3 =	vcvt.s32.f32 v3  }
0x172: {  	v59 =	vld [tilespmem:s26+$0x0]  }
0x173: {  	v4 =	vadd.s32 s19, v58;
	v2 =	vadd.f32 v3, v2  }
0x174: {  	v4 =	vadd.s32 v1, v4  }
0x175: {  	v3 =	vcvt.s32.f32 v4;
	v2 =	vmax.f32 v2, $0.0e+00  }
0x176: {  	v2 =	vmin.f32 v2, $2.230000000e+02  }
0x177: {  	v3 =	vadd.f32 v3, v59;
	v60 =	vtrunc.f32 v2  }
0x178: {  	v4 =	vcvt.f32.s32 v60  }
0x179: {  	v3 =	vmax.f32 v3, $0.0e+00  }
0x17a: {  	v3 =	vmin.f32 v3, $2.230000000e+02;
	vm0 =	vlt.s32 v4, $0xDE  }
0x17b: {  	v61 =	vtrunc.f32 v3;
	v4 =	vnsel vm0, $0xDE, v4  }
0x17c: {  	v5 =	vcvt.f32.s32 v61;
	v6 =	vcvt.s32.f32 v4  }
0x17d: {  	v4 =	vmul.u32 $0xE0, v4  }
0x17e: {  	vm15 =	vlt.s32 v5, $0xDE;
	v2 =	vsub.f32 v2, v6  }
0x17f: {  	v4 =	vadd.s32 v0, v4;
	v5 =	vnsel vm15, $0xDE, v5  }
0x180: {  	v4 =	vadd.s32 v5, v4;
	[tilespmem:s25+$0x3300] =	vst v2  }
0x181: {  	v5 =	vcvt.s32.f32 v5;
	v62 =	vadd.s32 $0xE1, v4;
	[tilespmem:s25+$0x3100] =	vst v4  }
0x182: {  	v2 =	vadd.s32 $0xE0, v4;
	[tilespmem:s25+$0x3280] =	vst v62  }
0x183: {  	v63 =	vadd.s32 $0x1, v4;
	v3 =	vsub.f32 v3, v5;
	[tilespmem:s25+$0x3200] =	vst v2  }
0x184: {  	[tilespmem:s25+$0x3180] =	vst v63  }
0x185: {  	s26 =	simm.s32 $0x3400;
	[tilespmem:s25+$0x3380] =	vst v3;
	s25 =	simm.s32 $0x3100  }
0x186: {  	[tilespmem:s26], [sflag:$0x1] =	stream.indirect.gather [hbm4b:s4+s23], $0x80, s25, s23, $0xb8;
	[tilespmem:$0x17700] =	vst v63  }
0x187: {  	s25 =	simm.s32 $0x3180;
	s26 =	simm.s32 $0x5400  }
0x188: {  	[tilespmem:s26], [sflag:$0x1] =	stream.indirect.gather [hbm4b:s4+s23], $0x80, s25, s23, $0xb8;
	[tilespmem:$0x17700] =	vst v63  }
0x189: {  	s25 =	simm.s32 $0x3200;
	s26 =	simm.s32 $0x7400  }
0x18a: {  	[tilespmem:s26], [sflag:$0x1] =	stream.indirect.gather [hbm4b:s4+s23], $0x80, s25, s23, $0xb8;
	[tilespmem:$0x17700] =	vst v63  }
0x18b: {  	s25 =	simm.s32 $0x3280;
	s26 =	simm.s32 $0x9400  }
0x18c: {  	[tilespmem:s26], [sflag:$0x1] =	stream.indirect.gather [hbm4b:s4+s23], $0x80, s25, s23, $0xb8;
	[tilespmem:$0x17700] =	vst v63  }
0x18d: {  	s29 =	simm.s32 $0xD700;
	s30 =	simm.s32 $0xD480;
	s26 =	simm.s32 $0xD400  }
.LBB2_12:
0x18e: {  	_ =	swait.ge [sflag:s10], $0x2000  }
0x18f: {  	[sflag:s10] =	ssyncset.done $0x0  }
0x190: {  	[sflag:s10] =	ssyncadd.s32 $0xFFFFE000  }
0x191: {  	_ =	swait.ge [sflag:s10], $0x2000  }
0x192: {  	[sflag:s10] =	ssyncset.done $0x0  }
0x193: {  	[sflag:s10] =	ssyncadd.s32 $0xFFFFE000  }
0x194: {  	_ =	swait.ge [sflag:s10], $0x2000  }
0x195: {  	[sflag:s10] =	ssyncset.done $0x0  }
0x196: {  	[sflag:s10] =	ssyncadd.s32 $0xFFFFE000  }
0x197: {  	_ =	swait.ge [sflag:s10], $0x2000  }
0x198: {  	[sflag:s10] =	ssyncset.done $0x0  }
0x199: {  	s19 =	simm.s32 @!p0 $0x4;
	[sflag:s10] =	ssyncadd.s32 $0xFFFFE000  }
0x19a: {  	_ =	swait.ge @!p0 [sflag:s19], $0x2000  }
0x19b: {  	[sflag:s19] =	ssyncset.done @!p0 $0x0  }
0x19c: {  	s24 =	simm.s32 $0x0;
	[sflag:s19] =	ssyncadd.s32 @!p0 $0xFFFFE000  }
.LBB2_13:
0x19d: {  	s25 =	sshra.s32 s24, $0x2  }
0x19e: {  	v4 =	vld [tilespmem:s25+$0xD700]  }
0x19f: {  	v5 =	vld [tilespmem:s25+$0xF700]  }
0x1a0: {  	v6 =	vld [tilespmem:s25+$0x11700]  }
0x1a1: {  	v7 =	vld [tilespmem:s25+$0x13700]  }
0x1a2: {  	v8 =	vld [tilespmem:s25+$0xD710]  }
0x1a3: {  	v9 =	vld [tilespmem:s25+$0xF710]  }
0x1a4: {  	v10 =	vld [tilespmem:s25+$0x11710]  }
0x1a5: {  	v11 =	vld [tilespmem:s25+$0x13710]  }
0x1a6: {  	v12 =	vld [tilespmem:s25+$0xD720]  }
0x1a7: {  	v13 =	vld [tilespmem:s25+$0xF720]  }
0x1a8: {  	v14 =	vld [tilespmem:s25+$0x11720]  }
0x1a9: {  	v15 =	vld [tilespmem:s25+$0x13720]  }
0x1aa: {  	v2 =	vmov s22;
	v16 =	vld [tilespmem:s25+$0xD730]  }
0x1ab: {  	v2 =	vand.u32 $0xFFFFFFFC, v2;
	v17 =	vld [tilespmem:s25+$0xF730]  }
0x1ac: {  	v18 =	vld [tilespmem:s25+$0x11730];
	v2 =	vbroadcast v2, $0x0  }
0x1ad: {  	v19 =	vld [tilespmem:s25+$0x13730]  }
0x1ae: {  	v20 =	vld [tilespmem:s25+$0xD740]  }
0x1af: {  	v50 =	vld [tilespmem:s25+$0xF740]  }
0x1b0: {  	v55 =	vld [tilespmem:s25+$0xD750]  }
0x1b1: {  	v21 =	vld [tilespmem:s25+$0xF750]  }
0x1b2: {  	v3 =	vld.idx.msk [tilespmem:v2+s11+$0x0], $0xffff  }
0x1b3: {  	v2 =	vld.idx.msk [tilespmem:v2+s12+$0x0], $0xffff  }
0x1b4: {  	v22 =	vld [tilespmem:s25+$0x11750];
	v5 =	vsub.f32 v5, v4  }
0x1b5: {  	v58 =	vld [tilespmem:s25+$0x13750];
	v7 =	vsub.f32 v7, v6;
	v9 =	vsub.f32 v9, v8  }
0x1b6: {  	v53 =	vld [tilespmem:s25+$0x11740];
	v11 =	vsub.f32 v11, v10;
	v13 =	vsub.f32 v13, v12  }
0x1b7: {  	v54 =	vld [tilespmem:s25+$0x13740];
	v15 =	vsub.f32 v15, v14;
	v17 =	vsub.f32 v17, v16  }
0x1b8: {  	v24 =	vld [tilespmem:s25+$0xD780];
	v19 =	vsub.f32 v19, v18;
	v5 =	vmul.f32 v5, v2;
	v7 =	vmul.f32 v7, v2  }
0x1b9: {  	v25 =	vld [tilespmem:s25+$0xF780];
	v63 =	vsub.f32 v21, v55;
	v9 =	vmul.f32 v9, v2;
	v11 =	vmul.f32 v11, v2  }
0x1ba: {  	v26 =	vld [tilespmem:s25+$0x11780];
	v57 =	vmul.f32 v15, v2;
	v15 =	vsub.f32 v58, v22;
	v4 =	vadd.f32 v5, v4  }
0x1bb: {  	v27 =	vld [tilespmem:s25+$0x13780];
	v56 =	vmul.f32 v13, v2;
	v49 =	vadd.f32 v7, v6;
	v51 =	vadd.f32 v9, v8  }
0x1bc: {  	v28 =	vld [tilespmem:s25+$0xD790];
	v60 =	vmul.f32 v19, v2;
	v52 =	vadd.f32 v11, v10;
	v61 =	vadd.f32 v57, v14  }
0x1bd: {  	v29 =	vld [tilespmem:s25+$0xF790];
	v59 =	vmul.f32 v17, v2;
	v6 =	vsub.f32 v50, v20;
	v10 =	vsub.f32 v54, v53  }
0x1be: {  	v30 =	vld [tilespmem:s25+$0x11790];
	v62 =	vadd.f32 v60, v18;
	v14 =	vmul.f32 v63, v2;
	v5 =	vsub.f32 v49, v4  }
0x1bf: {  	v31 =	vld [tilespmem:s25+$0x13790];
	v8 =	vsub.f32 v52, v51;
	v6 =	vmul.f32 v6, v2;
	v10 =	vmul.f32 v10, v2  }
0x1c0: {  	v32 =	vld [tilespmem:s25+$0xD7A0];
	v2 =	vmul.f32 v15, v2;
	v17 =	vadd.f32 v14, v55;
	v5 =	vmul.f32 v5, v3  }
0x1c1: {  	v33 =	vld [tilespmem:s25+$0xF7A0];
	v8 =	vmul.f32 v8, v3;
	v6 =	vadd.f32 v6, v20;
	v9 =	vadd.f32 v10, v53  }
0x1c2: {  	v34 =	vld [tilespmem:s25+$0x117A0];
	v2 =	vadd.f32 v2, v22;
	v4 =	vadd.f32 v5, v4  }
0x1c3: {  	v35 =	vld [tilespmem:s25+$0x137A0];
	v7 =	vadd.f32 v8, v51;
	v5 =	vadd.f32 v56, v12  }
0x1c4: {  	v36 =	vld [tilespmem:s25+$0xD7B0];
	v8 =	vadd.f32 v59, v16;
	v9 =	vsub.f32 v9, v6  }
0x1c5: {  	s19 =	sadd.s32 $0x1, s22;
	v37 =	vld [tilespmem:s25+$0xF7B0];
	v2 =	vsub.f32 v2, v17;
	v12 =	vsub.f32 v61, v5  }
0x1c6: {  	v38 =	vld [tilespmem:s25+$0x117B0];
	v19 =	vmov s19;
	v13 =	vsub.f32 v62, v8;
	v21 =	vmul.f32 v9, v3  }
0x1c7: {  	v39 =	vld [tilespmem:s25+$0x137B0];
	v2 =	vmul.f32 v2, v3;
	v18 =	vmul.f32 v12, v3;
	v12 =	vand.u32 $0xFFFFFFFD, v19  }
0x1c8: {  	v45 =	vld [tilespmem:s25+$0x117C0];
	[tilespmem:s25+$0x15700] =	vst v4;
	v13 =	vmul.f32 v13, v3;
	v3 =	vadd.f32 v21, v6;
	v22 =	vbroadcast v12, $0x0  }
0x1c9: {  	v47 =	vld [tilespmem:s25+$0xD7D0];
	[tilespmem:s25+$0x15710] =	vst v7;
	v2 =	vadd.f32 v2, v17  }
0x1ca: {  	v48 =	vld [tilespmem:s25+$0xF7D0];
	v20 =	vadd.f32 v18, v5;
	[tilespmem:s25+$0x15740] =	vst v3  }
0x1cb: {  	v46 =	vld [tilespmem:s25+$0x137C0];
	v23 =	vadd.f32 v13, v8;
	[tilespmem:s25+$0x15750] =	vst v2  }
0x1cc: {  	v40 =	vld [tilespmem:s25+$0xD7C0];
	[tilespmem:s25+$0x15720] =	vst v20  }
0x1cd: {  	v42 =	vld [tilespmem:s25+$0xF7C0];
	[tilespmem:s25+$0x15730] =	vst v23  }
0x1ce: {  	v11 =	vsub.f32 v31, v30;
	v3 =	vld.idx.msk [tilespmem:v22+s12+$0x0], $0xffff  }
0x1cf: {  	v57 =	vsub.f32 v48, v47;
	v31 =	vld [tilespmem:s25+$0xD820];
	v15 =	vsub.f32 v35, v34  }
0x1d0: {  	v49 =	vld [tilespmem:s25+$0x117D0];
	v10 =	vsub.f32 v46, v45;
	v7 =	vsub.f32 v27, v26  }
0x1d1: {  	v52 =	vld [tilespmem:s25+$0x137D0];
	v9 =	vsub.f32 v29, v28;
	v5 =	vsub.f32 v25, v24  }
0x1d2: {  	v35 =	vld [tilespmem:s25+$0xD830];
	v17 =	vsub.f32 v37, v36;
	v19 =	vsub.f32 v39, v38  }
0x1d3: {  	v46 =	vld [tilespmem:s25+$0xD850];
	v13 =	vsub.f32 v33, v32;
	v5 =	vmul.f32 v5, v3;
	v7 =	vmul.f32 v7, v3  }
0x1d4: {  	v27 =	vld [tilespmem:s25+$0xD810];
	v6 =	vsub.f32 v42, v40;
	v9 =	vmul.f32 v9, v3;
	v11 =	vmul.f32 v11, v3  }
0x1d5: {  	v2 =	vld.idx.msk [tilespmem:v22+s11+$0x0], $0xffff;
	v50 =	vmul.f32 v13, v3;
	v4 =	vadd.f32 v5, v24;
	v41 =	vadd.f32 v7, v26  }
0x1d6: {  	v29 =	vld [tilespmem:s25+$0x11810];
	v51 =	vmul.f32 v15, v3;
	v43 =	vadd.f32 v9, v28;
	v44 =	vadd.f32 v11, v30  }
0x1d7: {  	v37 =	vld [tilespmem:s25+$0x11830];
	v54 =	vmul.f32 v19, v3;
	v15 =	vsub.f32 v52, v49;
	v6 =	vmul.f32 v6, v3  }
0x1d8: {  	v39 =	vld [tilespmem:s25+$0xD840];
	v10 =	vmul.f32 v10, v3;
	v5 =	vsub.f32 v41, v4;
	v8 =	vsub.f32 v44, v43  }
0x1d9: {  	v25 =	vld [tilespmem:s25+$0x11800];
	v14 =	vmul.f32 v57, v3;
	v55 =	vadd.f32 v51, v34;
	v56 =	vadd.f32 v54, v38  }
0x1da: {  	v33 =	vld [tilespmem:s25+$0x11820];
	v6 =	vadd.f32 v6, v40;
	v5 =	vmul.f32 v5, v2;
	v8 =	vmul.f32 v8, v2  }
0x1db: {  	v53 =	vmul.f32 v17, v3;
	v52 =	vld [tilespmem:s25+$0x11850];
	v9 =	vadd.f32 v10, v45;
	v58 =	vadd.f32 v14, v47  }
0x1dc: {  	v3 =	vmul.f32 v15, v3;
	v24 =	vld [tilespmem:s25+$0xF800];
	v4 =	vadd.f32 v5, v4;
	v7 =	vadd.f32 v8, v43  }
0x1dd: {  	v26 =	vld [tilespmem:s25+$0x13800];
	v5 =	vadd.f32 v50, v32;
	v8 =	vadd.f32 v53, v36  }
0x1de: {  	v28 =	vld [tilespmem:s25+$0xF810];
	v3 =	vadd.f32 v3, v49;
	v9 =	vsub.f32 v9, v6  }
0x1df: {  	s19 =	sadd.s32 $0x2, s22;
	v30 =	vld [tilespmem:s25+$0x13810];
	v12 =	vsub.f32 v55, v5;
	v13 =	vsub.f32 v56, v8  }
0x1e0: {  	v60 =	vmov s19;
	v34 =	vld [tilespmem:s25+$0x13820];
	v3 =	vsub.f32 v3, v58;
	v62 =	vmul.f32 v9, v2  }
0x1e1: {  	v38 =	vld [tilespmem:s25+$0x13830];
	v59 =	vmul.f32 v12, v2;
	v13 =	vmul.f32 v13, v2;
	v12 =	vand.u32 $0xFFFFFFFE, v60  }
0x1e2: {  	v40 =	vld [tilespmem:s25+$0xF840];
	[tilespmem:s25+$0x15780] =	vst v4;
	v2 =	vmul.f32 v3, v2;
	v3 =	vadd.f32 v62, v6;
	v63 =	vbroadcast v12, $0x0  }
0x1e3: {  	v41 =	vld [tilespmem:s25+$0x11840];
	[tilespmem:s25+$0x15790] =	vst v7;
	v61 =	vadd.f32 v59, v5  }
0x1e4: {  	v49 =	vld [tilespmem:s25+$0xF850];
	v23 =	vadd.f32 v13, v8;
	[tilespmem:s25+$0x157C0] =	vst v3  }
0x1e5: {  	v32 =	vld [tilespmem:s25+$0xF820];
	v2 =	vadd.f32 v2, v58;
	[tilespmem:s25+$0x157A0] =	vst v61  }
0x1e6: {  	v3 =	vld [tilespmem:s25+$0xD800];
	[tilespmem:s25+$0x157B0] =	vst v23  }
0x1e7: {  	v36 =	vld [tilespmem:s25+$0xF830];
	[tilespmem:s25+$0x157D0] =	vst v2  }
0x1e8: {  	v2 =	vld.idx.msk [tilespmem:v63+s12+$0x0], $0xffff  }
0x1e9: {  	v11 =	vsub.f32 v30, v29;
	v43 =	vld [tilespmem:s25+$0x13840]  }
0x1ea: {  	v48 =	vsub.f32 v34, v33;
	v51 =	vsub.f32 v38, v37;
	v30 =	vld [tilespmem:s25+$0xF890]  }
0x1eb: {  	v55 =	vsub.f32 v40, v39;
	v23 =	vld [tilespmem:s25+$0x13850];
	v4 =	vsub.f32 v24, v3  }
0x1ec: {  	v34 =	vld [tilespmem:s25+$0xF8A0];
	v6 =	vsub.f32 v26, v25;
	v8 =	vsub.f32 v28, v27  }
0x1ed: {  	v38 =	vld [tilespmem:s25+$0xF8B0];
	v47 =	vsub.f32 v32, v31;
	v50 =	vsub.f32 v36, v35;
	v4 =	vmul.f32 v4, v2  }
0x1ee: {  	v40 =	vld [tilespmem:s25+$0x138B0];
	v5 =	vsub.f32 v43, v41;
	v6 =	vmul.f32 v6, v2;
	v8 =	vmul.f32 v8, v2  }
0x1ef: {  	v62 =	vld [tilespmem:s25+$0xF880];
	v13 =	vsub.f32 v49, v46;
	v11 =	vmul.f32 v11, v2;
	v10 =	vmul.f32 v47, v2  }
0x1f0: {  	v32 =	vld [tilespmem:s25+$0x13890];
	v56 =	vsub.f32 v23, v52;
	v15 =	vmul.f32 v50, v2;
	v17 =	vmul.f32 v51, v2  }
0x1f1: {  	v36 =	vld [tilespmem:s25+$0x138A0];
	v5 =	vmul.f32 v5, v2;
	v3 =	vadd.f32 v4, v3;
	v42 =	vadd.f32 v6, v25  }
0x1f2: {  	v9 =	vld.idx.msk [tilespmem:v63+s11+$0x0], $0xffff;
	v13 =	vmul.f32 v13, v2;
	v44 =	vadd.f32 v8, v27;
	v45 =	vadd.f32 v11, v29  }
0x1f3: {  	v28 =	vld [tilespmem:s25+$0x13880];
	v11 =	vmul.f32 v48, v2;
	v10 =	vadd.f32 v10, v31;
	v53 =	vadd.f32 v15, v35  }
0x1f4: {  	v43 =	vld [tilespmem:s25+$0x118C0];
	v54 =	vadd.f32 v17, v37;
	v15 =	vmul.f32 v55, v2;
	v5 =	vadd.f32 v5, v41  }
0x1f5: {  	v63 =	vld [tilespmem:s25+$0x11880];
	v2 =	vmul.f32 v56, v2;
	v8 =	vadd.f32 v13, v46;
	v4 =	vsub.f32 v42, v3  }
0x1f6: {  	v24 =	vld [tilespmem:s25+$0xD8D0];
	v7 =	vsub.f32 v45, v44;
	v11 =	vadd.f32 v11, v33  }
0x1f7: {  	v47 =	vld [tilespmem:s25+$0xF8D0];
	v14 =	vsub.f32 v54, v53;
	v2 =	vadd.f32 v2, v52;
	v4 =	vmul.f32 v4, v9  }
0x1f8: {  	v50 =	vld [tilespmem:s25+$0x118D0];
	v15 =	vadd.f32 v15, v39;
	v11 =	vsub.f32 v11, v10;
	v7 =	vmul.f32 v7, v9  }
0x1f9: {  	v29 =	vld [tilespmem:s25+$0xD890];
	v58 =	vmul.f32 v14, v9;
	v2 =	vsub.f32 v2, v8;
	v3 =	vadd.f32 v4, v3  }
0x1fa: {  	v31 =	vld [tilespmem:s25+$0x11890];
	v5 =	vsub.f32 v5, v15;
	v57 =	vmul.f32 v11, v9;
	v6 =	vadd.f32 v7, v44  }
0x1fb: {  	s19 =	sadd.s32 $0x3, s22;
	v35 =	vld [tilespmem:s25+$0x118A0];
	v60 =	vadd.f32 v58, v53;
	v2 =	vmul.f32 v2, v9;
	[tilespmem:s25+$0x15800] =	vst v3  }
0x1fc: {  	v61 =	vmov s19;
	v37 =	vld [tilespmem:s25+$0xD8B0];
	v59 =	vmul.f32 v5, v9;
	v3 =	vadd.f32 v57, v10;
	[tilespmem:s25+$0x15810] =	vst v6  }
0x1fd: {  	v41 =	vld [tilespmem:s25+$0xD8C0];
	[tilespmem:s25+$0x15830] =	vst v60;
	v2 =	vadd.f32 v2, v8  }
0x1fe: {  	v33 =	vld [tilespmem:s25+$0xD8A0];
	[tilespmem:s25+$0x15820] =	vst v3;
	v3 =	vadd.f32 v59, v15  }
0x1ff: {  	v39 =	vld [tilespmem:s25+$0x118B0];
	[tilespmem:s25+$0x15850] =	vst v2  }
0x200: {  	v42 =	vld [tilespmem:s25+$0xF8C0];
	[tilespmem:s25+$0x15840] =	vst v3  }
0x201: {  	v2 =	vld.idx.msk [tilespmem:v61+s12+$0x0], $0xffff  }
0x202: {  	v13 =	vsub.f32 v47, v24;
	v44 =	vld [tilespmem:s25+$0x138C0]  }
0x203: {  	v49 =	vsub.f32 v36, v35;
	v52 =	vsub.f32 v38, v37;
	v53 =	vld [tilespmem:s25+$0x138D0]  }
0x204: {  	v7 =	vsub.f32 v28, v63;
	v9 =	vsub.f32 v30, v29;
	v3 =	vld [tilespmem:s25+$0xD880]  }
0x205: {  	v11 =	vsub.f32 v32, v31;
	v46 =	vsub.f32 v34, v33  }
0x206: {  	v55 =	vsub.f32 v40, v39;
	v56 =	vsub.f32 v42, v41;
	v7 =	vmul.f32 v7, v2  }
0x207: {  	v57 =	vsub.f32 v44, v43;
	v45 =	vmul.f32 v9, v2;
	v48 =	vmul.f32 v11, v2  }
0x208: {  	v58 =	vsub.f32 v53, v50;
	v51 =	vmul.f32 v46, v2;
	v54 =	vmul.f32 v49, v2  }
0x209: {  	v4 =	vsub.f32 v62, v3;
	v9 =	vmul.f32 v52, v2;
	v11 =	vmul.f32 v55, v2  }
0x20a: {  	v12 =	vmul.f32 v56, v2;
	v5 =	vadd.f32 v7, v63;
	v7 =	vadd.f32 v48, v31  }
0x20b: {  	v6 =	vld.idx.msk [tilespmem:v61+s11+$0x0], $0xffff;
	v4 =	vmul.f32 v4, v2;
	v8 =	vadd.f32 v51, v33;
	v10 =	vadd.f32 v54, v35  }
0x20c: {  	v14 =	vmul.f32 v57, v2;
	v9 =	vadd.f32 v9, v37;
	v11 =	vadd.f32 v11, v39  }
0x20d: {  	v13 =	vmul.f32 v13, v2;
	v12 =	vadd.f32 v12, v41;
	v3 =	vadd.f32 v4, v3  }
0x20e: {  	v2 =	vmul.f32 v58, v2;
	v4 =	vadd.f32 v45, v29;
	v11 =	vsub.f32 v11, v9  }
0x20f: {  	v13 =	vadd.f32 v13, v24;
	v5 =	vsub.f32 v5, v3  }
0x210: {  	v2 =	vadd.f32 v2, v50;
	v7 =	vsub.f32 v7, v4;
	v61 =	vmul.f32 v11, v6  }
0x211: {  	v14 =	vadd.f32 v14, v43;
	v10 =	vsub.f32 v10, v8;
	v5 =	vmul.f32 v5, v6  }
0x212: {  	v2 =	vsub.f32 v2, v13;
	v7 =	vmul.f32 v7, v6;
	v63 =	vadd.f32 v61, v9  }
0x213: {  	v60 =	vsub.f32 v14, v12;
	v59 =	vmul.f32 v10, v6;
	v3 =	vadd.f32 v5, v3  }
0x214: {  	p0 =	sne.s32 s24, $0x7800;
	v2 =	vmul.f32 v2, v6;
	v4 =	vadd.f32 v7, v4;
	[tilespmem:s25+$0x158B0] =	vst v63  }
.Ltmp5:
0x215: {  	v62 =	vmul.f32 v60, v6;
	[tilespmem:s25+$0x15880] =	vst v3;
	v3 =	vadd.f32 v59, v8;
	(pc) =	sbr.rel @p0 .LBB2_13-.Ltmp5, $4  }
0x216: {  	v2 =	vadd.f32 v2, v13;
	[tilespmem:s25+$0x15890] =	vst v4  }
0x217: {  	[tilespmem:s25+$0x158A0] =	vst v3;
	v3 =	vadd.f32 v62, v12  }
0x218: {  	[tilespmem:s25+$0x158D0] =	vst v2  }
0x219: {  	s24 =	sadd.s32 $0x800, s24;
	s22 =	sadd.s32 $0x4, s22;
	[tilespmem:s25+$0x158C0] =	vst v3  }
0x21a: {  	s15 =	sadd.s32 $0x1, s15  }
0x21b: {  	p0 =	sne.s32 s15, $0x31  }
.Ltmp6:
0x21c: {  	_ = 	snop;
	(pc) =	sbr.rel @p0 .LBB2_4-.Ltmp6, $4  }
0x21d: {  	s19 =	sadd.s32 s3, s21;
	s20 =	sadd.s32 $0x80, s20;
	s16 =	sadd.s32 $0x80, s16  }
0x21e: {  	s9 =	sadd.s32 $0x80, s9;
	s28 =	sadd.s32 $0x80, s28;
	s19 =	sshll.u32 s19, $0x4  }
0x21f: {  	s17 =	sadd.s32 $0x80, s17;
	s18 =	sadd.s32 $0x80, s18;
	s19 =	sadd.s32 s5, s19  }
0x220: {  	[hbm4b:s19+s2] =	stream.linear.scatter [tilespmem:s13], [sflag:$0x4], $0x2000, $0x38;
	[tilespmem:$0x17700] =	vst v63  }
0x221: {  	s9 =	simm.s32 $0x2  }
0x222: {  	_ =	swait.ge [sflag:s9], $0x2000  }
0x223: {  	[sflag:s9] =	ssyncset.done $0x0  }
0x224: {  	s15 =	simm.s32 $0x4;
	[sflag:s9] =	ssyncadd.s32 $0xFFFFE000  }
0x225: {  	_ =	swait.ge [sflag:s15], $0x2000  }
0x226: {  	s16 =	rddreg [dreg:$0x9]  }
0x227: {  	s28 =	rddreg [dreg:$0x6];
	s16 =	sadd.s32 $0x1, s16  }
0x228: {  	p0 =	sne.s32 s16, s28  }
.Ltmp7:
0x229: {  	_ = 	snop;
	(pc) =	sbr.rel @p0 .LBB2_1-.Ltmp7, $3  }
0x22a: {  	_ =	sdelay $0x1  }
0x22b: {  	[sflag:s15] =	ssyncset.done $0x0  }
0x22c: {  	[sflag:s15] =	ssyncadd.s32 $0xFFFFE000  }
0x22d: {  	_ =	sfence.sel $0x180000  }
0x22e: {  	[bflag:$0x0] =	sbarrier.arrive $0xFFFF  }
0x22f: {  	_ =	strace $0x90000047  }
0x230: {  	s0 =	stileid.u32;
	[bflag:$0x2] =	sbarrier.arrive $0xFFFF  }
0x231: {  	p0 =	sne.s32 s0, $0x0;
	s0 =	rddreg [dreg:$0x2]  }
0x232: {  	s0 =	sadd.s32 @!p0 $0x100000, s0  }
0x233: {  	[sflag:s0] =	ssyncadd.tile.s32 @!p0 $0x1;
	_ =	shalt  }
.Lfunc_end2:
_tile_overlayer_lowered:
.L_overlay_start_2:
0x234: {  	(tag) =	ssettag $0x2  }
0x235: {  	s0 =	rddreg [dreg:$0x0];
	s2 =	stileid.u32  }
0x236: {  	s1 =	rddreg [dreg:$0x1];
	p0 =	sne.s32 s2, $0x0  }
0x237: {  	s3 =	rddreg [dreg:$0x2];
	[bflag:$0x3] =	sbarrier.arrive $0xFFFF;
	s2 =	simm.s32 @!p0 $0x1C05  }
0x238: {  	[timem:s3], [sflag:s2] =	dma.local @!p0 [hbm:s0], s1  }
0x239: {  	s0 =	simm.s32 @!p0 $0x5  }
0x23a: {  	_ =	swait.ge @!p0 [sflag:s0], s1  }
0x23b: {  	s1 =	ssub.s32 @!p0 $0x0, s1;
	[sflag:s0] =	ssyncset.done @!p0 $0x0  }
0x23c: {  	[sflag:s0] =	ssyncadd.s32 @!p0 s1  }
0x23d: {  	[bflag:$0x3] =	sbarrier.arrive $0xFFFF  }
0x23e: {  	_ =	shalt  }

</sc_bundles>
